<compile_context>
chip_gen: v7x
topology: tpu7x:2x2x1
jax: 0.10.2.dev20260603
libtpu: 0.0.44.dev20260713+nightly
codegen_flags: <defaults>
</compile_context>

<pallas_src>
import functools

import jax
import jax.numpy as jnp
from jax import lax
from jax.experimental import pallas as pl
from jax.experimental.pallas import tpu as pltpu
from jax.experimental.pallas import tpu_sc as plsc

_EM = 128
_HID = [400, 400, 400]
_MAIN_IN = 39
_MAIN_OUT = 8
_TASKS = 50
_GEN_HID = 256
_DIMS = [_MAIN_IN] + _HID + [_MAIN_OUT]
_NS = [_DIMS[i] * _DIMS[i + 1] for i in range(len(_DIMS) - 1)]
_OFFS = [0, 15600, 175600, 335600]
_TOTAL = sum(_NS)

_C = 8192
_RELMAX = [max(0, n - _C) for n in _NS]
_CAP = 8192
_NCH = [-(-n // _C) for n in _NS]

_BLK = 2048


def _make_noise():
    import numpy as np

    def build():
        key = jax.random.key(42)
        parts = []
        for i, n in enumerate(_NS):
            e = jax.random.exponential(jax.random.fold_in(key, i), (_TASKS, n),
                                       dtype=jnp.float32)
            parts.append(jnp.log(e))
        return jnp.concatenate(parts, axis=1)

    cpu = jax.devices("cpu")[0]
    with jax.default_device(cpu):
        return np.asarray(build())


_NOISE = _make_noise()



def _h_body(emb_ref, w1_ref, b1_ref, h_ref):
    acc = jnp.dot(emb_ref[...], w1_ref[...], preferred_element_type=jnp.float32)
    h_ref[...] = jnp.maximum(acc + b1_ref[...], 0.0)


def _g_body(h_ref, w2_ref, b2_ref, nz_ref, g_ref):
    acc = jnp.dot(h_ref[...], w2_ref[...], preferred_element_type=jnp.float32)
    g_ref[...] = acc + b2_ref[...] - nz_ref[...]


def _compute_g(emb, W1, b1, W2, b2):
    h = pl.pallas_call(
        _h_body,
        out_shape=jax.ShapeDtypeStruct((_TASKS, _GEN_HID), jnp.float32),
    )(emb, W1, b1.reshape(1, _GEN_HID))
    nblk = -(-_TOTAL // _BLK)
    g = pl.pallas_call(
        _g_body,
        grid=(nblk,),
        in_specs=[
            pl.BlockSpec((_TASKS, _GEN_HID), lambda j: (0, 0)),
            pl.BlockSpec((_GEN_HID, _BLK), lambda j: (0, j)),
            pl.BlockSpec((1, _BLK), lambda j: (0, j)),
            pl.BlockSpec((_TASKS, _BLK), lambda j: (0, j)),
        ],
        out_specs=pl.BlockSpec((_TASKS, _BLK), lambda j: (0, j)),
        out_shape=jax.ShapeDtypeStruct((_TASKS, _TOTAL), jnp.float32),
    )(h, W2, b2.reshape(1, _TOTAL), _NOISE)
    return g



def _lane():
    return lax.iota(jnp.int32, 16)


def _to_key(v):
    u = lax.bitcast_convert_type(v, jnp.int32)
    return u ^ (lax.shift_right_arithmetic(u, 31) & jnp.int32(0x7FFFFFFF))


def _scan_top(hist_ref, ngroups, k_rem, nsub=4):
    lane = _lane()

    def body(i, carry):
        above, found, b, kout, cbin = carry
        j = ngroups - 1 - i
        v = hist_ref[pl.ds(j * 16, 16)]
        hist_ref[pl.ds(j * 16, 16)] = jnp.zeros((16,), jnp.int32)
        for s in range(1, nsub):
            v = v + hist_ref[pl.ds(s * 4096 + j * 16, 16)]
            hist_ref[pl.ds(s * 4096 + j * 16, 16)] = jnp.zeros((16,), jnp.int32)
        gsum = jnp.sum(v)
        rev = lax.rev(v, (0,))
        c = plsc.cumsum(rev)
        hit = jnp.logical_and(found == 0, above + gsum >= k_rem)
        crossed = (above + c) >= k_rem
        L = jnp.min(jnp.where(crossed, lane, 16))
        cL = jnp.max(jnp.where(lane == L, c, 0))
        rL = jnp.max(jnp.where(lane == L, rev, 0))
        newb = j * 16 + 15 - L
        newk = k_rem - (above + cL - rL)
        b = jnp.where(hit, newb, b)
        kout = jnp.where(hit, newk, kout)
        cbin = jnp.where(hit, rL, cbin)
        found = jnp.where(hit, 1, found)
        return above + gsum, found, b, kout, cbin

    _, _, b, kout, cbin = lax.fori_loop(
        0, ngroups, body, (jnp.int32(0), jnp.int32(0), jnp.int32(0),
                           jnp.int32(k_rem), jnp.int32(0)))
    return b, kout, cbin


def _rel_of(ci, relmax):
    return jnp.minimum(ci * _C, relmax)


def _dma_start(g_ref, gbase, relmax, ci, buf, sem):
    pltpu.async_copy(g_ref.at[pl.ds(gbase + _rel_of(ci, relmax), _C)], buf,
                     sem)


def _dma_wait(g_ref, buf, sem):
    pltpu.make_async_copy(g_ref.at[pl.ds(0, _C)], buf, sem).wait()


def _dbuf_loop(g_ref, bufs, sems, gbase, n, relmax, nch, proc, init):
    b0, b1 = bufs
    s0, s1 = sems
    npair = (nch + 1) // 2
    _dma_start(g_ref, gbase, relmax, 0, b0, s0)

    def ovl_of(ci):
        return jnp.where(ci < nch, ci * _C - _rel_of(ci, relmax), _C)

    def lim_of(ci):
        return jnp.where(ci < nch, n - _rel_of(ci, relmax), 0)

    def pair(p, carry):
        ci0 = 2 * p
        ci1 = ci0 + 1
        _dma_start(g_ref, gbase, relmax, ci1, b1, s1)
        _dma_wait(g_ref, b0, s0)
        carry = proc(b0, ci0, ovl_of(ci0), lim_of(ci0), carry)

        @pl.when(ci0 + 2 < 2 * npair)
        def _():
            _dma_start(g_ref, gbase, relmax, ci0 + 2, b0, s0)
        _dma_wait(g_ref, b1, s1)
        carry = proc(b1, ci1, ovl_of(ci1), lim_of(ci1), carry)
        return carry

    return lax.fori_loop(0, npair, pair, init)


def _sel_body(g_ref, out0, out1, out2, out3, dbuf0, dbuf1, obuf, hist, cand,
              pcv, sem0, sem1):
    lane = _lane()
    wid = lax.axis_index("s") * 2 + lax.axis_index("c")

    def z(i, _):
        hist[pl.ds(i * 16, 16)] = jnp.zeros((16,), jnp.int32)
        return 0
    lax.fori_loop(0, 1024, z, 0)

    def run_task(t):
        l = t // _TASKS
        r = t % _TASKS
        n = jnp.where(l == 0, _NS[0],
                      jnp.where(l == 3, _NS[3], _NS[1])).astype(jnp.int32)
        off = jnp.where(l == 0, _OFFS[0],
                        jnp.where(l == 1, _OFFS[1],
                                  jnp.where(l == 2, _OFFS[2], _OFFS[3])))
        nch = jnp.where(l == 0, _NCH[0],
                        jnp.where(l == 3, _NCH[3], _NCH[1]))
        relmax = jnp.where(l == 0, _RELMAX[0],
                           jnp.where(l == 3, _RELMAX[3], _RELMAX[1]))
        k = n // 2
        gbase = r * _TOTAL + off

        def hist_proc(buf, ci, ovl, lim, carry):
            @plsc.parallel_loop(0, _C // 16, unroll=4)
            def grp(gi):
                key = _to_key(buf[pl.ds(gi * 16, 16)])
                idx = gi * 16 + lane
                valid = jnp.logical_and(idx >= ovl, idx < lim)
                d = jnp.where(valid,
                              lax.shift_right_arithmetic(key, 20) + 2048, 0)
                d = d | lax.shift_left(gi & 3, 12)
                cnt, last = plsc.scan_count(d)
                plsc.addupdate_scatter(hist, [d], cnt, mask=last)
            return carry
        _dbuf_loop(g_ref, (dbuf0, dbuf1), (sem0, sem1), gbase, n, relmax,
                   nch, hist_proc, 0)

        b1, k1, _ = _scan_top(hist, 256, k)

        def coll_proc(buf, ci, ovl, lim, cnt_sofar):
            def selgrp(gi):
                key = _to_key(buf[pl.ds(gi * 16, 16)])
                idx = gi * 16 + lane
                valid = jnp.logical_and(idx >= ovl, idx < lim)
                d = lax.shift_right_arithmetic(key, 20) + 2048
                return key, jnp.logical_and(valid, d == b1)

            @plsc.parallel_loop(0, _C // 16, unroll=4)
            def cph(gi):
                _, sel = selgrp(gi)
                pcv[pl.ds(gi * 16, 16)] = plsc.all_reduce_population_count(sel)

            def blk(sg, cnt2):
                cv = plsc.load_gather(pcv, [sg * 256 + lane * 16])
                csum = plsc.cumsum(cv)
                bsum = jnp.max(csum)

                @pl.when(bsum > 0)
                def _():
                    def one(i, _):
                        cnt_g = jnp.max(jnp.where(lane == i, cv, 0))
                        start = (cnt2 - cnt_g
                                 + jnp.max(jnp.where(lane == i, csum, 0)))

                        @pl.when(cnt_g > 0)
                        def _():
                            key, sel = selgrp(sg * 16 + i)
                            sel = jnp.logical_and(sel, lane + start < _CAP)
                            pos = jnp.minimum(start, _CAP - 16)
                            plsc.store_compressed(cand.at[pl.ds(pos, 16)],
                                                  key, mask=sel)
                        return 0
                    lax.fori_loop(0, 16, one, 0)
                return cnt2 + bsum
            return lax.fori_loop(0, _C // 16 // 16, blk, cnt_sofar)
        cnt1 = _dbuf_loop(g_ref, (dbuf0, dbuf1), (sem0, sem1), gbase, n,
                          relmax, nch, coll_proc, jnp.int32(0))

        ng = (cnt1 + 15) // 16

        @plsc.parallel_loop(0, ng, unroll=4)
        def bh2(gi):
            kv = cand[pl.ds(gi * 16, 16)]
            elig = (gi * 16 + lane) < cnt1
            d = jnp.where(elig,
                          lax.shift_right_arithmetic(kv, 8) & 0xFFF, 0)
            d = d | lax.shift_left(gi & 3, 12)
            cnt, last = plsc.scan_count(d)
            plsc.addupdate_scatter(hist, [d], cnt, mask=last)
        b2l, k2, _ = _scan_top(hist, 256, k1)

        @plsc.parallel_loop(0, ng, unroll=4)
        def bh3(gi):
            kv = cand[pl.ds(gi * 16, 16)]
            elig = jnp.logical_and(
                (gi * 16 + lane) < cnt1,
                (lax.shift_right_arithmetic(kv, 8) & 0xFFF) == b2l)
            d = jnp.where(elig, kv & 0xFF, 0)
            d = d | lax.shift_left(gi & 3, 12)
            cnt, last = plsc.scan_count(d)
            plsc.addupdate_scatter(hist, [d], cnt, mask=last)
        b3, _, _ = _scan_top(hist, 16, k2)

        kstar = (lax.shift_left(b1 - 2048, 20) | lax.shift_left(b2l, 8) | b3)

        def write_proc(buf, ci, ovl, lim, carry):
            @plsc.parallel_loop(0, _C // 16, unroll=4)
            def grp(gi):
                key = _to_key(buf[pl.ds(gi * 16, 16)])
                obuf[pl.ds(gi * 16, 16)] = jnp.where(
                    key >= kstar, jnp.float32(1.0), jnp.float32(0.0))

            rel = _rel_of(ci, relmax)
            obase = r * n + rel
            real = ci < nch

            @pl.when(jnp.logical_and(real, l == 0))
            def _():
                pltpu.sync_copy(obuf, out0.at[pl.ds(obase, _C)])

            @pl.when(jnp.logical_and(real, l == 1))
            def _():
                pltpu.sync_copy(obuf, out1.at[pl.ds(obase, _C)])

            @pl.when(jnp.logical_and(real, l == 2))
            def _():
                pltpu.sync_copy(obuf, out2.at[pl.ds(obase, _C)])

            @pl.when(jnp.logical_and(real, l == 3))
            def _():
                pltpu.sync_copy(obuf.at[pl.ds(0, _NS[3])],
                                out3.at[pl.ds(obase, _NS[3])])
            return carry
        _dbuf_loop(g_ref, (dbuf0, dbuf1), (sem0, sem1), gbase, n, relmax,
                   nch, write_proc, 0)

    def slot_body(slot, _):
        t = wid + slot * 32

        @pl.when(t < 4 * _TASKS)
        def _():
            run_task(t)
        return 0
    lax.fori_loop(0, 7, slot_body, 0)


@functools.partial(jax.jit, static_argnums=())
def _select_masks(gflat):
    gflat = jnp.concatenate([gflat, jnp.zeros((_C,), jnp.float32)])
    f = pl.kernel(
        _sel_body,
        mesh=plsc.VectorSubcoreMesh(core_axis_name="c", subcore_axis_name="s"),
        out_type=[jax.ShapeDtypeStruct((_TASKS * n,), jnp.float32)
                  for n in _NS],
        scratch_types=[
            pltpu.VMEM((_C,), jnp.float32),
            pltpu.VMEM((_C,), jnp.float32),
            pltpu.VMEM((_C,), jnp.float32),
            pltpu.VMEM((4 * 4096,), jnp.int32),
            pltpu.VMEM((_CAP,), jnp.int32),
            pltpu.VMEM((_C,), jnp.int32),
            pltpu.SemaphoreType.DMA,
            pltpu.SemaphoreType.DMA,
        ],
        compiler_params=pltpu.CompilerParams(needs_layout_passes=False),
    )
    return f(gflat)


def kernel(x, embedding_input, W1, b1, W2, b2):
    g = _compute_g(embedding_input, W1, b1, W2, b2)
    m0, m1, m2, m3 = _select_masks(g.reshape(-1))
    outs = []
    for l, m in enumerate((m0, m1, m2, m3)):
        in_d, out_d = _DIMS[l], _DIMS[l + 1]
        outs.append(m.reshape(_TASKS, out_d, in_d))
    return tuple(outs)

# --- scband reference (transcript-rebuilt; emitter-appended) ---
"""Pipeline reference for scband-mask-generator-net-43078521979273 (READ-ONLY COPY).

The authoritative reference and input builder live on the scoring server;
editing this copy changes nothing except your own understanding.
"""

import jax, jax.numpy as jnp
import numpy as np

EM = 128
HID = [400, 400, 400]
MAIN_IN = 39
MAIN_OUT = 8
TASKS = 50
GEN_HID = 256
PR = 0.5
TAU = 1.0
DIMS = [MAIN_IN] + HID + [MAIN_OUT]
TOTAL = sum(DIMS[i] * DIMS[i + 1] for i in range(len(DIMS) - 1))


def setup_inputs(seed: int = 0) -> dict:
    key = jax.random.key(seed)
    ks = jax.random.split(key, 6)
    x = jax.random.normal(ks[0], (TASKS, 10, MAIN_IN), dtype=jnp.float32)
    embedding_input = jax.random.normal(ks[1], (TASKS, EM), dtype=jnp.float32)
    W1 = jax.random.normal(ks[2], (EM, GEN_HID), dtype=jnp.float32) * 0.05
    b1 = jnp.zeros((GEN_HID,), dtype=jnp.float32)
    W2 = jax.random.normal(ks[3], (GEN_HID, TOTAL), dtype=jnp.float32) * 0.02
    b2 = jnp.zeros((TOTAL,), dtype=jnp.float32)
    return {"x": x, "embedding_input": embedding_input, "W1": W1, "b1": b1, "W2": W2, "b2": b2}


def gumbel_softmax_hard(logits, k, key, tau=TAU):
    # torch: gumbels = -Exp(1).log();  g = (logits + gumbels)/tau
    e = jax.random.exponential(key, logits.shape, dtype=logits.dtype)
    g = (logits - jnp.log(e)) / tau
    y_soft = jax.nn.softmax(g, axis=-1)
    _, idx = jax.lax.top_k(y_soft, k)
    rows = jnp.arange(logits.shape[0])[:, None]
    y_hard = jnp.zeros_like(logits).at[rows, idx].set(1.0)
    # straight-through estimator
    return y_hard - jax.lax.stop_gradient(y_soft) + y_soft


def reference(x, embedding_input, W1, b1, W2, b2):
    # use_trajectory_info=False: x is unused; squeeze(1) is a no-op since dim1=EM!=1
    task_info_embedding = embedding_input
    h = jax.nn.relu(task_info_embedding @ W1 + b1)
    mask_vector = h @ W2 + b2  # [TASKS, TOTAL]
    # embedding_input.shape[1] == EM != 1, so no unsqueeze branch
    key = jax.random.key(42)
    task_binary_masks = []
    slice_index = 0
    for layer_idx in range(len(DIMS) - 1):
        in_d = DIMS[layer_idx]
        out_d = DIMS[layer_idx + 1]
        n = in_d * out_d
        w = mask_vector[:, slice_index:slice_index + n]
        k = int(n - n * PR)
        m = gumbel_softmax_hard(w, k, jax.random.fold_in(key, layer_idx))
        task_binary_masks.append(m.reshape(TASKS, out_d, in_d))
        slice_index += n
    # converted_list in torch is just a per-task re-indexing of the same arrays;
    # return the per-layer binary masks (same tensors)
    return tuple(task_binary_masks)

if __name__ == "__main__":
    import jax
    _d = setup_inputs()
    print(jax.jit(kernel)(*tuple(_d.values())))

</pallas_src>

<mosaic_0001>
#map = affine_map<(d0, d1) -> (0)>
module attributes {stable_mosaic.version = 14 : i64} {
  func.func @_sel_body(%arg0: i32, %arg1: i32, %arg2: memref<16948192xf32, #tpu.memory_space<hbm>>, %arg3: memref<780000xf32, #tpu.memory_space<hbm>>, %arg4: memref<8000000xf32, #tpu.memory_space<hbm>>, %arg5: memref<8000000xf32, #tpu.memory_space<hbm>>, %arg6: memref<160000xf32, #tpu.memory_space<hbm>>, %arg7: memref<8192xf32, #tpu.memory_space<vmem>>, %arg8: memref<8192xf32, #tpu.memory_space<vmem>>, %arg9: memref<8192xf32, #tpu.memory_space<vmem>>, %arg10: memref<16384xi32, #tpu.memory_space<vmem>>, %arg11: memref<8192xi32, #tpu.memory_space<vmem>>, %arg12: memref<8192xi32, #tpu.memory_space<vmem>>, %arg13: memref<!tpu.dma_semaphore, #tpu.memory_space<semaphore_mem>>, %arg14: memref<!tpu.dma_semaphore, #tpu.memory_space<semaphore_mem>>) attributes {dimension_semantics = [#tpu.dimension_semantics<core_parallel>, #tpu.dimension_semantics<subcore_parallel>], iteration_bounds = array<i64: 2, 16>, scalar_prefetch = 0 : i64, scratch_operands = 8 : i64, tpu.core_type = #tpu.core_type<sc_vector_subcore>, window_params = [{transform_indices = #map}, {transform_indices = #map}, {transform_indices = #map}, {transform_indices = #map}, {transform_indices = #map}]} {
    %iota3A = tpu.iota {dimensions = array<i32: 0>} : vector<16xi32>
    %mul3A = arith.constant 2 : i32
    %mul3A_0 = arith.muli %arg1, %mul3A : i32
    %add3A = arith.addi %mul3A_0, %arg0 : i32
    %scan3A = arith.constant 0 : i32
    %scan3A_1 = arith.constant 0 : i32
    %scan3A_2 = arith.constant 1024 : i32
    %scan3A_3 = arith.addi %scan3A_1, %scan3A_2 : i32
    %scan3A_4 = arith.constant 1 : i32
    %scan3A_5 = scf.for %scan3A_14 = %scan3A_1 to %scan3A_3 step %scan3A_4 iter_args(%scan3A_15 = %scan3A) -> (i32)  : i32 {
      %broadcast_in_dim3A = arith.constant 0 : i32
      %broadcast_in_dim3A_16 = vector.broadcast %broadcast_in_dim3A : i32 to vector<16xi32>
      %mul3A_17 = arith.constant 16 : i32
      %mul3A_18 = arith.muli %scan3A_14, %mul3A_17 : i32
      %swap3A = arith.index_cast %mul3A_18 : i32 to index
      %swap3A_19 = tpu.vector_load %arg10[%swap3A] {strides = array<i32>} : memref<16384xi32, #tpu.memory_space<vmem>>, vector<16xi32>,
      tpu.vector_store %arg10[%swap3A], %broadcast_in_dim3A_16 {strides = array<i32>} : memref<16384xi32, #tpu.memory_space<vmem>>, vector<16xi32>,
      %scan3A_20 = arith.constant 0 : i32
      scf.yield %scan3A_20 : i32
    }
    %scan3A_6 = arith.constant 1024 : i32
    %scan3A_7 = arith.constant 0 : i32
    %scan3A_8 = arith.constant 0 : i32
    %scan3A_9 = arith.constant 7 : i32
    %scan3A_10 = arith.addi %scan3A_8, %scan3A_9 : i32
    %scan3A_11 = arith.constant 1 : i32
    %scan3A_12 = scf.for %scan3A_14 = %scan3A_8 to %scan3A_10 step %scan3A_11 iter_args(%scan3A_15 = %scan3A_7) -> (i32)  : i32 {
      %mul3A_16 = arith.constant 32 : i32
      %mul3A_17 = arith.muli %scan3A_14, %mul3A_16 : i32
      %add3A_18 = arith.addi %add3A, %mul3A_17 : i32
      %lt3A = arith.constant 200 : i32
      %lt3A_19 = arith.cmpi slt, %add3A_18, %lt3A : i32
      %convert_element_type3A = arith.extui %lt3A_19 : i1 to i32
      %cond3A = arith.constant 0 : i32
      %cond3A_20 = arith.cmpi ne, %convert_element_type3A, %cond3A : i32
      scf.if %cond3A_20 {
        %jit3A = arith.constant 50 : i32
        %div3A = arith.divsi %add3A_18, %jit3A : i32
        %sign3A = arith.constant 0 : i32
        %sign3A_22 = arith.cmpi sgt, %add3A_18, %sign3A : i32
        %sign3A_23 = arith.extui %sign3A_22 : i1 to i32
        %sign3A_24 = arith.constant 0 : i32
        %sign3A_25 = arith.cmpi slt, %add3A_18, %sign3A_24 : i32
        %sign3A_26 = arith.extui %sign3A_25 : i1 to i32
        %sign3A_27 = arith.subi %sign3A_23, %sign3A_26 : i32
        %sign3A_28 = arith.constant 0 : i32
        %sign3A_29 = arith.cmpi sgt, %jit3A, %sign3A_28 : i32
        %sign3A_30 = arith.extui %sign3A_29 : i1 to i32
        %sign3A_31 = arith.constant 0 : i32
        %sign3A_32 = arith.cmpi slt, %jit3A, %sign3A_31 : i32
        %sign3A_33 = arith.extui %sign3A_32 : i1 to i32
        %sign3A_34 = arith.subi %sign3A_30, %sign3A_33 : i32
        %ne3A = arith.cmpi ne, %sign3A_27, %sign3A_34 : i32
        %rem3A = arith.remsi %add3A_18, %jit3A : i32
        %ne3A_35 = arith.constant 0 : i32
        %ne3A_36 = arith.cmpi ne, %rem3A, %ne3A_35 : i32
        %and3A = arith.andi %ne3A, %ne3A_36 : i1
        %sub3A = arith.constant 1 : i32
        %sub3A_37 = arith.subi %div3A, %sub3A : i32
        %select_n3A = arith.select %and3A, %sub3A_37, %div3A : i32
        %jit3A_38 = arith.constant 50 : i32
        %eq3A = arith.constant 0 : i32
        %eq3A_39 = arith.cmpi eq, %jit3A_38, %eq3A : i32
        %jit3A_40 = arith.constant 1 : i32
        %select_n3A_41 = arith.select %eq3A_39, %jit3A_40, %jit3A_38 : i32
        %rem3A_42 = arith.remsi %add3A_18, %select_n3A_41 : i32
        %ne3A_43 = arith.constant 0 : i32
        %ne3A_44 = arith.cmpi ne, %rem3A_42, %ne3A_43 : i32
        %lt3A_45 = arith.constant 0 : i32
        %lt3A_46 = arith.cmpi slt, %rem3A_42, %lt3A_45 : i32
        %lt3A_47 = arith.constant 0 : i32
        %lt3A_48 = arith.cmpi slt, %select_n3A_41, %lt3A_47 : i32
        %ne3A_49 = arith.xori %lt3A_46, %lt3A_48 : i1
        %and3A_50 = arith.andi %ne3A_49, %ne3A_44 : i1
        %add3A_51 = arith.addi %rem3A_42, %select_n3A_41 : i32
        %select_n3A_52 = arith.select %and3A_50, %add3A_51, %rem3A_42 : i32
        %eq3A_53 = arith.constant 0 : i32
        %eq3A_54 = arith.cmpi eq, %select_n3A, %eq3A_53 : i32
        %eq3A_55 = arith.constant 3 : i32
        %eq3A_56 = arith.cmpi eq, %select_n3A, %eq3A_55 : i32
        %jit3A_57 = arith.constant 3200 : i32
        %jit3A_58 = arith.constant 160000 : i32
        %select_n3A_59 = arith.select %eq3A_56, %jit3A_57, %jit3A_58 : i32
        %jit3A_60 = arith.constant 15600 : i32
        %select_n3A_61 = arith.select %eq3A_54, %jit3A_60, %select_n3A_59 : i32
        %eq3A_62 = arith.constant 0 : i32
        %eq3A_63 = arith.cmpi eq, %select_n3A, %eq3A_62 : i32
        %eq3A_64 = arith.constant 1 : i32
        %eq3A_65 = arith.cmpi eq, %select_n3A, %eq3A_64 : i32
        %eq3A_66 = arith.constant 2 : i32
        %eq3A_67 = arith.cmpi eq, %select_n3A, %eq3A_66 : i32
        %jit3A_68 = arith.constant 175600 : i32
        %jit3A_69 = arith.constant 335600 : i32
        %select_n3A_70 = arith.select %eq3A_67, %jit3A_68, %jit3A_69 : i32
        %jit3A_71 = arith.constant 15600 : i32
        %select_n3A_72 = arith.select %eq3A_65, %jit3A_71, %select_n3A_70 : i32
        %jit3A_73 = arith.constant 0 : i32
        %select_n3A_74 = arith.select %eq3A_63, %jit3A_73, %select_n3A_72 : i32
        %eq3A_75 = arith.constant 0 : i32
        %eq3A_76 = arith.cmpi eq, %select_n3A, %eq3A_75 : i32
        %eq3A_77 = arith.constant 3 : i32
        %eq3A_78 = arith.cmpi eq, %select_n3A, %eq3A_77 : i32
        %jit3A_79 = arith.constant 1 : i32
        %jit3A_80 = arith.constant 20 : i32
        %select_n3A_81 = arith.select %eq3A_78, %jit3A_79, %jit3A_80 : i32
        %jit3A_82 = arith.constant 2 : i32
        %select_n3A_83 = arith.select %eq3A_76, %jit3A_82, %select_n3A_81 : i32
        %eq3A_84 = arith.constant 0 : i32
        %eq3A_85 = arith.cmpi eq, %select_n3A, %eq3A_84 : i32
        %eq3A_86 = arith.constant 3 : i32
        %eq3A_87 = arith.cmpi eq, %select_n3A, %eq3A_86 : i32
        %jit3A_88 = arith.constant 0 : i32
        %jit3A_89 = arith.constant 151808 : i32
        %select_n3A_90 = arith.select %eq3A_87, %jit3A_88, %jit3A_89 : i32
        %jit3A_91 = arith.constant 7408 : i32
        %select_n3A_92 = arith.select %eq3A_85, %jit3A_91, %select_n3A_90 : i32
        %jit3A_93 = arith.constant 2 : i32
        %div3A_94 = arith.divsi %select_n3A_61, %jit3A_93 : i32
        %sign3A_95 = arith.constant 0 : i32
        %sign3A_96 = arith.cmpi sgt, %select_n3A_61, %sign3A_95 : i32
        %sign3A_97 = arith.extui %sign3A_96 : i1 to i32
        %sign3A_98 = arith.constant 0 : i32
        %sign3A_99 = arith.cmpi slt, %select_n3A_61, %sign3A_98 : i32
        %sign3A_100 = arith.extui %sign3A_99 : i1 to i32
        %sign3A_101 = arith.subi %sign3A_97, %sign3A_100 : i32
        %sign3A_102 = arith.constant 0 : i32
        %sign3A_103 = arith.cmpi sgt, %jit3A_93, %sign3A_102 : i32
        %sign3A_104 = arith.extui %sign3A_103 : i1 to i32
        %sign3A_105 = arith.constant 0 : i32
        %sign3A_106 = arith.cmpi slt, %jit3A_93, %sign3A_105 : i32
        %sign3A_107 = arith.extui %sign3A_106 : i1 to i32
        %sign3A_108 = arith.subi %sign3A_104, %sign3A_107 : i32
        %ne3A_109 = arith.cmpi ne, %sign3A_101, %sign3A_108 : i32
        %rem3A_110 = arith.remsi %select_n3A_61, %jit3A_93 : i32
        %ne3A_111 = arith.constant 0 : i32
        %ne3A_112 = arith.cmpi ne, %rem3A_110, %ne3A_111 : i32
        %and3A_113 = arith.andi %ne3A_109, %ne3A_112 : i1
        %sub3A_114 = arith.constant 1 : i32
        %sub3A_115 = arith.subi %div3A_94, %sub3A_114 : i32
        %select_n3A_116 = arith.select %and3A_113, %sub3A_115, %div3A_94 : i32
        %mul3A_117 = arith.constant 338800 : i32
        %mul3A_118 = arith.muli %select_n3A_52, %mul3A_117 : i32
        %add3A_119 = arith.addi %mul3A_118, %select_n3A_74 : i32
        %add3A_120 = arith.constant 1 : i32
        %add3A_121 = arith.addi %select_n3A_83, %add3A_120 : i32
        %jit3A_122 = arith.constant 2 : i32
        %div3A_123 = arith.divsi %add3A_121, %jit3A_122 : i32
        %sign3A_124 = arith.constant 0 : i32
        %sign3A_125 = arith.cmpi sgt, %add3A_121, %sign3A_124 : i32
        %sign3A_126 = arith.extui %sign3A_125 : i1 to i32
        %sign3A_127 = arith.constant 0 : i32
        %sign3A_128 = arith.cmpi slt, %add3A_121, %sign3A_127 : i32
        %sign3A_129 = arith.extui %sign3A_128 : i1 to i32
        %sign3A_130 = arith.subi %sign3A_126, %sign3A_129 : i32
        %sign3A_131 = arith.constant 0 : i32
        %sign3A_132 = arith.cmpi sgt, %jit3A_122, %sign3A_131 : i32
        %sign3A_133 = arith.extui %sign3A_132 : i1 to i32
        %sign3A_134 = arith.constant 0 : i32
        %sign3A_135 = arith.cmpi slt, %jit3A_122, %sign3A_134 : i32
        %sign3A_136 = arith.extui %sign3A_135 : i1 to i32
        %sign3A_137 = arith.subi %sign3A_133, %sign3A_136 : i32
        %ne3A_138 = arith.cmpi ne, %sign3A_130, %sign3A_137 : i32
        %rem3A_139 = arith.remsi %add3A_121, %jit3A_122 : i32
        %ne3A_140 = arith.constant 0 : i32
        %ne3A_141 = arith.cmpi ne, %rem3A_139, %ne3A_140 : i32
        %and3A_142 = arith.andi %ne3A_138, %ne3A_141 : i1
        %sub3A_143 = arith.constant 1 : i32
        %sub3A_144 = arith.subi %div3A_123, %sub3A_143 : i32
        %select_n3A_145 = arith.select %and3A_142, %sub3A_144, %div3A_123 : i32
        %min3A = arith.constant 0 : i32
        %min3A_146 = arith.minsi %min3A, %select_n3A_92 : i32
        %add3A_147 = arith.addi %add3A_119, %min3A_146 : i32
        %dma_start3A = tpu.memref_slice %arg2[%add3A_147] : memref<16948192xf32, #tpu.memory_space<hbm>> -> memref<8192xf32, #tpu.memory_space<hbm>>
        %dma_start3A_148 = tpu.memref_slice %arg2[%add3A_147] : memref<16948192xf32, #tpu.memory_space<hbm>> -> memref<8192xf32, #tpu.memory_space<hbm>>
        tpu.enqueue_dma source(%dma_start3A_148 : memref<8192xf32, #tpu.memory_space<hbm>>) target(%arg7 : memref<8192xf32, #tpu.memory_space<vmem>>) target_semaphore(%arg13 : memref<!tpu.dma_semaphore, #tpu.memory_space<semaphore_mem>>)
        %while3A = arith.constant 0 : i32
        %while3A_149 = arith.constant 0 : i32
        %while3A_150 = arith.subi %select_n3A_145, %while3A_149 : i32
        %while3A_151 = arith.addi %while3A_149, %while3A_150 : i32
        %while3A_152 = arith.constant 1 : i32
        %while3A_153 = arith.divsi %while3A_150, %while3A_152 : i32
        %while3A_154 = arith.muli %while3A_153, %while3A_152 : i32
        %while3A_155 = arith.addi %while3A_149, %while3A_154 : i32
        %while3A_156 = arith.constant 1 : i32
        scf.for %while3A_310 = %while3A_149 to %while3A_155 step %while3A_156  : i32 {
          %mul3A_311 = arith.constant 2 : i32
          %mul3A_312 = arith.muli %mul3A_311, %while3A_310 : i32
          %add3A_313 = arith.constant 1 : i32
          %add3A_314 = arith.addi %mul3A_312, %add3A_313 : i32
          %mul3A_315 = arith.constant 8192 : i32
          %mul3A_316 = arith.muli %add3A_314, %mul3A_315 : i32
          %min3A_317 = arith.minsi %mul3A_316, %select_n3A_92 : i32
          %add3A_318 = arith.addi %add3A_119, %min3A_317 : i32
          %dma_start3A_319 = tpu.memref_slice %arg2[%add3A_318] : memref<16948192xf32, #tpu.memory_space<hbm>> -> memref<8192xf32, #tpu.memory_space<hbm>>
          %dma_start3A_320 = tpu.memref_slice %arg2[%add3A_318] : memref<16948192xf32, #tpu.memory_space<hbm>> -> memref<8192xf32, #tpu.memory_space<hbm>>
          tpu.enqueue_dma source(%dma_start3A_320 : memref<8192xf32, #tpu.memory_space<hbm>>) target(%arg8 : memref<8192xf32, #tpu.memory_space<vmem>>) target_semaphore(%arg14 : memref<!tpu.dma_semaphore, #tpu.memory_space<semaphore_mem>>)
          %dma_wait3A = arith.constant 0 : i32
          %dma_wait3A_321 = tpu.memref_slice %arg2[%dma_wait3A] : memref<16948192xf32, #tpu.memory_space<hbm>> -> memref<8192xf32, #tpu.memory_space<hbm>>
          %dma_wait3A_322 = arith.constant 0 : i32
          %dma_wait3A_323 = tpu.memref_slice %arg2[%dma_wait3A_322] : memref<16948192xf32, #tpu.memory_space<hbm>> -> memref<8192xf32, #tpu.memory_space<hbm>>
          tpu.wait_dma2 semaphore(%arg13 : memref<!tpu.dma_semaphore, #tpu.memory_space<semaphore_mem>>) src(%dma_wait3A_323 : memref<8192xf32, #tpu.memory_space<hbm>>) dst(%arg7 : memref<8192xf32, #tpu.memory_space<vmem>>)
          %lt3A_324 = arith.cmpi slt, %mul3A_312, %select_n3A_83 : i32
          %mul3A_325 = arith.constant 8192 : i32
          %mul3A_326 = arith.muli %mul3A_312, %mul3A_325 : i32
          %mul3A_327 = arith.constant 8192 : i32
          %mul3A_328 = arith.muli %mul3A_312, %mul3A_327 : i32
          %min3A_329 = arith.minsi %mul3A_328, %select_n3A_92 : i32
          %sub3A_330 = arith.subi %mul3A_326, %min3A_329 : i32
          %jit3A_331 = arith.constant 8192 : i32
          %select_n3A_332 = arith.select %lt3A_324, %sub3A_330, %jit3A_331 : i32
          %lt3A_333 = arith.cmpi slt, %mul3A_312, %select_n3A_83 : i32
          %mul3A_334 = arith.constant 8192 : i32
          %mul3A_335 = arith.muli %mul3A_312, %mul3A_334 : i32
          %min3A_336 = arith.minsi %mul3A_335, %select_n3A_92 : i32
          %sub3A_337 = arith.subi %select_n3A_61, %min3A_336 : i32
          %jit3A_338 = arith.constant 0 : i32
          %select_n3A_339 = arith.select %lt3A_333, %sub3A_337, %jit3A_338 : i32
          %parallel_loop3A_340 = arith.constant 0 : i32
          %parallel_loop3A_341 = arith.constant 512 : i32
          %parallel_loop3A_342 = arith.constant 1 : i32
          scf.for %parallel_loop3A_374 = %parallel_loop3A_340 to %parallel_loop3A_341 step %parallel_loop3A_342  : i32 {
            %parallel_loop3A_375 = arith.constant 16 : i32
            %parallel_loop3A_376 = arith.muli %parallel_loop3A_374, %parallel_loop3A_375 : i32
            %parallel_loop3A_377 = arith.index_cast %parallel_loop3A_376 : i32 to index
            %parallel_loop3A_378 = tpu.vector_load %arg7[%parallel_loop3A_377] {strides = array<i32>} : memref<8192xf32, #tpu.memory_space<vmem>>, vector<16xf32>,
            %parallel_loop3A_379 = tpu.bitcast %parallel_loop3A_378 : vector<16xf32> -> vector<16xi32>
            %parallel_loop3A_380 = arith.constant 31 : i32
            %parallel_loop3A_381 = vector.broadcast %parallel_loop3A_380 : i32 to vector<16xi32>
            %parallel_loop3A_382 = arith.shrsi %parallel_loop3A_379, %parallel_loop3A_381 : vector<16xi32>
            %parallel_loop3A_383 = arith.constant 2147483647 : i32
            %parallel_loop3A_384 = vector.broadcast %parallel_loop3A_383 : i32 to vector<16xi32>
            %parallel_loop3A_385 = arith.andi %parallel_loop3A_382, %parallel_loop3A_384 : vector<16xi32>
            %parallel_loop3A_386 = arith.xori %parallel_loop3A_379, %parallel_loop3A_385 : vector<16xi32>
            %parallel_loop3A_387 = arith.constant 16 : i32
            %parallel_loop3A_388 = arith.muli %parallel_loop3A_374, %parallel_loop3A_387 : i32
            %parallel_loop3A_389 = vector.broadcast %parallel_loop3A_388 : i32 to vector<16xi32>
            %parallel_loop3A_390 = arith.addi %parallel_loop3A_389, %iota3A : vector<16xi32>
            %parallel_loop3A_391 = vector.broadcast %select_n3A_332 : i32 to vector<16xi32>
            %parallel_loop3A_392 = arith.cmpi sge, %parallel_loop3A_390, %parallel_loop3A_391 : vector<16xi32>
            %parallel_loop3A_393 = vector.broadcast %select_n3A_339 : i32 to vector<16xi32>
            %parallel_loop3A_394 = arith.cmpi slt, %parallel_loop3A_390, %parallel_loop3A_393 : vector<16xi32>
            %parallel_loop3A_395 = arith.andi %parallel_loop3A_392, %parallel_loop3A_394 : vector<16xi1>
            %parallel_loop3A_396 = arith.constant 20 : i32
            %parallel_loop3A_397 = vector.broadcast %parallel_loop3A_396 : i32 to vector<16xi32>
            %parallel_loop3A_398 = arith.shrsi %parallel_loop3A_386, %parallel_loop3A_397 : vector<16xi32>
            %parallel_loop3A_399 = arith.constant 2048 : i32
            %parallel_loop3A_400 = vector.broadcast %parallel_loop3A_399 : i32 to vector<16xi32>
            %parallel_loop3A_401 = arith.addi %parallel_loop3A_398, %parallel_loop3A_400 : vector<16xi32>
            %parallel_loop3A_402 = arith.constant 0 : i32
            %parallel_loop3A_403 = vector.broadcast %parallel_loop3A_402 : i32 to vector<16xi32>
            %parallel_loop3A_404 = arith.select %parallel_loop3A_395, %parallel_loop3A_401, %parallel_loop3A_403 : vector<16xi1>, vector<16xi32>
            %parallel_loop3A_405 = arith.constant 3 : i32
            %parallel_loop3A_406 = arith.andi %parallel_loop3A_374, %parallel_loop3A_405 : i32
            %parallel_loop3A_407 = arith.constant 12 : i32
            %parallel_loop3A_408 = arith.shli %parallel_loop3A_406, %parallel_loop3A_407 : i32
            %parallel_loop3A_409 = vector.broadcast %parallel_loop3A_408 : i32 to vector<16xi32>
            %parallel_loop3A_410 = arith.ori %parallel_loop3A_404, %parallel_loop3A_409 : vector<16xi32>
            %parallel_loop3A_411 = arith.constant true
            %parallel_loop3A_412 = vector.broadcast %parallel_loop3A_411 : i1 to vector<16xi1>
            %parallel_loop3A_413, %parallel_loop3A_414 = tpu.scan_count mask(%parallel_loop3A_412 : vector<16xi1>) value(%parallel_loop3A_410 : vector<16xi32>) : vector<16xi1>, vector<16xi32>
            tpu.vector_store_idx %arg10[%parallel_loop3A_410], %parallel_loop3A_414 masked %parallel_loop3A_413 {add = true} : memref<16384xi32, #tpu.memory_space<vmem>>[vector<16xi32>], vector<16xi32>, vector<16xi1>
          } {sc.loop_unroll_factor = 4 : i64, sc.parallel_access}
          %add3A_343 = arith.constant 2 : i32
          %add3A_344 = arith.addi %mul3A_312, %add3A_343 : i32
          %mul3A_345 = arith.constant 2 : i32
          %mul3A_346 = arith.muli %mul3A_345, %select_n3A_145 : i32
          %lt3A_347 = arith.cmpi slt, %add3A_344, %mul3A_346 : i32
          %convert_element_type3A_348 = arith.extui %lt3A_347 : i1 to i32
          %cond3A_349 = arith.constant 0 : i32
          %cond3A_350 = arith.cmpi ne, %convert_element_type3A_348, %cond3A_349 : i32
          scf.if %cond3A_350 {
            %add3A_374 = arith.constant 2 : i32
            %add3A_375 = arith.addi %mul3A_312, %add3A_374 : i32
            %mul3A_376 = arith.constant 8192 : i32
            %mul3A_377 = arith.muli %add3A_375, %mul3A_376 : i32
            %min3A_378 = arith.minsi %mul3A_377, %select_n3A_92 : i32
            %add3A_379 = arith.addi %add3A_119, %min3A_378 : i32
            %dma_start3A_380 = tpu.memref_slice %arg2[%add3A_379] : memref<16948192xf32, #tpu.memory_space<hbm>> -> memref<8192xf32, #tpu.memory_space<hbm>>
            %dma_start3A_381 = tpu.memref_slice %arg2[%add3A_379] : memref<16948192xf32, #tpu.memory_space<hbm>> -> memref<8192xf32, #tpu.memory_space<hbm>>
            tpu.enqueue_dma source(%dma_start3A_381 : memref<8192xf32, #tpu.memory_space<hbm>>) target(%arg7 : memref<8192xf32, #tpu.memory_space<vmem>>) target_semaphore(%arg13 : memref<!tpu.dma_semaphore, #tpu.memory_space<semaphore_mem>>)
          } else {
          }
          %dma_wait3A_351 = arith.constant 0 : i32
          %dma_wait3A_352 = tpu.memref_slice %arg2[%dma_wait3A_351] : memref<16948192xf32, #tpu.memory_space<hbm>> -> memref<8192xf32, #tpu.memory_space<hbm>>
          %dma_wait3A_353 = arith.constant 0 : i32
          %dma_wait3A_354 = tpu.memref_slice %arg2[%dma_wait3A_353] : memref<16948192xf32, #tpu.memory_space<hbm>> -> memref<8192xf32, #tpu.memory_space<hbm>>
          tpu.wait_dma2 semaphore(%arg14 : memref<!tpu.dma_semaphore, #tpu.memory_space<semaphore_mem>>) src(%dma_wait3A_354 : memref<8192xf32, #tpu.memory_space<hbm>>) dst(%arg8 : memref<8192xf32, #tpu.memory_space<vmem>>)
          %lt3A_355 = arith.cmpi slt, %add3A_314, %select_n3A_83 : i32
          %mul3A_356 = arith.constant 8192 : i32
          %mul3A_357 = arith.muli %add3A_314, %mul3A_356 : i32
          %mul3A_358 = arith.constant 8192 : i32
          %mul3A_359 = arith.muli %add3A_314, %mul3A_358 : i32
          %min3A_360 = arith.minsi %mul3A_359, %select_n3A_92 : i32
          %sub3A_361 = arith.subi %mul3A_357, %min3A_360 : i32
          %jit3A_362 = arith.constant 8192 : i32
          %select_n3A_363 = arith.select %lt3A_355, %sub3A_361, %jit3A_362 : i32
          %lt3A_364 = arith.cmpi slt, %add3A_314, %select_n3A_83 : i32
          %mul3A_365 = arith.constant 8192 : i32
          %mul3A_366 = arith.muli %add3A_314, %mul3A_365 : i32
          %min3A_367 = arith.minsi %mul3A_366, %select_n3A_92 : i32
          %sub3A_368 = arith.subi %select_n3A_61, %min3A_367 : i32
          %jit3A_369 = arith.constant 0 : i32
          %select_n3A_370 = arith.select %lt3A_364, %sub3A_368, %jit3A_369 : i32
          %parallel_loop3A_371 = arith.constant 0 : i32
          %parallel_loop3A_372 = arith.constant 512 : i32
          %parallel_loop3A_373 = arith.constant 1 : i32
          scf.for %parallel_loop3A_374 = %parallel_loop3A_371 to %parallel_loop3A_372 step %parallel_loop3A_373  : i32 {
            %parallel_loop3A_375 = arith.constant 16 : i32
            %parallel_loop3A_376 = arith.muli %parallel_loop3A_374, %parallel_loop3A_375 : i32
            %parallel_loop3A_377 = arith.index_cast %parallel_loop3A_376 : i32 to index
            %parallel_loop3A_378 = tpu.vector_load %arg8[%parallel_loop3A_377] {strides = array<i32>} : memref<8192xf32, #tpu.memory_space<vmem>>, vector<16xf32>,
            %parallel_loop3A_379 = tpu.bitcast %parallel_loop3A_378 : vector<16xf32> -> vector<16xi32>
            %parallel_loop3A_380 = arith.constant 31 : i32
            %parallel_loop3A_381 = vector.broadcast %parallel_loop3A_380 : i32 to vector<16xi32>
            %parallel_loop3A_382 = arith.shrsi %parallel_loop3A_379, %parallel_loop3A_381 : vector<16xi32>
            %parallel_loop3A_383 = arith.constant 2147483647 : i32
            %parallel_loop3A_384 = vector.broadcast %parallel_loop3A_383 : i32 to vector<16xi32>
            %parallel_loop3A_385 = arith.andi %parallel_loop3A_382, %parallel_loop3A_384 : vector<16xi32>
            %parallel_loop3A_386 = arith.xori %parallel_loop3A_379, %parallel_loop3A_385 : vector<16xi32>
            %parallel_loop3A_387 = arith.constant 16 : i32
            %parallel_loop3A_388 = arith.muli %parallel_loop3A_374, %parallel_loop3A_387 : i32
            %parallel_loop3A_389 = vector.broadcast %parallel_loop3A_388 : i32 to vector<16xi32>
            %parallel_loop3A_390 = arith.addi %parallel_loop3A_389, %iota3A : vector<16xi32>
            %parallel_loop3A_391 = vector.broadcast %select_n3A_363 : i32 to vector<16xi32>
            %parallel_loop3A_392 = arith.cmpi sge, %parallel_loop3A_390, %parallel_loop3A_391 : vector<16xi32>
            %parallel_loop3A_393 = vector.broadcast %select_n3A_370 : i32 to vector<16xi32>
            %parallel_loop3A_394 = arith.cmpi slt, %parallel_loop3A_390, %parallel_loop3A_393 : vector<16xi32>
            %parallel_loop3A_395 = arith.andi %parallel_loop3A_392, %parallel_loop3A_394 : vector<16xi1>
            %parallel_loop3A_396 = arith.constant 20 : i32
            %parallel_loop3A_397 = vector.broadcast %parallel_loop3A_396 : i32 to vector<16xi32>
            %parallel_loop3A_398 = arith.shrsi %parallel_loop3A_386, %parallel_loop3A_397 : vector<16xi32>
            %parallel_loop3A_399 = arith.constant 2048 : i32
            %parallel_loop3A_400 = vector.broadcast %parallel_loop3A_399 : i32 to vector<16xi32>
            %parallel_loop3A_401 = arith.addi %parallel_loop3A_398, %parallel_loop3A_400 : vector<16xi32>
            %parallel_loop3A_402 = arith.constant 0 : i32
            %parallel_loop3A_403 = vector.broadcast %parallel_loop3A_402 : i32 to vector<16xi32>
            %parallel_loop3A_404 = arith.select %parallel_loop3A_395, %parallel_loop3A_401, %parallel_loop3A_403 : vector<16xi1>, vector<16xi32>
            %parallel_loop3A_405 = arith.constant 3 : i32
            %parallel_loop3A_406 = arith.andi %parallel_loop3A_374, %parallel_loop3A_405 : i32
            %parallel_loop3A_407 = arith.constant 12 : i32
            %parallel_loop3A_408 = arith.shli %parallel_loop3A_406, %parallel_loop3A_407 : i32
            %parallel_loop3A_409 = vector.broadcast %parallel_loop3A_408 : i32 to vector<16xi32>
            %parallel_loop3A_410 = arith.ori %parallel_loop3A_404, %parallel_loop3A_409 : vector<16xi32>
            %parallel_loop3A_411 = arith.constant true
            %parallel_loop3A_412 = vector.broadcast %parallel_loop3A_411 : i1 to vector<16xi1>
            %parallel_loop3A_413, %parallel_loop3A_414 = tpu.scan_count mask(%parallel_loop3A_412 : vector<16xi1>) value(%parallel_loop3A_410 : vector<16xi32>) : vector<16xi1>, vector<16xi32>
            tpu.vector_store_idx %arg10[%parallel_loop3A_410], %parallel_loop3A_414 masked %parallel_loop3A_413 {add = true} : memref<16384xi32, #tpu.memory_space<vmem>>[vector<16xi32>], vector<16xi32>, vector<16xi1>
          } {sc.loop_unroll_factor = 4 : i64, sc.parallel_access}
        }
        %while3A_157 = arith.constant 1 : i32
        scf.for %while3A_310 = %while3A_155 to %while3A_151 step %while3A_157  : i32 {
          %mul3A_311 = arith.constant 2 : i32
          %mul3A_312 = arith.muli %mul3A_311, %while3A_310 : i32
          %add3A_313 = arith.constant 1 : i32
          %add3A_314 = arith.addi %mul3A_312, %add3A_313 : i32
          %mul3A_315 = arith.constant 8192 : i32
          %mul3A_316 = arith.muli %add3A_314, %mul3A_315 : i32
          %min3A_317 = arith.minsi %mul3A_316, %select_n3A_92 : i32
          %add3A_318 = arith.addi %add3A_119, %min3A_317 : i32
          %dma_start3A_319 = tpu.memref_slice %arg2[%add3A_318] : memref<16948192xf32, #tpu.memory_space<hbm>> -> memref<8192xf32, #tpu.memory_space<hbm>>
          %dma_start3A_320 = tpu.memref_slice %arg2[%add3A_318] : memref<16948192xf32, #tpu.memory_space<hbm>> -> memref<8192xf32, #tpu.memory_space<hbm>>
          tpu.enqueue_dma source(%dma_start3A_320 : memref<8192xf32, #tpu.memory_space<hbm>>) target(%arg8 : memref<8192xf32, #tpu.memory_space<vmem>>) target_semaphore(%arg14 : memref<!tpu.dma_semaphore, #tpu.memory_space<semaphore_mem>>)
          %dma_wait3A = arith.constant 0 : i32
          %dma_wait3A_321 = tpu.memref_slice %arg2[%dma_wait3A] : memref<16948192xf32, #tpu.memory_space<hbm>> -> memref<8192xf32, #tpu.memory_space<hbm>>
          %dma_wait3A_322 = arith.constant 0 : i32
          %dma_wait3A_323 = tpu.memref_slice %arg2[%dma_wait3A_322] : memref<16948192xf32, #tpu.memory_space<hbm>> -> memref<8192xf32, #tpu.memory_space<hbm>>
          tpu.wait_dma2 semaphore(%arg13 : memref<!tpu.dma_semaphore, #tpu.memory_space<semaphore_mem>>) src(%dma_wait3A_323 : memref<8192xf32, #tpu.memory_space<hbm>>) dst(%arg7 : memref<8192xf32, #tpu.memory_space<vmem>>)
          %lt3A_324 = arith.cmpi slt, %mul3A_312, %select_n3A_83 : i32
          %mul3A_325 = arith.constant 8192 : i32
          %mul3A_326 = arith.muli %mul3A_312, %mul3A_325 : i32
          %mul3A_327 = arith.constant 8192 : i32
          %mul3A_328 = arith.muli %mul3A_312, %mul3A_327 : i32
          %min3A_329 = arith.minsi %mul3A_328, %select_n3A_92 : i32
          %sub3A_330 = arith.subi %mul3A_326, %min3A_329 : i32
          %jit3A_331 = arith.constant 8192 : i32
          %select_n3A_332 = arith.select %lt3A_324, %sub3A_330, %jit3A_331 : i32
          %lt3A_333 = arith.cmpi slt, %mul3A_312, %select_n3A_83 : i32
          %mul3A_334 = arith.constant 8192 : i32
          %mul3A_335 = arith.muli %mul3A_312, %mul3A_334 : i32
          %min3A_336 = arith.minsi %mul3A_335, %select_n3A_92 : i32
          %sub3A_337 = arith.subi %select_n3A_61, %min3A_336 : i32
          %jit3A_338 = arith.constant 0 : i32
          %select_n3A_339 = arith.select %lt3A_333, %sub3A_337, %jit3A_338 : i32
          %parallel_loop3A_340 = arith.constant 0 : i32
          %parallel_loop3A_341 = arith.constant 512 : i32
          %parallel_loop3A_342 = arith.constant 1 : i32
          scf.for %parallel_loop3A_374 = %parallel_loop3A_340 to %parallel_loop3A_341 step %parallel_loop3A_342  : i32 {
            %parallel_loop3A_375 = arith.constant 16 : i32
            %parallel_loop3A_376 = arith.muli %parallel_loop3A_374, %parallel_loop3A_375 : i32
            %parallel_loop3A_377 = arith.index_cast %parallel_loop3A_376 : i32 to index
            %parallel_loop3A_378 = tpu.vector_load %arg7[%parallel_loop3A_377] {strides = array<i32>} : memref<8192xf32, #tpu.memory_space<vmem>>, vector<16xf32>,
            %parallel_loop3A_379 = tpu.bitcast %parallel_loop3A_378 : vector<16xf32> -> vector<16xi32>
            %parallel_loop3A_380 = arith.constant 31 : i32
            %parallel_loop3A_381 = vector.broadcast %parallel_loop3A_380 : i32 to vector<16xi32>
            %parallel_loop3A_382 = arith.shrsi %parallel_loop3A_379, %parallel_loop3A_381 : vector<16xi32>
            %parallel_loop3A_383 = arith.constant 2147483647 : i32
            %parallel_loop3A_384 = vector.broadcast %parallel_loop3A_383 : i32 to vector<16xi32>
            %parallel_loop3A_385 = arith.andi %parallel_loop3A_382, %parallel_loop3A_384 : vector<16xi32>
            %parallel_loop3A_386 = arith.xori %parallel_loop3A_379, %parallel_loop3A_385 : vector<16xi32>
            %parallel_loop3A_387 = arith.constant 16 : i32
            %parallel_loop3A_388 = arith.muli %parallel_loop3A_374, %parallel_loop3A_387 : i32
            %parallel_loop3A_389 = vector.broadcast %parallel_loop3A_388 : i32 to vector<16xi32>
            %parallel_loop3A_390 = arith.addi %parallel_loop3A_389, %iota3A : vector<16xi32>
            %parallel_loop3A_391 = vector.broadcast %select_n3A_332 : i32 to vector<16xi32>
            %parallel_loop3A_392 = arith.cmpi sge, %parallel_loop3A_390, %parallel_loop3A_391 : vector<16xi32>
            %parallel_loop3A_393 = vector.broadcast %select_n3A_339 : i32 to vector<16xi32>
            %parallel_loop3A_394 = arith.cmpi slt, %parallel_loop3A_390, %parallel_loop3A_393 : vector<16xi32>
            %parallel_loop3A_395 = arith.andi %parallel_loop3A_392, %parallel_loop3A_394 : vector<16xi1>
            %parallel_loop3A_396 = arith.constant 20 : i32
            %parallel_loop3A_397 = vector.broadcast %parallel_loop3A_396 : i32 to vector<16xi32>
            %parallel_loop3A_398 = arith.shrsi %parallel_loop3A_386, %parallel_loop3A_397 : vector<16xi32>
            %parallel_loop3A_399 = arith.constant 2048 : i32
            %parallel_loop3A_400 = vector.broadcast %parallel_loop3A_399 : i32 to vector<16xi32>
            %parallel_loop3A_401 = arith.addi %parallel_loop3A_398, %parallel_loop3A_400 : vector<16xi32>
            %parallel_loop3A_402 = arith.constant 0 : i32
            %parallel_loop3A_403 = vector.broadcast %parallel_loop3A_402 : i32 to vector<16xi32>
            %parallel_loop3A_404 = arith.select %parallel_loop3A_395, %parallel_loop3A_401, %parallel_loop3A_403 : vector<16xi1>, vector<16xi32>
            %parallel_loop3A_405 = arith.constant 3 : i32
            %parallel_loop3A_406 = arith.andi %parallel_loop3A_374, %parallel_loop3A_405 : i32
            %parallel_loop3A_407 = arith.constant 12 : i32
            %parallel_loop3A_408 = arith.shli %parallel_loop3A_406, %parallel_loop3A_407 : i32
            %parallel_loop3A_409 = vector.broadcast %parallel_loop3A_408 : i32 to vector<16xi32>
            %parallel_loop3A_410 = arith.ori %parallel_loop3A_404, %parallel_loop3A_409 : vector<16xi32>
            %parallel_loop3A_411 = arith.constant true
            %parallel_loop3A_412 = vector.broadcast %parallel_loop3A_411 : i1 to vector<16xi1>
            %parallel_loop3A_413, %parallel_loop3A_414 = tpu.scan_count mask(%parallel_loop3A_412 : vector<16xi1>) value(%parallel_loop3A_410 : vector<16xi32>) : vector<16xi1>, vector<16xi32>
            tpu.vector_store_idx %arg10[%parallel_loop3A_410], %parallel_loop3A_414 masked %parallel_loop3A_413 {add = true} : memref<16384xi32, #tpu.memory_space<vmem>>[vector<16xi32>], vector<16xi32>, vector<16xi1>
          } {sc.loop_unroll_factor = 4 : i64, sc.parallel_access}
          %add3A_343 = arith.constant 2 : i32
          %add3A_344 = arith.addi %mul3A_312, %add3A_343 : i32
          %mul3A_345 = arith.constant 2 : i32
          %mul3A_346 = arith.muli %mul3A_345, %select_n3A_145 : i32
          %lt3A_347 = arith.cmpi slt, %add3A_344, %mul3A_346 : i32
          %convert_element_type3A_348 = arith.extui %lt3A_347 : i1 to i32
          %cond3A_349 = arith.constant 0 : i32
          %cond3A_350 = arith.cmpi ne, %convert_element_type3A_348, %cond3A_349 : i32
          scf.if %cond3A_350 {
            %add3A_374 = arith.constant 2 : i32
            %add3A_375 = arith.addi %mul3A_312, %add3A_374 : i32
            %mul3A_376 = arith.constant 8192 : i32
            %mul3A_377 = arith.muli %add3A_375, %mul3A_376 : i32
            %min3A_378 = arith.minsi %mul3A_377, %select_n3A_92 : i32
            %add3A_379 = arith.addi %add3A_119, %min3A_378 : i32
            %dma_start3A_380 = tpu.memref_slice %arg2[%add3A_379] : memref<16948192xf32, #tpu.memory_space<hbm>> -> memref<8192xf32, #tpu.memory_space<hbm>>
            %dma_start3A_381 = tpu.memref_slice %arg2[%add3A_379] : memref<16948192xf32, #tpu.memory_space<hbm>> -> memref<8192xf32, #tpu.memory_space<hbm>>
            tpu.enqueue_dma source(%dma_start3A_381 : memref<8192xf32, #tpu.memory_space<hbm>>) target(%arg7 : memref<8192xf32, #tpu.memory_space<vmem>>) target_semaphore(%arg13 : memref<!tpu.dma_semaphore, #tpu.memory_space<semaphore_mem>>)
          } else {
          }
          %dma_wait3A_351 = arith.constant 0 : i32
          %dma_wait3A_352 = tpu.memref_slice %arg2[%dma_wait3A_351] : memref<16948192xf32, #tpu.memory_space<hbm>> -> memref<8192xf32, #tpu.memory_space<hbm>>
          %dma_wait3A_353 = arith.constant 0 : i32
          %dma_wait3A_354 = tpu.memref_slice %arg2[%dma_wait3A_353] : memref<16948192xf32, #tpu.memory_space<hbm>> -> memref<8192xf32, #tpu.memory_space<hbm>>
          tpu.wait_dma2 semaphore(%arg14 : memref<!tpu.dma_semaphore, #tpu.memory_space<semaphore_mem>>) src(%dma_wait3A_354 : memref<8192xf32, #tpu.memory_space<hbm>>) dst(%arg8 : memref<8192xf32, #tpu.memory_space<vmem>>)
          %lt3A_355 = arith.cmpi slt, %add3A_314, %select_n3A_83 : i32
          %mul3A_356 = arith.constant 8192 : i32
          %mul3A_357 = arith.muli %add3A_314, %mul3A_356 : i32
          %mul3A_358 = arith.constant 8192 : i32
          %mul3A_359 = arith.muli %add3A_314, %mul3A_358 : i32
          %min3A_360 = arith.minsi %mul3A_359, %select_n3A_92 : i32
          %sub3A_361 = arith.subi %mul3A_357, %min3A_360 : i32
          %jit3A_362 = arith.constant 8192 : i32
          %select_n3A_363 = arith.select %lt3A_355, %sub3A_361, %jit3A_362 : i32
          %lt3A_364 = arith.cmpi slt, %add3A_314, %select_n3A_83 : i32
          %mul3A_365 = arith.constant 8192 : i32
          %mul3A_366 = arith.muli %add3A_314, %mul3A_365 : i32
          %min3A_367 = arith.minsi %mul3A_366, %select_n3A_92 : i32
          %sub3A_368 = arith.subi %select_n3A_61, %min3A_367 : i32
          %jit3A_369 = arith.constant 0 : i32
          %select_n3A_370 = arith.select %lt3A_364, %sub3A_368, %jit3A_369 : i32
          %parallel_loop3A_371 = arith.constant 0 : i32
          %parallel_loop3A_372 = arith.constant 512 : i32
          %parallel_loop3A_373 = arith.constant 1 : i32
          scf.for %parallel_loop3A_374 = %parallel_loop3A_371 to %parallel_loop3A_372 step %parallel_loop3A_373  : i32 {
            %parallel_loop3A_375 = arith.constant 16 : i32
            %parallel_loop3A_376 = arith.muli %parallel_loop3A_374, %parallel_loop3A_375 : i32
            %parallel_loop3A_377 = arith.index_cast %parallel_loop3A_376 : i32 to index
            %parallel_loop3A_378 = tpu.vector_load %arg8[%parallel_loop3A_377] {strides = array<i32>} : memref<8192xf32, #tpu.memory_space<vmem>>, vector<16xf32>,
            %parallel_loop3A_379 = tpu.bitcast %parallel_loop3A_378 : vector<16xf32> -> vector<16xi32>
            %parallel_loop3A_380 = arith.constant 31 : i32
            %parallel_loop3A_381 = vector.broadcast %parallel_loop3A_380 : i32 to vector<16xi32>
            %parallel_loop3A_382 = arith.shrsi %parallel_loop3A_379, %parallel_loop3A_381 : vector<16xi32>
            %parallel_loop3A_383 = arith.constant 2147483647 : i32
            %parallel_loop3A_384 = vector.broadcast %parallel_loop3A_383 : i32 to vector<16xi32>
            %parallel_loop3A_385 = arith.andi %parallel_loop3A_382, %parallel_loop3A_384 : vector<16xi32>
            %parallel_loop3A_386 = arith.xori %parallel_loop3A_379, %parallel_loop3A_385 : vector<16xi32>
            %parallel_loop3A_387 = arith.constant 16 : i32
            %parallel_loop3A_388 = arith.muli %parallel_loop3A_374, %parallel_loop3A_387 : i32
            %parallel_loop3A_389 = vector.broadcast %parallel_loop3A_388 : i32 to vector<16xi32>
            %parallel_loop3A_390 = arith.addi %parallel_loop3A_389, %iota3A : vector<16xi32>
            %parallel_loop3A_391 = vector.broadcast %select_n3A_363 : i32 to vector<16xi32>
            %parallel_loop3A_392 = arith.cmpi sge, %parallel_loop3A_390, %parallel_loop3A_391 : vector<16xi32>
            %parallel_loop3A_393 = vector.broadcast %select_n3A_370 : i32 to vector<16xi32>
            %parallel_loop3A_394 = arith.cmpi slt, %parallel_loop3A_390, %parallel_loop3A_393 : vector<16xi32>
            %parallel_loop3A_395 = arith.andi %parallel_loop3A_392, %parallel_loop3A_394 : vector<16xi1>
            %parallel_loop3A_396 = arith.constant 20 : i32
            %parallel_loop3A_397 = vector.broadcast %parallel_loop3A_396 : i32 to vector<16xi32>
            %parallel_loop3A_398 = arith.shrsi %parallel_loop3A_386, %parallel_loop3A_397 : vector<16xi32>
            %parallel_loop3A_399 = arith.constant 2048 : i32
            %parallel_loop3A_400 = vector.broadcast %parallel_loop3A_399 : i32 to vector<16xi32>
            %parallel_loop3A_401 = arith.addi %parallel_loop3A_398, %parallel_loop3A_400 : vector<16xi32>
            %parallel_loop3A_402 = arith.constant 0 : i32
            %parallel_loop3A_403 = vector.broadcast %parallel_loop3A_402 : i32 to vector<16xi32>
            %parallel_loop3A_404 = arith.select %parallel_loop3A_395, %parallel_loop3A_401, %parallel_loop3A_403 : vector<16xi1>, vector<16xi32>
            %parallel_loop3A_405 = arith.constant 3 : i32
            %parallel_loop3A_406 = arith.andi %parallel_loop3A_374, %parallel_loop3A_405 : i32
            %parallel_loop3A_407 = arith.constant 12 : i32
            %parallel_loop3A_408 = arith.shli %parallel_loop3A_406, %parallel_loop3A_407 : i32
            %parallel_loop3A_409 = vector.broadcast %parallel_loop3A_408 : i32 to vector<16xi32>
            %parallel_loop3A_410 = arith.ori %parallel_loop3A_404, %parallel_loop3A_409 : vector<16xi32>
            %parallel_loop3A_411 = arith.constant true
            %parallel_loop3A_412 = vector.broadcast %parallel_loop3A_411 : i1 to vector<16xi1>
            %parallel_loop3A_413, %parallel_loop3A_414 = tpu.scan_count mask(%parallel_loop3A_412 : vector<16xi1>) value(%parallel_loop3A_410 : vector<16xi32>) : vector<16xi1>, vector<16xi32>
            tpu.vector_store_idx %arg10[%parallel_loop3A_410], %parallel_loop3A_414 masked %parallel_loop3A_413 {add = true} : memref<16384xi32, #tpu.memory_space<vmem>>[vector<16xi32>], vector<16xi32>, vector<16xi1>
          } {sc.loop_unroll_factor = 4 : i64, sc.parallel_access}
        }
        %iota3A_158 = tpu.iota {dimensions = array<i32: 0>} : vector<16xi32>
        %scan3A_159 = arith.constant 0 : i32
        %scan3A_160 = arith.constant 0 : i32
        %scan3A_161 = arith.constant 0 : i32
        %scan3A_162 = arith.constant 0 : i32
        %scan3A_163 = arith.constant 0 : i32
        %scan3A_164 = arith.constant 256 : i32
        %scan3A_165 = arith.addi %scan3A_163, %scan3A_164 : i32
        %scan3A_166 = arith.constant 1 : i32
        %scan3A_167:5 = scf.for %scan3A_310 = %scan3A_163 to %scan3A_165 step %scan3A_166 iter_args(%scan3A_311 = %scan3A_159, %scan3A_312 = %scan3A_160, %scan3A_313 = %scan3A_161, %scan3A_314 = %select_n3A_116, %scan3A_315 = %scan3A_162) -> (i32, i32, i32, i32, i32)  : i32 {
          %sub3A_316 = arith.constant 255 : i32
          %sub3A_317 = arith.subi %sub3A_316, %scan3A_310 : i32
          %mul3A_318 = arith.constant 16 : i32
          %mul3A_319 = arith.muli %sub3A_317, %mul3A_318 : i32
          %get3A = arith.index_cast %mul3A_319 : i32 to index
          %get3A_320 = tpu.vector_load %arg10[%get3A] {strides = array<i32>} : memref<16384xi32, #tpu.memory_space<vmem>>, vector<16xi32>,
          %broadcast_in_dim3A = arith.constant 0 : i32
          %broadcast_in_dim3A_321 = vector.broadcast %broadcast_in_dim3A : i32 to vector<16xi32>
          %mul3A_322 = arith.constant 16 : i32
          %mul3A_323 = arith.muli %sub3A_317, %mul3A_322 : i32
          %swap3A = arith.index_cast %mul3A_323 : i32 to index
          %swap3A_324 = tpu.vector_load %arg10[%swap3A] {strides = array<i32>} : memref<16384xi32, #tpu.memory_space<vmem>>, vector<16xi32>,
          tpu.vector_store %arg10[%swap3A], %broadcast_in_dim3A_321 {strides = array<i32>} : memref<16384xi32, #tpu.memory_space<vmem>>, vector<16xi32>,
          %mul3A_325 = arith.constant 16 : i32
          %mul3A_326 = arith.muli %sub3A_317, %mul3A_325 : i32
          %add3A_327 = arith.constant 4096 : i32
          %add3A_328 = arith.addi %add3A_327, %mul3A_326 : i32
          %get3A_329 = arith.index_cast %add3A_328 : i32 to index
          %get3A_330 = tpu.vector_load %arg10[%get3A_329] {strides = array<i32>} : memref<16384xi32, #tpu.memory_space<vmem>>, vector<16xi32>,
          %add3A_331 = arith.addi %get3A_320, %get3A_330 : vector<16xi32>
          %broadcast_in_dim3A_332 = arith.constant 0 : i32
          %broadcast_in_dim3A_333 = vector.broadcast %broadcast_in_dim3A_332 : i32 to vector<16xi32>
          %mul3A_334 = arith.constant 16 : i32
          %mul3A_335 = arith.muli %sub3A_317, %mul3A_334 : i32
          %add3A_336 = arith.constant 4096 : i32
          %add3A_337 = arith.addi %add3A_336, %mul3A_335 : i32
          %swap3A_338 = arith.index_cast %add3A_337 : i32 to index
          %swap3A_339 = tpu.vector_load %arg10[%swap3A_338] {strides = array<i32>} : memref<16384xi32, #tpu.memory_space<vmem>>, vector<16xi32>,
          tpu.vector_store %arg10[%swap3A_338], %broadcast_in_dim3A_333 {strides = array<i32>} : memref<16384xi32, #tpu.memory_space<vmem>>, vector<16xi32>,
          %mul3A_340 = arith.constant 16 : i32
          %mul3A_341 = arith.muli %sub3A_317, %mul3A_340 : i32
          %add3A_342 = arith.constant 8192 : i32
          %add3A_343 = arith.addi %add3A_342, %mul3A_341 : i32
          %get3A_344 = arith.index_cast %add3A_343 : i32 to index
          %get3A_345 = tpu.vector_load %arg10[%get3A_344] {strides = array<i32>} : memref<16384xi32, #tpu.memory_space<vmem>>, vector<16xi32>,
          %add3A_346 = arith.addi %add3A_331, %get3A_345 : vector<16xi32>
          %broadcast_in_dim3A_347 = arith.constant 0 : i32
          %broadcast_in_dim3A_348 = vector.broadcast %broadcast_in_dim3A_347 : i32 to vector<16xi32>
          %mul3A_349 = arith.constant 16 : i32
          %mul3A_350 = arith.muli %sub3A_317, %mul3A_349 : i32
          %add3A_351 = arith.constant 8192 : i32
          %add3A_352 = arith.addi %add3A_351, %mul3A_350 : i32
          %swap3A_353 = arith.index_cast %add3A_352 : i32 to index
          %swap3A_354 = tpu.vector_load %arg10[%swap3A_353] {strides = array<i32>} : memref<16384xi32, #tpu.memory_space<vmem>>, vector<16xi32>,
          tpu.vector_store %arg10[%swap3A_353], %broadcast_in_dim3A_348 {strides = array<i32>} : memref<16384xi32, #tpu.memory_space<vmem>>, vector<16xi32>,
          %mul3A_355 = arith.constant 16 : i32
          %mul3A_356 = arith.muli %sub3A_317, %mul3A_355 : i32
          %add3A_357 = arith.constant 12288 : i32
          %add3A_358 = arith.addi %add3A_357, %mul3A_356 : i32
          %get3A_359 = arith.index_cast %add3A_358 : i32 to index
          %get3A_360 = tpu.vector_load %arg10[%get3A_359] {strides = array<i32>} : memref<16384xi32, #tpu.memory_space<vmem>>, vector<16xi32>,
          %add3A_361 = arith.addi %add3A_346, %get3A_360 : vector<16xi32>
          %broadcast_in_dim3A_362 = arith.constant 0 : i32
          %broadcast_in_dim3A_363 = vector.broadcast %broadcast_in_dim3A_362 : i32 to vector<16xi32>
          %mul3A_364 = arith.constant 16 : i32
          %mul3A_365 = arith.muli %sub3A_317, %mul3A_364 : i32
          %add3A_366 = arith.constant 12288 : i32
          %add3A_367 = arith.addi %add3A_366, %mul3A_365 : i32
          %swap3A_368 = arith.index_cast %add3A_367 : i32 to index
          %swap3A_369 = tpu.vector_load %arg10[%swap3A_368] {strides = array<i32>} : memref<16384xi32, #tpu.memory_space<vmem>>, vector<16xi32>,
          tpu.vector_store %arg10[%swap3A_368], %broadcast_in_dim3A_363 {strides = array<i32>} : memref<16384xi32, #tpu.memory_space<vmem>>, vector<16xi32>,
          %reduce_sum3A = arith.constant true
          %reduce_sum3A_370 = vector.broadcast %reduce_sum3A : i1 to vector<16xi1>
          %reduce_sum3A_371 = tpu.scan <sum>, %add3A_361 masked %reduce_sum3A_370 : vector<16xi32>, vector<16xi1> -> vector<16xi32>
          %reduce_sum3A_372 = vector.extract %reduce_sum3A_371[15] : i32 from vector<16xi32>
          %rev3A = arith.constant 15 : i32
          %rev3A_373 = vector.broadcast %rev3A : i32 to vector<16xi32>
          %rev3A_374 = tpu.iota {dimensions = array<i32: 0>} : vector<16xi32>
          %rev3A_375 = arith.subi %rev3A_373, %rev3A_374 : vector<16xi32>
          %rev3A_376 = tpu.dynamic_gather %add3A_361[%rev3A_375] in [0] : vector<16xi32>, vector<16xi32> -> vector<16xi32>
          %broadcast_in_dim3A_377 = arith.constant true
          %broadcast_in_dim3A_378 = vector.broadcast %broadcast_in_dim3A_377 : i1 to vector<16xi1>
          %masked_cumsum3A = tpu.scan <sum>, %rev3A_376 masked %broadcast_in_dim3A_378 : vector<16xi32>, vector<16xi1> -> vector<16xi32>
          %eq3A_379 = arith.constant 0 : i32
          %eq3A_380 = arith.cmpi eq, %scan3A_312, %eq3A_379 : i32
          %add3A_381 = arith.addi %scan3A_311, %reduce_sum3A_372 : i32
          %ge3A = arith.cmpi sge, %add3A_381, %select_n3A_116 : i32
          %and3A_382 = arith.andi %eq3A_380, %ge3A : i1
          %add3A_383 = vector.broadcast %scan3A_311 : i32 to vector<16xi32>
          %add3A_384 = arith.addi %add3A_383, %masked_cumsum3A : vector<16xi32>
          %ge3A_385 = vector.broadcast %select_n3A_116 : i32 to vector<16xi32>
          %ge3A_386 = arith.cmpi sge, %add3A_384, %ge3A_385 : vector<16xi32>
          %jit3A_387 = arith.constant 16 : i32
          %broadcast_in_dim3A_388 = vector.broadcast %jit3A_387 : i32 to vector<16xi32>
          %select_n3A_389 = arith.select %ge3A_386, %iota3A_158, %broadcast_in_dim3A_388 : vector<16xi1>, vector<16xi32>
          %reduce_min3A = arith.constant true
          %reduce_min3A_390 = vector.broadcast %reduce_min3A : i1 to vector<16xi1>
          %reduce_min3A_391 = arith.constant -2147483648 : i32
          %reduce_min3A_392 = vector.broadcast %reduce_min3A_391 : i32 to vector<16xi32>
          %reduce_min3A_393 = arith.xori %select_n3A_389, %reduce_min3A_392 : vector<16xi32>
          %reduce_min3A_394 = tpu.scan <min>, %reduce_min3A_393 masked %reduce_min3A_390 : vector<16xi32>, vector<16xi1> -> vector<16xi32>
          %reduce_min3A_395 = arith.xori %reduce_min3A_394, %reduce_min3A_392 : vector<16xi32>
          %reduce_min3A_396 = vector.extract %reduce_min3A_395[15] : i32 from vector<16xi32>
          %eq3A_397 = vector.broadcast %reduce_min3A_396 : i32 to vector<16xi32>
          %eq3A_398 = arith.cmpi eq, %iota3A_158, %eq3A_397 : vector<16xi32>
          %jit3A_399 = arith.constant 0 : i32
          %broadcast_in_dim3A_400 = vector.broadcast %jit3A_399 : i32 to vector<16xi32>
          %select_n3A_401 = arith.select %eq3A_398, %masked_cumsum3A, %broadcast_in_dim3A_400 : vector<16xi1>, vector<16xi32>
          %reduce_max3A = arith.constant true
          %reduce_max3A_402 = vector.broadcast %reduce_max3A : i1 to vector<16xi1>
          %reduce_max3A_403 = arith.constant -2147483648 : i32
          %reduce_max3A_404 = vector.broadcast %reduce_max3A_403 : i32 to vector<16xi32>
          %reduce_max3A_405 = arith.xori %select_n3A_401, %reduce_max3A_404 : vector<16xi32>
          %reduce_max3A_406 = tpu.scan <max>, %reduce_max3A_405 masked %reduce_max3A_402 : vector<16xi32>, vector<16xi1> -> vector<16xi32>
          %reduce_max3A_407 = arith.xori %reduce_max3A_406, %reduce_max3A_404 : vector<16xi32>
          %reduce_max3A_408 = vector.extract %reduce_max3A_407[15] : i32 from vector<16xi32>
          %eq3A_409 = vector.broadcast %reduce_min3A_396 : i32 to vector<16xi32>
          %eq3A_410 = arith.cmpi eq, %iota3A_158, %eq3A_409 : vector<16xi32>
          %jit3A_411 = arith.constant 0 : i32
          %broadcast_in_dim3A_412 = vector.broadcast %jit3A_411 : i32 to vector<16xi32>
          %select_n3A_413 = arith.select %eq3A_410, %rev3A_376, %broadcast_in_dim3A_412 : vector<16xi1>, vector<16xi32>
          %reduce_max3A_414 = arith.constant true
          %reduce_max3A_415 = vector.broadcast %reduce_max3A_414 : i1 to vector<16xi1>
          %reduce_max3A_416 = arith.constant -2147483648 : i32
          %reduce_max3A_417 = vector.broadcast %reduce_max3A_416 : i32 to vector<16xi32>
          %reduce_max3A_418 = arith.xori %select_n3A_413, %reduce_max3A_417 : vector<16xi32>
          %reduce_max3A_419 = tpu.scan <max>, %reduce_max3A_418 masked %reduce_max3A_415 : vector<16xi32>, vector<16xi1> -> vector<16xi32>
          %reduce_max3A_420 = arith.xori %reduce_max3A_419, %reduce_max3A_417 : vector<16xi32>
          %reduce_max3A_421 = vector.extract %reduce_max3A_420[15] : i32 from vector<16xi32>
          %mul3A_422 = arith.constant 16 : i32
          %mul3A_423 = arith.muli %sub3A_317, %mul3A_422 : i32
          %add3A_424 = arith.constant 15 : i32
          %add3A_425 = arith.addi %mul3A_423, %add3A_424 : i32
          %sub3A_426 = arith.subi %add3A_425, %reduce_min3A_396 : i32
          %add3A_427 = arith.addi %scan3A_311, %reduce_max3A_408 : i32
          %sub3A_428 = arith.subi %add3A_427, %reduce_max3A_421 : i32
          %sub3A_429 = arith.subi %select_n3A_116, %sub3A_428 : i32
          %select_n3A_430 = arith.select %and3A_382, %sub3A_426, %scan3A_313 : i32
          %select_n3A_431 = arith.select %and3A_382, %sub3A_429, %scan3A_314 : i32
          %select_n3A_432 = arith.select %and3A_382, %reduce_max3A_421, %scan3A_315 : i32
          %jit3A_433 = arith.constant 1 : i32
          %select_n3A_434 = arith.select %and3A_382, %jit3A_433, %scan3A_312 : i32
          %add3A_435 = arith.addi %scan3A_311, %reduce_sum3A_372 : i32
          scf.yield %add3A_435, %select_n3A_434, %select_n3A_430, %select_n3A_431, %select_n3A_432 : i32, i32, i32, i32, i32
        }
        %scan3A_168 = arith.constant 256 : i32
        %add3A_169 = arith.constant 1 : i32
        %add3A_170 = arith.addi %select_n3A_83, %add3A_169 : i32
        %jit3A_171 = arith.constant 2 : i32
        %div3A_172 = arith.divsi %add3A_170, %jit3A_171 : i32
        %sign3A_173 = arith.constant 0 : i32
        %sign3A_174 = arith.cmpi sgt, %add3A_170, %sign3A_173 : i32
        %sign3A_175 = arith.extui %sign3A_174 : i1 to i32
        %sign3A_176 = arith.constant 0 : i32
        %sign3A_177 = arith.cmpi slt, %add3A_170, %sign3A_176 : i32
        %sign3A_178 = arith.extui %sign3A_177 : i1 to i32
        %sign3A_179 = arith.subi %sign3A_175, %sign3A_178 : i32
        %sign3A_180 = arith.constant 0 : i32
        %sign3A_181 = arith.cmpi sgt, %jit3A_171, %sign3A_180 : i32
        %sign3A_182 = arith.extui %sign3A_181 : i1 to i32
        %sign3A_183 = arith.constant 0 : i32
        %sign3A_184 = arith.cmpi slt, %jit3A_171, %sign3A_183 : i32
        %sign3A_185 = arith.extui %sign3A_184 : i1 to i32
        %sign3A_186 = arith.subi %sign3A_182, %sign3A_185 : i32
        %ne3A_187 = arith.cmpi ne, %sign3A_179, %sign3A_186 : i32
        %rem3A_188 = arith.remsi %add3A_170, %jit3A_171 : i32
        %ne3A_189 = arith.constant 0 : i32
        %ne3A_190 = arith.cmpi ne, %rem3A_188, %ne3A_189 : i32
        %and3A_191 = arith.andi %ne3A_187, %ne3A_190 : i1
        %sub3A_192 = arith.constant 1 : i32
        %sub3A_193 = arith.subi %div3A_172, %sub3A_192 : i32
        %select_n3A_194 = arith.select %and3A_191, %sub3A_193, %div3A_172 : i32
        %min3A_195 = arith.constant 0 : i32
        %min3A_196 = arith.minsi %min3A_195, %select_n3A_92 : i32
        %add3A_197 = arith.addi %add3A_119, %min3A_196 : i32
        %dma_start3A_198 = tpu.memref_slice %arg2[%add3A_197] : memref<16948192xf32, #tpu.memory_space<hbm>> -> memref<8192xf32, #tpu.memory_space<hbm>>
        %dma_start3A_199 = tpu.memref_slice %arg2[%add3A_197] : memref<16948192xf32, #tpu.memory_space<hbm>> -> memref<8192xf32, #tpu.memory_space<hbm>>
        tpu.enqueue_dma source(%dma_start3A_199 : memref<8192xf32, #tpu.memory_space<hbm>>) target(%arg7 : memref<8192xf32, #tpu.memory_space<vmem>>) target_semaphore(%arg13 : memref<!tpu.dma_semaphore, #tpu.memory_space<semaphore_mem>>)
        %while3A_200 = arith.constant 0 : i32
        %while3A_201 = arith.constant 0 : i32
        %while3A_202 = arith.subi %select_n3A_194, %while3A_200 : i32
        %while3A_203 = arith.addi %while3A_200, %while3A_202 : i32
        %while3A_204 = arith.constant 1 : i32
        %while3A_205 = arith.divsi %while3A_202, %while3A_204 : i32
        %while3A_206 = arith.muli %while3A_205, %while3A_204 : i32
        %while3A_207 = arith.addi %while3A_200, %while3A_206 : i32
        %while3A_208 = arith.constant 1 : i32
        %while3A_209 = scf.for %while3A_310 = %while3A_200 to %while3A_207 step %while3A_208 iter_args(%while3A_311 = %while3A_201) -> (i32)  : i32 {
          %mul3A_312 = arith.constant 2 : i32
          %mul3A_313 = arith.muli %mul3A_312, %while3A_310 : i32
          %add3A_314 = arith.constant 1 : i32
          %add3A_315 = arith.addi %mul3A_313, %add3A_314 : i32
          %mul3A_316 = arith.constant 8192 : i32
          %mul3A_317 = arith.muli %add3A_315, %mul3A_316 : i32
          %min3A_318 = arith.minsi %mul3A_317, %select_n3A_92 : i32
          %add3A_319 = arith.addi %add3A_119, %min3A_318 : i32
          %dma_start3A_320 = tpu.memref_slice %arg2[%add3A_319] : memref<16948192xf32, #tpu.memory_space<hbm>> -> memref<8192xf32, #tpu.memory_space<hbm>>
          %dma_start3A_321 = tpu.memref_slice %arg2[%add3A_319] : memref<16948192xf32, #tpu.memory_space<hbm>> -> memref<8192xf32, #tpu.memory_space<hbm>>
          tpu.enqueue_dma source(%dma_start3A_321 : memref<8192xf32, #tpu.memory_space<hbm>>) target(%arg8 : memref<8192xf32, #tpu.memory_space<vmem>>) target_semaphore(%arg14 : memref<!tpu.dma_semaphore, #tpu.memory_space<semaphore_mem>>)
          %dma_wait3A = arith.constant 0 : i32
          %dma_wait3A_322 = tpu.memref_slice %arg2[%dma_wait3A] : memref<16948192xf32, #tpu.memory_space<hbm>> -> memref<8192xf32, #tpu.memory_space<hbm>>
          %dma_wait3A_323 = arith.constant 0 : i32
          %dma_wait3A_324 = tpu.memref_slice %arg2[%dma_wait3A_323] : memref<16948192xf32, #tpu.memory_space<hbm>> -> memref<8192xf32, #tpu.memory_space<hbm>>
          tpu.wait_dma2 semaphore(%arg13 : memref<!tpu.dma_semaphore, #tpu.memory_space<semaphore_mem>>) src(%dma_wait3A_324 : memref<8192xf32, #tpu.memory_space<hbm>>) dst(%arg7 : memref<8192xf32, #tpu.memory_space<vmem>>)
          %lt3A_325 = arith.cmpi slt, %mul3A_313, %select_n3A_83 : i32
          %mul3A_326 = arith.constant 8192 : i32
          %mul3A_327 = arith.muli %mul3A_313, %mul3A_326 : i32
          %mul3A_328 = arith.constant 8192 : i32
          %mul3A_329 = arith.muli %mul3A_313, %mul3A_328 : i32
          %min3A_330 = arith.minsi %mul3A_329, %select_n3A_92 : i32
          %sub3A_331 = arith.subi %mul3A_327, %min3A_330 : i32
          %jit3A_332 = arith.constant 8192 : i32
          %select_n3A_333 = arith.select %lt3A_325, %sub3A_331, %jit3A_332 : i32
          %lt3A_334 = arith.cmpi slt, %mul3A_313, %select_n3A_83 : i32
          %mul3A_335 = arith.constant 8192 : i32
          %mul3A_336 = arith.muli %mul3A_313, %mul3A_335 : i32
          %min3A_337 = arith.minsi %mul3A_336, %select_n3A_92 : i32
          %sub3A_338 = arith.subi %select_n3A_61, %min3A_337 : i32
          %jit3A_339 = arith.constant 0 : i32
          %select_n3A_340 = arith.select %lt3A_334, %sub3A_338, %jit3A_339 : i32
          %parallel_loop3A_341 = arith.constant 0 : i32
          %parallel_loop3A_342 = arith.constant 512 : i32
          %parallel_loop3A_343 = arith.constant 1 : i32
          scf.for %parallel_loop3A_387 = %parallel_loop3A_341 to %parallel_loop3A_342 step %parallel_loop3A_343  : i32 {
            %parallel_loop3A_388 = arith.constant 16 : i32
            %parallel_loop3A_389 = arith.muli %parallel_loop3A_387, %parallel_loop3A_388 : i32
            %parallel_loop3A_390 = arith.index_cast %parallel_loop3A_389 : i32 to index
            %parallel_loop3A_391 = tpu.vector_load %arg7[%parallel_loop3A_390] {strides = array<i32>} : memref<8192xf32, #tpu.memory_space<vmem>>, vector<16xf32>,
            %parallel_loop3A_392 = tpu.bitcast %parallel_loop3A_391 : vector<16xf32> -> vector<16xi32>
            %parallel_loop3A_393 = arith.constant 31 : i32
            %parallel_loop3A_394 = vector.broadcast %parallel_loop3A_393 : i32 to vector<16xi32>
            %parallel_loop3A_395 = arith.shrsi %parallel_loop3A_392, %parallel_loop3A_394 : vector<16xi32>
            %parallel_loop3A_396 = arith.constant 2147483647 : i32
            %parallel_loop3A_397 = vector.broadcast %parallel_loop3A_396 : i32 to vector<16xi32>
            %parallel_loop3A_398 = arith.andi %parallel_loop3A_395, %parallel_loop3A_397 : vector<16xi32>
            %parallel_loop3A_399 = arith.xori %parallel_loop3A_392, %parallel_loop3A_398 : vector<16xi32>
            %parallel_loop3A_400 = arith.constant 16 : i32
            %parallel_loop3A_401 = arith.muli %parallel_loop3A_387, %parallel_loop3A_400 : i32
            %parallel_loop3A_402 = vector.broadcast %parallel_loop3A_401 : i32 to vector<16xi32>
            %parallel_loop3A_403 = arith.addi %parallel_loop3A_402, %iota3A : vector<16xi32>
            %parallel_loop3A_404 = vector.broadcast %select_n3A_333 : i32 to vector<16xi32>
            %parallel_loop3A_405 = arith.cmpi sge, %parallel_loop3A_403, %parallel_loop3A_404 : vector<16xi32>
            %parallel_loop3A_406 = vector.broadcast %select_n3A_340 : i32 to vector<16xi32>
            %parallel_loop3A_407 = arith.cmpi slt, %parallel_loop3A_403, %parallel_loop3A_406 : vector<16xi32>
            %parallel_loop3A_408 = arith.andi %parallel_loop3A_405, %parallel_loop3A_407 : vector<16xi1>
            %parallel_loop3A_409 = arith.constant 20 : i32
            %parallel_loop3A_410 = vector.broadcast %parallel_loop3A_409 : i32 to vector<16xi32>
            %parallel_loop3A_411 = arith.shrsi %parallel_loop3A_399, %parallel_loop3A_410 : vector<16xi32>
            %parallel_loop3A_412 = arith.constant 2048 : i32
            %parallel_loop3A_413 = vector.broadcast %parallel_loop3A_412 : i32 to vector<16xi32>
            %parallel_loop3A_414 = arith.addi %parallel_loop3A_411, %parallel_loop3A_413 : vector<16xi32>
            %parallel_loop3A_415 = vector.broadcast %scan3A_167#2 : i32 to vector<16xi32>
            %parallel_loop3A_416 = arith.cmpi eq, %parallel_loop3A_414, %parallel_loop3A_415 : vector<16xi32>
            %parallel_loop3A_417 = arith.andi %parallel_loop3A_408, %parallel_loop3A_416 : vector<16xi1>
            %parallel_loop3A_418 = tpu.all_reduce %parallel_loop3A_417 {dim = 0 : i64, kind = #tpu.reduction_kind<sum>} : vector<16xi1> -> vector<16xi32>
            %parallel_loop3A_419 = arith.constant 16 : i32
            %parallel_loop3A_420 = arith.muli %parallel_loop3A_387, %parallel_loop3A_419 : i32
            %parallel_loop3A_421 = arith.index_cast %parallel_loop3A_420 : i32 to index
            %parallel_loop3A_422 = tpu.vector_load %arg12[%parallel_loop3A_421] {strides = array<i32>} : memref<8192xi32, #tpu.memory_space<vmem>>, vector<16xi32>,
            tpu.vector_store %arg12[%parallel_loop3A_421], %parallel_loop3A_418 {strides = array<i32>} : memref<8192xi32, #tpu.memory_space<vmem>>, vector<16xi32>,
          } {sc.loop_unroll_factor = 4 : i64, sc.parallel_access}
          %scan3A_344 = arith.constant 0 : i32
          %scan3A_345 = arith.constant 32 : i32
          %scan3A_346 = arith.addi %scan3A_344, %scan3A_345 : i32
          %scan3A_347 = arith.constant 1 : i32
          %scan3A_348 = scf.for %scan3A_387 = %scan3A_344 to %scan3A_346 step %scan3A_347 iter_args(%scan3A_388 = %while3A_311) -> (i32)  : i32 {
            %mul3A_389 = arith.constant 256 : i32
            %mul3A_390 = arith.muli %scan3A_387, %mul3A_389 : i32
            %mul3A_391 = arith.constant 16 : i32
            %mul3A_392 = vector.broadcast %mul3A_391 : i32 to vector<16xi32>
            %mul3A_393 = arith.muli %iota3A, %mul3A_392 : vector<16xi32>
            %add3A_394 = vector.broadcast %mul3A_390 : i32 to vector<16xi32>
            %add3A_395 = arith.addi %add3A_394, %mul3A_393 : vector<16xi32>
            %gather3A = tpu.vector_load_idx %arg12[%add3A_395] : memref<8192xi32, #tpu.memory_space<vmem>>[vector<16xi32>], vector<16xi32>,
            %broadcast_in_dim3A = arith.constant true
            %broadcast_in_dim3A_396 = vector.broadcast %broadcast_in_dim3A : i1 to vector<16xi1>
            %masked_cumsum3A = tpu.scan <sum>, %gather3A masked %broadcast_in_dim3A_396 : vector<16xi32>, vector<16xi1> -> vector<16xi32>
            %reduce_max3A = arith.constant true
            %reduce_max3A_397 = vector.broadcast %reduce_max3A : i1 to vector<16xi1>
            %reduce_max3A_398 = arith.constant -2147483648 : i32
            %reduce_max3A_399 = vector.broadcast %reduce_max3A_398 : i32 to vector<16xi32>
            %reduce_max3A_400 = arith.xori %masked_cumsum3A, %reduce_max3A_399 : vector<16xi32>
            %reduce_max3A_401 = tpu.scan <max>, %reduce_max3A_400 masked %reduce_max3A_397 : vector<16xi32>, vector<16xi1> -> vector<16xi32>
            %reduce_max3A_402 = arith.xori %reduce_max3A_401, %reduce_max3A_399 : vector<16xi32>
            %reduce_max3A_403 = vector.extract %reduce_max3A_402[15] : i32 from vector<16xi32>
            %gt3A = arith.constant 0 : i32
            %gt3A_404 = arith.cmpi sgt, %reduce_max3A_403, %gt3A : i32
            %convert_element_type3A_405 = arith.extui %gt3A_404 : i1 to i32
            %cond3A_406 = arith.constant 0 : i32
            %cond3A_407 = arith.cmpi ne, %convert_element_type3A_405, %cond3A_406 : i32
            scf.if %cond3A_407 {
              %scan3A_409 = arith.constant 0 : i32
              %scan3A_410 = arith.constant 0 : i32
              %scan3A_411 = arith.constant 16 : i32
              %scan3A_412 = arith.addi %scan3A_410, %scan3A_411 : i32
              %scan3A_413 = arith.constant 1 : i32
              %scan3A_414 = scf.for %scan3A_416 = %scan3A_410 to %scan3A_412 step %scan3A_413 iter_args(%scan3A_417 = %scan3A_409) -> (i32)  : i32 {
                %eq3A_418 = vector.broadcast %scan3A_416 : i32 to vector<16xi32>
                %eq3A_419 = arith.cmpi eq, %iota3A, %eq3A_418 : vector<16xi32>
                %jit3A_420 = arith.constant 0 : i32
                %broadcast_in_dim3A_421 = vector.broadcast %jit3A_420 : i32 to vector<16xi32>
                %select_n3A_422 = arith.select %eq3A_419, %gather3A, %broadcast_in_dim3A_421 : vector<16xi1>, vector<16xi32>
                %reduce_max3A_423 = arith.constant true
                %reduce_max3A_424 = vector.broadcast %reduce_max3A_423 : i1 to vector<16xi1>
                %reduce_max3A_425 = arith.constant -2147483648 : i32
                %reduce_max3A_426 = vector.broadcast %reduce_max3A_425 : i32 to vector<16xi32>
                %reduce_max3A_427 = arith.xori %select_n3A_422, %reduce_max3A_426 : vector<16xi32>
                %reduce_max3A_428 = tpu.scan <max>, %reduce_max3A_427 masked %reduce_max3A_424 : vector<16xi32>, vector<16xi1> -> vector<16xi32>
                %reduce_max3A_429 = arith.xori %reduce_max3A_428, %reduce_max3A_426 : vector<16xi32>
                %reduce_max3A_430 = vector.extract %reduce_max3A_429[15] : i32 from vector<16xi32>
                %sub3A_431 = arith.subi %scan3A_388, %reduce_max3A_430 : i32
                %eq3A_432 = vector.broadcast %scan3A_416 : i32 to vector<16xi32>
                %eq3A_433 = arith.cmpi eq, %iota3A, %eq3A_432 : vector<16xi32>
                %jit3A_434 = arith.constant 0 : i32
                %broadcast_in_dim3A_435 = vector.broadcast %jit3A_434 : i32 to vector<16xi32>
                %select_n3A_436 = arith.select %eq3A_433, %masked_cumsum3A, %broadcast_in_dim3A_435 : vector<16xi1>, vector<16xi32>
                %reduce_max3A_437 = arith.constant true
                %reduce_max3A_438 = vector.broadcast %reduce_max3A_437 : i1 to vector<16xi1>
                %reduce_max3A_439 = arith.constant -2147483648 : i32
                %reduce_max3A_440 = vector.broadcast %reduce_max3A_439 : i32 to vector<16xi32>
                %reduce_max3A_441 = arith.xori %select_n3A_436, %reduce_max3A_440 : vector<16xi32>
                %reduce_max3A_442 = tpu.scan <max>, %reduce_max3A_441 masked %reduce_max3A_438 : vector<16xi32>, vector<16xi1> -> vector<16xi32>
                %reduce_max3A_443 = arith.xori %reduce_max3A_442, %reduce_max3A_440 : vector<16xi32>
                %reduce_max3A_444 = vector.extract %reduce_max3A_443[15] : i32 from vector<16xi32>
                %add3A_445 = arith.addi %sub3A_431, %reduce_max3A_444 : i32
                %gt3A_446 = arith.constant 0 : i32
                %gt3A_447 = arith.cmpi sgt, %reduce_max3A_430, %gt3A_446 : i32
                %convert_element_type3A_448 = arith.extui %gt3A_447 : i1 to i32
                %cond3A_449 = arith.constant 0 : i32
                %cond3A_450 = arith.cmpi ne, %convert_element_type3A_448, %cond3A_449 : i32
                scf.if %cond3A_450 {
                  %mul3A_452 = arith.constant 16 : i32
                  %mul3A_453 = arith.muli %scan3A_387, %mul3A_452 : i32
                  %add3A_454 = arith.addi %mul3A_453, %scan3A_416 : i32
                  %mul3A_455 = arith.constant 16 : i32
                  %mul3A_456 = arith.muli %add3A_454, %mul3A_455 : i32
                  %get3A = arith.index_cast %mul3A_456 : i32 to index
                  %get3A_457 = tpu.vector_load %arg7[%get3A] {strides = array<i32>} : memref<8192xf32, #tpu.memory_space<vmem>>, vector<16xf32>,
                  %bitcast_convert_type3A = tpu.bitcast %get3A_457 : vector<16xf32> -> vector<16xi32>
                  %shift_right_arithmetic3A = arith.constant 31 : i32
                  %shift_right_arithmetic3A_458 = vector.broadcast %shift_right_arithmetic3A : i32 to vector<16xi32>
                  %shift_right_arithmetic3A_459 = arith.shrsi %bitcast_convert_type3A, %shift_right_arithmetic3A_458 : vector<16xi32>
                  %and3A_460 = arith.constant 2147483647 : i32
                  %and3A_461 = vector.broadcast %and3A_460 : i32 to vector<16xi32>
                  %and3A_462 = arith.andi %shift_right_arithmetic3A_459, %and3A_461 : vector<16xi32>
                  %xor3A = arith.xori %bitcast_convert_type3A, %and3A_462 : vector<16xi32>
                  %mul3A_463 = arith.constant 16 : i32
                  %mul3A_464 = arith.muli %add3A_454, %mul3A_463 : i32
                  %add3A_465 = vector.broadcast %mul3A_464 : i32 to vector<16xi32>
                  %add3A_466 = arith.addi %add3A_465, %iota3A : vector<16xi32>
                  %ge3A = vector.broadcast %select_n3A_333 : i32 to vector<16xi32>
                  %ge3A_467 = arith.cmpi sge, %add3A_466, %ge3A : vector<16xi32>
                  %lt3A_468 = vector.broadcast %select_n3A_340 : i32 to vector<16xi32>
                  %lt3A_469 = arith.cmpi slt, %add3A_466, %lt3A_468 : vector<16xi32>
                  %and3A_470 = arith.andi %ge3A_467, %lt3A_469 : vector<16xi1>
                  %shift_right_arithmetic3A_471 = arith.constant 20 : i32
                  %shift_right_arithmetic3A_472 = vector.broadcast %shift_right_arithmetic3A_471 : i32 to vector<16xi32>
                  %shift_right_arithmetic3A_473 = arith.shrsi %xor3A, %shift_right_arithmetic3A_472 : vector<16xi32>
                  %add3A_474 = arith.constant 2048 : i32
                  %add3A_475 = vector.broadcast %add3A_474 : i32 to vector<16xi32>
                  %add3A_476 = arith.addi %shift_right_arithmetic3A_473, %add3A_475 : vector<16xi32>
                  %eq3A_477 = vector.broadcast %scan3A_167#2 : i32 to vector<16xi32>
                  %eq3A_478 = arith.cmpi eq, %add3A_476, %eq3A_477 : vector<16xi32>
                  %and3A_479 = arith.andi %and3A_470, %eq3A_478 : vector<16xi1>
                  %add3A_480 = vector.broadcast %add3A_445 : i32 to vector<16xi32>
                  %add3A_481 = arith.addi %iota3A, %add3A_480 : vector<16xi32>
                  %lt3A_482 = arith.constant 8192 : i32
                  %lt3A_483 = vector.broadcast %lt3A_482 : i32 to vector<16xi32>
                  %lt3A_484 = arith.cmpi slt, %add3A_481, %lt3A_483 : vector<16xi32>
                  %and3A_485 = arith.andi %and3A_479, %lt3A_484 : vector<16xi1>
                  %min3A_486 = arith.constant 8176 : i32
                  %min3A_487 = arith.minsi %add3A_445, %min3A_486 : i32
                  %swap3A = arith.index_cast %min3A_487 : i32 to index
                  %swap3A_488 = tpu.vector_load %arg11[%swap3A] masked %and3A_485 {strides = array<i32>} : memref<8192xi32, #tpu.memory_space<vmem>>, vector<16xi32>, vector<16xi1>
                  tpu.vector_store %arg11[%swap3A], %xor3A masked %and3A_485 {strides = array<i32>} : memref<8192xi32, #tpu.memory_space<vmem>>, vector<16xi32>, vector<16xi1>
                } else {
                }
                %scan3A_451 = arith.constant 0 : i32
                scf.yield %scan3A_451 : i32
              }
              %scan3A_415 = arith.constant 16 : i32
            } else {
            }
            %add3A_408 = arith.addi %scan3A_388, %reduce_max3A_403 : i32
            scf.yield %add3A_408 : i32
          }
          %scan3A_349 = arith.constant 32 : i32
          %add3A_350 = arith.constant 2 : i32
          %add3A_351 = arith.addi %mul3A_313, %add3A_350 : i32
          %mul3A_352 = arith.constant 2 : i32
          %mul3A_353 = arith.muli %mul3A_352, %select_n3A_194 : i32
          %lt3A_354 = arith.cmpi slt, %add3A_351, %mul3A_353 : i32
          %convert_element_type3A_355 = arith.extui %lt3A_354 : i1 to i32
          %cond3A_356 = arith.constant 0 : i32
          %cond3A_357 = arith.cmpi ne, %convert_element_type3A_355, %cond3A_356 : i32
          scf.if %cond3A_357 {
            %add3A_387 = arith.constant 2 : i32
            %add3A_388 = arith.addi %mul3A_313, %add3A_387 : i32
            %mul3A_389 = arith.constant 8192 : i32
            %mul3A_390 = arith.muli %add3A_388, %mul3A_389 : i32
            %min3A_391 = arith.minsi %mul3A_390, %select_n3A_92 : i32
            %add3A_392 = arith.addi %add3A_119, %min3A_391 : i32
            %dma_start3A_393 = tpu.memref_slice %arg2[%add3A_392] : memref<16948192xf32, #tpu.memory_space<hbm>> -> memref<8192xf32, #tpu.memory_space<hbm>>
            %dma_start3A_394 = tpu.memref_slice %arg2[%add3A_392] : memref<16948192xf32, #tpu.memory_space<hbm>> -> memref<8192xf32, #tpu.memory_space<hbm>>
            tpu.enqueue_dma source(%dma_start3A_394 : memref<8192xf32, #tpu.memory_space<hbm>>) target(%arg7 : memref<8192xf32, #tpu.memory_space<vmem>>) target_semaphore(%arg13 : memref<!tpu.dma_semaphore, #tpu.memory_space<semaphore_mem>>)
          } else {
          }
          %dma_wait3A_358 = arith.constant 0 : i32
          %dma_wait3A_359 = tpu.memref_slice %arg2[%dma_wait3A_358] : memref<16948192xf32, #tpu.memory_space<hbm>> -> memref<8192xf32, #tpu.memory_space<hbm>>
          %dma_wait3A_360 = arith.constant 0 : i32
          %dma_wait3A_361 = tpu.memref_slice %arg2[%dma_wait3A_360] : memref<16948192xf32, #tpu.memory_space<hbm>> -> memref<8192xf32, #tpu.memory_space<hbm>>
          tpu.wait_dma2 semaphore(%arg14 : memref<!tpu.dma_semaphore, #tpu.memory_space<semaphore_mem>>) src(%dma_wait3A_361 : memref<8192xf32, #tpu.memory_space<hbm>>) dst(%arg8 : memref<8192xf32, #tpu.memory_space<vmem>>)
          %lt3A_362 = arith.cmpi slt, %add3A_315, %select_n3A_83 : i32
          %mul3A_363 = arith.constant 8192 : i32
          %mul3A_364 = arith.muli %add3A_315, %mul3A_363 : i32
          %mul3A_365 = arith.constant 8192 : i32
          %mul3A_366 = arith.muli %add3A_315, %mul3A_365 : i32
          %min3A_367 = arith.minsi %mul3A_366, %select_n3A_92 : i32
          %sub3A_368 = arith.subi %mul3A_364, %min3A_367 : i32
          %jit3A_369 = arith.constant 8192 : i32
          %select_n3A_370 = arith.select %lt3A_362, %sub3A_368, %jit3A_369 : i32
          %lt3A_371 = arith.cmpi slt, %add3A_315, %select_n3A_83 : i32
          %mul3A_372 = arith.constant 8192 : i32
          %mul3A_373 = arith.muli %add3A_315, %mul3A_372 : i32
          %min3A_374 = arith.minsi %mul3A_373, %select_n3A_92 : i32
          %sub3A_375 = arith.subi %select_n3A_61, %min3A_374 : i32
          %jit3A_376 = arith.constant 0 : i32
          %select_n3A_377 = arith.select %lt3A_371, %sub3A_375, %jit3A_376 : i32
          %parallel_loop3A_378 = arith.constant 0 : i32
          %parallel_loop3A_379 = arith.constant 512 : i32
          %parallel_loop3A_380 = arith.constant 1 : i32
          scf.for %parallel_loop3A_387 = %parallel_loop3A_378 to %parallel_loop3A_379 step %parallel_loop3A_380  : i32 {
            %parallel_loop3A_388 = arith.constant 16 : i32
            %parallel_loop3A_389 = arith.muli %parallel_loop3A_387, %parallel_loop3A_388 : i32
            %parallel_loop3A_390 = arith.index_cast %parallel_loop3A_389 : i32 to index
            %parallel_loop3A_391 = tpu.vector_load %arg8[%parallel_loop3A_390] {strides = array<i32>} : memref<8192xf32, #tpu.memory_space<vmem>>, vector<16xf32>,
            %parallel_loop3A_392 = tpu.bitcast %parallel_loop3A_391 : vector<16xf32> -> vector<16xi32>
            %parallel_loop3A_393 = arith.constant 31 : i32
            %parallel_loop3A_394 = vector.broadcast %parallel_loop3A_393 : i32 to vector<16xi32>
            %parallel_loop3A_395 = arith.shrsi %parallel_loop3A_392, %parallel_loop3A_394 : vector<16xi32>
            %parallel_loop3A_396 = arith.constant 2147483647 : i32
            %parallel_loop3A_397 = vector.broadcast %parallel_loop3A_396 : i32 to vector<16xi32>
            %parallel_loop3A_398 = arith.andi %parallel_loop3A_395, %parallel_loop3A_397 : vector<16xi32>
            %parallel_loop3A_399 = arith.xori %parallel_loop3A_392, %parallel_loop3A_398 : vector<16xi32>
            %parallel_loop3A_400 = arith.constant 16 : i32
            %parallel_loop3A_401 = arith.muli %parallel_loop3A_387, %parallel_loop3A_400 : i32
            %parallel_loop3A_402 = vector.broadcast %parallel_loop3A_401 : i32 to vector<16xi32>
            %parallel_loop3A_403 = arith.addi %parallel_loop3A_402, %iota3A : vector<16xi32>
            %parallel_loop3A_404 = vector.broadcast %select_n3A_370 : i32 to vector<16xi32>
            %parallel_loop3A_405 = arith.cmpi sge, %parallel_loop3A_403, %parallel_loop3A_404 : vector<16xi32>
            %parallel_loop3A_406 = vector.broadcast %select_n3A_377 : i32 to vector<16xi32>
            %parallel_loop3A_407 = arith.cmpi slt, %parallel_loop3A_403, %parallel_loop3A_406 : vector<16xi32>
            %parallel_loop3A_408 = arith.andi %parallel_loop3A_405, %parallel_loop3A_407 : vector<16xi1>
            %parallel_loop3A_409 = arith.constant 20 : i32
            %parallel_loop3A_410 = vector.broadcast %parallel_loop3A_409 : i32 to vector<16xi32>
            %parallel_loop3A_411 = arith.shrsi %parallel_loop3A_399, %parallel_loop3A_410 : vector<16xi32>
            %parallel_loop3A_412 = arith.constant 2048 : i32
            %parallel_loop3A_413 = vector.broadcast %parallel_loop3A_412 : i32 to vector<16xi32>
            %parallel_loop3A_414 = arith.addi %parallel_loop3A_411, %parallel_loop3A_413 : vector<16xi32>
            %parallel_loop3A_415 = vector.broadcast %scan3A_167#2 : i32 to vector<16xi32>
            %parallel_loop3A_416 = arith.cmpi eq, %parallel_loop3A_414, %parallel_loop3A_415 : vector<16xi32>
            %parallel_loop3A_417 = arith.andi %parallel_loop3A_408, %parallel_loop3A_416 : vector<16xi1>
            %parallel_loop3A_418 = tpu.all_reduce %parallel_loop3A_417 {dim = 0 : i64, kind = #tpu.reduction_kind<sum>} : vector<16xi1> -> vector<16xi32>
            %parallel_loop3A_419 = arith.constant 16 : i32
            %parallel_loop3A_420 = arith.muli %parallel_loop3A_387, %parallel_loop3A_419 : i32
            %parallel_loop3A_421 = arith.index_cast %parallel_loop3A_420 : i32 to index
            %parallel_loop3A_422 = tpu.vector_load %arg12[%parallel_loop3A_421] {strides = array<i32>} : memref<8192xi32, #tpu.memory_space<vmem>>, vector<16xi32>,
            tpu.vector_store %arg12[%parallel_loop3A_421], %parallel_loop3A_418 {strides = array<i32>} : memref<8192xi32, #tpu.memory_space<vmem>>, vector<16xi32>,
          } {sc.loop_unroll_factor = 4 : i64, sc.parallel_access}
          %scan3A_381 = arith.constant 0 : i32
          %scan3A_382 = arith.constant 32 : i32
          %scan3A_383 = arith.addi %scan3A_381, %scan3A_382 : i32
          %scan3A_384 = arith.constant 1 : i32
          %scan3A_385 = scf.for %scan3A_387 = %scan3A_381 to %scan3A_383 step %scan3A_384 iter_args(%scan3A_388 = %scan3A_348) -> (i32)  : i32 {
            %mul3A_389 = arith.constant 256 : i32
            %mul3A_390 = arith.muli %scan3A_387, %mul3A_389 : i32
            %mul3A_391 = arith.constant 16 : i32
            %mul3A_392 = vector.broadcast %mul3A_391 : i32 to vector<16xi32>
            %mul3A_393 = arith.muli %iota3A, %mul3A_392 : vector<16xi32>
            %add3A_394 = vector.broadcast %mul3A_390 : i32 to vector<16xi32>
            %add3A_395 = arith.addi %add3A_394, %mul3A_393 : vector<16xi32>
            %gather3A = tpu.vector_load_idx %arg12[%add3A_395] : memref<8192xi32, #tpu.memory_space<vmem>>[vector<16xi32>], vector<16xi32>,
            %broadcast_in_dim3A = arith.constant true
            %broadcast_in_dim3A_396 = vector.broadcast %broadcast_in_dim3A : i1 to vector<16xi1>
            %masked_cumsum3A = tpu.scan <sum>, %gather3A masked %broadcast_in_dim3A_396 : vector<16xi32>, vector<16xi1> -> vector<16xi32>
            %reduce_max3A = arith.constant true
            %reduce_max3A_397 = vector.broadcast %reduce_max3A : i1 to vector<16xi1>
            %reduce_max3A_398 = arith.constant -2147483648 : i32
            %reduce_max3A_399 = vector.broadcast %reduce_max3A_398 : i32 to vector<16xi32>
            %reduce_max3A_400 = arith.xori %masked_cumsum3A, %reduce_max3A_399 : vector<16xi32>
            %reduce_max3A_401 = tpu.scan <max>, %reduce_max3A_400 masked %reduce_max3A_397 : vector<16xi32>, vector<16xi1> -> vector<16xi32>
            %reduce_max3A_402 = arith.xori %reduce_max3A_401, %reduce_max3A_399 : vector<16xi32>
            %reduce_max3A_403 = vector.extract %reduce_max3A_402[15] : i32 from vector<16xi32>
            %gt3A = arith.constant 0 : i32
            %gt3A_404 = arith.cmpi sgt, %reduce_max3A_403, %gt3A : i32
            %convert_element_type3A_405 = arith.extui %gt3A_404 : i1 to i32
            %cond3A_406 = arith.constant 0 : i32
            %cond3A_407 = arith.cmpi ne, %convert_element_type3A_405, %cond3A_406 : i32
            scf.if %cond3A_407 {
              %scan3A_409 = arith.constant 0 : i32
              %scan3A_410 = arith.constant 0 : i32
              %scan3A_411 = arith.constant 16 : i32
              %scan3A_412 = arith.addi %scan3A_410, %scan3A_411 : i32
              %scan3A_413 = arith.constant 1 : i32
              %scan3A_414 = scf.for %scan3A_416 = %scan3A_410 to %scan3A_412 step %scan3A_413 iter_args(%scan3A_417 = %scan3A_409) -> (i32)  : i32 {
                %eq3A_418 = vector.broadcast %scan3A_416 : i32 to vector<16xi32>
                %eq3A_419 = arith.cmpi eq, %iota3A, %eq3A_418 : vector<16xi32>
                %jit3A_420 = arith.constant 0 : i32
                %broadcast_in_dim3A_421 = vector.broadcast %jit3A_420 : i32 to vector<16xi32>
                %select_n3A_422 = arith.select %eq3A_419, %gather3A, %broadcast_in_dim3A_421 : vector<16xi1>, vector<16xi32>
                %reduce_max3A_423 = arith.constant true
                %reduce_max3A_424 = vector.broadcast %reduce_max3A_423 : i1 to vector<16xi1>
                %reduce_max3A_425 = arith.constant -2147483648 : i32
                %reduce_max3A_426 = vector.broadcast %reduce_max3A_425 : i32 to vector<16xi32>
                %reduce_max3A_427 = arith.xori %select_n3A_422, %reduce_max3A_426 : vector<16xi32>
                %reduce_max3A_428 = tpu.scan <max>, %reduce_max3A_427 masked %reduce_max3A_424 : vector<16xi32>, vector<16xi1> -> vector<16xi32>
                %reduce_max3A_429 = arith.xori %reduce_max3A_428, %reduce_max3A_426 : vector<16xi32>
                %reduce_max3A_430 = vector.extract %reduce_max3A_429[15] : i32 from vector<16xi32>
                %sub3A_431 = arith.subi %scan3A_388, %reduce_max3A_430 : i32
                %eq3A_432 = vector.broadcast %scan3A_416 : i32 to vector<16xi32>
                %eq3A_433 = arith.cmpi eq, %iota3A, %eq3A_432 : vector<16xi32>
                %jit3A_434 = arith.constant 0 : i32
                %broadcast_in_dim3A_435 = vector.broadcast %jit3A_434 : i32 to vector<16xi32>
                %select_n3A_436 = arith.select %eq3A_433, %masked_cumsum3A, %broadcast_in_dim3A_435 : vector<16xi1>, vector<16xi32>
                %reduce_max3A_437 = arith.constant true
                %reduce_max3A_438 = vector.broadcast %reduce_max3A_437 : i1 to vector<16xi1>
                %reduce_max3A_439 = arith.constant -2147483648 : i32
                %reduce_max3A_440 = vector.broadcast %reduce_max3A_439 : i32 to vector<16xi32>
                %reduce_max3A_441 = arith.xori %select_n3A_436, %reduce_max3A_440 : vector<16xi32>
                %reduce_max3A_442 = tpu.scan <max>, %reduce_max3A_441 masked %reduce_max3A_438 : vector<16xi32>, vector<16xi1> -> vector<16xi32>
                %reduce_max3A_443 = arith.xori %reduce_max3A_442, %reduce_max3A_440 : vector<16xi32>
                %reduce_max3A_444 = vector.extract %reduce_max3A_443[15] : i32 from vector<16xi32>
                %add3A_445 = arith.addi %sub3A_431, %reduce_max3A_444 : i32
                %gt3A_446 = arith.constant 0 : i32
                %gt3A_447 = arith.cmpi sgt, %reduce_max3A_430, %gt3A_446 : i32
                %convert_element_type3A_448 = arith.extui %gt3A_447 : i1 to i32
                %cond3A_449 = arith.constant 0 : i32
                %cond3A_450 = arith.cmpi ne, %convert_element_type3A_448, %cond3A_449 : i32
                scf.if %cond3A_450 {
                  %mul3A_452 = arith.constant 16 : i32
                  %mul3A_453 = arith.muli %scan3A_387, %mul3A_452 : i32
                  %add3A_454 = arith.addi %mul3A_453, %scan3A_416 : i32
                  %mul3A_455 = arith.constant 16 : i32
                  %mul3A_456 = arith.muli %add3A_454, %mul3A_455 : i32
                  %get3A = arith.index_cast %mul3A_456 : i32 to index
                  %get3A_457 = tpu.vector_load %arg8[%get3A] {strides = array<i32>} : memref<8192xf32, #tpu.memory_space<vmem>>, vector<16xf32>,
                  %bitcast_convert_type3A = tpu.bitcast %get3A_457 : vector<16xf32> -> vector<16xi32>
                  %shift_right_arithmetic3A = arith.constant 31 : i32
                  %shift_right_arithmetic3A_458 = vector.broadcast %shift_right_arithmetic3A : i32 to vector<16xi32>
                  %shift_right_arithmetic3A_459 = arith.shrsi %bitcast_convert_type3A, %shift_right_arithmetic3A_458 : vector<16xi32>
                  %and3A_460 = arith.constant 2147483647 : i32
                  %and3A_461 = vector.broadcast %and3A_460 : i32 to vector<16xi32>
                  %and3A_462 = arith.andi %shift_right_arithmetic3A_459, %and3A_461 : vector<16xi32>
                  %xor3A = arith.xori %bitcast_convert_type3A, %and3A_462 : vector<16xi32>
                  %mul3A_463 = arith.constant 16 : i32
                  %mul3A_464 = arith.muli %add3A_454, %mul3A_463 : i32
                  %add3A_465 = vector.broadcast %mul3A_464 : i32 to vector<16xi32>
                  %add3A_466 = arith.addi %add3A_465, %iota3A : vector<16xi32>
                  %ge3A = vector.broadcast %select_n3A_370 : i32 to vector<16xi32>
                  %ge3A_467 = arith.cmpi sge, %add3A_466, %ge3A : vector<16xi32>
                  %lt3A_468 = vector.broadcast %select_n3A_377 : i32 to vector<16xi32>
                  %lt3A_469 = arith.cmpi slt, %add3A_466, %lt3A_468 : vector<16xi32>
                  %and3A_470 = arith.andi %ge3A_467, %lt3A_469 : vector<16xi1>
                  %shift_right_arithmetic3A_471 = arith.constant 20 : i32
                  %shift_right_arithmetic3A_472 = vector.broadcast %shift_right_arithmetic3A_471 : i32 to vector<16xi32>
                  %shift_right_arithmetic3A_473 = arith.shrsi %xor3A, %shift_right_arithmetic3A_472 : vector<16xi32>
                  %add3A_474 = arith.constant 2048 : i32
                  %add3A_475 = vector.broadcast %add3A_474 : i32 to vector<16xi32>
                  %add3A_476 = arith.addi %shift_right_arithmetic3A_473, %add3A_475 : vector<16xi32>
                  %eq3A_477 = vector.broadcast %scan3A_167#2 : i32 to vector<16xi32>
                  %eq3A_478 = arith.cmpi eq, %add3A_476, %eq3A_477 : vector<16xi32>
                  %and3A_479 = arith.andi %and3A_470, %eq3A_478 : vector<16xi1>
                  %add3A_480 = vector.broadcast %add3A_445 : i32 to vector<16xi32>
                  %add3A_481 = arith.addi %iota3A, %add3A_480 : vector<16xi32>
                  %lt3A_482 = arith.constant 8192 : i32
                  %lt3A_483 = vector.broadcast %lt3A_482 : i32 to vector<16xi32>
                  %lt3A_484 = arith.cmpi slt, %add3A_481, %lt3A_483 : vector<16xi32>
                  %and3A_485 = arith.andi %and3A_479, %lt3A_484 : vector<16xi1>
                  %min3A_486 = arith.constant 8176 : i32
                  %min3A_487 = arith.minsi %add3A_445, %min3A_486 : i32
                  %swap3A = arith.index_cast %min3A_487 : i32 to index
                  %swap3A_488 = tpu.vector_load %arg11[%swap3A] masked %and3A_485 {strides = array<i32>} : memref<8192xi32, #tpu.memory_space<vmem>>, vector<16xi32>, vector<16xi1>
                  tpu.vector_store %arg11[%swap3A], %xor3A masked %and3A_485 {strides = array<i32>} : memref<8192xi32, #tpu.memory_space<vmem>>, vector<16xi32>, vector<16xi1>
                } else {
                }
                %scan3A_451 = arith.constant 0 : i32
                scf.yield %scan3A_451 : i32
              }
              %scan3A_415 = arith.constant 16 : i32
            } else {
            }
            %add3A_408 = arith.addi %scan3A_388, %reduce_max3A_403 : i32
            scf.yield %add3A_408 : i32
          }
          %scan3A_386 = arith.constant 32 : i32
          scf.yield %scan3A_385 : i32
        }
        %while3A_210 = arith.constant 1 : i32
        %while3A_211 = scf.for %while3A_310 = %while3A_207 to %while3A_203 step %while3A_210 iter_args(%while3A_311 = %while3A_209) -> (i32)  : i32 {
          %mul3A_312 = arith.constant 2 : i32
          %mul3A_313 = arith.muli %mul3A_312, %while3A_310 : i32
          %add3A_314 = arith.constant 1 : i32
          %add3A_315 = arith.addi %mul3A_313, %add3A_314 : i32
          %mul3A_316 = arith.constant 8192 : i32
          %mul3A_317 = arith.muli %add3A_315, %mul3A_316 : i32
          %min3A_318 = arith.minsi %mul3A_317, %select_n3A_92 : i32
          %add3A_319 = arith.addi %add3A_119, %min3A_318 : i32
          %dma_start3A_320 = tpu.memref_slice %arg2[%add3A_319] : memref<16948192xf32, #tpu.memory_space<hbm>> -> memref<8192xf32, #tpu.memory_space<hbm>>
          %dma_start3A_321 = tpu.memref_slice %arg2[%add3A_319] : memref<16948192xf32, #tpu.memory_space<hbm>> -> memref<8192xf32, #tpu.memory_space<hbm>>
          tpu.enqueue_dma source(%dma_start3A_321 : memref<8192xf32, #tpu.memory_space<hbm>>) target(%arg8 : memref<8192xf32, #tpu.memory_space<vmem>>) target_semaphore(%arg14 : memref<!tpu.dma_semaphore, #tpu.memory_space<semaphore_mem>>)
          %dma_wait3A = arith.constant 0 : i32
          %dma_wait3A_322 = tpu.memref_slice %arg2[%dma_wait3A] : memref<16948192xf32, #tpu.memory_space<hbm>> -> memref<8192xf32, #tpu.memory_space<hbm>>
          %dma_wait3A_323 = arith.constant 0 : i32
          %dma_wait3A_324 = tpu.memref_slice %arg2[%dma_wait3A_323] : memref<16948192xf32, #tpu.memory_space<hbm>> -> memref<8192xf32, #tpu.memory_space<hbm>>
          tpu.wait_dma2 semaphore(%arg13 : memref<!tpu.dma_semaphore, #tpu.memory_space<semaphore_mem>>) src(%dma_wait3A_324 : memref<8192xf32, #tpu.memory_space<hbm>>) dst(%arg7 : memref<8192xf32, #tpu.memory_space<vmem>>)
          %lt3A_325 = arith.cmpi slt, %mul3A_313, %select_n3A_83 : i32
          %mul3A_326 = arith.constant 8192 : i32
          %mul3A_327 = arith.muli %mul3A_313, %mul3A_326 : i32
          %mul3A_328 = arith.constant 8192 : i32
          %mul3A_329 = arith.muli %mul3A_313, %mul3A_328 : i32
          %min3A_330 = arith.minsi %mul3A_329, %select_n3A_92 : i32
          %sub3A_331 = arith.subi %mul3A_327, %min3A_330 : i32
          %jit3A_332 = arith.constant 8192 : i32
          %select_n3A_333 = arith.select %lt3A_325, %sub3A_331, %jit3A_332 : i32
          %lt3A_334 = arith.cmpi slt, %mul3A_313, %select_n3A_83 : i32
          %mul3A_335 = arith.constant 8192 : i32
          %mul3A_336 = arith.muli %mul3A_313, %mul3A_335 : i32
          %min3A_337 = arith.minsi %mul3A_336, %select_n3A_92 : i32
          %sub3A_338 = arith.subi %select_n3A_61, %min3A_337 : i32
          %jit3A_339 = arith.constant 0 : i32
          %select_n3A_340 = arith.select %lt3A_334, %sub3A_338, %jit3A_339 : i32
          %parallel_loop3A_341 = arith.constant 0 : i32
          %parallel_loop3A_342 = arith.constant 512 : i32
          %parallel_loop3A_343 = arith.constant 1 : i32
          scf.for %parallel_loop3A_387 = %parallel_loop3A_341 to %parallel_loop3A_342 step %parallel_loop3A_343  : i32 {
            %parallel_loop3A_388 = arith.constant 16 : i32
            %parallel_loop3A_389 = arith.muli %parallel_loop3A_387, %parallel_loop3A_388 : i32
            %parallel_loop3A_390 = arith.index_cast %parallel_loop3A_389 : i32 to index
            %parallel_loop3A_391 = tpu.vector_load %arg7[%parallel_loop3A_390] {strides = array<i32>} : memref<8192xf32, #tpu.memory_space<vmem>>, vector<16xf32>,
            %parallel_loop3A_392 = tpu.bitcast %parallel_loop3A_391 : vector<16xf32> -> vector<16xi32>
            %parallel_loop3A_393 = arith.constant 31 : i32
            %parallel_loop3A_394 = vector.broadcast %parallel_loop3A_393 : i32 to vector<16xi32>
            %parallel_loop3A_395 = arith.shrsi %parallel_loop3A_392, %parallel_loop3A_394 : vector<16xi32>
            %parallel_loop3A_396 = arith.constant 2147483647 : i32
            %parallel_loop3A_397 = vector.broadcast %parallel_loop3A_396 : i32 to vector<16xi32>
            %parallel_loop3A_398 = arith.andi %parallel_loop3A_395, %parallel_loop3A_397 : vector<16xi32>
            %parallel_loop3A_399 = arith.xori %parallel_loop3A_392, %parallel_loop3A_398 : vector<16xi32>
            %parallel_loop3A_400 = arith.constant 16 : i32
            %parallel_loop3A_401 = arith.muli %parallel_loop3A_387, %parallel_loop3A_400 : i32
            %parallel_loop3A_402 = vector.broadcast %parallel_loop3A_401 : i32 to vector<16xi32>
            %parallel_loop3A_403 = arith.addi %parallel_loop3A_402, %iota3A : vector<16xi32>
            %parallel_loop3A_404 = vector.broadcast %select_n3A_333 : i32 to vector<16xi32>
            %parallel_loop3A_405 = arith.cmpi sge, %parallel_loop3A_403, %parallel_loop3A_404 : vector<16xi32>
            %parallel_loop3A_406 = vector.broadcast %select_n3A_340 : i32 to vector<16xi32>
            %parallel_loop3A_407 = arith.cmpi slt, %parallel_loop3A_403, %parallel_loop3A_406 : vector<16xi32>
            %parallel_loop3A_408 = arith.andi %parallel_loop3A_405, %parallel_loop3A_407 : vector<16xi1>
            %parallel_loop3A_409 = arith.constant 20 : i32
            %parallel_loop3A_410 = vector.broadcast %parallel_loop3A_409 : i32 to vector<16xi32>
            %parallel_loop3A_411 = arith.shrsi %parallel_loop3A_399, %parallel_loop3A_410 : vector<16xi32>
            %parallel_loop3A_412 = arith.constant 2048 : i32
            %parallel_loop3A_413 = vector.broadcast %parallel_loop3A_412 : i32 to vector<16xi32>
            %parallel_loop3A_414 = arith.addi %parallel_loop3A_411, %parallel_loop3A_413 : vector<16xi32>
            %parallel_loop3A_415 = vector.broadcast %scan3A_167#2 : i32 to vector<16xi32>
            %parallel_loop3A_416 = arith.cmpi eq, %parallel_loop3A_414, %parallel_loop3A_415 : vector<16xi32>
            %parallel_loop3A_417 = arith.andi %parallel_loop3A_408, %parallel_loop3A_416 : vector<16xi1>
            %parallel_loop3A_418 = tpu.all_reduce %parallel_loop3A_417 {dim = 0 : i64, kind = #tpu.reduction_kind<sum>} : vector<16xi1> -> vector<16xi32>
            %parallel_loop3A_419 = arith.constant 16 : i32
            %parallel_loop3A_420 = arith.muli %parallel_loop3A_387, %parallel_loop3A_419 : i32
            %parallel_loop3A_421 = arith.index_cast %parallel_loop3A_420 : i32 to index
            %parallel_loop3A_422 = tpu.vector_load %arg12[%parallel_loop3A_421] {strides = array<i32>} : memref<8192xi32, #tpu.memory_space<vmem>>, vector<16xi32>,
            tpu.vector_store %arg12[%parallel_loop3A_421], %parallel_loop3A_418 {strides = array<i32>} : memref<8192xi32, #tpu.memory_space<vmem>>, vector<16xi32>,
          } {sc.loop_unroll_factor = 4 : i64, sc.parallel_access}
          %scan3A_344 = arith.constant 0 : i32
          %scan3A_345 = arith.constant 32 : i32
          %scan3A_346 = arith.addi %scan3A_344, %scan3A_345 : i32
          %scan3A_347 = arith.constant 1 : i32
          %scan3A_348 = scf.for %scan3A_387 = %scan3A_344 to %scan3A_346 step %scan3A_347 iter_args(%scan3A_388 = %while3A_311) -> (i32)  : i32 {
            %mul3A_389 = arith.constant 256 : i32
            %mul3A_390 = arith.muli %scan3A_387, %mul3A_389 : i32
            %mul3A_391 = arith.constant 16 : i32
            %mul3A_392 = vector.broadcast %mul3A_391 : i32 to vector<16xi32>
            %mul3A_393 = arith.muli %iota3A, %mul3A_392 : vector<16xi32>
            %add3A_394 = vector.broadcast %mul3A_390 : i32 to vector<16xi32>
            %add3A_395 = arith.addi %add3A_394, %mul3A_393 : vector<16xi32>
            %gather3A = tpu.vector_load_idx %arg12[%add3A_395] : memref<8192xi32, #tpu.memory_space<vmem>>[vector<16xi32>], vector<16xi32>,
            %broadcast_in_dim3A = arith.constant true
            %broadcast_in_dim3A_396 = vector.broadcast %broadcast_in_dim3A : i1 to vector<16xi1>
            %masked_cumsum3A = tpu.scan <sum>, %gather3A masked %broadcast_in_dim3A_396 : vector<16xi32>, vector<16xi1> -> vector<16xi32>
            %reduce_max3A = arith.constant true
            %reduce_max3A_397 = vector.broadcast %reduce_max3A : i1 to vector<16xi1>
            %reduce_max3A_398 = arith.constant -2147483648 : i32
            %reduce_max3A_399 = vector.broadcast %reduce_max3A_398 : i32 to vector<16xi32>
            %reduce_max3A_400 = arith.xori %masked_cumsum3A, %reduce_max3A_399 : vector<16xi32>
            %reduce_max3A_401 = tpu.scan <max>, %reduce_max3A_400 masked %reduce_max3A_397 : vector<16xi32>, vector<16xi1> -> vector<16xi32>
            %reduce_max3A_402 = arith.xori %reduce_max3A_401, %reduce_max3A_399 : vector<16xi32>
            %reduce_max3A_403 = vector.extract %reduce_max3A_402[15] : i32 from vector<16xi32>
            %gt3A = arith.constant 0 : i32
            %gt3A_404 = arith.cmpi sgt, %reduce_max3A_403, %gt3A : i32
            %convert_element_type3A_405 = arith.extui %gt3A_404 : i1 to i32
            %cond3A_406 = arith.constant 0 : i32
            %cond3A_407 = arith.cmpi ne, %convert_element_type3A_405, %cond3A_406 : i32
            scf.if %cond3A_407 {
              %scan3A_409 = arith.constant 0 : i32
              %scan3A_410 = arith.constant 0 : i32
              %scan3A_411 = arith.constant 16 : i32
              %scan3A_412 = arith.addi %scan3A_410, %scan3A_411 : i32
              %scan3A_413 = arith.constant 1 : i32
              %scan3A_414 = scf.for %scan3A_416 = %scan3A_410 to %scan3A_412 step %scan3A_413 iter_args(%scan3A_417 = %scan3A_409) -> (i32)  : i32 {
                %eq3A_418 = vector.broadcast %scan3A_416 : i32 to vector<16xi32>
                %eq3A_419 = arith.cmpi eq, %iota3A, %eq3A_418 : vector<16xi32>
                %jit3A_420 = arith.constant 0 : i32
                %broadcast_in_dim3A_421 = vector.broadcast %jit3A_420 : i32 to vector<16xi32>
                %select_n3A_422 = arith.select %eq3A_419, %gather3A, %broadcast_in_dim3A_421 : vector<16xi1>, vector<16xi32>
                %reduce_max3A_423 = arith.constant true
                %reduce_max3A_424 = vector.broadcast %reduce_max3A_423 : i1 to vector<16xi1>
                %reduce_max3A_425 = arith.constant -2147483648 : i32
                %reduce_max3A_426 = vector.broadcast %reduce_max3A_425 : i32 to vector<16xi32>
                %reduce_max3A_427 = arith.xori %select_n3A_422, %reduce_max3A_426 : vector<16xi32>
                %reduce_max3A_428 = tpu.scan <max>, %reduce_max3A_427 masked %reduce_max3A_424 : vector<16xi32>, vector<16xi1> -> vector<16xi32>
                %reduce_max3A_429 = arith.xori %reduce_max3A_428, %reduce_max3A_426 : vector<16xi32>
                %reduce_max3A_430 = vector.extract %reduce_max3A_429[15] : i32 from vector<16xi32>
                %sub3A_431 = arith.subi %scan3A_388, %reduce_max3A_430 : i32
                %eq3A_432 = vector.broadcast %scan3A_416 : i32 to vector<16xi32>
                %eq3A_433 = arith.cmpi eq, %iota3A, %eq3A_432 : vector<16xi32>
                %jit3A_434 = arith.constant 0 : i32
                %broadcast_in_dim3A_435 = vector.broadcast %jit3A_434 : i32 to vector<16xi32>
                %select_n3A_436 = arith.select %eq3A_433, %masked_cumsum3A, %broadcast_in_dim3A_435 : vector<16xi1>, vector<16xi32>
                %reduce_max3A_437 = arith.constant true
                %reduce_max3A_438 = vector.broadcast %reduce_max3A_437 : i1 to vector<16xi1>
                %reduce_max3A_439 = arith.constant -2147483648 : i32
                %reduce_max3A_440 = vector.broadcast %reduce_max3A_439 : i32 to vector<16xi32>
                %reduce_max3A_441 = arith.xori %select_n3A_436, %reduce_max3A_440 : vector<16xi32>
                %reduce_max3A_442 = tpu.scan <max>, %reduce_max3A_441 masked %reduce_max3A_438 : vector<16xi32>, vector<16xi1> -> vector<16xi32>
                %reduce_max3A_443 = arith.xori %reduce_max3A_442, %reduce_max3A_440 : vector<16xi32>
                %reduce_max3A_444 = vector.extract %reduce_max3A_443[15] : i32 from vector<16xi32>
                %add3A_445 = arith.addi %sub3A_431, %reduce_max3A_444 : i32
                %gt3A_446 = arith.constant 0 : i32
                %gt3A_447 = arith.cmpi sgt, %reduce_max3A_430, %gt3A_446 : i32
                %convert_element_type3A_448 = arith.extui %gt3A_447 : i1 to i32
                %cond3A_449 = arith.constant 0 : i32
                %cond3A_450 = arith.cmpi ne, %convert_element_type3A_448, %cond3A_449 : i32
                scf.if %cond3A_450 {
                  %mul3A_452 = arith.constant 16 : i32
                  %mul3A_453 = arith.muli %scan3A_387, %mul3A_452 : i32
                  %add3A_454 = arith.addi %mul3A_453, %scan3A_416 : i32
                  %mul3A_455 = arith.constant 16 : i32
                  %mul3A_456 = arith.muli %add3A_454, %mul3A_455 : i32
                  %get3A = arith.index_cast %mul3A_456 : i32 to index
                  %get3A_457 = tpu.vector_load %arg7[%get3A] {strides = array<i32>} : memref<8192xf32, #tpu.memory_space<vmem>>, vector<16xf32>,
                  %bitcast_convert_type3A = tpu.bitcast %get3A_457 : vector<16xf32> -> vector<16xi32>
                  %shift_right_arithmetic3A = arith.constant 31 : i32
                  %shift_right_arithmetic3A_458 = vector.broadcast %shift_right_arithmetic3A : i32 to vector<16xi32>
                  %shift_right_arithmetic3A_459 = arith.shrsi %bitcast_convert_type3A, %shift_right_arithmetic3A_458 : vector<16xi32>
                  %and3A_460 = arith.constant 2147483647 : i32
                  %and3A_461 = vector.broadcast %and3A_460 : i32 to vector<16xi32>
                  %and3A_462 = arith.andi %shift_right_arithmetic3A_459, %and3A_461 : vector<16xi32>
                  %xor3A = arith.xori %bitcast_convert_type3A, %and3A_462 : vector<16xi32>
                  %mul3A_463 = arith.constant 16 : i32
                  %mul3A_464 = arith.muli %add3A_454, %mul3A_463 : i32
                  %add3A_465 = vector.broadcast %mul3A_464 : i32 to vector<16xi32>
                  %add3A_466 = arith.addi %add3A_465, %iota3A : vector<16xi32>
                  %ge3A = vector.broadcast %select_n3A_333 : i32 to vector<16xi32>
                  %ge3A_467 = arith.cmpi sge, %add3A_466, %ge3A : vector<16xi32>
                  %lt3A_468 = vector.broadcast %select_n3A_340 : i32 to vector<16xi32>
                  %lt3A_469 = arith.cmpi slt, %add3A_466, %lt3A_468 : vector<16xi32>
                  %and3A_470 = arith.andi %ge3A_467, %lt3A_469 : vector<16xi1>
                  %shift_right_arithmetic3A_471 = arith.constant 20 : i32
                  %shift_right_arithmetic3A_472 = vector.broadcast %shift_right_arithmetic3A_471 : i32 to vector<16xi32>
                  %shift_right_arithmetic3A_473 = arith.shrsi %xor3A, %shift_right_arithmetic3A_472 : vector<16xi32>
                  %add3A_474 = arith.constant 2048 : i32
                  %add3A_475 = vector.broadcast %add3A_474 : i32 to vector<16xi32>
                  %add3A_476 = arith.addi %shift_right_arithmetic3A_473, %add3A_475 : vector<16xi32>
                  %eq3A_477 = vector.broadcast %scan3A_167#2 : i32 to vector<16xi32>
                  %eq3A_478 = arith.cmpi eq, %add3A_476, %eq3A_477 : vector<16xi32>
                  %and3A_479 = arith.andi %and3A_470, %eq3A_478 : vector<16xi1>
                  %add3A_480 = vector.broadcast %add3A_445 : i32 to vector<16xi32>
                  %add3A_481 = arith.addi %iota3A, %add3A_480 : vector<16xi32>
                  %lt3A_482 = arith.constant 8192 : i32
                  %lt3A_483 = vector.broadcast %lt3A_482 : i32 to vector<16xi32>
                  %lt3A_484 = arith.cmpi slt, %add3A_481, %lt3A_483 : vector<16xi32>
                  %and3A_485 = arith.andi %and3A_479, %lt3A_484 : vector<16xi1>
                  %min3A_486 = arith.constant 8176 : i32
                  %min3A_487 = arith.minsi %add3A_445, %min3A_486 : i32
                  %swap3A = arith.index_cast %min3A_487 : i32 to index
                  %swap3A_488 = tpu.vector_load %arg11[%swap3A] masked %and3A_485 {strides = array<i32>} : memref<8192xi32, #tpu.memory_space<vmem>>, vector<16xi32>, vector<16xi1>
                  tpu.vector_store %arg11[%swap3A], %xor3A masked %and3A_485 {strides = array<i32>} : memref<8192xi32, #tpu.memory_space<vmem>>, vector<16xi32>, vector<16xi1>
                } else {
                }
                %scan3A_451 = arith.constant 0 : i32
                scf.yield %scan3A_451 : i32
              }
              %scan3A_415 = arith.constant 16 : i32
            } else {
            }
            %add3A_408 = arith.addi %scan3A_388, %reduce_max3A_403 : i32
            scf.yield %add3A_408 : i32
          }
          %scan3A_349 = arith.constant 32 : i32
          %add3A_350 = arith.constant 2 : i32
          %add3A_351 = arith.addi %mul3A_313, %add3A_350 : i32
          %mul3A_352 = arith.constant 2 : i32
          %mul3A_353 = arith.muli %mul3A_352, %select_n3A_194 : i32
          %lt3A_354 = arith.cmpi slt, %add3A_351, %mul3A_353 : i32
          %convert_element_type3A_355 = arith.extui %lt3A_354 : i1 to i32
          %cond3A_356 = arith.constant 0 : i32
          %cond3A_357 = arith.cmpi ne, %convert_element_type3A_355, %cond3A_356 : i32
          scf.if %cond3A_357 {
            %add3A_387 = arith.constant 2 : i32
            %add3A_388 = arith.addi %mul3A_313, %add3A_387 : i32
            %mul3A_389 = arith.constant 8192 : i32
            %mul3A_390 = arith.muli %add3A_388, %mul3A_389 : i32
            %min3A_391 = arith.minsi %mul3A_390, %select_n3A_92 : i32
            %add3A_392 = arith.addi %add3A_119, %min3A_391 : i32
            %dma_start3A_393 = tpu.memref_slice %arg2[%add3A_392] : memref<16948192xf32, #tpu.memory_space<hbm>> -> memref<8192xf32, #tpu.memory_space<hbm>>
            %dma_start3A_394 = tpu.memref_slice %arg2[%add3A_392] : memref<16948192xf32, #tpu.memory_space<hbm>> -> memref<8192xf32, #tpu.memory_space<hbm>>
            tpu.enqueue_dma source(%dma_start3A_394 : memref<8192xf32, #tpu.memory_space<hbm>>) target(%arg7 : memref<8192xf32, #tpu.memory_space<vmem>>) target_semaphore(%arg13 : memref<!tpu.dma_semaphore, #tpu.memory_space<semaphore_mem>>)
          } else {
          }
          %dma_wait3A_358 = arith.constant 0 : i32
          %dma_wait3A_359 = tpu.memref_slice %arg2[%dma_wait3A_358] : memref<16948192xf32, #tpu.memory_space<hbm>> -> memref<8192xf32, #tpu.memory_space<hbm>>
          %dma_wait3A_360 = arith.constant 0 : i32
          %dma_wait3A_361 = tpu.memref_slice %arg2[%dma_wait3A_360] : memref<16948192xf32, #tpu.memory_space<hbm>> -> memref<8192xf32, #tpu.memory_space<hbm>>
          tpu.wait_dma2 semaphore(%arg14 : memref<!tpu.dma_semaphore, #tpu.memory_space<semaphore_mem>>) src(%dma_wait3A_361 : memref<8192xf32, #tpu.memory_space<hbm>>) dst(%arg8 : memref<8192xf32, #tpu.memory_space<vmem>>)
          %lt3A_362 = arith.cmpi slt, %add3A_315, %select_n3A_83 : i32
          %mul3A_363 = arith.constant 8192 : i32
          %mul3A_364 = arith.muli %add3A_315, %mul3A_363 : i32
          %mul3A_365 = arith.constant 8192 : i32
          %mul3A_366 = arith.muli %add3A_315, %mul3A_365 : i32
          %min3A_367 = arith.minsi %mul3A_366, %select_n3A_92 : i32
          %sub3A_368 = arith.subi %mul3A_364, %min3A_367 : i32
          %jit3A_369 = arith.constant 8192 : i32
          %select_n3A_370 = arith.select %lt3A_362, %sub3A_368, %jit3A_369 : i32
          %lt3A_371 = arith.cmpi slt, %add3A_315, %select_n3A_83 : i32
          %mul3A_372 = arith.constant 8192 : i32
          %mul3A_373 = arith.muli %add3A_315, %mul3A_372 : i32
          %min3A_374 = arith.minsi %mul3A_373, %select_n3A_92 : i32
          %sub3A_375 = arith.subi %select_n3A_61, %min3A_374 : i32
          %jit3A_376 = arith.constant 0 : i32
          %select_n3A_377 = arith.select %lt3A_371, %sub3A_375, %jit3A_376 : i32
          %parallel_loop3A_378 = arith.constant 0 : i32
          %parallel_loop3A_379 = arith.constant 512 : i32
          %parallel_loop3A_380 = arith.constant 1 : i32
          scf.for %parallel_loop3A_387 = %parallel_loop3A_378 to %parallel_loop3A_379 step %parallel_loop3A_380  : i32 {
            %parallel_loop3A_388 = arith.constant 16 : i32
            %parallel_loop3A_389 = arith.muli %parallel_loop3A_387, %parallel_loop3A_388 : i32
            %parallel_loop3A_390 = arith.index_cast %parallel_loop3A_389 : i32 to index
            %parallel_loop3A_391 = tpu.vector_load %arg8[%parallel_loop3A_390] {strides = array<i32>} : memref<8192xf32, #tpu.memory_space<vmem>>, vector<16xf32>,
            %parallel_loop3A_392 = tpu.bitcast %parallel_loop3A_391 : vector<16xf32> -> vector<16xi32>
            %parallel_loop3A_393 = arith.constant 31 : i32
            %parallel_loop3A_394 = vector.broadcast %parallel_loop3A_393 : i32 to vector<16xi32>
            %parallel_loop3A_395 = arith.shrsi %parallel_loop3A_392, %parallel_loop3A_394 : vector<16xi32>
            %parallel_loop3A_396 = arith.constant 2147483647 : i32
            %parallel_loop3A_397 = vector.broadcast %parallel_loop3A_396 : i32 to vector<16xi32>
            %parallel_loop3A_398 = arith.andi %parallel_loop3A_395, %parallel_loop3A_397 : vector<16xi32>
            %parallel_loop3A_399 = arith.xori %parallel_loop3A_392, %parallel_loop3A_398 : vector<16xi32>
            %parallel_loop3A_400 = arith.constant 16 : i32
            %parallel_loop3A_401 = arith.muli %parallel_loop3A_387, %parallel_loop3A_400 : i32
            %parallel_loop3A_402 = vector.broadcast %parallel_loop3A_401 : i32 to vector<16xi32>
            %parallel_loop3A_403 = arith.addi %parallel_loop3A_402, %iota3A : vector<16xi32>
            %parallel_loop3A_404 = vector.broadcast %select_n3A_370 : i32 to vector<16xi32>
            %parallel_loop3A_405 = arith.cmpi sge, %parallel_loop3A_403, %parallel_loop3A_404 : vector<16xi32>
            %parallel_loop3A_406 = vector.broadcast %select_n3A_377 : i32 to vector<16xi32>
            %parallel_loop3A_407 = arith.cmpi slt, %parallel_loop3A_403, %parallel_loop3A_406 : vector<16xi32>
            %parallel_loop3A_408 = arith.andi %parallel_loop3A_405, %parallel_loop3A_407 : vector<16xi1>
            %parallel_loop3A_409 = arith.constant 20 : i32
            %parallel_loop3A_410 = vector.broadcast %parallel_loop3A_409 : i32 to vector<16xi32>
            %parallel_loop3A_411 = arith.shrsi %parallel_loop3A_399, %parallel_loop3A_410 : vector<16xi32>
            %parallel_loop3A_412 = arith.constant 2048 : i32
            %parallel_loop3A_413 = vector.broadcast %parallel_loop3A_412 : i32 to vector<16xi32>
            %parallel_loop3A_414 = arith.addi %parallel_loop3A_411, %parallel_loop3A_413 : vector<16xi32>
            %parallel_loop3A_415 = vector.broadcast %scan3A_167#2 : i32 to vector<16xi32>
            %parallel_loop3A_416 = arith.cmpi eq, %parallel_loop3A_414, %parallel_loop3A_415 : vector<16xi32>
            %parallel_loop3A_417 = arith.andi %parallel_loop3A_408, %parallel_loop3A_416 : vector<16xi1>
            %parallel_loop3A_418 = tpu.all_reduce %parallel_loop3A_417 {dim = 0 : i64, kind = #tpu.reduction_kind<sum>} : vector<16xi1> -> vector<16xi32>
            %parallel_loop3A_419 = arith.constant 16 : i32
            %parallel_loop3A_420 = arith.muli %parallel_loop3A_387, %parallel_loop3A_419 : i32
            %parallel_loop3A_421 = arith.index_cast %parallel_loop3A_420 : i32 to index
            %parallel_loop3A_422 = tpu.vector_load %arg12[%parallel_loop3A_421] {strides = array<i32>} : memref<8192xi32, #tpu.memory_space<vmem>>, vector<16xi32>,
            tpu.vector_store %arg12[%parallel_loop3A_421], %parallel_loop3A_418 {strides = array<i32>} : memref<8192xi32, #tpu.memory_space<vmem>>, vector<16xi32>,
          } {sc.loop_unroll_factor = 4 : i64, sc.parallel_access}
          %scan3A_381 = arith.constant 0 : i32
          %scan3A_382 = arith.constant 32 : i32
          %scan3A_383 = arith.addi %scan3A_381, %scan3A_382 : i32
          %scan3A_384 = arith.constant 1 : i32
          %scan3A_385 = scf.for %scan3A_387 = %scan3A_381 to %scan3A_383 step %scan3A_384 iter_args(%scan3A_388 = %scan3A_348) -> (i32)  : i32 {
            %mul3A_389 = arith.constant 256 : i32
            %mul3A_390 = arith.muli %scan3A_387, %mul3A_389 : i32
            %mul3A_391 = arith.constant 16 : i32
            %mul3A_392 = vector.broadcast %mul3A_391 : i32 to vector<16xi32>
            %mul3A_393 = arith.muli %iota3A, %mul3A_392 : vector<16xi32>
            %add3A_394 = vector.broadcast %mul3A_390 : i32 to vector<16xi32>
            %add3A_395 = arith.addi %add3A_394, %mul3A_393 : vector<16xi32>
            %gather3A = tpu.vector_load_idx %arg12[%add3A_395] : memref<8192xi32, #tpu.memory_space<vmem>>[vector<16xi32>], vector<16xi32>,
            %broadcast_in_dim3A = arith.constant true
            %broadcast_in_dim3A_396 = vector.broadcast %broadcast_in_dim3A : i1 to vector<16xi1>
            %masked_cumsum3A = tpu.scan <sum>, %gather3A masked %broadcast_in_dim3A_396 : vector<16xi32>, vector<16xi1> -> vector<16xi32>
            %reduce_max3A = arith.constant true
            %reduce_max3A_397 = vector.broadcast %reduce_max3A : i1 to vector<16xi1>
            %reduce_max3A_398 = arith.constant -2147483648 : i32
            %reduce_max3A_399 = vector.broadcast %reduce_max3A_398 : i32 to vector<16xi32>
            %reduce_max3A_400 = arith.xori %masked_cumsum3A, %reduce_max3A_399 : vector<16xi32>
            %reduce_max3A_401 = tpu.scan <max>, %reduce_max3A_400 masked %reduce_max3A_397 : vector<16xi32>, vector<16xi1> -> vector<16xi32>
            %reduce_max3A_402 = arith.xori %reduce_max3A_401, %reduce_max3A_399 : vector<16xi32>
            %reduce_max3A_403 = vector.extract %reduce_max3A_402[15] : i32 from vector<16xi32>
            %gt3A = arith.constant 0 : i32
            %gt3A_404 = arith.cmpi sgt, %reduce_max3A_403, %gt3A : i32
            %convert_element_type3A_405 = arith.extui %gt3A_404 : i1 to i32
            %cond3A_406 = arith.constant 0 : i32
            %cond3A_407 = arith.cmpi ne, %convert_element_type3A_405, %cond3A_406 : i32
            scf.if %cond3A_407 {
              %scan3A_409 = arith.constant 0 : i32
              %scan3A_410 = arith.constant 0 : i32
              %scan3A_411 = arith.constant 16 : i32
              %scan3A_412 = arith.addi %scan3A_410, %scan3A_411 : i32
              %scan3A_413 = arith.constant 1 : i32
              %scan3A_414 = scf.for %scan3A_416 = %scan3A_410 to %scan3A_412 step %scan3A_413 iter_args(%scan3A_417 = %scan3A_409) -> (i32)  : i32 {
                %eq3A_418 = vector.broadcast %scan3A_416 : i32 to vector<16xi32>
                %eq3A_419 = arith.cmpi eq, %iota3A, %eq3A_418 : vector<16xi32>
                %jit3A_420 = arith.constant 0 : i32
                %broadcast_in_dim3A_421 = vector.broadcast %jit3A_420 : i32 to vector<16xi32>
                %select_n3A_422 = arith.select %eq3A_419, %gather3A, %broadcast_in_dim3A_421 : vector<16xi1>, vector<16xi32>
                %reduce_max3A_423 = arith.constant true
                %reduce_max3A_424 = vector.broadcast %reduce_max3A_423 : i1 to vector<16xi1>
                %reduce_max3A_425 = arith.constant -2147483648 : i32
                %reduce_max3A_426 = vector.broadcast %reduce_max3A_425 : i32 to vector<16xi32>
                %reduce_max3A_427 = arith.xori %select_n3A_422, %reduce_max3A_426 : vector<16xi32>
                %reduce_max3A_428 = tpu.scan <max>, %reduce_max3A_427 masked %reduce_max3A_424 : vector<16xi32>, vector<16xi1> -> vector<16xi32>
                %reduce_max3A_429 = arith.xori %reduce_max3A_428, %reduce_max3A_426 : vector<16xi32>
                %reduce_max3A_430 = vector.extract %reduce_max3A_429[15] : i32 from vector<16xi32>
                %sub3A_431 = arith.subi %scan3A_388, %reduce_max3A_430 : i32
                %eq3A_432 = vector.broadcast %scan3A_416 : i32 to vector<16xi32>
                %eq3A_433 = arith.cmpi eq, %iota3A, %eq3A_432 : vector<16xi32>
                %jit3A_434 = arith.constant 0 : i32
                %broadcast_in_dim3A_435 = vector.broadcast %jit3A_434 : i32 to vector<16xi32>
                %select_n3A_436 = arith.select %eq3A_433, %masked_cumsum3A, %broadcast_in_dim3A_435 : vector<16xi1>, vector<16xi32>
                %reduce_max3A_437 = arith.constant true
                %reduce_max3A_438 = vector.broadcast %reduce_max3A_437 : i1 to vector<16xi1>
                %reduce_max3A_439 = arith.constant -2147483648 : i32
                %reduce_max3A_440 = vector.broadcast %reduce_max3A_439 : i32 to vector<16xi32>
                %reduce_max3A_441 = arith.xori %select_n3A_436, %reduce_max3A_440 : vector<16xi32>
                %reduce_max3A_442 = tpu.scan <max>, %reduce_max3A_441 masked %reduce_max3A_438 : vector<16xi32>, vector<16xi1> -> vector<16xi32>
                %reduce_max3A_443 = arith.xori %reduce_max3A_442, %reduce_max3A_440 : vector<16xi32>
                %reduce_max3A_444 = vector.extract %reduce_max3A_443[15] : i32 from vector<16xi32>
                %add3A_445 = arith.addi %sub3A_431, %reduce_max3A_444 : i32
                %gt3A_446 = arith.constant 0 : i32
                %gt3A_447 = arith.cmpi sgt, %reduce_max3A_430, %gt3A_446 : i32
                %convert_element_type3A_448 = arith.extui %gt3A_447 : i1 to i32
                %cond3A_449 = arith.constant 0 : i32
                %cond3A_450 = arith.cmpi ne, %convert_element_type3A_448, %cond3A_449 : i32
                scf.if %cond3A_450 {
                  %mul3A_452 = arith.constant 16 : i32
                  %mul3A_453 = arith.muli %scan3A_387, %mul3A_452 : i32
                  %add3A_454 = arith.addi %mul3A_453, %scan3A_416 : i32
                  %mul3A_455 = arith.constant 16 : i32
                  %mul3A_456 = arith.muli %add3A_454, %mul3A_455 : i32
                  %get3A = arith.index_cast %mul3A_456 : i32 to index
                  %get3A_457 = tpu.vector_load %arg8[%get3A] {strides = array<i32>} : memref<8192xf32, #tpu.memory_space<vmem>>, vector<16xf32>,
                  %bitcast_convert_type3A = tpu.bitcast %get3A_457 : vector<16xf32> -> vector<16xi32>
                  %shift_right_arithmetic3A = arith.constant 31 : i32
                  %shift_right_arithmetic3A_458 = vector.broadcast %shift_right_arithmetic3A : i32 to vector<16xi32>
                  %shift_right_arithmetic3A_459 = arith.shrsi %bitcast_convert_type3A, %shift_right_arithmetic3A_458 : vector<16xi32>
                  %and3A_460 = arith.constant 2147483647 : i32
                  %and3A_461 = vector.broadcast %and3A_460 : i32 to vector<16xi32>
                  %and3A_462 = arith.andi %shift_right_arithmetic3A_459, %and3A_461 : vector<16xi32>
                  %xor3A = arith.xori %bitcast_convert_type3A, %and3A_462 : vector<16xi32>
                  %mul3A_463 = arith.constant 16 : i32
                  %mul3A_464 = arith.muli %add3A_454, %mul3A_463 : i32
                  %add3A_465 = vector.broadcast %mul3A_464 : i32 to vector<16xi32>
                  %add3A_466 = arith.addi %add3A_465, %iota3A : vector<16xi32>
                  %ge3A = vector.broadcast %select_n3A_370 : i32 to vector<16xi32>
                  %ge3A_467 = arith.cmpi sge, %add3A_466, %ge3A : vector<16xi32>
                  %lt3A_468 = vector.broadcast %select_n3A_377 : i32 to vector<16xi32>
                  %lt3A_469 = arith.cmpi slt, %add3A_466, %lt3A_468 : vector<16xi32>
                  %and3A_470 = arith.andi %ge3A_467, %lt3A_469 : vector<16xi1>
                  %shift_right_arithmetic3A_471 = arith.constant 20 : i32
                  %shift_right_arithmetic3A_472 = vector.broadcast %shift_right_arithmetic3A_471 : i32 to vector<16xi32>
                  %shift_right_arithmetic3A_473 = arith.shrsi %xor3A, %shift_right_arithmetic3A_472 : vector<16xi32>
                  %add3A_474 = arith.constant 2048 : i32
                  %add3A_475 = vector.broadcast %add3A_474 : i32 to vector<16xi32>
                  %add3A_476 = arith.addi %shift_right_arithmetic3A_473, %add3A_475 : vector<16xi32>
                  %eq3A_477 = vector.broadcast %scan3A_167#2 : i32 to vector<16xi32>
                  %eq3A_478 = arith.cmpi eq, %add3A_476, %eq3A_477 : vector<16xi32>
                  %and3A_479 = arith.andi %and3A_470, %eq3A_478 : vector<16xi1>
                  %add3A_480 = vector.broadcast %add3A_445 : i32 to vector<16xi32>
                  %add3A_481 = arith.addi %iota3A, %add3A_480 : vector<16xi32>
                  %lt3A_482 = arith.constant 8192 : i32
                  %lt3A_483 = vector.broadcast %lt3A_482 : i32 to vector<16xi32>
                  %lt3A_484 = arith.cmpi slt, %add3A_481, %lt3A_483 : vector<16xi32>
                  %and3A_485 = arith.andi %and3A_479, %lt3A_484 : vector<16xi1>
                  %min3A_486 = arith.constant 8176 : i32
                  %min3A_487 = arith.minsi %add3A_445, %min3A_486 : i32
                  %swap3A = arith.index_cast %min3A_487 : i32 to index
                  %swap3A_488 = tpu.vector_load %arg11[%swap3A] masked %and3A_485 {strides = array<i32>} : memref<8192xi32, #tpu.memory_space<vmem>>, vector<16xi32>, vector<16xi1>
                  tpu.vector_store %arg11[%swap3A], %xor3A masked %and3A_485 {strides = array<i32>} : memref<8192xi32, #tpu.memory_space<vmem>>, vector<16xi32>, vector<16xi1>
                } else {
                }
                %scan3A_451 = arith.constant 0 : i32
                scf.yield %scan3A_451 : i32
              }
              %scan3A_415 = arith.constant 16 : i32
            } else {
            }
            %add3A_408 = arith.addi %scan3A_388, %reduce_max3A_403 : i32
            scf.yield %add3A_408 : i32
          }
          %scan3A_386 = arith.constant 32 : i32
          scf.yield %scan3A_385 : i32
        }
        %add3A_212 = arith.constant 15 : i32
        %add3A_213 = arith.addi %while3A_211, %add3A_212 : i32
        %jit3A_214 = arith.constant 16 : i32
        %div3A_215 = arith.divsi %add3A_213, %jit3A_214 : i32
        %sign3A_216 = arith.constant 0 : i32
        %sign3A_217 = arith.cmpi sgt, %add3A_213, %sign3A_216 : i32
        %sign3A_218 = arith.extui %sign3A_217 : i1 to i32
        %sign3A_219 = arith.constant 0 : i32
        %sign3A_220 = arith.cmpi slt, %add3A_213, %sign3A_219 : i32
        %sign3A_221 = arith.extui %sign3A_220 : i1 to i32
        %sign3A_222 = arith.subi %sign3A_218, %sign3A_221 : i32
        %sign3A_223 = arith.constant 0 : i32
        %sign3A_224 = arith.cmpi sgt, %jit3A_214, %sign3A_223 : i32
        %sign3A_225 = arith.extui %sign3A_224 : i1 to i32
        %sign3A_226 = arith.constant 0 : i32
        %sign3A_227 = arith.cmpi slt, %jit3A_214, %sign3A_226 : i32
        %sign3A_228 = arith.extui %sign3A_227 : i1 to i32
        %sign3A_229 = arith.subi %sign3A_225, %sign3A_228 : i32
        %ne3A_230 = arith.cmpi ne, %sign3A_222, %sign3A_229 : i32
        %rem3A_231 = arith.remsi %add3A_213, %jit3A_214 : i32
        %ne3A_232 = arith.constant 0 : i32
        %ne3A_233 = arith.cmpi ne, %rem3A_231, %ne3A_232 : i32
        %and3A_234 = arith.andi %ne3A_230, %ne3A_233 : i1
        %sub3A_235 = arith.constant 1 : i32
        %sub3A_236 = arith.subi %div3A_215, %sub3A_235 : i32
        %select_n3A_237 = arith.select %and3A_234, %sub3A_236, %div3A_215 : i32
        %parallel_loop3A = arith.constant 0 : i32
        %parallel_loop3A_238 = arith.constant 1 : i32
        scf.for %parallel_loop3A_310 = %parallel_loop3A to %select_n3A_237 step %parallel_loop3A_238  : i32 {
          %parallel_loop3A_311 = arith.constant 16 : i32
          %parallel_loop3A_312 = arith.muli %parallel_loop3A_310, %parallel_loop3A_311 : i32
          %parallel_loop3A_313 = arith.index_cast %parallel_loop3A_312 : i32 to index
          %parallel_loop3A_314 = tpu.vector_load %arg11[%parallel_loop3A_313] {strides = array<i32>} : memref<8192xi32, #tpu.memory_space<vmem>>, vector<16xi32>,
          %parallel_loop3A_315 = arith.constant 16 : i32
          %parallel_loop3A_316 = arith.muli %parallel_loop3A_310, %parallel_loop3A_315 : i32
          %parallel_loop3A_317 = vector.broadcast %parallel_loop3A_316 : i32 to vector<16xi32>
          %parallel_loop3A_318 = arith.addi %parallel_loop3A_317, %iota3A : vector<16xi32>
          %parallel_loop3A_319 = vector.broadcast %while3A_211 : i32 to vector<16xi32>
          %parallel_loop3A_320 = arith.cmpi slt, %parallel_loop3A_318, %parallel_loop3A_319 : vector<16xi32>
          %parallel_loop3A_321 = arith.constant 8 : i32
          %parallel_loop3A_322 = vector.broadcast %parallel_loop3A_321 : i32 to vector<16xi32>
          %parallel_loop3A_323 = arith.shrsi %parallel_loop3A_314, %parallel_loop3A_322 : vector<16xi32>
          %parallel_loop3A_324 = arith.constant 4095 : i32
          %parallel_loop3A_325 = vector.broadcast %parallel_loop3A_324 : i32 to vector<16xi32>
          %parallel_loop3A_326 = arith.andi %parallel_loop3A_323, %parallel_loop3A_325 : vector<16xi32>
          %parallel_loop3A_327 = arith.constant 0 : i32
          %parallel_loop3A_328 = vector.broadcast %parallel_loop3A_327 : i32 to vector<16xi32>
          %parallel_loop3A_329 = arith.select %parallel_loop3A_320, %parallel_loop3A_326, %parallel_loop3A_328 : vector<16xi1>, vector<16xi32>
          %parallel_loop3A_330 = arith.constant 3 : i32
          %parallel_loop3A_331 = arith.andi %parallel_loop3A_310, %parallel_loop3A_330 : i32
          %parallel_loop3A_332 = arith.constant 12 : i32
          %parallel_loop3A_333 = arith.shli %parallel_loop3A_331, %parallel_loop3A_332 : i32
          %parallel_loop3A_334 = vector.broadcast %parallel_loop3A_333 : i32 to vector<16xi32>
          %parallel_loop3A_335 = arith.ori %parallel_loop3A_329, %parallel_loop3A_334 : vector<16xi32>
          %parallel_loop3A_336 = arith.constant true
          %parallel_loop3A_337 = vector.broadcast %parallel_loop3A_336 : i1 to vector<16xi1>
          %parallel_loop3A_338, %parallel_loop3A_339 = tpu.scan_count mask(%parallel_loop3A_337 : vector<16xi1>) value(%parallel_loop3A_335 : vector<16xi32>) : vector<16xi1>, vector<16xi32>
          tpu.vector_store_idx %arg10[%parallel_loop3A_335], %parallel_loop3A_339 masked %parallel_loop3A_338 {add = true} : memref<16384xi32, #tpu.memory_space<vmem>>[vector<16xi32>], vector<16xi32>, vector<16xi1>
        } {sc.loop_unroll_factor = 4 : i64, sc.parallel_access}
        %iota3A_239 = tpu.iota {dimensions = array<i32: 0>} : vector<16xi32>
        %scan3A_240 = arith.constant 0 : i32
        %scan3A_241 = arith.constant 0 : i32
        %scan3A_242 = arith.constant 0 : i32
        %scan3A_243 = arith.constant 0 : i32
        %scan3A_244 = arith.constant 0 : i32
        %scan3A_245 = arith.constant 256 : i32
        %scan3A_246 = arith.addi %scan3A_244, %scan3A_245 : i32
        %scan3A_247 = arith.constant 1 : i32
        %scan3A_248:5 = scf.for %scan3A_310 = %scan3A_244 to %scan3A_246 step %scan3A_247 iter_args(%scan3A_311 = %scan3A_240, %scan3A_312 = %scan3A_241, %scan3A_313 = %scan3A_242, %scan3A_314 = %scan3A_167#3, %scan3A_315 = %scan3A_243) -> (i32, i32, i32, i32, i32)  : i32 {
          %sub3A_316 = arith.constant 255 : i32
          %sub3A_317 = arith.subi %sub3A_316, %scan3A_310 : i32
          %mul3A_318 = arith.constant 16 : i32
          %mul3A_319 = arith.muli %sub3A_317, %mul3A_318 : i32
          %get3A = arith.index_cast %mul3A_319 : i32 to index
          %get3A_320 = tpu.vector_load %arg10[%get3A] {strides = array<i32>} : memref<16384xi32, #tpu.memory_space<vmem>>, vector<16xi32>,
          %broadcast_in_dim3A = arith.constant 0 : i32
          %broadcast_in_dim3A_321 = vector.broadcast %broadcast_in_dim3A : i32 to vector<16xi32>
          %mul3A_322 = arith.constant 16 : i32
          %mul3A_323 = arith.muli %sub3A_317, %mul3A_322 : i32
          %swap3A = arith.index_cast %mul3A_323 : i32 to index
          %swap3A_324 = tpu.vector_load %arg10[%swap3A] {strides = array<i32>} : memref<16384xi32, #tpu.memory_space<vmem>>, vector<16xi32>,
          tpu.vector_store %arg10[%swap3A], %broadcast_in_dim3A_321 {strides = array<i32>} : memref<16384xi32, #tpu.memory_space<vmem>>, vector<16xi32>,
          %mul3A_325 = arith.constant 16 : i32
          %mul3A_326 = arith.muli %sub3A_317, %mul3A_325 : i32
          %add3A_327 = arith.constant 4096 : i32
          %add3A_328 = arith.addi %add3A_327, %mul3A_326 : i32
          %get3A_329 = arith.index_cast %add3A_328 : i32 to index
          %get3A_330 = tpu.vector_load %arg10[%get3A_329] {strides = array<i32>} : memref<16384xi32, #tpu.memory_space<vmem>>, vector<16xi32>,
          %add3A_331 = arith.addi %get3A_320, %get3A_330 : vector<16xi32>
          %broadcast_in_dim3A_332 = arith.constant 0 : i32
          %broadcast_in_dim3A_333 = vector.broadcast %broadcast_in_dim3A_332 : i32 to vector<16xi32>
          %mul3A_334 = arith.constant 16 : i32
          %mul3A_335 = arith.muli %sub3A_317, %mul3A_334 : i32
          %add3A_336 = arith.constant 4096 : i32
          %add3A_337 = arith.addi %add3A_336, %mul3A_335 : i32
          %swap3A_338 = arith.index_cast %add3A_337 : i32 to index
          %swap3A_339 = tpu.vector_load %arg10[%swap3A_338] {strides = array<i32>} : memref<16384xi32, #tpu.memory_space<vmem>>, vector<16xi32>,
          tpu.vector_store %arg10[%swap3A_338], %broadcast_in_dim3A_333 {strides = array<i32>} : memref<16384xi32, #tpu.memory_space<vmem>>, vector<16xi32>,
          %mul3A_340 = arith.constant 16 : i32
          %mul3A_341 = arith.muli %sub3A_317, %mul3A_340 : i32
          %add3A_342 = arith.constant 8192 : i32
          %add3A_343 = arith.addi %add3A_342, %mul3A_341 : i32
          %get3A_344 = arith.index_cast %add3A_343 : i32 to index
          %get3A_345 = tpu.vector_load %arg10[%get3A_344] {strides = array<i32>} : memref<16384xi32, #tpu.memory_space<vmem>>, vector<16xi32>,
          %add3A_346 = arith.addi %add3A_331, %get3A_345 : vector<16xi32>
          %broadcast_in_dim3A_347 = arith.constant 0 : i32
          %broadcast_in_dim3A_348 = vector.broadcast %broadcast_in_dim3A_347 : i32 to vector<16xi32>
          %mul3A_349 = arith.constant 16 : i32
          %mul3A_350 = arith.muli %sub3A_317, %mul3A_349 : i32
          %add3A_351 = arith.constant 8192 : i32
          %add3A_352 = arith.addi %add3A_351, %mul3A_350 : i32
          %swap3A_353 = arith.index_cast %add3A_352 : i32 to index
          %swap3A_354 = tpu.vector_load %arg10[%swap3A_353] {strides = array<i32>} : memref<16384xi32, #tpu.memory_space<vmem>>, vector<16xi32>,
          tpu.vector_store %arg10[%swap3A_353], %broadcast_in_dim3A_348 {strides = array<i32>} : memref<16384xi32, #tpu.memory_space<vmem>>, vector<16xi32>,
          %mul3A_355 = arith.constant 16 : i32
          %mul3A_356 = arith.muli %sub3A_317, %mul3A_355 : i32
          %add3A_357 = arith.constant 12288 : i32
          %add3A_358 = arith.addi %add3A_357, %mul3A_356 : i32
          %get3A_359 = arith.index_cast %add3A_358 : i32 to index
          %get3A_360 = tpu.vector_load %arg10[%get3A_359] {strides = array<i32>} : memref<16384xi32, #tpu.memory_space<vmem>>, vector<16xi32>,
          %add3A_361 = arith.addi %add3A_346, %get3A_360 : vector<16xi32>
          %broadcast_in_dim3A_362 = arith.constant 0 : i32
          %broadcast_in_dim3A_363 = vector.broadcast %broadcast_in_dim3A_362 : i32 to vector<16xi32>
          %mul3A_364 = arith.constant 16 : i32
          %mul3A_365 = arith.muli %sub3A_317, %mul3A_364 : i32
          %add3A_366 = arith.constant 12288 : i32
          %add3A_367 = arith.addi %add3A_366, %mul3A_365 : i32
          %swap3A_368 = arith.index_cast %add3A_367 : i32 to index
          %swap3A_369 = tpu.vector_load %arg10[%swap3A_368] {strides = array<i32>} : memref<16384xi32, #tpu.memory_space<vmem>>, vector<16xi32>,
          tpu.vector_store %arg10[%swap3A_368], %broadcast_in_dim3A_363 {strides = array<i32>} : memref<16384xi32, #tpu.memory_space<vmem>>, vector<16xi32>,
          %reduce_sum3A = arith.constant true
          %reduce_sum3A_370 = vector.broadcast %reduce_sum3A : i1 to vector<16xi1>
          %reduce_sum3A_371 = tpu.scan <sum>, %add3A_361 masked %reduce_sum3A_370 : vector<16xi32>, vector<16xi1> -> vector<16xi32>
          %reduce_sum3A_372 = vector.extract %reduce_sum3A_371[15] : i32 from vector<16xi32>
          %rev3A = arith.constant 15 : i32
          %rev3A_373 = vector.broadcast %rev3A : i32 to vector<16xi32>
          %rev3A_374 = tpu.iota {dimensions = array<i32: 0>} : vector<16xi32>
          %rev3A_375 = arith.subi %rev3A_373, %rev3A_374 : vector<16xi32>
          %rev3A_376 = tpu.dynamic_gather %add3A_361[%rev3A_375] in [0] : vector<16xi32>, vector<16xi32> -> vector<16xi32>
          %broadcast_in_dim3A_377 = arith.constant true
          %broadcast_in_dim3A_378 = vector.broadcast %broadcast_in_dim3A_377 : i1 to vector<16xi1>
          %masked_cumsum3A = tpu.scan <sum>, %rev3A_376 masked %broadcast_in_dim3A_378 : vector<16xi32>, vector<16xi1> -> vector<16xi32>
          %eq3A_379 = arith.constant 0 : i32
          %eq3A_380 = arith.cmpi eq, %scan3A_312, %eq3A_379 : i32
          %add3A_381 = arith.addi %scan3A_311, %reduce_sum3A_372 : i32
          %ge3A = arith.cmpi sge, %add3A_381, %scan3A_167#3 : i32
          %and3A_382 = arith.andi %eq3A_380, %ge3A : i1
          %add3A_383 = vector.broadcast %scan3A_311 : i32 to vector<16xi32>
          %add3A_384 = arith.addi %add3A_383, %masked_cumsum3A : vector<16xi32>
          %ge3A_385 = vector.broadcast %scan3A_167#3 : i32 to vector<16xi32>
          %ge3A_386 = arith.cmpi sge, %add3A_384, %ge3A_385 : vector<16xi32>
          %jit3A_387 = arith.constant 16 : i32
          %broadcast_in_dim3A_388 = vector.broadcast %jit3A_387 : i32 to vector<16xi32>
          %select_n3A_389 = arith.select %ge3A_386, %iota3A_239, %broadcast_in_dim3A_388 : vector<16xi1>, vector<16xi32>
          %reduce_min3A = arith.constant true
          %reduce_min3A_390 = vector.broadcast %reduce_min3A : i1 to vector<16xi1>
          %reduce_min3A_391 = arith.constant -2147483648 : i32
          %reduce_min3A_392 = vector.broadcast %reduce_min3A_391 : i32 to vector<16xi32>
          %reduce_min3A_393 = arith.xori %select_n3A_389, %reduce_min3A_392 : vector<16xi32>
          %reduce_min3A_394 = tpu.scan <min>, %reduce_min3A_393 masked %reduce_min3A_390 : vector<16xi32>, vector<16xi1> -> vector<16xi32>
          %reduce_min3A_395 = arith.xori %reduce_min3A_394, %reduce_min3A_392 : vector<16xi32>
          %reduce_min3A_396 = vector.extract %reduce_min3A_395[15] : i32 from vector<16xi32>
          %eq3A_397 = vector.broadcast %reduce_min3A_396 : i32 to vector<16xi32>
          %eq3A_398 = arith.cmpi eq, %iota3A_239, %eq3A_397 : vector<16xi32>
          %jit3A_399 = arith.constant 0 : i32
          %broadcast_in_dim3A_400 = vector.broadcast %jit3A_399 : i32 to vector<16xi32>
          %select_n3A_401 = arith.select %eq3A_398, %masked_cumsum3A, %broadcast_in_dim3A_400 : vector<16xi1>, vector<16xi32>
          %reduce_max3A = arith.constant true
          %reduce_max3A_402 = vector.broadcast %reduce_max3A : i1 to vector<16xi1>
          %reduce_max3A_403 = arith.constant -2147483648 : i32
          %reduce_max3A_404 = vector.broadcast %reduce_max3A_403 : i32 to vector<16xi32>
          %reduce_max3A_405 = arith.xori %select_n3A_401, %reduce_max3A_404 : vector<16xi32>
          %reduce_max3A_406 = tpu.scan <max>, %reduce_max3A_405 masked %reduce_max3A_402 : vector<16xi32>, vector<16xi1> -> vector<16xi32>
          %reduce_max3A_407 = arith.xori %reduce_max3A_406, %reduce_max3A_404 : vector<16xi32>
          %reduce_max3A_408 = vector.extract %reduce_max3A_407[15] : i32 from vector<16xi32>
          %eq3A_409 = vector.broadcast %reduce_min3A_396 : i32 to vector<16xi32>
          %eq3A_410 = arith.cmpi eq, %iota3A_239, %eq3A_409 : vector<16xi32>
          %jit3A_411 = arith.constant 0 : i32
          %broadcast_in_dim3A_412 = vector.broadcast %jit3A_411 : i32 to vector<16xi32>
          %select_n3A_413 = arith.select %eq3A_410, %rev3A_376, %broadcast_in_dim3A_412 : vector<16xi1>, vector<16xi32>
          %reduce_max3A_414 = arith.constant true
          %reduce_max3A_415 = vector.broadcast %reduce_max3A_414 : i1 to vector<16xi1>
          %reduce_max3A_416 = arith.constant -2147483648 : i32
          %reduce_max3A_417 = vector.broadcast %reduce_max3A_416 : i32 to vector<16xi32>
          %reduce_max3A_418 = arith.xori %select_n3A_413, %reduce_max3A_417 : vector<16xi32>
          %reduce_max3A_419 = tpu.scan <max>, %reduce_max3A_418 masked %reduce_max3A_415 : vector<16xi32>, vector<16xi1> -> vector<16xi32>
          %reduce_max3A_420 = arith.xori %reduce_max3A_419, %reduce_max3A_417 : vector<16xi32>
          %reduce_max3A_421 = vector.extract %reduce_max3A_420[15] : i32 from vector<16xi32>
          %mul3A_422 = arith.constant 16 : i32
          %mul3A_423 = arith.muli %sub3A_317, %mul3A_422 : i32
          %add3A_424 = arith.constant 15 : i32
          %add3A_425 = arith.addi %mul3A_423, %add3A_424 : i32
          %sub3A_426 = arith.subi %add3A_425, %reduce_min3A_396 : i32
          %add3A_427 = arith.addi %scan3A_311, %reduce_max3A_408 : i32
          %sub3A_428 = arith.subi %add3A_427, %reduce_max3A_421 : i32
          %sub3A_429 = arith.subi %scan3A_167#3, %sub3A_428 : i32
          %select_n3A_430 = arith.select %and3A_382, %sub3A_426, %scan3A_313 : i32
          %select_n3A_431 = arith.select %and3A_382, %sub3A_429, %scan3A_314 : i32
          %select_n3A_432 = arith.select %and3A_382, %reduce_max3A_421, %scan3A_315 : i32
          %jit3A_433 = arith.constant 1 : i32
          %select_n3A_434 = arith.select %and3A_382, %jit3A_433, %scan3A_312 : i32
          %add3A_435 = arith.addi %scan3A_311, %reduce_sum3A_372 : i32
          scf.yield %add3A_435, %select_n3A_434, %select_n3A_430, %select_n3A_431, %select_n3A_432 : i32, i32, i32, i32, i32
        }
        %scan3A_249 = arith.constant 256 : i32
        %parallel_loop3A_250 = arith.constant 0 : i32
        %parallel_loop3A_251 = arith.constant 1 : i32
        scf.for %parallel_loop3A_310 = %parallel_loop3A_250 to %select_n3A_237 step %parallel_loop3A_251  : i32 {
          %parallel_loop3A_311 = arith.constant 16 : i32
          %parallel_loop3A_312 = arith.muli %parallel_loop3A_310, %parallel_loop3A_311 : i32
          %parallel_loop3A_313 = arith.index_cast %parallel_loop3A_312 : i32 to index
          %parallel_loop3A_314 = tpu.vector_load %arg11[%parallel_loop3A_313] {strides = array<i32>} : memref<8192xi32, #tpu.memory_space<vmem>>, vector<16xi32>,
          %parallel_loop3A_315 = arith.constant 16 : i32
          %parallel_loop3A_316 = arith.muli %parallel_loop3A_310, %parallel_loop3A_315 : i32
          %parallel_loop3A_317 = vector.broadcast %parallel_loop3A_316 : i32 to vector<16xi32>
          %parallel_loop3A_318 = arith.addi %parallel_loop3A_317, %iota3A : vector<16xi32>
          %parallel_loop3A_319 = vector.broadcast %while3A_211 : i32 to vector<16xi32>
          %parallel_loop3A_320 = arith.cmpi slt, %parallel_loop3A_318, %parallel_loop3A_319 : vector<16xi32>
          %parallel_loop3A_321 = arith.constant 8 : i32
          %parallel_loop3A_322 = vector.broadcast %parallel_loop3A_321 : i32 to vector<16xi32>
          %parallel_loop3A_323 = arith.shrsi %parallel_loop3A_314, %parallel_loop3A_322 : vector<16xi32>
          %parallel_loop3A_324 = arith.constant 4095 : i32
          %parallel_loop3A_325 = vector.broadcast %parallel_loop3A_324 : i32 to vector<16xi32>
          %parallel_loop3A_326 = arith.andi %parallel_loop3A_323, %parallel_loop3A_325 : vector<16xi32>
          %parallel_loop3A_327 = vector.broadcast %scan3A_248#2 : i32 to vector<16xi32>
          %parallel_loop3A_328 = arith.cmpi eq, %parallel_loop3A_326, %parallel_loop3A_327 : vector<16xi32>
          %parallel_loop3A_329 = arith.andi %parallel_loop3A_320, %parallel_loop3A_328 : vector<16xi1>
          %parallel_loop3A_330 = arith.constant 255 : i32
          %parallel_loop3A_331 = vector.broadcast %parallel_loop3A_330 : i32 to vector<16xi32>
          %parallel_loop3A_332 = arith.andi %parallel_loop3A_314, %parallel_loop3A_331 : vector<16xi32>
          %parallel_loop3A_333 = arith.constant 0 : i32
          %parallel_loop3A_334 = vector.broadcast %parallel_loop3A_333 : i32 to vector<16xi32>
          %parallel_loop3A_335 = arith.select %parallel_loop3A_329, %parallel_loop3A_332, %parallel_loop3A_334 : vector<16xi1>, vector<16xi32>
          %parallel_loop3A_336 = arith.constant 3 : i32
          %parallel_loop3A_337 = arith.andi %parallel_loop3A_310, %parallel_loop3A_336 : i32
          %parallel_loop3A_338 = arith.constant 12 : i32
          %parallel_loop3A_339 = arith.shli %parallel_loop3A_337, %parallel_loop3A_338 : i32
          %parallel_loop3A_340 = vector.broadcast %parallel_loop3A_339 : i32 to vector<16xi32>
          %parallel_loop3A_341 = arith.ori %parallel_loop3A_335, %parallel_loop3A_340 : vector<16xi32>
          %parallel_loop3A_342 = arith.constant true
          %parallel_loop3A_343 = vector.broadcast %parallel_loop3A_342 : i1 to vector<16xi1>
          %parallel_loop3A_344, %parallel_loop3A_345 = tpu.scan_count mask(%parallel_loop3A_343 : vector<16xi1>) value(%parallel_loop3A_341 : vector<16xi32>) : vector<16xi1>, vector<16xi32>
          tpu.vector_store_idx %arg10[%parallel_loop3A_341], %parallel_loop3A_345 masked %parallel_loop3A_344 {add = true} : memref<16384xi32, #tpu.memory_space<vmem>>[vector<16xi32>], vector<16xi32>, vector<16xi1>
        } {sc.loop_unroll_factor = 4 : i64, sc.parallel_access}
        %iota3A_252 = tpu.iota {dimensions = array<i32: 0>} : vector<16xi32>
        %scan3A_253 = arith.constant 0 : i32
        %scan3A_254 = arith.constant 0 : i32
        %scan3A_255 = arith.constant 0 : i32
        %scan3A_256 = arith.constant 0 : i32
        %scan3A_257 = arith.constant 0 : i32
        %scan3A_258 = arith.constant 16 : i32
        %scan3A_259 = arith.addi %scan3A_257, %scan3A_258 : i32
        %scan3A_260 = arith.constant 1 : i32
        %scan3A_261:5 = scf.for %scan3A_310 = %scan3A_257 to %scan3A_259 step %scan3A_260 iter_args(%scan3A_311 = %scan3A_253, %scan3A_312 = %scan3A_254, %scan3A_313 = %scan3A_255, %scan3A_314 = %scan3A_248#3, %scan3A_315 = %scan3A_256) -> (i32, i32, i32, i32, i32)  : i32 {
          %sub3A_316 = arith.constant 15 : i32
          %sub3A_317 = arith.subi %sub3A_316, %scan3A_310 : i32
          %mul3A_318 = arith.constant 16 : i32
          %mul3A_319 = arith.muli %sub3A_317, %mul3A_318 : i32
          %get3A = arith.index_cast %mul3A_319 : i32 to index
          %get3A_320 = tpu.vector_load %arg10[%get3A] {strides = array<i32>} : memref<16384xi32, #tpu.memory_space<vmem>>, vector<16xi32>,
          %broadcast_in_dim3A = arith.constant 0 : i32
          %broadcast_in_dim3A_321 = vector.broadcast %broadcast_in_dim3A : i32 to vector<16xi32>
          %mul3A_322 = arith.constant 16 : i32
          %mul3A_323 = arith.muli %sub3A_317, %mul3A_322 : i32
          %swap3A = arith.index_cast %mul3A_323 : i32 to index
          %swap3A_324 = tpu.vector_load %arg10[%swap3A] {strides = array<i32>} : memref<16384xi32, #tpu.memory_space<vmem>>, vector<16xi32>,
          tpu.vector_store %arg10[%swap3A], %broadcast_in_dim3A_321 {strides = array<i32>} : memref<16384xi32, #tpu.memory_space<vmem>>, vector<16xi32>,
          %mul3A_325 = arith.constant 16 : i32
          %mul3A_326 = arith.muli %sub3A_317, %mul3A_325 : i32
          %add3A_327 = arith.constant 4096 : i32
          %add3A_328 = arith.addi %add3A_327, %mul3A_326 : i32
          %get3A_329 = arith.index_cast %add3A_328 : i32 to index
          %get3A_330 = tpu.vector_load %arg10[%get3A_329] {strides = array<i32>} : memref<16384xi32, #tpu.memory_space<vmem>>, vector<16xi32>,
          %add3A_331 = arith.addi %get3A_320, %get3A_330 : vector<16xi32>
          %broadcast_in_dim3A_332 = arith.constant 0 : i32
          %broadcast_in_dim3A_333 = vector.broadcast %broadcast_in_dim3A_332 : i32 to vector<16xi32>
          %mul3A_334 = arith.constant 16 : i32
          %mul3A_335 = arith.muli %sub3A_317, %mul3A_334 : i32
          %add3A_336 = arith.constant 4096 : i32
          %add3A_337 = arith.addi %add3A_336, %mul3A_335 : i32
          %swap3A_338 = arith.index_cast %add3A_337 : i32 to index
          %swap3A_339 = tpu.vector_load %arg10[%swap3A_338] {strides = array<i32>} : memref<16384xi32, #tpu.memory_space<vmem>>, vector<16xi32>,
          tpu.vector_store %arg10[%swap3A_338], %broadcast_in_dim3A_333 {strides = array<i32>} : memref<16384xi32, #tpu.memory_space<vmem>>, vector<16xi32>,
          %mul3A_340 = arith.constant 16 : i32
          %mul3A_341 = arith.muli %sub3A_317, %mul3A_340 : i32
          %add3A_342 = arith.constant 8192 : i32
          %add3A_343 = arith.addi %add3A_342, %mul3A_341 : i32
          %get3A_344 = arith.index_cast %add3A_343 : i32 to index
          %get3A_345 = tpu.vector_load %arg10[%get3A_344] {strides = array<i32>} : memref<16384xi32, #tpu.memory_space<vmem>>, vector<16xi32>,
          %add3A_346 = arith.addi %add3A_331, %get3A_345 : vector<16xi32>
          %broadcast_in_dim3A_347 = arith.constant 0 : i32
          %broadcast_in_dim3A_348 = vector.broadcast %broadcast_in_dim3A_347 : i32 to vector<16xi32>
          %mul3A_349 = arith.constant 16 : i32
          %mul3A_350 = arith.muli %sub3A_317, %mul3A_349 : i32
          %add3A_351 = arith.constant 8192 : i32
          %add3A_352 = arith.addi %add3A_351, %mul3A_350 : i32
          %swap3A_353 = arith.index_cast %add3A_352 : i32 to index
          %swap3A_354 = tpu.vector_load %arg10[%swap3A_353] {strides = array<i32>} : memref<16384xi32, #tpu.memory_space<vmem>>, vector<16xi32>,
          tpu.vector_store %arg10[%swap3A_353], %broadcast_in_dim3A_348 {strides = array<i32>} : memref<16384xi32, #tpu.memory_space<vmem>>, vector<16xi32>,
          %mul3A_355 = arith.constant 16 : i32
          %mul3A_356 = arith.muli %sub3A_317, %mul3A_355 : i32
          %add3A_357 = arith.constant 12288 : i32
          %add3A_358 = arith.addi %add3A_357, %mul3A_356 : i32
          %get3A_359 = arith.index_cast %add3A_358 : i32 to index
          %get3A_360 = tpu.vector_load %arg10[%get3A_359] {strides = array<i32>} : memref<16384xi32, #tpu.memory_space<vmem>>, vector<16xi32>,
          %add3A_361 = arith.addi %add3A_346, %get3A_360 : vector<16xi32>
          %broadcast_in_dim3A_362 = arith.constant 0 : i32
          %broadcast_in_dim3A_363 = vector.broadcast %broadcast_in_dim3A_362 : i32 to vector<16xi32>
          %mul3A_364 = arith.constant 16 : i32
          %mul3A_365 = arith.muli %sub3A_317, %mul3A_364 : i32
          %add3A_366 = arith.constant 12288 : i32
          %add3A_367 = arith.addi %add3A_366, %mul3A_365 : i32
          %swap3A_368 = arith.index_cast %add3A_367 : i32 to index
          %swap3A_369 = tpu.vector_load %arg10[%swap3A_368] {strides = array<i32>} : memref<16384xi32, #tpu.memory_space<vmem>>, vector<16xi32>,
          tpu.vector_store %arg10[%swap3A_368], %broadcast_in_dim3A_363 {strides = array<i32>} : memref<16384xi32, #tpu.memory_space<vmem>>, vector<16xi32>,
          %reduce_sum3A = arith.constant true
          %reduce_sum3A_370 = vector.broadcast %reduce_sum3A : i1 to vector<16xi1>
          %reduce_sum3A_371 = tpu.scan <sum>, %add3A_361 masked %reduce_sum3A_370 : vector<16xi32>, vector<16xi1> -> vector<16xi32>
          %reduce_sum3A_372 = vector.extract %reduce_sum3A_371[15] : i32 from vector<16xi32>
          %rev3A = arith.constant 15 : i32
          %rev3A_373 = vector.broadcast %rev3A : i32 to vector<16xi32>
          %rev3A_374 = tpu.iota {dimensions = array<i32: 0>} : vector<16xi32>
          %rev3A_375 = arith.subi %rev3A_373, %rev3A_374 : vector<16xi32>
          %rev3A_376 = tpu.dynamic_gather %add3A_361[%rev3A_375] in [0] : vector<16xi32>, vector<16xi32> -> vector<16xi32>
          %broadcast_in_dim3A_377 = arith.constant true
          %broadcast_in_dim3A_378 = vector.broadcast %broadcast_in_dim3A_377 : i1 to vector<16xi1>
          %masked_cumsum3A = tpu.scan <sum>, %rev3A_376 masked %broadcast_in_dim3A_378 : vector<16xi32>, vector<16xi1> -> vector<16xi32>
          %eq3A_379 = arith.constant 0 : i32
          %eq3A_380 = arith.cmpi eq, %scan3A_312, %eq3A_379 : i32
          %add3A_381 = arith.addi %scan3A_311, %reduce_sum3A_372 : i32
          %ge3A = arith.cmpi sge, %add3A_381, %scan3A_248#3 : i32
          %and3A_382 = arith.andi %eq3A_380, %ge3A : i1
          %add3A_383 = vector.broadcast %scan3A_311 : i32 to vector<16xi32>
          %add3A_384 = arith.addi %add3A_383, %masked_cumsum3A : vector<16xi32>
          %ge3A_385 = vector.broadcast %scan3A_248#3 : i32 to vector<16xi32>
          %ge3A_386 = arith.cmpi sge, %add3A_384, %ge3A_385 : vector<16xi32>
          %jit3A_387 = arith.constant 16 : i32
          %broadcast_in_dim3A_388 = vector.broadcast %jit3A_387 : i32 to vector<16xi32>
          %select_n3A_389 = arith.select %ge3A_386, %iota3A_252, %broadcast_in_dim3A_388 : vector<16xi1>, vector<16xi32>
          %reduce_min3A = arith.constant true
          %reduce_min3A_390 = vector.broadcast %reduce_min3A : i1 to vector<16xi1>
          %reduce_min3A_391 = arith.constant -2147483648 : i32
          %reduce_min3A_392 = vector.broadcast %reduce_min3A_391 : i32 to vector<16xi32>
          %reduce_min3A_393 = arith.xori %select_n3A_389, %reduce_min3A_392 : vector<16xi32>
          %reduce_min3A_394 = tpu.scan <min>, %reduce_min3A_393 masked %reduce_min3A_390 : vector<16xi32>, vector<16xi1> -> vector<16xi32>
          %reduce_min3A_395 = arith.xori %reduce_min3A_394, %reduce_min3A_392 : vector<16xi32>
          %reduce_min3A_396 = vector.extract %reduce_min3A_395[15] : i32 from vector<16xi32>
          %eq3A_397 = vector.broadcast %reduce_min3A_396 : i32 to vector<16xi32>
          %eq3A_398 = arith.cmpi eq, %iota3A_252, %eq3A_397 : vector<16xi32>
          %jit3A_399 = arith.constant 0 : i32
          %broadcast_in_dim3A_400 = vector.broadcast %jit3A_399 : i32 to vector<16xi32>
          %select_n3A_401 = arith.select %eq3A_398, %masked_cumsum3A, %broadcast_in_dim3A_400 : vector<16xi1>, vector<16xi32>
          %reduce_max3A = arith.constant true
          %reduce_max3A_402 = vector.broadcast %reduce_max3A : i1 to vector<16xi1>
          %reduce_max3A_403 = arith.constant -2147483648 : i32
          %reduce_max3A_404 = vector.broadcast %reduce_max3A_403 : i32 to vector<16xi32>
          %reduce_max3A_405 = arith.xori %select_n3A_401, %reduce_max3A_404 : vector<16xi32>
          %reduce_max3A_406 = tpu.scan <max>, %reduce_max3A_405 masked %reduce_max3A_402 : vector<16xi32>, vector<16xi1> -> vector<16xi32>
          %reduce_max3A_407 = arith.xori %reduce_max3A_406, %reduce_max3A_404 : vector<16xi32>
          %reduce_max3A_408 = vector.extract %reduce_max3A_407[15] : i32 from vector<16xi32>
          %eq3A_409 = vector.broadcast %reduce_min3A_396 : i32 to vector<16xi32>
          %eq3A_410 = arith.cmpi eq, %iota3A_252, %eq3A_409 : vector<16xi32>
          %jit3A_411 = arith.constant 0 : i32
          %broadcast_in_dim3A_412 = vector.broadcast %jit3A_411 : i32 to vector<16xi32>
          %select_n3A_413 = arith.select %eq3A_410, %rev3A_376, %broadcast_in_dim3A_412 : vector<16xi1>, vector<16xi32>
          %reduce_max3A_414 = arith.constant true
          %reduce_max3A_415 = vector.broadcast %reduce_max3A_414 : i1 to vector<16xi1>
          %reduce_max3A_416 = arith.constant -2147483648 : i32
          %reduce_max3A_417 = vector.broadcast %reduce_max3A_416 : i32 to vector<16xi32>
          %reduce_max3A_418 = arith.xori %select_n3A_413, %reduce_max3A_417 : vector<16xi32>
          %reduce_max3A_419 = tpu.scan <max>, %reduce_max3A_418 masked %reduce_max3A_415 : vector<16xi32>, vector<16xi1> -> vector<16xi32>
          %reduce_max3A_420 = arith.xori %reduce_max3A_419, %reduce_max3A_417 : vector<16xi32>
          %reduce_max3A_421 = vector.extract %reduce_max3A_420[15] : i32 from vector<16xi32>
          %mul3A_422 = arith.constant 16 : i32
          %mul3A_423 = arith.muli %sub3A_317, %mul3A_422 : i32
          %add3A_424 = arith.constant 15 : i32
          %add3A_425 = arith.addi %mul3A_423, %add3A_424 : i32
          %sub3A_426 = arith.subi %add3A_425, %reduce_min3A_396 : i32
          %add3A_427 = arith.addi %scan3A_311, %reduce_max3A_408 : i32
          %sub3A_428 = arith.subi %add3A_427, %reduce_max3A_421 : i32
          %sub3A_429 = arith.subi %scan3A_248#3, %sub3A_428 : i32
          %select_n3A_430 = arith.select %and3A_382, %sub3A_426, %scan3A_313 : i32
          %select_n3A_431 = arith.select %and3A_382, %sub3A_429, %scan3A_314 : i32
          %select_n3A_432 = arith.select %and3A_382, %reduce_max3A_421, %scan3A_315 : i32
          %jit3A_433 = arith.constant 1 : i32
          %select_n3A_434 = arith.select %and3A_382, %jit3A_433, %scan3A_312 : i32
          %add3A_435 = arith.addi %scan3A_311, %reduce_sum3A_372 : i32
          scf.yield %add3A_435, %select_n3A_434, %select_n3A_430, %select_n3A_431, %select_n3A_432 : i32, i32, i32, i32, i32
        }
        %scan3A_262 = arith.constant 16 : i32
        %sub3A_263 = arith.constant 2048 : i32
        %sub3A_264 = arith.subi %scan3A_167#2, %sub3A_263 : i32
        %shift_left3A = arith.constant 20 : i32
        %shift_left3A_265 = arith.shli %sub3A_264, %shift_left3A : i32
        %shift_left3A_266 = arith.constant 8 : i32
        %shift_left3A_267 = arith.shli %scan3A_248#2, %shift_left3A_266 : i32
        %or3A = arith.ori %shift_left3A_265, %shift_left3A_267 : i32
        %or3A_268 = arith.ori %or3A, %scan3A_261#2 : i32
        %add3A_269 = arith.constant 1 : i32
        %add3A_270 = arith.addi %select_n3A_83, %add3A_269 : i32
        %jit3A_271 = arith.constant 2 : i32
        %div3A_272 = arith.divsi %add3A_270, %jit3A_271 : i32
        %sign3A_273 = arith.constant 0 : i32
        %sign3A_274 = arith.cmpi sgt, %add3A_270, %sign3A_273 : i32
        %sign3A_275 = arith.extui %sign3A_274 : i1 to i32
        %sign3A_276 = arith.constant 0 : i32
        %sign3A_277 = arith.cmpi slt, %add3A_270, %sign3A_276 : i32
        %sign3A_278 = arith.extui %sign3A_277 : i1 to i32
        %sign3A_279 = arith.subi %sign3A_275, %sign3A_278 : i32
        %sign3A_280 = arith.constant 0 : i32
        %sign3A_281 = arith.cmpi sgt, %jit3A_271, %sign3A_280 : i32
        %sign3A_282 = arith.extui %sign3A_281 : i1 to i32
        %sign3A_283 = arith.constant 0 : i32
        %sign3A_284 = arith.cmpi slt, %jit3A_271, %sign3A_283 : i32
        %sign3A_285 = arith.extui %sign3A_284 : i1 to i32
        %sign3A_286 = arith.subi %sign3A_282, %sign3A_285 : i32
        %ne3A_287 = arith.cmpi ne, %sign3A_279, %sign3A_286 : i32
        %rem3A_288 = arith.remsi %add3A_270, %jit3A_271 : i32
        %ne3A_289 = arith.constant 0 : i32
        %ne3A_290 = arith.cmpi ne, %rem3A_288, %ne3A_289 : i32
        %and3A_291 = arith.andi %ne3A_287, %ne3A_290 : i1
        %sub3A_292 = arith.constant 1 : i32
        %sub3A_293 = arith.subi %div3A_272, %sub3A_292 : i32
        %select_n3A_294 = arith.select %and3A_291, %sub3A_293, %div3A_272 : i32
        %min3A_295 = arith.constant 0 : i32
        %min3A_296 = arith.minsi %min3A_295, %select_n3A_92 : i32
        %add3A_297 = arith.addi %add3A_119, %min3A_296 : i32
        %dma_start3A_298 = tpu.memref_slice %arg2[%add3A_297] : memref<16948192xf32, #tpu.memory_space<hbm>> -> memref<8192xf32, #tpu.memory_space<hbm>>
        %dma_start3A_299 = tpu.memref_slice %arg2[%add3A_297] : memref<16948192xf32, #tpu.memory_space<hbm>> -> memref<8192xf32, #tpu.memory_space<hbm>>
        tpu.enqueue_dma source(%dma_start3A_299 : memref<8192xf32, #tpu.memory_space<hbm>>) target(%arg7 : memref<8192xf32, #tpu.memory_space<vmem>>) target_semaphore(%arg13 : memref<!tpu.dma_semaphore, #tpu.memory_space<semaphore_mem>>)
        %while3A_300 = arith.constant 0 : i32
        %while3A_301 = arith.constant 0 : i32
        %while3A_302 = arith.subi %select_n3A_294, %while3A_301 : i32
        %while3A_303 = arith.addi %while3A_301, %while3A_302 : i32
        %while3A_304 = arith.constant 1 : i32
        %while3A_305 = arith.divsi %while3A_302, %while3A_304 : i32
        %while3A_306 = arith.muli %while3A_305, %while3A_304 : i32
        %while3A_307 = arith.addi %while3A_301, %while3A_306 : i32
        %while3A_308 = arith.constant 1 : i32
        scf.for %while3A_310 = %while3A_301 to %while3A_307 step %while3A_308  : i32 {
          %mul3A_311 = arith.constant 2 : i32
          %mul3A_312 = arith.muli %mul3A_311, %while3A_310 : i32
          %add3A_313 = arith.constant 1 : i32
          %add3A_314 = arith.addi %mul3A_312, %add3A_313 : i32
          %mul3A_315 = arith.constant 8192 : i32
          %mul3A_316 = arith.muli %add3A_314, %mul3A_315 : i32
          %min3A_317 = arith.minsi %mul3A_316, %select_n3A_92 : i32
          %add3A_318 = arith.addi %add3A_119, %min3A_317 : i32
          %dma_start3A_319 = tpu.memref_slice %arg2[%add3A_318] : memref<16948192xf32, #tpu.memory_space<hbm>> -> memref<8192xf32, #tpu.memory_space<hbm>>
          %dma_start3A_320 = tpu.memref_slice %arg2[%add3A_318] : memref<16948192xf32, #tpu.memory_space<hbm>> -> memref<8192xf32, #tpu.memory_space<hbm>>
          tpu.enqueue_dma source(%dma_start3A_320 : memref<8192xf32, #tpu.memory_space<hbm>>) target(%arg8 : memref<8192xf32, #tpu.memory_space<vmem>>) target_semaphore(%arg14 : memref<!tpu.dma_semaphore, #tpu.memory_space<semaphore_mem>>)
          %dma_wait3A = arith.constant 0 : i32
          %dma_wait3A_321 = tpu.memref_slice %arg2[%dma_wait3A] : memref<16948192xf32, #tpu.memory_space<hbm>> -> memref<8192xf32, #tpu.memory_space<hbm>>
          %dma_wait3A_322 = arith.constant 0 : i32
          %dma_wait3A_323 = tpu.memref_slice %arg2[%dma_wait3A_322] : memref<16948192xf32, #tpu.memory_space<hbm>> -> memref<8192xf32, #tpu.memory_space<hbm>>
          tpu.wait_dma2 semaphore(%arg13 : memref<!tpu.dma_semaphore, #tpu.memory_space<semaphore_mem>>) src(%dma_wait3A_323 : memref<8192xf32, #tpu.memory_space<hbm>>) dst(%arg7 : memref<8192xf32, #tpu.memory_space<vmem>>)
          %lt3A_324 = arith.cmpi slt, %mul3A_312, %select_n3A_83 : i32
          %mul3A_325 = arith.constant 8192 : i32
          %mul3A_326 = arith.muli %mul3A_312, %mul3A_325 : i32
          %mul3A_327 = arith.constant 8192 : i32
          %mul3A_328 = arith.muli %mul3A_312, %mul3A_327 : i32
          %min3A_329 = arith.minsi %mul3A_328, %select_n3A_92 : i32
          %sub3A_330 = arith.subi %mul3A_326, %min3A_329 : i32
          %jit3A_331 = arith.constant 8192 : i32
          %select_n3A_332 = arith.select %lt3A_324, %sub3A_330, %jit3A_331 : i32
          %lt3A_333 = arith.cmpi slt, %mul3A_312, %select_n3A_83 : i32
          %mul3A_334 = arith.constant 8192 : i32
          %mul3A_335 = arith.muli %mul3A_312, %mul3A_334 : i32
          %min3A_336 = arith.minsi %mul3A_335, %select_n3A_92 : i32
          %sub3A_337 = arith.subi %select_n3A_61, %min3A_336 : i32
          %jit3A_338 = arith.constant 0 : i32
          %select_n3A_339 = arith.select %lt3A_333, %sub3A_337, %jit3A_338 : i32
          %parallel_loop3A_340 = arith.constant 0 : i32
          %parallel_loop3A_341 = arith.constant 512 : i32
          %parallel_loop3A_342 = arith.constant 1 : i32
          scf.for %parallel_loop3A_434 = %parallel_loop3A_340 to %parallel_loop3A_341 step %parallel_loop3A_342  : i32 {
            %parallel_loop3A_435 = arith.constant 16 : i32
            %parallel_loop3A_436 = arith.muli %parallel_loop3A_434, %parallel_loop3A_435 : i32
            %parallel_loop3A_437 = arith.index_cast %parallel_loop3A_436 : i32 to index
            %parallel_loop3A_438 = tpu.vector_load %arg7[%parallel_loop3A_437] {strides = array<i32>} : memref<8192xf32, #tpu.memory_space<vmem>>, vector<16xf32>,
            %parallel_loop3A_439 = tpu.bitcast %parallel_loop3A_438 : vector<16xf32> -> vector<16xi32>
            %parallel_loop3A_440 = arith.constant 31 : i32
            %parallel_loop3A_441 = vector.broadcast %parallel_loop3A_440 : i32 to vector<16xi32>
            %parallel_loop3A_442 = arith.shrsi %parallel_loop3A_439, %parallel_loop3A_441 : vector<16xi32>
            %parallel_loop3A_443 = arith.constant 2147483647 : i32
            %parallel_loop3A_444 = vector.broadcast %parallel_loop3A_443 : i32 to vector<16xi32>
            %parallel_loop3A_445 = arith.andi %parallel_loop3A_442, %parallel_loop3A_444 : vector<16xi32>
            %parallel_loop3A_446 = arith.xori %parallel_loop3A_439, %parallel_loop3A_445 : vector<16xi32>
            %parallel_loop3A_447 = vector.broadcast %or3A_268 : i32 to vector<16xi32>
            %parallel_loop3A_448 = arith.cmpi sge, %parallel_loop3A_446, %parallel_loop3A_447 : vector<16xi32>
            %parallel_loop3A_449 = arith.constant 1.000000e+00 : f32
            %parallel_loop3A_450 = arith.constant 0.000000e+00 : f32
            %parallel_loop3A_451 = vector.broadcast %parallel_loop3A_449 : f32 to vector<16xf32>
            %parallel_loop3A_452 = vector.broadcast %parallel_loop3A_450 : f32 to vector<16xf32>
            %parallel_loop3A_453 = arith.select %parallel_loop3A_448, %parallel_loop3A_451, %parallel_loop3A_452 : vector<16xi1>, vector<16xf32>
            %parallel_loop3A_454 = arith.constant 16 : i32
            %parallel_loop3A_455 = arith.muli %parallel_loop3A_434, %parallel_loop3A_454 : i32
            %parallel_loop3A_456 = arith.index_cast %parallel_loop3A_455 : i32 to index
            %parallel_loop3A_457 = tpu.vector_load %arg9[%parallel_loop3A_456] {strides = array<i32>} : memref<8192xf32, #tpu.memory_space<vmem>>, vector<16xf32>,
            tpu.vector_store %arg9[%parallel_loop3A_456], %parallel_loop3A_453 {strides = array<i32>} : memref<8192xf32, #tpu.memory_space<vmem>>, vector<16xf32>,
          } {sc.loop_unroll_factor = 4 : i64, sc.parallel_access}
          %mul3A_343 = arith.constant 8192 : i32
          %mul3A_344 = arith.muli %mul3A_312, %mul3A_343 : i32
          %min3A_345 = arith.minsi %mul3A_344, %select_n3A_92 : i32
          %mul3A_346 = arith.muli %select_n3A_52, %select_n3A_61 : i32
          %add3A_347 = arith.addi %mul3A_346, %min3A_345 : i32
          %lt3A_348 = arith.cmpi slt, %mul3A_312, %select_n3A_83 : i32
          %eq3A_349 = arith.constant 0 : i32
          %eq3A_350 = arith.cmpi eq, %select_n3A, %eq3A_349 : i32
          %and3A_351 = arith.andi %lt3A_348, %eq3A_350 : i1
          %convert_element_type3A_352 = arith.extui %and3A_351 : i1 to i32
          %cond3A_353 = arith.constant 0 : i32
          %cond3A_354 = arith.cmpi ne, %convert_element_type3A_352, %cond3A_353 : i32
          scf.if %cond3A_354 {
            "tpu.region"() ({
              %run_scoped3A = tpu.sem_alloc : memref<!tpu.dma_semaphore, #tpu.memory_space<semaphore_mem>>
              %dma_start3A_434 = tpu.memref_slice %arg3[%add3A_347] : memref<780000xf32, #tpu.memory_space<hbm>> -> memref<8192xf32, #tpu.memory_space<hbm>>
              %dma_start3A_435 = tpu.memref_slice %arg3[%add3A_347] : memref<780000xf32, #tpu.memory_space<hbm>> -> memref<8192xf32, #tpu.memory_space<hbm>>
              tpu.enqueue_dma source(%arg9 : memref<8192xf32, #tpu.memory_space<vmem>>) target(%dma_start3A_435 : memref<8192xf32, #tpu.memory_space<hbm>>) target_semaphore(%run_scoped3A : memref<!tpu.dma_semaphore, #tpu.memory_space<semaphore_mem>>)
              %dma_wait3A_436 = tpu.memref_slice %arg3[%add3A_347] : memref<780000xf32, #tpu.memory_space<hbm>> -> memref<8192xf32, #tpu.memory_space<hbm>>
              %dma_wait3A_437 = tpu.memref_slice %arg3[%add3A_347] : memref<780000xf32, #tpu.memory_space<hbm>> -> memref<8192xf32, #tpu.memory_space<hbm>>
              tpu.wait_dma2 semaphore(%run_scoped3A : memref<!tpu.dma_semaphore, #tpu.memory_space<semaphore_mem>>) src(%arg9 : memref<8192xf32, #tpu.memory_space<vmem>>) dst(%dma_wait3A_437 : memref<8192xf32, #tpu.memory_space<hbm>>)
              tpu.yield
            }) : () -> ()
          } else {
          }
          %eq3A_355 = arith.constant 1 : i32
          %eq3A_356 = arith.cmpi eq, %select_n3A, %eq3A_355 : i32
          %and3A_357 = arith.andi %lt3A_348, %eq3A_356 : i1
          %convert_element_type3A_358 = arith.extui %and3A_357 : i1 to i32
          %cond3A_359 = arith.constant 0 : i32
          %cond3A_360 = arith.cmpi ne, %convert_element_type3A_358, %cond3A_359 : i32
          scf.if %cond3A_360 {
            "tpu.region"() ({
              %run_scoped3A = tpu.sem_alloc : memref<!tpu.dma_semaphore, #tpu.memory_space<semaphore_mem>>
              %dma_start3A_434 = tpu.memref_slice %arg4[%add3A_347] : memref<8000000xf32, #tpu.memory_space<hbm>> -> memref<8192xf32, #tpu.memory_space<hbm>>
              %dma_start3A_435 = tpu.memref_slice %arg4[%add3A_347] : memref<8000000xf32, #tpu.memory_space<hbm>> -> memref<8192xf32, #tpu.memory_space<hbm>>
              tpu.enqueue_dma source(%arg9 : memref<8192xf32, #tpu.memory_space<vmem>>) target(%dma_start3A_435 : memref<8192xf32, #tpu.memory_space<hbm>>) target_semaphore(%run_scoped3A : memref<!tpu.dma_semaphore, #tpu.memory_space<semaphore_mem>>)
              %dma_wait3A_436 = tpu.memref_slice %arg4[%add3A_347] : memref<8000000xf32, #tpu.memory_space<hbm>> -> memref<8192xf32, #tpu.memory_space<hbm>>
              %dma_wait3A_437 = tpu.memref_slice %arg4[%add3A_347] : memref<8000000xf32, #tpu.memory_space<hbm>> -> memref<8192xf32, #tpu.memory_space<hbm>>
              tpu.wait_dma2 semaphore(%run_scoped3A : memref<!tpu.dma_semaphore, #tpu.memory_space<semaphore_mem>>) src(%arg9 : memref<8192xf32, #tpu.memory_space<vmem>>) dst(%dma_wait3A_437 : memref<8192xf32, #tpu.memory_space<hbm>>)
              tpu.yield
            }) : () -> ()
          } else {
          }
          %eq3A_361 = arith.constant 2 : i32
          %eq3A_362 = arith.cmpi eq, %select_n3A, %eq3A_361 : i32
          %and3A_363 = arith.andi %lt3A_348, %eq3A_362 : i1
          %convert_element_type3A_364 = arith.extui %and3A_363 : i1 to i32
          %cond3A_365 = arith.constant 0 : i32
          %cond3A_366 = arith.cmpi ne, %convert_element_type3A_364, %cond3A_365 : i32
          scf.if %cond3A_366 {
            "tpu.region"() ({
              %run_scoped3A = tpu.sem_alloc : memref<!tpu.dma_semaphore, #tpu.memory_space<semaphore_mem>>
              %dma_start3A_434 = tpu.memref_slice %arg5[%add3A_347] : memref<8000000xf32, #tpu.memory_space<hbm>> -> memref<8192xf32, #tpu.memory_space<hbm>>
              %dma_start3A_435 = tpu.memref_slice %arg5[%add3A_347] : memref<8000000xf32, #tpu.memory_space<hbm>> -> memref<8192xf32, #tpu.memory_space<hbm>>
              tpu.enqueue_dma source(%arg9 : memref<8192xf32, #tpu.memory_space<vmem>>) target(%dma_start3A_435 : memref<8192xf32, #tpu.memory_space<hbm>>) target_semaphore(%run_scoped3A : memref<!tpu.dma_semaphore, #tpu.memory_space<semaphore_mem>>)
              %dma_wait3A_436 = tpu.memref_slice %arg5[%add3A_347] : memref<8000000xf32, #tpu.memory_space<hbm>> -> memref<8192xf32, #tpu.memory_space<hbm>>
              %dma_wait3A_437 = tpu.memref_slice %arg5[%add3A_347] : memref<8000000xf32, #tpu.memory_space<hbm>> -> memref<8192xf32, #tpu.memory_space<hbm>>
              tpu.wait_dma2 semaphore(%run_scoped3A : memref<!tpu.dma_semaphore, #tpu.memory_space<semaphore_mem>>) src(%arg9 : memref<8192xf32, #tpu.memory_space<vmem>>) dst(%dma_wait3A_437 : memref<8192xf32, #tpu.memory_space<hbm>>)
              tpu.yield
            }) : () -> ()
          } else {
          }
          %eq3A_367 = arith.constant 3 : i32
          %eq3A_368 = arith.cmpi eq, %select_n3A, %eq3A_367 : i32
          %and3A_369 = arith.andi %lt3A_348, %eq3A_368 : i1
          %convert_element_type3A_370 = arith.extui %and3A_369 : i1 to i32
          %cond3A_371 = arith.constant 0 : i32
          %cond3A_372 = arith.cmpi ne, %convert_element_type3A_370, %cond3A_371 : i32
          scf.if %cond3A_372 {
            "tpu.region"() ({
              %run_scoped3A = tpu.sem_alloc : memref<!tpu.dma_semaphore, #tpu.memory_space<semaphore_mem>>
              %dma_start3A_434 = arith.constant 0 : i32
              %dma_start3A_435 = tpu.memref_slice %arg9[%dma_start3A_434] : memref<8192xf32, #tpu.memory_space<vmem>> -> memref<3200xf32, #tpu.memory_space<vmem>>
              %dma_start3A_436 = tpu.memref_slice %arg6[%add3A_347] : memref<160000xf32, #tpu.memory_space<hbm>> -> memref<3200xf32, #tpu.memory_space<hbm>>
              %dma_start3A_437 = tpu.memref_slice %arg6[%add3A_347] : memref<160000xf32, #tpu.memory_space<hbm>> -> memref<3200xf32, #tpu.memory_space<hbm>>
              %dma_start3A_438 = arith.constant 0 : i32
              %dma_start3A_439 = tpu.memref_slice %arg9[%dma_start3A_438] : memref<8192xf32, #tpu.memory_space<vmem>> -> memref<3200xf32, #tpu.memory_space<vmem>>
              tpu.enqueue_dma source(%dma_start3A_439 : memref<3200xf32, #tpu.memory_space<vmem>>) target(%dma_start3A_437 : memref<3200xf32, #tpu.memory_space<hbm>>) target_semaphore(%run_scoped3A : memref<!tpu.dma_semaphore, #tpu.memory_space<semaphore_mem>>)
              %dma_wait3A_440 = arith.constant 0 : i32
              %dma_wait3A_441 = tpu.memref_slice %arg9[%dma_wait3A_440] : memref<8192xf32, #tpu.memory_space<vmem>> -> memref<3200xf32, #tpu.memory_space<vmem>>
              %dma_wait3A_442 = tpu.memref_slice %arg6[%add3A_347] : memref<160000xf32, #tpu.memory_space<hbm>> -> memref<3200xf32, #tpu.memory_space<hbm>>
              %dma_wait3A_443 = tpu.memref_slice %arg6[%add3A_347] : memref<160000xf32, #tpu.memory_space<hbm>> -> memref<3200xf32, #tpu.memory_space<hbm>>
              %dma_wait3A_444 = arith.constant 0 : i32
              %dma_wait3A_445 = tpu.memref_slice %arg9[%dma_wait3A_444] : memref<8192xf32, #tpu.memory_space<vmem>> -> memref<3200xf32, #tpu.memory_space<vmem>>
              tpu.wait_dma2 semaphore(%run_scoped3A : memref<!tpu.dma_semaphore, #tpu.memory_space<semaphore_mem>>) src(%dma_wait3A_445 : memref<3200xf32, #tpu.memory_space<vmem>>) dst(%dma_wait3A_443 : memref<3200xf32, #tpu.memory_space<hbm>>)
              tpu.yield
            }) : () -> ()
          } else {
          }
          %add3A_373 = arith.constant 2 : i32
          %add3A_374 = arith.addi %mul3A_312, %add3A_373 : i32
          %mul3A_375 = arith.constant 2 : i32
          %mul3A_376 = arith.muli %mul3A_375, %select_n3A_294 : i32
          %lt3A_377 = arith.cmpi slt, %add3A_374, %mul3A_376 : i32
          %convert_element_type3A_378 = arith.extui %lt3A_377 : i1 to i32
          %cond3A_379 = arith.constant 0 : i32
          %cond3A_380 = arith.cmpi ne, %convert_element_type3A_378, %cond3A_379 : i32
          scf.if %cond3A_380 {
            %add3A_434 = arith.constant 2 : i32
            %add3A_435 = arith.addi %mul3A_312, %add3A_434 : i32
            %mul3A_436 = arith.constant 8192 : i32
            %mul3A_437 = arith.muli %add3A_435, %mul3A_436 : i32
            %min3A_438 = arith.minsi %mul3A_437, %select_n3A_92 : i32
            %add3A_439 = arith.addi %add3A_119, %min3A_438 : i32
            %dma_start3A_440 = tpu.memref_slice %arg2[%add3A_439] : memref<16948192xf32, #tpu.memory_space<hbm>> -> memref<8192xf32, #tpu.memory_space<hbm>>
            %dma_start3A_441 = tpu.memref_slice %arg2[%add3A_439] : memref<16948192xf32, #tpu.memory_space<hbm>> -> memref<8192xf32, #tpu.memory_space<hbm>>
            tpu.enqueue_dma source(%dma_start3A_441 : memref<8192xf32, #tpu.memory_space<hbm>>) target(%arg7 : memref<8192xf32, #tpu.memory_space<vmem>>) target_semaphore(%arg13 : memref<!tpu.dma_semaphore, #tpu.memory_space<semaphore_mem>>)
          } else {
          }
          %dma_wait3A_381 = arith.constant 0 : i32
          %dma_wait3A_382 = tpu.memref_slice %arg2[%dma_wait3A_381] : memref<16948192xf32, #tpu.memory_space<hbm>> -> memref<8192xf32, #tpu.memory_space<hbm>>
          %dma_wait3A_383 = arith.constant 0 : i32
          %dma_wait3A_384 = tpu.memref_slice %arg2[%dma_wait3A_383] : memref<16948192xf32, #tpu.memory_space<hbm>> -> memref<8192xf32, #tpu.memory_space<hbm>>
          tpu.wait_dma2 semaphore(%arg14 : memref<!tpu.dma_semaphore, #tpu.memory_space<semaphore_mem>>) src(%dma_wait3A_384 : memref<8192xf32, #tpu.memory_space<hbm>>) dst(%arg8 : memref<8192xf32, #tpu.memory_space<vmem>>)
          %lt3A_385 = arith.cmpi slt, %add3A_314, %select_n3A_83 : i32
          %mul3A_386 = arith.constant 8192 : i32
          %mul3A_387 = arith.muli %add3A_314, %mul3A_386 : i32
          %mul3A_388 = arith.constant 8192 : i32
          %mul3A_389 = arith.muli %add3A_314, %mul3A_388 : i32
          %min3A_390 = arith.minsi %mul3A_389, %select_n3A_92 : i32
          %sub3A_391 = arith.subi %mul3A_387, %min3A_390 : i32
          %jit3A_392 = arith.constant 8192 : i32
          %select_n3A_393 = arith.select %lt3A_385, %sub3A_391, %jit3A_392 : i32
          %lt3A_394 = arith.cmpi slt, %add3A_314, %select_n3A_83 : i32
          %mul3A_395 = arith.constant 8192 : i32
          %mul3A_396 = arith.muli %add3A_314, %mul3A_395 : i32
          %min3A_397 = arith.minsi %mul3A_396, %select_n3A_92 : i32
          %sub3A_398 = arith.subi %select_n3A_61, %min3A_397 : i32
          %jit3A_399 = arith.constant 0 : i32
          %select_n3A_400 = arith.select %lt3A_394, %sub3A_398, %jit3A_399 : i32
          %parallel_loop3A_401 = arith.constant 0 : i32
          %parallel_loop3A_402 = arith.constant 512 : i32
          %parallel_loop3A_403 = arith.constant 1 : i32
          scf.for %parallel_loop3A_434 = %parallel_loop3A_401 to %parallel_loop3A_402 step %parallel_loop3A_403  : i32 {
            %parallel_loop3A_435 = arith.constant 16 : i32
            %parallel_loop3A_436 = arith.muli %parallel_loop3A_434, %parallel_loop3A_435 : i32
            %parallel_loop3A_437 = arith.index_cast %parallel_loop3A_436 : i32 to index
            %parallel_loop3A_438 = tpu.vector_load %arg8[%parallel_loop3A_437] {strides = array<i32>} : memref<8192xf32, #tpu.memory_space<vmem>>, vector<16xf32>,
            %parallel_loop3A_439 = tpu.bitcast %parallel_loop3A_438 : vector<16xf32> -> vector<16xi32>
            %parallel_loop3A_440 = arith.constant 31 : i32
            %parallel_loop3A_441 = vector.broadcast %parallel_loop3A_440 : i32 to vector<16xi32>
            %parallel_loop3A_442 = arith.shrsi %parallel_loop3A_439, %parallel_loop3A_441 : vector<16xi32>
            %parallel_loop3A_443 = arith.constant 2147483647 : i32
            %parallel_loop3A_444 = vector.broadcast %parallel_loop3A_443 : i32 to vector<16xi32>
            %parallel_loop3A_445 = arith.andi %parallel_loop3A_442, %parallel_loop3A_444 : vector<16xi32>
            %parallel_loop3A_446 = arith.xori %parallel_loop3A_439, %parallel_loop3A_445 : vector<16xi32>
            %parallel_loop3A_447 = vector.broadcast %or3A_268 : i32 to vector<16xi32>
            %parallel_loop3A_448 = arith.cmpi sge, %parallel_loop3A_446, %parallel_loop3A_447 : vector<16xi32>
            %parallel_loop3A_449 = arith.constant 1.000000e+00 : f32
            %parallel_loop3A_450 = arith.constant 0.000000e+00 : f32
            %parallel_loop3A_451 = vector.broadcast %parallel_loop3A_449 : f32 to vector<16xf32>
            %parallel_loop3A_452 = vector.broadcast %parallel_loop3A_450 : f32 to vector<16xf32>
            %parallel_loop3A_453 = arith.select %parallel_loop3A_448, %parallel_loop3A_451, %parallel_loop3A_452 : vector<16xi1>, vector<16xf32>
            %parallel_loop3A_454 = arith.constant 16 : i32
            %parallel_loop3A_455 = arith.muli %parallel_loop3A_434, %parallel_loop3A_454 : i32
            %parallel_loop3A_456 = arith.index_cast %parallel_loop3A_455 : i32 to index
            %parallel_loop3A_457 = tpu.vector_load %arg9[%parallel_loop3A_456] {strides = array<i32>} : memref<8192xf32, #tpu.memory_space<vmem>>, vector<16xf32>,
            tpu.vector_store %arg9[%parallel_loop3A_456], %parallel_loop3A_453 {strides = array<i32>} : memref<8192xf32, #tpu.memory_space<vmem>>, vector<16xf32>,
          } {sc.loop_unroll_factor = 4 : i64, sc.parallel_access}
          %mul3A_404 = arith.constant 8192 : i32
          %mul3A_405 = arith.muli %add3A_314, %mul3A_404 : i32
          %min3A_406 = arith.minsi %mul3A_405, %select_n3A_92 : i32
          %mul3A_407 = arith.muli %select_n3A_52, %select_n3A_61 : i32
          %add3A_408 = arith.addi %mul3A_407, %min3A_406 : i32
          %lt3A_409 = arith.cmpi slt, %add3A_314, %select_n3A_83 : i32
          %eq3A_410 = arith.constant 0 : i32
          %eq3A_411 = arith.cmpi eq, %select_n3A, %eq3A_410 : i32
          %and3A_412 = arith.andi %lt3A_409, %eq3A_411 : i1
          %convert_element_type3A_413 = arith.extui %and3A_412 : i1 to i32
          %cond3A_414 = arith.constant 0 : i32
          %cond3A_415 = arith.cmpi ne, %convert_element_type3A_413, %cond3A_414 : i32
          scf.if %cond3A_415 {
            "tpu.region"() ({
              %run_scoped3A = tpu.sem_alloc : memref<!tpu.dma_semaphore, #tpu.memory_space<semaphore_mem>>
              %dma_start3A_434 = tpu.memref_slice %arg3[%add3A_408] : memref<780000xf32, #tpu.memory_space<hbm>> -> memref<8192xf32, #tpu.memory_space<hbm>>
              %dma_start3A_435 = tpu.memref_slice %arg3[%add3A_408] : memref<780000xf32, #tpu.memory_space<hbm>> -> memref<8192xf32, #tpu.memory_space<hbm>>
              tpu.enqueue_dma source(%arg9 : memref<8192xf32, #tpu.memory_space<vmem>>) target(%dma_start3A_435 : memref<8192xf32, #tpu.memory_space<hbm>>) target_semaphore(%run_scoped3A : memref<!tpu.dma_semaphore, #tpu.memory_space<semaphore_mem>>)
              %dma_wait3A_436 = tpu.memref_slice %arg3[%add3A_408] : memref<780000xf32, #tpu.memory_space<hbm>> -> memref<8192xf32, #tpu.memory_space<hbm>>
              %dma_wait3A_437 = tpu.memref_slice %arg3[%add3A_408] : memref<780000xf32, #tpu.memory_space<hbm>> -> memref<8192xf32, #tpu.memory_space<hbm>>
              tpu.wait_dma2 semaphore(%run_scoped3A : memref<!tpu.dma_semaphore, #tpu.memory_space<semaphore_mem>>) src(%arg9 : memref<8192xf32, #tpu.memory_space<vmem>>) dst(%dma_wait3A_437 : memref<8192xf32, #tpu.memory_space<hbm>>)
              tpu.yield
            }) : () -> ()
          } else {
          }
          %eq3A_416 = arith.constant 1 : i32
          %eq3A_417 = arith.cmpi eq, %select_n3A, %eq3A_416 : i32
          %and3A_418 = arith.andi %lt3A_409, %eq3A_417 : i1
          %convert_element_type3A_419 = arith.extui %and3A_418 : i1 to i32
          %cond3A_420 = arith.constant 0 : i32
          %cond3A_421 = arith.cmpi ne, %convert_element_type3A_419, %cond3A_420 : i32
          scf.if %cond3A_421 {
            "tpu.region"() ({
              %run_scoped3A = tpu.sem_alloc : memref<!tpu.dma_semaphore, #tpu.memory_space<semaphore_mem>>
              %dma_start3A_434 = tpu.memref_slice %arg4[%add3A_408] : memref<8000000xf32, #tpu.memory_space<hbm>> -> memref<8192xf32, #tpu.memory_space<hbm>>
              %dma_start3A_435 = tpu.memref_slice %arg4[%add3A_408] : memref<8000000xf32, #tpu.memory_space<hbm>> -> memref<8192xf32, #tpu.memory_space<hbm>>
              tpu.enqueue_dma source(%arg9 : memref<8192xf32, #tpu.memory_space<vmem>>) target(%dma_start3A_435 : memref<8192xf32, #tpu.memory_space<hbm>>) target_semaphore(%run_scoped3A : memref<!tpu.dma_semaphore, #tpu.memory_space<semaphore_mem>>)
              %dma_wait3A_436 = tpu.memref_slice %arg4[%add3A_408] : memref<8000000xf32, #tpu.memory_space<hbm>> -> memref<8192xf32, #tpu.memory_space<hbm>>
              %dma_wait3A_437 = tpu.memref_slice %arg4[%add3A_408] : memref<8000000xf32, #tpu.memory_space<hbm>> -> memref<8192xf32, #tpu.memory_space<hbm>>
              tpu.wait_dma2 semaphore(%run_scoped3A : memref<!tpu.dma_semaphore, #tpu.memory_space<semaphore_mem>>) src(%arg9 : memref<8192xf32, #tpu.memory_space<vmem>>) dst(%dma_wait3A_437 : memref<8192xf32, #tpu.memory_space<hbm>>)
              tpu.yield
            }) : () -> ()
          } else {
          }
          %eq3A_422 = arith.constant 2 : i32
          %eq3A_423 = arith.cmpi eq, %select_n3A, %eq3A_422 : i32
          %and3A_424 = arith.andi %lt3A_409, %eq3A_423 : i1
          %convert_element_type3A_425 = arith.extui %and3A_424 : i1 to i32
          %cond3A_426 = arith.constant 0 : i32
          %cond3A_427 = arith.cmpi ne, %convert_element_type3A_425, %cond3A_426 : i32
          scf.if %cond3A_427 {
            "tpu.region"() ({
              %run_scoped3A = tpu.sem_alloc : memref<!tpu.dma_semaphore, #tpu.memory_space<semaphore_mem>>
              %dma_start3A_434 = tpu.memref_slice %arg5[%add3A_408] : memref<8000000xf32, #tpu.memory_space<hbm>> -> memref<8192xf32, #tpu.memory_space<hbm>>
              %dma_start3A_435 = tpu.memref_slice %arg5[%add3A_408] : memref<8000000xf32, #tpu.memory_space<hbm>> -> memref<8192xf32, #tpu.memory_space<hbm>>
              tpu.enqueue_dma source(%arg9 : memref<8192xf32, #tpu.memory_space<vmem>>) target(%dma_start3A_435 : memref<8192xf32, #tpu.memory_space<hbm>>) target_semaphore(%run_scoped3A : memref<!tpu.dma_semaphore, #tpu.memory_space<semaphore_mem>>)
              %dma_wait3A_436 = tpu.memref_slice %arg5[%add3A_408] : memref<8000000xf32, #tpu.memory_space<hbm>> -> memref<8192xf32, #tpu.memory_space<hbm>>
              %dma_wait3A_437 = tpu.memref_slice %arg5[%add3A_408] : memref<8000000xf32, #tpu.memory_space<hbm>> -> memref<8192xf32, #tpu.memory_space<hbm>>
              tpu.wait_dma2 semaphore(%run_scoped3A : memref<!tpu.dma_semaphore, #tpu.memory_space<semaphore_mem>>) src(%arg9 : memref<8192xf32, #tpu.memory_space<vmem>>) dst(%dma_wait3A_437 : memref<8192xf32, #tpu.memory_space<hbm>>)
              tpu.yield
            }) : () -> ()
          } else {
          }
          %eq3A_428 = arith.constant 3 : i32
          %eq3A_429 = arith.cmpi eq, %select_n3A, %eq3A_428 : i32
          %and3A_430 = arith.andi %lt3A_409, %eq3A_429 : i1
          %convert_element_type3A_431 = arith.extui %and3A_430 : i1 to i32
          %cond3A_432 = arith.constant 0 : i32
          %cond3A_433 = arith.cmpi ne, %convert_element_type3A_431, %cond3A_432 : i32
          scf.if %cond3A_433 {
            "tpu.region"() ({
              %run_scoped3A = tpu.sem_alloc : memref<!tpu.dma_semaphore, #tpu.memory_space<semaphore_mem>>
              %dma_start3A_434 = arith.constant 0 : i32
              %dma_start3A_435 = tpu.memref_slice %arg9[%dma_start3A_434] : memref<8192xf32, #tpu.memory_space<vmem>> -> memref<3200xf32, #tpu.memory_space<vmem>>
              %dma_start3A_436 = tpu.memref_slice %arg6[%add3A_408] : memref<160000xf32, #tpu.memory_space<hbm>> -> memref<3200xf32, #tpu.memory_space<hbm>>
              %dma_start3A_437 = tpu.memref_slice %arg6[%add3A_408] : memref<160000xf32, #tpu.memory_space<hbm>> -> memref<3200xf32, #tpu.memory_space<hbm>>
              %dma_start3A_438 = arith.constant 0 : i32
              %dma_start3A_439 = tpu.memref_slice %arg9[%dma_start3A_438] : memref<8192xf32, #tpu.memory_space<vmem>> -> memref<3200xf32, #tpu.memory_space<vmem>>
              tpu.enqueue_dma source(%dma_start3A_439 : memref<3200xf32, #tpu.memory_space<vmem>>) target(%dma_start3A_437 : memref<3200xf32, #tpu.memory_space<hbm>>) target_semaphore(%run_scoped3A : memref<!tpu.dma_semaphore, #tpu.memory_space<semaphore_mem>>)
              %dma_wait3A_440 = arith.constant 0 : i32
              %dma_wait3A_441 = tpu.memref_slice %arg9[%dma_wait3A_440] : memref<8192xf32, #tpu.memory_space<vmem>> -> memref<3200xf32, #tpu.memory_space<vmem>>
              %dma_wait3A_442 = tpu.memref_slice %arg6[%add3A_408] : memref<160000xf32, #tpu.memory_space<hbm>> -> memref<3200xf32, #tpu.memory_space<hbm>>
              %dma_wait3A_443 = tpu.memref_slice %arg6[%add3A_408] : memref<160000xf32, #tpu.memory_space<hbm>> -> memref<3200xf32, #tpu.memory_space<hbm>>
              %dma_wait3A_444 = arith.constant 0 : i32
              %dma_wait3A_445 = tpu.memref_slice %arg9[%dma_wait3A_444] : memref<8192xf32, #tpu.memory_space<vmem>> -> memref<3200xf32, #tpu.memory_space<vmem>>
              tpu.wait_dma2 semaphore(%run_scoped3A : memref<!tpu.dma_semaphore, #tpu.memory_space<semaphore_mem>>) src(%dma_wait3A_445 : memref<3200xf32, #tpu.memory_space<vmem>>) dst(%dma_wait3A_443 : memref<3200xf32, #tpu.memory_space<hbm>>)
              tpu.yield
            }) : () -> ()
          } else {
          }
        }
        %while3A_309 = arith.constant 1 : i32
        scf.for %while3A_310 = %while3A_307 to %while3A_303 step %while3A_309  : i32 {
          %mul3A_311 = arith.constant 2 : i32
          %mul3A_312 = arith.muli %mul3A_311, %while3A_310 : i32
          %add3A_313 = arith.constant 1 : i32
          %add3A_314 = arith.addi %mul3A_312, %add3A_313 : i32
          %mul3A_315 = arith.constant 8192 : i32
          %mul3A_316 = arith.muli %add3A_314, %mul3A_315 : i32
          %min3A_317 = arith.minsi %mul3A_316, %select_n3A_92 : i32
          %add3A_318 = arith.addi %add3A_119, %min3A_317 : i32
          %dma_start3A_319 = tpu.memref_slice %arg2[%add3A_318] : memref<16948192xf32, #tpu.memory_space<hbm>> -> memref<8192xf32, #tpu.memory_space<hbm>>
          %dma_start3A_320 = tpu.memref_slice %arg2[%add3A_318] : memref<16948192xf32, #tpu.memory_space<hbm>> -> memref<8192xf32, #tpu.memory_space<hbm>>
          tpu.enqueue_dma source(%dma_start3A_320 : memref<8192xf32, #tpu.memory_space<hbm>>) target(%arg8 : memref<8192xf32, #tpu.memory_space<vmem>>) target_semaphore(%arg14 : memref<!tpu.dma_semaphore, #tpu.memory_space<semaphore_mem>>)
          %dma_wait3A = arith.constant 0 : i32
          %dma_wait3A_321 = tpu.memref_slice %arg2[%dma_wait3A] : memref<16948192xf32, #tpu.memory_space<hbm>> -> memref<8192xf32, #tpu.memory_space<hbm>>
          %dma_wait3A_322 = arith.constant 0 : i32
          %dma_wait3A_323 = tpu.memref_slice %arg2[%dma_wait3A_322] : memref<16948192xf32, #tpu.memory_space<hbm>> -> memref<8192xf32, #tpu.memory_space<hbm>>
          tpu.wait_dma2 semaphore(%arg13 : memref<!tpu.dma_semaphore, #tpu.memory_space<semaphore_mem>>) src(%dma_wait3A_323 : memref<8192xf32, #tpu.memory_space<hbm>>) dst(%arg7 : memref<8192xf32, #tpu.memory_space<vmem>>)
          %lt3A_324 = arith.cmpi slt, %mul3A_312, %select_n3A_83 : i32
          %mul3A_325 = arith.constant 8192 : i32
          %mul3A_326 = arith.muli %mul3A_312, %mul3A_325 : i32
          %mul3A_327 = arith.constant 8192 : i32
          %mul3A_328 = arith.muli %mul3A_312, %mul3A_327 : i32
          %min3A_329 = arith.minsi %mul3A_328, %select_n3A_92 : i32
          %sub3A_330 = arith.subi %mul3A_326, %min3A_329 : i32
          %jit3A_331 = arith.constant 8192 : i32
          %select_n3A_332 = arith.select %lt3A_324, %sub3A_330, %jit3A_331 : i32
          %lt3A_333 = arith.cmpi slt, %mul3A_312, %select_n3A_83 : i32
          %mul3A_334 = arith.constant 8192 : i32
          %mul3A_335 = arith.muli %mul3A_312, %mul3A_334 : i32
          %min3A_336 = arith.minsi %mul3A_335, %select_n3A_92 : i32
          %sub3A_337 = arith.subi %select_n3A_61, %min3A_336 : i32
          %jit3A_338 = arith.constant 0 : i32
          %select_n3A_339 = arith.select %lt3A_333, %sub3A_337, %jit3A_338 : i32
          %parallel_loop3A_340 = arith.constant 0 : i32
          %parallel_loop3A_341 = arith.constant 512 : i32
          %parallel_loop3A_342 = arith.constant 1 : i32
          scf.for %parallel_loop3A_434 = %parallel_loop3A_340 to %parallel_loop3A_341 step %parallel_loop3A_342  : i32 {
            %parallel_loop3A_435 = arith.constant 16 : i32
            %parallel_loop3A_436 = arith.muli %parallel_loop3A_434, %parallel_loop3A_435 : i32
            %parallel_loop3A_437 = arith.index_cast %parallel_loop3A_436 : i32 to index
            %parallel_loop3A_438 = tpu.vector_load %arg7[%parallel_loop3A_437] {strides = array<i32>} : memref<8192xf32, #tpu.memory_space<vmem>>, vector<16xf32>,
            %parallel_loop3A_439 = tpu.bitcast %parallel_loop3A_438 : vector<16xf32> -> vector<16xi32>
            %parallel_loop3A_440 = arith.constant 31 : i32
            %parallel_loop3A_441 = vector.broadcast %parallel_loop3A_440 : i32 to vector<16xi32>
            %parallel_loop3A_442 = arith.shrsi %parallel_loop3A_439, %parallel_loop3A_441 : vector<16xi32>
            %parallel_loop3A_443 = arith.constant 2147483647 : i32
            %parallel_loop3A_444 = vector.broadcast %parallel_loop3A_443 : i32 to vector<16xi32>
            %parallel_loop3A_445 = arith.andi %parallel_loop3A_442, %parallel_loop3A_444 : vector<16xi32>
            %parallel_loop3A_446 = arith.xori %parallel_loop3A_439, %parallel_loop3A_445 : vector<16xi32>
            %parallel_loop3A_447 = vector.broadcast %or3A_268 : i32 to vector<16xi32>
            %parallel_loop3A_448 = arith.cmpi sge, %parallel_loop3A_446, %parallel_loop3A_447 : vector<16xi32>
            %parallel_loop3A_449 = arith.constant 1.000000e+00 : f32
            %parallel_loop3A_450 = arith.constant 0.000000e+00 : f32
            %parallel_loop3A_451 = vector.broadcast %parallel_loop3A_449 : f32 to vector<16xf32>
            %parallel_loop3A_452 = vector.broadcast %parallel_loop3A_450 : f32 to vector<16xf32>
            %parallel_loop3A_453 = arith.select %parallel_loop3A_448, %parallel_loop3A_451, %parallel_loop3A_452 : vector<16xi1>, vector<16xf32>
            %parallel_loop3A_454 = arith.constant 16 : i32
            %parallel_loop3A_455 = arith.muli %parallel_loop3A_434, %parallel_loop3A_454 : i32
            %parallel_loop3A_456 = arith.index_cast %parallel_loop3A_455 : i32 to index
            %parallel_loop3A_457 = tpu.vector_load %arg9[%parallel_loop3A_456] {strides = array<i32>} : memref<8192xf32, #tpu.memory_space<vmem>>, vector<16xf32>,
            tpu.vector_store %arg9[%parallel_loop3A_456], %parallel_loop3A_453 {strides = array<i32>} : memref<8192xf32, #tpu.memory_space<vmem>>, vector<16xf32>,
          } {sc.loop_unroll_factor = 4 : i64, sc.parallel_access}
          %mul3A_343 = arith.constant 8192 : i32
          %mul3A_344 = arith.muli %mul3A_312, %mul3A_343 : i32
          %min3A_345 = arith.minsi %mul3A_344, %select_n3A_92 : i32
          %mul3A_346 = arith.muli %select_n3A_52, %select_n3A_61 : i32
          %add3A_347 = arith.addi %mul3A_346, %min3A_345 : i32
          %lt3A_348 = arith.cmpi slt, %mul3A_312, %select_n3A_83 : i32
          %eq3A_349 = arith.constant 0 : i32
          %eq3A_350 = arith.cmpi eq, %select_n3A, %eq3A_349 : i32
          %and3A_351 = arith.andi %lt3A_348, %eq3A_350 : i1
          %convert_element_type3A_352 = arith.extui %and3A_351 : i1 to i32
          %cond3A_353 = arith.constant 0 : i32
          %cond3A_354 = arith.cmpi ne, %convert_element_type3A_352, %cond3A_353 : i32
          scf.if %cond3A_354 {
            "tpu.region"() ({
              %run_scoped3A = tpu.sem_alloc : memref<!tpu.dma_semaphore, #tpu.memory_space<semaphore_mem>>
              %dma_start3A_434 = tpu.memref_slice %arg3[%add3A_347] : memref<780000xf32, #tpu.memory_space<hbm>> -> memref<8192xf32, #tpu.memory_space<hbm>>
              %dma_start3A_435 = tpu.memref_slice %arg3[%add3A_347] : memref<780000xf32, #tpu.memory_space<hbm>> -> memref<8192xf32, #tpu.memory_space<hbm>>
              tpu.enqueue_dma source(%arg9 : memref<8192xf32, #tpu.memory_space<vmem>>) target(%dma_start3A_435 : memref<8192xf32, #tpu.memory_space<hbm>>) target_semaphore(%run_scoped3A : memref<!tpu.dma_semaphore, #tpu.memory_space<semaphore_mem>>)
              %dma_wait3A_436 = tpu.memref_slice %arg3[%add3A_347] : memref<780000xf32, #tpu.memory_space<hbm>> -> memref<8192xf32, #tpu.memory_space<hbm>>
              %dma_wait3A_437 = tpu.memref_slice %arg3[%add3A_347] : memref<780000xf32, #tpu.memory_space<hbm>> -> memref<8192xf32, #tpu.memory_space<hbm>>
              tpu.wait_dma2 semaphore(%run_scoped3A : memref<!tpu.dma_semaphore, #tpu.memory_space<semaphore_mem>>) src(%arg9 : memref<8192xf32, #tpu.memory_space<vmem>>) dst(%dma_wait3A_437 : memref<8192xf32, #tpu.memory_space<hbm>>)
              tpu.yield
            }) : () -> ()
          } else {
          }
          %eq3A_355 = arith.constant 1 : i32
          %eq3A_356 = arith.cmpi eq, %select_n3A, %eq3A_355 : i32
          %and3A_357 = arith.andi %lt3A_348, %eq3A_356 : i1
          %convert_element_type3A_358 = arith.extui %and3A_357 : i1 to i32
          %cond3A_359 = arith.constant 0 : i32
          %cond3A_360 = arith.cmpi ne, %convert_element_type3A_358, %cond3A_359 : i32
          scf.if %cond3A_360 {
            "tpu.region"() ({
              %run_scoped3A = tpu.sem_alloc : memref<!tpu.dma_semaphore, #tpu.memory_space<semaphore_mem>>
              %dma_start3A_434 = tpu.memref_slice %arg4[%add3A_347] : memref<8000000xf32, #tpu.memory_space<hbm>> -> memref<8192xf32, #tpu.memory_space<hbm>>
              %dma_start3A_435 = tpu.memref_slice %arg4[%add3A_347] : memref<8000000xf32, #tpu.memory_space<hbm>> -> memref<8192xf32, #tpu.memory_space<hbm>>
              tpu.enqueue_dma source(%arg9 : memref<8192xf32, #tpu.memory_space<vmem>>) target(%dma_start3A_435 : memref<8192xf32, #tpu.memory_space<hbm>>) target_semaphore(%run_scoped3A : memref<!tpu.dma_semaphore, #tpu.memory_space<semaphore_mem>>)
              %dma_wait3A_436 = tpu.memref_slice %arg4[%add3A_347] : memref<8000000xf32, #tpu.memory_space<hbm>> -> memref<8192xf32, #tpu.memory_space<hbm>>
              %dma_wait3A_437 = tpu.memref_slice %arg4[%add3A_347] : memref<8000000xf32, #tpu.memory_space<hbm>> -> memref<8192xf32, #tpu.memory_space<hbm>>
              tpu.wait_dma2 semaphore(%run_scoped3A : memref<!tpu.dma_semaphore, #tpu.memory_space<semaphore_mem>>) src(%arg9 : memref<8192xf32, #tpu.memory_space<vmem>>) dst(%dma_wait3A_437 : memref<8192xf32, #tpu.memory_space<hbm>>)
              tpu.yield
            }) : () -> ()
          } else {
          }
          %eq3A_361 = arith.constant 2 : i32
          %eq3A_362 = arith.cmpi eq, %select_n3A, %eq3A_361 : i32
          %and3A_363 = arith.andi %lt3A_348, %eq3A_362 : i1
          %convert_element_type3A_364 = arith.extui %and3A_363 : i1 to i32
          %cond3A_365 = arith.constant 0 : i32
          %cond3A_366 = arith.cmpi ne, %convert_element_type3A_364, %cond3A_365 : i32
          scf.if %cond3A_366 {
            "tpu.region"() ({
              %run_scoped3A = tpu.sem_alloc : memref<!tpu.dma_semaphore, #tpu.memory_space<semaphore_mem>>
              %dma_start3A_434 = tpu.memref_slice %arg5[%add3A_347] : memref<8000000xf32, #tpu.memory_space<hbm>> -> memref<8192xf32, #tpu.memory_space<hbm>>
              %dma_start3A_435 = tpu.memref_slice %arg5[%add3A_347] : memref<8000000xf32, #tpu.memory_space<hbm>> -> memref<8192xf32, #tpu.memory_space<hbm>>
              tpu.enqueue_dma source(%arg9 : memref<8192xf32, #tpu.memory_space<vmem>>) target(%dma_start3A_435 : memref<8192xf32, #tpu.memory_space<hbm>>) target_semaphore(%run_scoped3A : memref<!tpu.dma_semaphore, #tpu.memory_space<semaphore_mem>>)
              %dma_wait3A_436 = tpu.memref_slice %arg5[%add3A_347] : memref<8000000xf32, #tpu.memory_space<hbm>> -> memref<8192xf32, #tpu.memory_space<hbm>>
              %dma_wait3A_437 = tpu.memref_slice %arg5[%add3A_347] : memref<8000000xf32, #tpu.memory_space<hbm>> -> memref<8192xf32, #tpu.memory_space<hbm>>
              tpu.wait_dma2 semaphore(%run_scoped3A : memref<!tpu.dma_semaphore, #tpu.memory_space<semaphore_mem>>) src(%arg9 : memref<8192xf32, #tpu.memory_space<vmem>>) dst(%dma_wait3A_437 : memref<8192xf32, #tpu.memory_space<hbm>>)
              tpu.yield
            }) : () -> ()
          } else {
          }
          %eq3A_367 = arith.constant 3 : i32
          %eq3A_368 = arith.cmpi eq, %select_n3A, %eq3A_367 : i32
          %and3A_369 = arith.andi %lt3A_348, %eq3A_368 : i1
          %convert_element_type3A_370 = arith.extui %and3A_369 : i1 to i32
          %cond3A_371 = arith.constant 0 : i32
          %cond3A_372 = arith.cmpi ne, %convert_element_type3A_370, %cond3A_371 : i32
          scf.if %cond3A_372 {
            "tpu.region"() ({
              %run_scoped3A = tpu.sem_alloc : memref<!tpu.dma_semaphore, #tpu.memory_space<semaphore_mem>>
              %dma_start3A_434 = arith.constant 0 : i32
              %dma_start3A_435 = tpu.memref_slice %arg9[%dma_start3A_434] : memref<8192xf32, #tpu.memory_space<vmem>> -> memref<3200xf32, #tpu.memory_space<vmem>>
              %dma_start3A_436 = tpu.memref_slice %arg6[%add3A_347] : memref<160000xf32, #tpu.memory_space<hbm>> -> memref<3200xf32, #tpu.memory_space<hbm>>
              %dma_start3A_437 = tpu.memref_slice %arg6[%add3A_347] : memref<160000xf32, #tpu.memory_space<hbm>> -> memref<3200xf32, #tpu.memory_space<hbm>>
              %dma_start3A_438 = arith.constant 0 : i32
              %dma_start3A_439 = tpu.memref_slice %arg9[%dma_start3A_438] : memref<8192xf32, #tpu.memory_space<vmem>> -> memref<3200xf32, #tpu.memory_space<vmem>>
              tpu.enqueue_dma source(%dma_start3A_439 : memref<3200xf32, #tpu.memory_space<vmem>>) target(%dma_start3A_437 : memref<3200xf32, #tpu.memory_space<hbm>>) target_semaphore(%run_scoped3A : memref<!tpu.dma_semaphore, #tpu.memory_space<semaphore_mem>>)
              %dma_wait3A_440 = arith.constant 0 : i32
              %dma_wait3A_441 = tpu.memref_slice %arg9[%dma_wait3A_440] : memref<8192xf32, #tpu.memory_space<vmem>> -> memref<3200xf32, #tpu.memory_space<vmem>>
              %dma_wait3A_442 = tpu.memref_slice %arg6[%add3A_347] : memref<160000xf32, #tpu.memory_space<hbm>> -> memref<3200xf32, #tpu.memory_space<hbm>>
              %dma_wait3A_443 = tpu.memref_slice %arg6[%add3A_347] : memref<160000xf32, #tpu.memory_space<hbm>> -> memref<3200xf32, #tpu.memory_space<hbm>>
              %dma_wait3A_444 = arith.constant 0 : i32
              %dma_wait3A_445 = tpu.memref_slice %arg9[%dma_wait3A_444] : memref<8192xf32, #tpu.memory_space<vmem>> -> memref<3200xf32, #tpu.memory_space<vmem>>
              tpu.wait_dma2 semaphore(%run_scoped3A : memref<!tpu.dma_semaphore, #tpu.memory_space<semaphore_mem>>) src(%dma_wait3A_445 : memref<3200xf32, #tpu.memory_space<vmem>>) dst(%dma_wait3A_443 : memref<3200xf32, #tpu.memory_space<hbm>>)
              tpu.yield
            }) : () -> ()
          } else {
          }
          %add3A_373 = arith.constant 2 : i32
          %add3A_374 = arith.addi %mul3A_312, %add3A_373 : i32
          %mul3A_375 = arith.constant 2 : i32
          %mul3A_376 = arith.muli %mul3A_375, %select_n3A_294 : i32
          %lt3A_377 = arith.cmpi slt, %add3A_374, %mul3A_376 : i32
          %convert_element_type3A_378 = arith.extui %lt3A_377 : i1 to i32
          %cond3A_379 = arith.constant 0 : i32
          %cond3A_380 = arith.cmpi ne, %convert_element_type3A_378, %cond3A_379 : i32
          scf.if %cond3A_380 {
            %add3A_434 = arith.constant 2 : i32
            %add3A_435 = arith.addi %mul3A_312, %add3A_434 : i32
            %mul3A_436 = arith.constant 8192 : i32
            %mul3A_437 = arith.muli %add3A_435, %mul3A_436 : i32
            %min3A_438 = arith.minsi %mul3A_437, %select_n3A_92 : i32
            %add3A_439 = arith.addi %add3A_119, %min3A_438 : i32
            %dma_start3A_440 = tpu.memref_slice %arg2[%add3A_439] : memref<16948192xf32, #tpu.memory_space<hbm>> -> memref<8192xf32, #tpu.memory_space<hbm>>
            %dma_start3A_441 = tpu.memref_slice %arg2[%add3A_439] : memref<16948192xf32, #tpu.memory_space<hbm>> -> memref<8192xf32, #tpu.memory_space<hbm>>
            tpu.enqueue_dma source(%dma_start3A_441 : memref<8192xf32, #tpu.memory_space<hbm>>) target(%arg7 : memref<8192xf32, #tpu.memory_space<vmem>>) target_semaphore(%arg13 : memref<!tpu.dma_semaphore, #tpu.memory_space<semaphore_mem>>)
          } else {
          }
          %dma_wait3A_381 = arith.constant 0 : i32
          %dma_wait3A_382 = tpu.memref_slice %arg2[%dma_wait3A_381] : memref<16948192xf32, #tpu.memory_space<hbm>> -> memref<8192xf32, #tpu.memory_space<hbm>>
          %dma_wait3A_383 = arith.constant 0 : i32
          %dma_wait3A_384 = tpu.memref_slice %arg2[%dma_wait3A_383] : memref<16948192xf32, #tpu.memory_space<hbm>> -> memref<8192xf32, #tpu.memory_space<hbm>>
          tpu.wait_dma2 semaphore(%arg14 : memref<!tpu.dma_semaphore, #tpu.memory_space<semaphore_mem>>) src(%dma_wait3A_384 : memref<8192xf32, #tpu.memory_space<hbm>>) dst(%arg8 : memref<8192xf32, #tpu.memory_space<vmem>>)
          %lt3A_385 = arith.cmpi slt, %add3A_314, %select_n3A_83 : i32
          %mul3A_386 = arith.constant 8192 : i32
          %mul3A_387 = arith.muli %add3A_314, %mul3A_386 : i32
          %mul3A_388 = arith.constant 8192 : i32
          %mul3A_389 = arith.muli %add3A_314, %mul3A_388 : i32
          %min3A_390 = arith.minsi %mul3A_389, %select_n3A_92 : i32
          %sub3A_391 = arith.subi %mul3A_387, %min3A_390 : i32
          %jit3A_392 = arith.constant 8192 : i32
          %select_n3A_393 = arith.select %lt3A_385, %sub3A_391, %jit3A_392 : i32
          %lt3A_394 = arith.cmpi slt, %add3A_314, %select_n3A_83 : i32
          %mul3A_395 = arith.constant 8192 : i32
          %mul3A_396 = arith.muli %add3A_314, %mul3A_395 : i32
          %min3A_397 = arith.minsi %mul3A_396, %select_n3A_92 : i32
          %sub3A_398 = arith.subi %select_n3A_61, %min3A_397 : i32
          %jit3A_399 = arith.constant 0 : i32
          %select_n3A_400 = arith.select %lt3A_394, %sub3A_398, %jit3A_399 : i32
          %parallel_loop3A_401 = arith.constant 0 : i32
          %parallel_loop3A_402 = arith.constant 512 : i32
          %parallel_loop3A_403 = arith.constant 1 : i32
          scf.for %parallel_loop3A_434 = %parallel_loop3A_401 to %parallel_loop3A_402 step %parallel_loop3A_403  : i32 {
            %parallel_loop3A_435 = arith.constant 16 : i32
            %parallel_loop3A_436 = arith.muli %parallel_loop3A_434, %parallel_loop3A_435 : i32
            %parallel_loop3A_437 = arith.index_cast %parallel_loop3A_436 : i32 to index
            %parallel_loop3A_438 = tpu.vector_load %arg8[%parallel_loop3A_437] {strides = array<i32>} : memref<8192xf32, #tpu.memory_space<vmem>>, vector<16xf32>,
            %parallel_loop3A_439 = tpu.bitcast %parallel_loop3A_438 : vector<16xf32> -> vector<16xi32>
            %parallel_loop3A_440 = arith.constant 31 : i32
            %parallel_loop3A_441 = vector.broadcast %parallel_loop3A_440 : i32 to vector<16xi32>
            %parallel_loop3A_442 = arith.shrsi %parallel_loop3A_439, %parallel_loop3A_441 : vector<16xi32>
            %parallel_loop3A_443 = arith.constant 2147483647 : i32
            %parallel_loop3A_444 = vector.broadcast %parallel_loop3A_443 : i32 to vector<16xi32>
            %parallel_loop3A_445 = arith.andi %parallel_loop3A_442, %parallel_loop3A_444 : vector<16xi32>
            %parallel_loop3A_446 = arith.xori %parallel_loop3A_439, %parallel_loop3A_445 : vector<16xi32>
            %parallel_loop3A_447 = vector.broadcast %or3A_268 : i32 to vector<16xi32>
            %parallel_loop3A_448 = arith.cmpi sge, %parallel_loop3A_446, %parallel_loop3A_447 : vector<16xi32>
            %parallel_loop3A_449 = arith.constant 1.000000e+00 : f32
            %parallel_loop3A_450 = arith.constant 0.000000e+00 : f32
            %parallel_loop3A_451 = vector.broadcast %parallel_loop3A_449 : f32 to vector<16xf32>
            %parallel_loop3A_452 = vector.broadcast %parallel_loop3A_450 : f32 to vector<16xf32>
            %parallel_loop3A_453 = arith.select %parallel_loop3A_448, %parallel_loop3A_451, %parallel_loop3A_452 : vector<16xi1>, vector<16xf32>
            %parallel_loop3A_454 = arith.constant 16 : i32
            %parallel_loop3A_455 = arith.muli %parallel_loop3A_434, %parallel_loop3A_454 : i32
            %parallel_loop3A_456 = arith.index_cast %parallel_loop3A_455 : i32 to index
            %parallel_loop3A_457 = tpu.vector_load %arg9[%parallel_loop3A_456] {strides = array<i32>} : memref<8192xf32, #tpu.memory_space<vmem>>, vector<16xf32>,
            tpu.vector_store %arg9[%parallel_loop3A_456], %parallel_loop3A_453 {strides = array<i32>} : memref<8192xf32, #tpu.memory_space<vmem>>, vector<16xf32>,
          } {sc.loop_unroll_factor = 4 : i64, sc.parallel_access}
          %mul3A_404 = arith.constant 8192 : i32
          %mul3A_405 = arith.muli %add3A_314, %mul3A_404 : i32
          %min3A_406 = arith.minsi %mul3A_405, %select_n3A_92 : i32
          %mul3A_407 = arith.muli %select_n3A_52, %select_n3A_61 : i32
          %add3A_408 = arith.addi %mul3A_407, %min3A_406 : i32
          %lt3A_409 = arith.cmpi slt, %add3A_314, %select_n3A_83 : i32
          %eq3A_410 = arith.constant 0 : i32
          %eq3A_411 = arith.cmpi eq, %select_n3A, %eq3A_410 : i32
          %and3A_412 = arith.andi %lt3A_409, %eq3A_411 : i1
          %convert_element_type3A_413 = arith.extui %and3A_412 : i1 to i32
          %cond3A_414 = arith.constant 0 : i32
          %cond3A_415 = arith.cmpi ne, %convert_element_type3A_413, %cond3A_414 : i32
          scf.if %cond3A_415 {
            "tpu.region"() ({
              %run_scoped3A = tpu.sem_alloc : memref<!tpu.dma_semaphore, #tpu.memory_space<semaphore_mem>>
              %dma_start3A_434 = tpu.memref_slice %arg3[%add3A_408] : memref<780000xf32, #tpu.memory_space<hbm>> -> memref<8192xf32, #tpu.memory_space<hbm>>
              %dma_start3A_435 = tpu.memref_slice %arg3[%add3A_408] : memref<780000xf32, #tpu.memory_space<hbm>> -> memref<8192xf32, #tpu.memory_space<hbm>>
              tpu.enqueue_dma source(%arg9 : memref<8192xf32, #tpu.memory_space<vmem>>) target(%dma_start3A_435 : memref<8192xf32, #tpu.memory_space<hbm>>) target_semaphore(%run_scoped3A : memref<!tpu.dma_semaphore, #tpu.memory_space<semaphore_mem>>)
              %dma_wait3A_436 = tpu.memref_slice %arg3[%add3A_408] : memref<780000xf32, #tpu.memory_space<hbm>> -> memref<8192xf32, #tpu.memory_space<hbm>>
              %dma_wait3A_437 = tpu.memref_slice %arg3[%add3A_408] : memref<780000xf32, #tpu.memory_space<hbm>> -> memref<8192xf32, #tpu.memory_space<hbm>>
              tpu.wait_dma2 semaphore(%run_scoped3A : memref<!tpu.dma_semaphore, #tpu.memory_space<semaphore_mem>>) src(%arg9 : memref<8192xf32, #tpu.memory_space<vmem>>) dst(%dma_wait3A_437 : memref<8192xf32, #tpu.memory_space<hbm>>)
              tpu.yield
            }) : () -> ()
          } else {
          }
          %eq3A_416 = arith.constant 1 : i32
          %eq3A_417 = arith.cmpi eq, %select_n3A, %eq3A_416 : i32
          %and3A_418 = arith.andi %lt3A_409, %eq3A_417 : i1
          %convert_element_type3A_419 = arith.extui %and3A_418 : i1 to i32
          %cond3A_420 = arith.constant 0 : i32
          %cond3A_421 = arith.cmpi ne, %convert_element_type3A_419, %cond3A_420 : i32
          scf.if %cond3A_421 {
            "tpu.region"() ({
              %run_scoped3A = tpu.sem_alloc : memref<!tpu.dma_semaphore, #tpu.memory_space<semaphore_mem>>
              %dma_start3A_434 = tpu.memref_slice %arg4[%add3A_408] : memref<8000000xf32, #tpu.memory_space<hbm>> -> memref<8192xf32, #tpu.memory_space<hbm>>
              %dma_start3A_435 = tpu.memref_slice %arg4[%add3A_408] : memref<8000000xf32, #tpu.memory_space<hbm>> -> memref<8192xf32, #tpu.memory_space<hbm>>
              tpu.enqueue_dma source(%arg9 : memref<8192xf32, #tpu.memory_space<vmem>>) target(%dma_start3A_435 : memref<8192xf32, #tpu.memory_space<hbm>>) target_semaphore(%run_scoped3A : memref<!tpu.dma_semaphore, #tpu.memory_space<semaphore_mem>>)
              %dma_wait3A_436 = tpu.memref_slice %arg4[%add3A_408] : memref<8000000xf32, #tpu.memory_space<hbm>> -> memref<8192xf32, #tpu.memory_space<hbm>>
              %dma_wait3A_437 = tpu.memref_slice %arg4[%add3A_408] : memref<8000000xf32, #tpu.memory_space<hbm>> -> memref<8192xf32, #tpu.memory_space<hbm>>
              tpu.wait_dma2 semaphore(%run_scoped3A : memref<!tpu.dma_semaphore, #tpu.memory_space<semaphore_mem>>) src(%arg9 : memref<8192xf32, #tpu.memory_space<vmem>>) dst(%dma_wait3A_437 : memref<8192xf32, #tpu.memory_space<hbm>>)
              tpu.yield
            }) : () -> ()
          } else {
          }
          %eq3A_422 = arith.constant 2 : i32
          %eq3A_423 = arith.cmpi eq, %select_n3A, %eq3A_422 : i32
          %and3A_424 = arith.andi %lt3A_409, %eq3A_423 : i1
          %convert_element_type3A_425 = arith.extui %and3A_424 : i1 to i32
          %cond3A_426 = arith.constant 0 : i32
          %cond3A_427 = arith.cmpi ne, %convert_element_type3A_425, %cond3A_426 : i32
          scf.if %cond3A_427 {
            "tpu.region"() ({
              %run_scoped3A = tpu.sem_alloc : memref<!tpu.dma_semaphore, #tpu.memory_space<semaphore_mem>>
              %dma_start3A_434 = tpu.memref_slice %arg5[%add3A_408] : memref<8000000xf32, #tpu.memory_space<hbm>> -> memref<8192xf32, #tpu.memory_space<hbm>>
              %dma_start3A_435 = tpu.memref_slice %arg5[%add3A_408] : memref<8000000xf32, #tpu.memory_space<hbm>> -> memref<8192xf32, #tpu.memory_space<hbm>>
              tpu.enqueue_dma source(%arg9 : memref<8192xf32, #tpu.memory_space<vmem>>) target(%dma_start3A_435 : memref<8192xf32, #tpu.memory_space<hbm>>) target_semaphore(%run_scoped3A : memref<!tpu.dma_semaphore, #tpu.memory_space<semaphore_mem>>)
              %dma_wait3A_436 = tpu.memref_slice %arg5[%add3A_408] : memref<8000000xf32, #tpu.memory_space<hbm>> -> memref<8192xf32, #tpu.memory_space<hbm>>
              %dma_wait3A_437 = tpu.memref_slice %arg5[%add3A_408] : memref<8000000xf32, #tpu.memory_space<hbm>> -> memref<8192xf32, #tpu.memory_space<hbm>>
              tpu.wait_dma2 semaphore(%run_scoped3A : memref<!tpu.dma_semaphore, #tpu.memory_space<semaphore_mem>>) src(%arg9 : memref<8192xf32, #tpu.memory_space<vmem>>) dst(%dma_wait3A_437 : memref<8192xf32, #tpu.memory_space<hbm>>)
              tpu.yield
            }) : () -> ()
          } else {
          }
          %eq3A_428 = arith.constant 3 : i32
          %eq3A_429 = arith.cmpi eq, %select_n3A, %eq3A_428 : i32
          %and3A_430 = arith.andi %lt3A_409, %eq3A_429 : i1
          %convert_element_type3A_431 = arith.extui %and3A_430 : i1 to i32
          %cond3A_432 = arith.constant 0 : i32
          %cond3A_433 = arith.cmpi ne, %convert_element_type3A_431, %cond3A_432 : i32
          scf.if %cond3A_433 {
            "tpu.region"() ({
              %run_scoped3A = tpu.sem_alloc : memref<!tpu.dma_semaphore, #tpu.memory_space<semaphore_mem>>
              %dma_start3A_434 = arith.constant 0 : i32
              %dma_start3A_435 = tpu.memref_slice %arg9[%dma_start3A_434] : memref<8192xf32, #tpu.memory_space<vmem>> -> memref<3200xf32, #tpu.memory_space<vmem>>
              %dma_start3A_436 = tpu.memref_slice %arg6[%add3A_408] : memref<160000xf32, #tpu.memory_space<hbm>> -> memref<3200xf32, #tpu.memory_space<hbm>>
              %dma_start3A_437 = tpu.memref_slice %arg6[%add3A_408] : memref<160000xf32, #tpu.memory_space<hbm>> -> memref<3200xf32, #tpu.memory_space<hbm>>
              %dma_start3A_438 = arith.constant 0 : i32
              %dma_start3A_439 = tpu.memref_slice %arg9[%dma_start3A_438] : memref<8192xf32, #tpu.memory_space<vmem>> -> memref<3200xf32, #tpu.memory_space<vmem>>
              tpu.enqueue_dma source(%dma_start3A_439 : memref<3200xf32, #tpu.memory_space<vmem>>) target(%dma_start3A_437 : memref<3200xf32, #tpu.memory_space<hbm>>) target_semaphore(%run_scoped3A : memref<!tpu.dma_semaphore, #tpu.memory_space<semaphore_mem>>)
              %dma_wait3A_440 = arith.constant 0 : i32
              %dma_wait3A_441 = tpu.memref_slice %arg9[%dma_wait3A_440] : memref<8192xf32, #tpu.memory_space<vmem>> -> memref<3200xf32, #tpu.memory_space<vmem>>
              %dma_wait3A_442 = tpu.memref_slice %arg6[%add3A_408] : memref<160000xf32, #tpu.memory_space<hbm>> -> memref<3200xf32, #tpu.memory_space<hbm>>
              %dma_wait3A_443 = tpu.memref_slice %arg6[%add3A_408] : memref<160000xf32, #tpu.memory_space<hbm>> -> memref<3200xf32, #tpu.memory_space<hbm>>
              %dma_wait3A_444 = arith.constant 0 : i32
              %dma_wait3A_445 = tpu.memref_slice %arg9[%dma_wait3A_444] : memref<8192xf32, #tpu.memory_space<vmem>> -> memref<3200xf32, #tpu.memory_space<vmem>>
              tpu.wait_dma2 semaphore(%run_scoped3A : memref<!tpu.dma_semaphore, #tpu.memory_space<semaphore_mem>>) src(%dma_wait3A_445 : memref<3200xf32, #tpu.memory_space<vmem>>) dst(%dma_wait3A_443 : memref<3200xf32, #tpu.memory_space<hbm>>)
              tpu.yield
            }) : () -> ()
          } else {
          }
        }
      } else {
      }
      %scan3A_21 = arith.constant 0 : i32
      scf.yield %scan3A_21 : i32
    }
    %scan3A_13 = arith.constant 7 : i32
    return
  }
}

</mosaic_0001>

<sc_bundles>
// kernel: _select_masks.3.cloned.1.call-start
scs
__scs_entry_jumppad:
0x0: {  	(pc) =	sbr.rel $0x88, $3  }
0x1: {  	(tag) =	ssettag $0x0;
	lr =	simm.s32 $0x1  }
0x2: {  	[smem:$0x3FA0] =	sst lr;
	_ =	strace $0xD0000000  }
0x3: {  	_ = 	snop  }
0x4: {  	_ = 	snop  }
0x5: {  	_ = 	snop  }
0x6: {  	_ = 	snop  }
0x7: {  	_ = 	snop  }
__scs_overlays_trampoline_lowered:
0x8: {  	[smem:$0x3FAF] =	sst s0  }
0x9: {  	[smem:$0x3FB0] =	sst s1  }
0xa: {  	[smem:$0x3FB1] =	sst s2  }
0xb: {  	[smem:$0x3FB2] =	sst s3  }
0xc: {  	[smem:$0x3FB3] =	sst s4  }
0xd: {  	[smem:$0x3FB4] =	sst s5  }
0xe: {  	[smem:$0x3FB5] =	sst s6  }
0xf: {  	[smem:$0x3FB6] =	sst s7  }
0x10: {  	[smem:$0x3FB7] =	sst s8  }
0x11: {  	[smem:$0x3FB8] =	sst s9;
	s0 =	simm.s32 @!p0 $0x0  }
0x12: {  	s1 =	sld [smem:$0x3F9E];
	s0 =	simm.s32 @p0 $0x1  }
0x13: {  	[smem:$0x3FB9] =	sst s0;
	s0 =	simm.s32 @!p1 $0x0  }
0x14: {  	s2 =	sld [smem:$0x3F9D];
	s0 =	simm.s32 @p1 $0x1  }
0x15: {  	[smem:$0x3FBA] =	sst s0;
	s0 =	simm.s32 @!p2 $0x0  }
0x16: {  	s3 =	sld [smem:$0x3FDB];
	s0 =	simm.s32 @p2 $0x1  }
0x17: {  	s4 =	simm.s32 $0x1BF5;
	[smem:$0x3FBC] =	sst s0  }
0x18: {  	s0 =	sld [smem:$0x3F9F];
	_ =	swait.ge [sflag:s4], $0x0  }
0x19: {  	s7 =	sld [smem:$0x3FA0]  }
0x1a: {  	s8 =	sadd.s32 $0xFFFFE003, lr  }
0x1b: {  	s9 =	sadd.s32 $0xFFFFFEF7, lr;
	s5 =	simm.s32 $0xFFFFFFFF;
	p2 =	slt.u32 s8, $0xFFFFF086  }
0x1c: {  	p1 =	slt.u32 s9, $0xF7A;
	s5 =	simm.s32 @!p2 $0x0  }
0x1d: {  	s5 =	simm.s32 @p1 $0x1;
	p0 =	seq.s32 s7, s2  }
0x1e: {  	s7 =	smul.u32 @!p0 $0xF7A, s2;
	p2 =	seq.s32 @!p0 s5, $0x0  }
0x1f: {  	s9 =	smul.u32 $0xF7A, s1;
	s8 =	simm.s32 @!p0 $0x1BF5;
	p2 =	por !p2, p0  }
0x20: {  	[sflag:s8] =	ssyncset.s32 @!p0 $0xFFFFF086;
	s6 =	sadd.s32 @!p0 s3, s7;
	s7 =	simm.s32 @!p0 $0x108  }
0x21: {  	s3 =	sadd.s32 s3, s9;
	s6 =	sadd.s32 @!p0 $0x88, s6;
	s7 =	simm.s32 @p2 $0x1082  }
0x22: {  	[simem:s7], [sflag:s8] =	dma.local @!p0 [hbm:s6], $0xF7A  }
0x23: {  	s9 =	sor.u32 $0xD0000000, s2;
	s6 =	simm.s32 $0x108;
	_ =	swait.ge @!p0 [sflag:s8], $0x0  }
0x24: {  	s3 =	sadd.s32 $0x88, s3;
	s6 =	simm.s32 @!p1 $0x1082;
	[sflag:s4] =	ssyncset.s32 $0xFFFFF086  }
0x25: {  	[simem:s6], [sflag:s4] =	dma.local [hbm:s3], $0xF7A  }
0x26: {  	[smem:$0x3FA0] =	sst s1;
	(tag) =	ssettag s2;
	_ =	strace s9  }
0x27: {  	s1 =	sld [smem:$0x3FB0]  }
0x28: {  	s2 =	sld [smem:$0x3FB1]  }
0x29: {  	s4 =	sld [smem:$0x3FB3]  }
0x2a: {  	p0 =	seq.s32 s5, $0x0;
	s5 =	sld [smem:$0x3FB4]  }
0x2b: {  	s6 =	sld [smem:$0x3FB5]  }
0x2c: {  	s7 =	sld [smem:$0x3FB6]  }
0x2d: {  	s3 =	simm.s32 $0x108;
	s8 =	sld [smem:$0x3FB7]  }
0x2e: {  	s3 =	simm.s32 @!p0 $0x1082;
	s9 =	sld [smem:$0x3FB8]  }
0x2f: {  	lr =	sadd.s32 s0, s3;
	s0 =	sld [smem:$0x3FAF]  }
0x30: {  	s3 =	sld [smem:$0x3FB2]  }
0x31: {  	[smem:$0x3FBB] =	sst s10  }
0x32: {  	s10 =	sld [smem:$0x3FB9];
	_ =	sdelay $0x3  }
0x33: {  	p0 =	seq.s32 s10, $0x1;
	s10 =	sld [smem:$0x3FBB];
	_ =	sdelay $0x3  }
0x34: {  	[smem:$0x3FBB] =	sst s10  }
0x35: {  	s10 =	sld [smem:$0x3FBA];
	_ =	sdelay $0x3  }
0x36: {  	p1 =	seq.s32 s10, $0x1;
	s10 =	sld [smem:$0x3FBB];
	_ =	sdelay $0x3  }
0x37: {  	[smem:$0x3FBB] =	sst s10  }
0x38: {  	s10 =	sld [smem:$0x3FBC]  }
0x39: {  	_ = 	snop;
	(pc) =	sbr.ind lr, $3  }
0x3a: {  	_ = 	snop  }
0x3b: {  	_ = 	snop  }
0x3c: {  	p2 =	seq.s32 s10, $0x1;
	s10 =	sld [smem:$0x3FBB]  }
0x3d: {  	_ =	shalt  }
0x3e: {  	_ =	shalt  }
0x3f: {  	_ =	shalt  }
0x40: {  	_ =	shalt  }
0x41: {  	_ =	shalt  }
0x42: {  	_ =	shalt  }
0x43: {  	_ =	shalt  }
0x44: {  	_ =	shalt  }
0x45: {  	_ =	shalt  }
0x46: {  	_ =	shalt  }
0x47: {  	_ =	shalt  }
0x48: {  	_ =	shalt  }
0x49: {  	_ =	shalt  }
0x4a: {  	_ =	shalt  }
0x4b: {  	_ =	shalt  }
0x4c: {  	_ =	shalt  }
0x4d: {  	_ =	shalt  }
0x4e: {  	_ =	shalt  }
0x4f: {  	_ =	shalt  }
0x50: {  	_ =	shalt  }
0x51: {  	_ =	shalt  }
0x52: {  	_ =	shalt  }
0x53: {  	_ =	shalt  }
0x54: {  	_ =	shalt  }
0x55: {  	_ =	shalt  }
0x56: {  	_ =	shalt  }
0x57: {  	_ =	shalt  }
0x58: {  	_ =	shalt  }
0x59: {  	_ =	shalt  }
0x5a: {  	_ =	shalt  }
0x5b: {  	_ =	shalt  }
0x5c: {  	_ =	shalt  }
0x5d: {  	_ =	shalt  }
0x5e: {  	_ =	shalt  }
0x5f: {  	_ =	shalt  }
0x60: {  	_ =	shalt  }
0x61: {  	_ =	shalt  }
0x62: {  	_ =	shalt  }
0x63: {  	_ =	shalt  }
0x64: {  	_ =	shalt  }
0x65: {  	_ =	shalt  }
0x66: {  	_ =	shalt  }
0x67: {  	_ =	shalt  }
0x68: {  	_ =	shalt  }
0x69: {  	_ =	shalt  }
0x6a: {  	_ =	shalt  }
0x6b: {  	_ =	shalt  }
0x6c: {  	_ =	shalt  }
0x6d: {  	_ =	shalt  }
0x6e: {  	_ =	shalt  }
0x6f: {  	_ =	shalt  }
0x70: {  	_ =	shalt  }
0x71: {  	_ =	shalt  }
0x72: {  	_ =	shalt  }
0x73: {  	_ =	shalt  }
0x74: {  	_ =	shalt  }
0x75: {  	_ =	shalt  }
0x76: {  	_ =	shalt  }
0x77: {  	_ =	shalt  }
0x78: {  	_ =	shalt  }
0x79: {  	_ =	shalt  }
0x7a: {  	_ =	shalt  }
0x7b: {  	_ =	shalt  }
0x7c: {  	_ =	shalt  }
0x7d: {  	_ =	shalt  }
0x7e: {  	_ =	shalt  }
0x7f: {  	_ =	shalt  }
0x80: {  	_ =	shalt  }
0x81: {  	_ =	shalt  }
0x82: {  	_ =	shalt  }
0x83: {  	_ =	shalt  }
0x84: {  	_ =	shalt  }
0x85: {  	_ =	shalt  }
0x86: {  	_ =	shalt  }
0x87: {  	_ =	shalt  }
.Lfunc_end0:
.L_simem_size_0:
called_computation_lowered:
.L_overlay_start_0:
0x88: {  	s2 =	sld [smem:$0x3FD9]  }
0x89: {  	s3 =	sld [smem:$0x3FFE];
	_ =	sdelay $0x1  }
0x8a: {  	s1 =	srdreg.scid  }
0x8b: {  	s0 =	sand.u32 $0x1, s1  }
0x8c: {  	s14 =	sshll.u32 s0, $0xA;
	s2 =	sadd.s32 s3, s2  }
0x8d: {  	s2 =	sadd.s32 s2, s14  }
0x8e: {  	[smem:$0x3FC7] =	sst s2  }
0x8f: {  	_ = 	snop  }
0x90: {  	s2 =	sld [smem:$0x3FD0];
	_ =	sdelay $0x2  }
0x91: {  	s15 =	simm.s32 $0xA;
	s4 =	simm.s32 $0x10  }
0x92: {  	[smem:s4], [sflag:s15] =	dma.local [hbm:s2], $0x1  }
0x93: {  	_ =	swait.eq [sflag:s15], $0x1  }
0x94: {  	s16 =	sld [smem:$0x10]  }
0x95: {  	s17 =	sld [smem:$0x11];
	[sflag:s15] =	ssyncset.done $0x0  }
0x96: {  	s5 =	sld [smem:$0x12];
	[sflag:s15] =	ssyncadd.s32 $0xFFFFFFFF  }
0x97: {  	s18 =	sld [smem:$0x13];
	(tm) =	ssettm $0x1  }
0x98: {  	s6 =	sld [smem:$0x3FFB];
	_ =	sdelay $0x3  }
0x99: {  	_ =	strace s6  }
0x9a: {  	s6 =	sld [smem:$0x3FFC];
	_ =	sdelay $0x3  }
0x9b: {  	_ =	strace s6  }
0x9c: {  	s6 =	sld [smem:$0x3FFD];
	_ =	sdelay $0x3  }
0x9d: {  	_ =	strace s6  }
0x9e: {  	_ =	strace $0x8FFFFFFF  }
0x9f: {  	s19 =	sld [smem:$0x3FDB];
	_ =	sdelay $0x1  }
0xa0: {  	s7 =	simm.s32 $_scs_section_size  }
0xa1: {  	s8 =	simm.s32 $_size__tile_overlayer_lowered;
	s9 =	simm.s32 $_tile_overlayer_lowered  }
0xa2: {  	s22 =	simm.s32 $0x1BFF;
	s21 =	sshll.u32 s9, $0x1;
	s6 =	sadd.s32 s7, s19  }
0xa3: {  	s10 =	simm.s32 $0x0;
	s20 =	sshll.u32 s8, $0x1;
	s8 =	sadd.s32 s21, s6  }
0xa4: {  	[timem:s10], [sflag:s22] =	dma.local [hbm:s8], s20  }
0xa5: {  	_ =	swait.ge [sflag:s22], s20  }
0xa6: {  	s7 =	ssub.s32 $0x0, s20;
	[sflag:s22] =	ssyncset.done $0x0  }
0xa7: {  	[sflag:s22] =	ssyncadd.s32 s7;
	_ =	sdelay $0x1  }
0xa8: {  	s23 =	simm.s32 $0x1B8B  }
0xa9: {  	_ =	swait.ge [sflag:s23], $0x1  }
0xaa: {  	[sflag:s23] =	ssyncset.done $0x0  }
0xab: {  	s25 =	simm.s32 $0x1B8E;
	s24 =	sld [smem:$0x3FFE];
	[sflag:s23] =	ssyncadd.s32 $0xFFFFFFFF  }
0xac: {  	s26 =	simm.s32 $execute0_lowered;
	[smem:$0x3FD2] =	sst s25  }
0xad: {  	s8 =	sshll.u32 s26, $0x1;
	_ =	strace $0x80000046;
	[dreg:$0x1] =	wrdreg $0xFFFFFFFF  }
0xae: {  	s28 =	simm.s32 $_size_execute0_lowered;
	s6 =	sadd.s32 s6, s8;
	[dreg:$0x0] =	wrdreg $0x0  }
0xaf: {  	s8 =	sshll.u32 s28, $0x1;
	[dreg:$0x2] =	wrdreg s6  }
0xb0: {  	[dreg:$0x3] =	wrdreg s8  }
0xb1: {  	[dreg:$0x4] =	wrdreg $0xC0  }
0xb2: {  	_ =	task [dreg:s10], $0x5FFFF  }
0xb3: {  	[dreg:$0x1] =	wrdreg $0xFFFFFFFF  }
0xb4: {  	[dreg:$0x0] =	wrdreg $0x60  }
0xb5: {  	[dreg:$0x2] =	wrdreg s24  }
0xb6: {  	[dreg:$0x3] =	wrdreg s16  }
0xb7: {  	[dreg:$0x4] =	wrdreg s17  }
0xb8: {  	[dreg:$0x5] =	wrdreg s5  }
0xb9: {  	[dreg:$0x6] =	wrdreg s18  }
0xba: {  	[dreg:$0x7] =	wrdreg $0x9  }
0xbb: {  	_ =	task.clear_ibuf [dreg:s10], $0x8FFFF;
	_ =	strace $0x90000046  }
0xbc: {  	s29 =	simm.s32 $0x9;
	_ =	strace $0x80000048  }
0xbd: {  	_ =	swait.ge [sflag:s29], $0x1  }
0xbe: {  	[sflag:s29] =	ssyncadd.s32 $0xFFFFFFFF  }
0xbf: {  	_ =	strace $0x90000048  }
0xc0: {  	_ =	sfence  }
0xc1: {  	s30 =	sld [smem:$0x0];
	_ =	sdelay $0x2  }
0xc2: {  	s31 =	sshll.u32 s1, $0xD;
	s1 =	sshrl.u32 s1, $0x2  }
0xc3: {  	s3 =	sand.u32 $0x4000, s31;
	s1 =	sadd.s32 s1, s30  }
0xc4: {  	s0 =	sor.u32 s3, s0;
	s1 =	sshll.u32 s1, $0x11  }
0xc5: {  	s0 =	sor.u32 s1, s0  }
0xc6: {  	s0 =	sadd.s32 $0x8F2B, s0  }
0xc7: {  	[sflag:s0] =	ssyncadd.remote.s32 $0x1  }
0xc8: {  	_ =	sfence.sel $0xFFFF  }
0xc9: {  	[dreg:$0x0] =	wrdreg $0xFFFFFFFF;
	(pc) =	sbr.abs _section_cstart, $3  }
0xca: {  	[dreg:$0x1] =	wrdreg $0xFFFFFFFF  }
0xcb: {  	_ =	task.clear_ibuf [dreg:s10], $0x2FFFF;
	_ =	strace $0x9FFFFFFF  }
0xcc: {  	(tm) =	ssettm $0x7FFFFFFF  }
0xcd: {  	_ =	shalt  }
tec
execute0_lowered:
.L_overlay_start_1:
0x0: {  	(tag) =	ssettag $0x1  }
0x1: {  	s0 =	rddreg [dreg:$0x0];
	s1 =	srdreg.scid  }
0x2: {  	s18 =	simm.s32 $0x0;
	s3 =	stileid.u32;
	s11 =	simm.s32 $0x1  }
0x3: {  	s23 =	simm.s32 $0x2000;
	s13 =	simm.s32 $0x6000;
	s1 =	sand.u32 $0x1, s1  }
.Ltmp0:
0x4: {  	[dreg:$0x6] =	wrdreg s1;
	s1 =	ssub.s32 $0x2, s1;
	(pc) =	sbr.rel .LBB2_1-.Ltmp0, $4  }
0x5: {  	v0 =	vlaneseq.u32;
	s14 =	simm.s32 $0x2;
	[smem:$0x7FF] =	sst s18;
	s2 =	sshrl.u32 s1, $0x1  }
0x6: {  	s8 =	sadd.s32 $0x600, s0;
	s19 =	sshll.u32 s3, $0x1;
	v2 =	vmul.u32 $0xFFFFFFFF, v0;
	s31 =	ssub.s32 s1, s2  }
0x7: {  	v1 =	vimm.s32 $0x0;
	v5 =	vimm.f32 $1.000000000e+00;
	_ =	strace $0x80000047;
	[dreg:$0x7] =	wrdreg s19;
	s0 =	smax.u32 s31, $0x1  }
0x8: {  	s15 =	simm.s32 $0xC000;
	v3 =	vor.u32 $0x80000000, v0;
	v4 =	vmul.u32 $0x10, v0;
	v2 =	vadd.s32 $0xF, v2;
	s1 =	simm.s32 $0x0;
	[dreg:$0x8] =	wrdreg s0  }
.LBB2_78:
0x9: {  	s1 =	rddreg [dreg:$0x9]  }
0xa: {  	s0 =	rddreg [dreg:$0x8];
	s1 =	sadd.s32 $0x1, s1  }
0xb: {  	p0 =	sne.s32 s1, s0  }
.Ltmp1:
0xc: {  	_ = 	snop;
	(pc) =	sbr.rel @!p0 .LBB2_79-.Ltmp1, $1  }
0xd: {  	_ =	sdelay $0x3  }
.LBB2_1:
0xe: {  	[dreg:$0x9] =	wrdreg s1;
	s0 =	simm.s32 $0x0  }
.LBB2_2:
0xf: {  	p0 =	sne.s32 s0, $0xFFC0  }
.Ltmp2:
0x10: {  	_ = 	snop;
	(pc) =	sbr.rel @p0 .LBB2_2-.Ltmp2, $3  }
0x11: {  	_ =	sdelay $0x1  }
0x12: {  	s1 =	sshra.s32 s0, $0x2  }
0x13: {  	s0 =	sadd.s32 $0x40, s0;
	[tilespmem:s1+$0x6000] =	vst v1  }
.Ltmp3:
0x14: {  	(pc) =	sbr.rel .LBB2_4-.Ltmp3, $2  }
0x15: {  	_ =	sdelay $0x2  }
0x16: {  	s26 =	simm.s32 $0x0  }
.LBB2_77:
0x17: {  	s26 =	sadd.s32 $0x1, s26  }
0x18: {  	p0 =	sne.s32 s26, $0x7  }
.Ltmp4:
0x19: {  	_ = 	snop;
	(pc) =	sbr.rel @!p0 .LBB2_78-.Ltmp4, $1  }
0x1a: {  	_ =	sdelay $0x3  }
.LBB2_4:
0x1b: {  	s0 =	sshll.u32 s26, $0x5  }
0x1c: {  	s2 =	sor.u32 s19, s0  }
0x1d: {  	p0 =	sgt.u32 s2, $0xC7  }
.Ltmp5:
0x1e: {  	_ = 	snop;
	(pc) =	sbr.rel @p0 .LBB2_77-.Ltmp5, $1  }
0x1f: {  	_ =	sdelay $0x3  }
0x20: {  	s0 =	rddreg [dreg:$0x6]  }
0x21: {  	s0 =	sor.u32 s0, s2  }
0x22: {  	s1 =	smulhi.u32 $0x51EB851F, s0  }
0x23: {  	s25 =	sadd.s32 $0xFFFFFF9C, s2;
	s28 =	sadd.s32 $0xFFFFFFCE, s2;
	p0 =	slt.u32 s2, $0x32  }
0x24: {  	[dreg:$0xd] =	wrdreg s2;
	s30 =	simm.s32 $0xC80;
	s1 =	sshrl.u32 s1, $0x4  }
0x25: {  	s20 =	simm.s32 $0x1;
	[dreg:$0xe] =	wrdreg s25;
	s1 =	smul.u32 $0x32, s1  }
0x26: {  	s22 =	simm.s32 $0x0;
	p1 =	slt.u32 s25, $0x32;
	[dreg:$0xf] =	wrdreg s28  }
0x27: {  	p2 =	slt.u32 s28, $0x32;
	s3 =	ssub.s32 s0, s1;
	s0 =	simm.s32 $0x2ADF0  }
0x28: {  	s0 =	simm.s32 @!p1 $0x51EF0;
	p1 =	sgt.u32 s2, $0x95;
	[dreg:$0x10] =	wrdreg s3  }
0x29: {  	s29 =	smul.u32 $0x52B70, s3;
	s0 =	simm.s32 @p2 $0x3CF0;
	s30 =	simm.s32 @!p1 $0x27100  }
0x2a: {  	s20 =	simm.s32 @!p1 $0x14;
	s22 =	simm.s32 @!p1 $0x25100;
	s0 =	simm.s32 @p0 $0x0  }
0x2b: {  	s20 =	simm.s32 @p0 $0x2;
	s30 =	simm.s32 @p0 $0x3CF0;
	s21 =	sadd.s32 s29, s0  }
0x2c: {  	s22 =	simm.s32 @p0 $0x1CF0;
	s0 =	simm.s32 $0x0;
	s1 =	sshrl.u32 s21, $0x3  }
0x2d: {  	s31 =	sadd.s32 $0x1, s20;
	s6 =	sshrl.u32 s30, $0x1;
	s1 =	sadd.s32 s8, s1  }
0x2e: {  	s17 =	sshrl.u32 s31, $0x1;
	s24 =	sand.u32 $0x1E, s31;
	[dreg:$0x11] =	wrdreg s1  }
0x2f: {  	[tilespmem:s0], [sflag:$0x1] =	stream.linear.gather [hbm4b:s1+s0], $0x2000, $0x38;
	[tilespmem:$0xE000] =	vst v63  }
.LBB2_6:
0x30: {  	s2 =	sshllo.u32 s0, $0x1  }
0x31: {  	s3 =	sshll.u32 s2, $0xD  }
0x32: {  	s1 =	smov.u32 s22;
	p0 =	slt.s32 s3, s22  }
0x33: {  	s1 =	smov.u32 @p0 s3  }
0x34: {  	s4 =	sadd.s32 s21, s1  }
0x35: {  	s4 =	sshrl.u32 s4, $0x3  }
0x36: {  	s4 =	sadd.s32 s8, s4  }
0x37: {  	[tilespmem:s23], [sflag:$0x2] =	stream.linear.gather [hbm4b:s4+s18], $0x2000, $0x38;
	[tilespmem:$0xE000] =	vst v63  }
0x38: {  	_ =	swait.ge [sflag:s11], $0x2000  }
0x39: {  	[sflag:s11] =	ssyncset.done $0x0  }
0x3a: {  	s5 =	simm.s32 $0x20;
	[sflag:s11] =	ssyncadd.s32 $0xFFFFE000  }
0x3b: {  	v8 =	vld [tilespmem:s5+$0x10]  }
0x3c: {  	s7 =	sshll.u32 s0, $0xE;
	v9 =	vld [tilespmem:s5+$0xFFFFFFF0]  }
0x3d: {  	s9 =	smov.u32 s22;
	p0 =	slt.s32 s7, s22;
	v10 =	vld [tilespmem:s5+$0x0]  }
0x3e: {  	s9 =	smov.u32 @p0 s7;
	s4 =	sshll.u32 s0, $0x1  }
0x3f: {  	s7 =	ssub.s32 s7, s9;
	s9 =	ssub.s32 s30, s9;
	p0 =	slt.u32 s4, s20  }
0x40: {  	s7 =	simm.s32 @!p0 $0x2000;
	s9 =	simm.s32 @!p0 $0x0  }
0x41: {  	v6 =	vmov s7;
	v7 =	vmov s9;
	v11 =	vld [tilespmem:s5+$0xFFFFFFE0];
	v12 =	vshra.s32 v8, $0x1F  }
0x42: {  	s12 =	simm.s32 $0x30;
	v13 =	vshra.s32 v9, $0x1F;
	v14 =	vshra.s32 v10, $0x1F;
	v12 =	vand.u32 $0x7FF00000, v12  }
0x43: {  	v13 =	vand.u32 $0x7FF00000, v13;
	v8 =	vxor.u32 v8, v12;
	v12 =	vor.u32 s12, v0  }
0x44: {  	v9 =	vxor.u32 v9, v13;
	v8 =	vshra.s32 v8, $0x14;
	vm0 =	vge.s32 v12, v6  }
0x45: {  	vm1 =	vlt.s32 v12, v7;
	v12 =	vand.u32 $0x7FF00000, v14;
	v8 =	vadd.s32 $0x800, v8  }
0x46: {  	v14 =	vshra.s32 v11, $0x1F;
	vm0 =	vmand vm0, vm1;
	v8 =	vor.u32 $0x3000, v8  }
0x47: {  	s16 =	simm.s32 $0x0;
	v9 =	vshra.s32 v9, $0x14;
	v13 =	vand.u32 $0x7FF00000, v14;
	v8 =	vnsel vm0, $0x3000, v8  }
0x48: {  	s25 =	simm.s32 $0x20;
	s28 =	simm.s32 $0x60;
	v10 =	vxor.u32 v10, v12;
	v12 =	vor.u32 s16, v0;
	v9 =	vadd.s32 $0x800, v9;
	(xrf1) =	vunique.msk.u32 $0xffff, v8  }
0x49: {  	s19 =	simm.s32 $0x10;
	v15 =	vld [tilespmem:s28+$0x10];
	v14 =	vor.u32 s25, v0;
	v11 =	vxor.u32 v11, v13;
	v10 =	vshra.s32 v10, $0x14  }
0x4a: {  	v13 =	vor.u32 s19, v0;
	vm1 =	vlt.s32 v12, v7;
	vm4 =	vge.s32 v14, v6  }
0x4b: {  	vm0 =	vge.s32 v12, v6;
	vm2 =	vge.s32 v13, v6;
	vm3 =	vlt.s32 v13, v7;
	v13 =	vld [tilespmem:s28+$0x0]  }
0x4c: {  	v11 =	vshra.s32 v11, $0x14;
	v10 =	vadd.s32 $0x800, v10;
	v12 =	vor.u32 $0x1000, v9  }
0x4d: {  	vm0 =	vmand vm0, vm1;
	v9 =	vadd.s32 $0x800, v11;
	vm1 =	vlt.s32 v14, v7  }
0x4e: {  	v16 =	vld [tilespmem:s28+$0xFFFFFFF0];
	v10 =	vor.u32 $0x2000, v10;
	v14 =	vshra.s32 v15, $0x1F;
	v9 =	vnsel vm0, $0x0, v9  }
0x4f: {  	vm0 =	vmand vm2, vm3;
	vm1 =	vmand vm4, vm1;
	v14 =	vand.u32 $0x7FF00000, v14  }
0x50: {  	v11 =	vnsel vm0, $0x1000, v12;
	v14 =	vxor.u32 v15, v14;
	(xrf1) =	vunique.msk.u32 $0xffff, v9;
	v15 =	vshra.s32 v13, $0x1F  }
0x51: {  	v10 =	vnsel vm1, $0x2000, v10;
	(xrf1) =	vunique.msk.u32 $0xffff, v11;
	v15 =	vand.u32 $0x7FF00000, v15  }
0x52: {  	v17 =	vld [tilespmem:s28+$0xFFFFFFE0];
	s5 =	simm.s32 $0x70;
	(xrf1) =	vunique.msk.u32 $0xffff, v10;
	v13 =	vxor.u32 v13, v15  }
0x53: {  	v18 =	vor.u32 s5, v0;
	v12 =	vshra.s32 v16, $0x1F;
	v14 =	vshra.s32 v14, $0x14  }
0x54: {  	vm0 =	vge.s32 v18, v6;
	vm1 =	vlt.s32 v18, v7;
	v14 =	vadd.s32 $0x800, v14  }
0x55: {  	v12 =	vand.u32 $0x7FF00000, v12;
	vm0 =	vmand vm0, vm1;
	v14 =	vor.u32 $0x3000, v14  }
0x56: {  	v16 =	vxor.u32 v16, v12;
	v12 =	vnsel vm0, $0x3000, v14;
	v19 =	vshra.s32 v13, $0x14;
	_, v13, vm0 =	vpop (xrf1)  }
0x57: {  	s31 =	simm.s32 $0x50;
	s10 =	simm.s32 $0x60;
	v18 =	vshra.s32 v17, $0x1F;
	v20 =	vshra.s32 v16, $0x14;
	(xrf1) =	vunique.msk.u32 $0xffff, v12  }
0x58: {  	s29 =	simm.s32 $0x40;
	v14 =	vand.u32 $0x7FF00000, v18;
	v18 =	vor.u32 s31, v0;
	v15 =	vor.u32 s10, v0  }
0x59: {  	s7 =	simm.s32 $0x4;
	s9 =	simm.s32 $0xA0;
	v16 =	vxor.u32 v17, v14;
	v14 =	vor.u32 s29, v0;
	v17 =	vadd.s32 $0x800, v20  }
.LBB2_7:
0x5a: {  	v20 =	vld [tilespmem:s9+$0x10];
	s7 =	sadd.s32 $0x4, s7;
	vm1 =	vge.s32 v14, v6;
	v16 =	vshra.s32 v16, $0x14;
	v19 =	vadd.s32 $0x800, v19  }
0x5b: {  	vm2 =	vlt.s32 v14, v7;
	vm3 =	vge.s32 v18, v6;
	vm4 =	vlt.s32 v18, v7;
	v21 =	vld [tilespmem:s9+$0xFFFFFFF0];
	p0 =	slt.u32 s7, $0x1FC  }
0x5c: {  	v14 =	vor.u32 $0x1000, v17;
	vm5 =	vge.s32 v15, v6;
	vm6 =	vlt.s32 v15, v7;
	[tilespmem:v8+s13+$0x0] =	vst.idx.add.s32.msk vm0, v13  }
0x5d: {  	v18 =	vadd.s32 $0x800, v16;
	v19 =	vor.u32 $0x2000, v19;
	vm0 =	vmand vm1, vm2;
	v8 =	vmovc v12;
	v15 =	vld [tilespmem:s9+$0x0]  }
0x5e: {  	vm1 =	vmand vm5, vm6;
	v12 =	vnsel vm0, $0x0, v18;
	vm0 =	vmand vm3, vm4;
	v17 =	vld [tilespmem:s9+$0xFFFFFFE0];
	_, v13, vm3 =	vpop (xrf1)  }
0x5f: {  	v22 =	vnsel vm1, $0x2000, v19;
	v14 =	vnsel vm0, $0x1000, v14;
	v18 =	vshra.s32 v20, $0x1F;
	(xrf1) =	vunique.msk.u32 $0xffff, v12;
	_, v16, vm2 =	vpop (xrf1)  }
0x60: {  	v19 =	vshra.s32 v21, $0x1F;
	v18 =	vand.u32 $0x7FF00000, v18;
	(xrf1) =	vunique.msk.u32 $0xffff, v14;
	_, v23, vm1 =	vpop (xrf1)  }
0x61: {  	s5 =	sadd.s32 $0x40, s5;
	v19 =	vand.u32 $0x7FF00000, v19;
	v18 =	vxor.u32 v20, v18;
	(xrf1) =	vunique.msk.u32 $0xffff, v22  }
0x62: {  	s10 =	sadd.s32 $0xFFFFFFD0, s5;
	s12 =	sadd.s32 $0xFFFFFFE0, s5;
	s16 =	sadd.s32 $0xFFFFFFF0, s5;
	v24 =	vor.u32 s5, v0;
	v20 =	vshra.s32 v15, $0x1F;
	v18 =	vshra.s32 v18, $0x14  }
0x63: {  	vm4 =	vlt.s32 v24, v7;
	vm0 =	vge.s32 v24, v6;
	v18 =	vadd.s32 $0x800, v18  }
.Ltmp6:
0x64: {  	vm0 =	vmand vm0, vm4;
	v20 =	vand.u32 $0x7FF00000, v20;
	v18 =	vor.u32 $0x3000, v18;
	[tilespmem:v9+s13+$0x0] =	vst.idx.add.s32.msk vm3, v13;
	v9 =	vmovc v12;
	(pc) =	sbr.rel @p0 .LBB2_7-.Ltmp6, $4  }
0x65: {  	v19 =	vxor.u32 v21, v19;
	v24 =	vshra.s32 v17, $0x1F;
	v12 =	vnsel vm0, $0x3000, v18;
	_, v13, vm0 =	vpop (xrf1);
	[tilespmem:v11+s13+$0x0] =	vst.idx.add.s32.msk vm2, v16  }
0x66: {  	v21 =	vshra.s32 v19, $0x14;
	v15 =	vxor.u32 v15, v20;
	v16 =	vand.u32 $0x7FF00000, v24;
	v11 =	vmovc v14;
	(xrf1) =	vunique.msk.u32 $0xffff, v12  }
0x67: {  	v14 =	vor.u32 s10, v0;
	v19 =	vshra.s32 v15, $0x14;
	v16 =	vxor.u32 v17, v16;
	[tilespmem:v10+s13+$0x0] =	vst.idx.add.s32.msk vm1, v23;
	v10 =	vmovc v22  }
0x68: {  	s9 =	sadd.s32 $0x40, s9;
	v18 =	vor.u32 s12, v0;
	v15 =	vor.u32 s16, v0;
	v17 =	vadd.s32 $0x800, v21  }
0x69: {  	vm1 =	vge.s32 v14, v6  }
0x6a: {  	v16 =	vshra.s32 v16, $0x14;
	v19 =	vadd.s32 $0x800, v19;
	vm2 =	vlt.s32 v14, v7  }
0x6b: {  	vm3 =	vge.s32 v18, v6;
	vm4 =	vlt.s32 v18, v7;
	v14 =	vor.u32 $0x1000, v17  }
0x6c: {  	vm5 =	vge.s32 v15, v6;
	vm1 =	vmand vm1, vm2;
	v6 =	vadd.s32 $0x800, v16  }
0x6d: {  	vm2 =	vlt.s32 v15, v7;
	v6 =	vnsel vm1, $0x0, v6;
	vm1 =	vmand vm3, vm4  }
0x6e: {  	v7 =	vor.u32 $0x2000, v19;
	vm2 =	vmand vm5, vm2;
	v14 =	vnsel vm1, $0x1000, v14;
	(xrf1) =	vunique.msk.u32 $0xffff, v6  }
0x6f: {  	v7 =	vnsel vm2, $0x2000, v7;
	(xrf1) =	vunique.msk.u32 $0xffff, v14  }
0x70: {  	(xrf1) =	vunique.msk.u32 $0xffff, v7;
	_ =	sdelay $0x7  }
0x71: {  	_, v15, vm1 =	vpop (xrf1)  }
0x72: {  	_, v16, vm2 =	vpop (xrf1)  }
0x73: {  	_, v17, vm3 =	vpop (xrf1)  }
0x74: {  	_, v18, vm13 =	vpop (xrf1)  }
0x75: {  	_, v19, vm14 =	vpop (xrf1)  }
0x76: {  	[tilespmem:v8+s13+$0x0] =	vst.idx.add.s32.msk vm0, v13;
	_, v8, vm0 =	vpop (xrf1)  }
0x77: {  	s4 =	sadd.s32 $0x2, s4;
	[tilespmem:v9+s13+$0x0] =	vst.idx.add.s32.msk vm1, v15;
	_, v9, vm1 =	vpop (xrf1)  }
0x78: {  	p0 =	sge.u32 s4, s24;
	[tilespmem:v11+s13+$0x0] =	vst.idx.add.s32.msk vm2, v16  }
0x79: {  	s4 =	sshll.u32 @!p0 s4, $0xD;
	[tilespmem:v10+s13+$0x0] =	vst.idx.add.s32.msk vm3, v17  }
0x7a: {  	s4 =	smin.u32 @!p0 s4, s22;
	[tilespmem:v12+s13+$0x0] =	vst.idx.add.s32.msk vm13, v18  }
0x7b: {  	s4 =	sadd.s32 @!p0 s21, s4;
	[tilespmem:v6+s13+$0x0] =	vst.idx.add.s32.msk vm14, v19  }
0x7c: {  	s4 =	sshrl.u32 @!p0 s4, $0x3;
	[tilespmem:v14+s13+$0x0] =	vst.idx.add.s32.msk vm0, v8  }
0x7d: {  	s5 =	simm.s32 @!p0 $0x0;
	s4 =	sadd.s32 @!p0 s8, s4;
	[tilespmem:v7+s13+$0x0] =	vst.idx.add.s32.msk vm1, v9  }
0x7e: {  	[tilespmem:s5], [sflag:$0x1] =	stream.linear.gather @!p0 [hbm4b:s4+s5], $0x2000, $0x38;
	[tilespmem:$0xE000] =	vst v63  }
0x7f: {  	_ =	swait.ge [sflag:s14], $0x2000  }
0x80: {  	[sflag:s14] =	ssyncset.done $0x0  }
0x81: {  	s9 =	simm.s32 $0x2020;
	[sflag:s14] =	ssyncadd.s32 $0xFFFFE000  }
0x82: {  	v8 =	vld [tilespmem:s9+$0x10]  }
0x83: {  	v9 =	vld [tilespmem:s9+$0xFFFFFFF0]  }
0x84: {  	v10 =	vld [tilespmem:s9+$0x0];
	_ =	sdelay $0x1  }
0x85: {  	p0 =	slt.u32 s2, s20;
	s2 =	ssub.s32 s3, s1;
	s1 =	ssub.s32 s30, s1  }
0x86: {  	s2 =	simm.s32 @!p0 $0x2000;
	s1 =	simm.s32 @!p0 $0x0  }
0x87: {  	v6 =	vmov s2;
	v7 =	vmov s1;
	v11 =	vld [tilespmem:s9+$0xFFFFFFE0];
	v12 =	vshra.s32 v8, $0x1F  }
0x88: {  	s10 =	simm.s32 $0x30;
	v13 =	vshra.s32 v9, $0x1F;
	v14 =	vshra.s32 v10, $0x1F;
	v12 =	vand.u32 $0x7FF00000, v12  }
0x89: {  	v13 =	vand.u32 $0x7FF00000, v13;
	v8 =	vxor.u32 v8, v12;
	v12 =	vor.u32 s10, v0  }
0x8a: {  	v9 =	vxor.u32 v9, v13;
	v8 =	vshra.s32 v8, $0x14;
	vm0 =	vge.s32 v12, v6  }
0x8b: {  	vm1 =	vlt.s32 v12, v7;
	v12 =	vand.u32 $0x7FF00000, v14;
	v8 =	vadd.s32 $0x800, v8  }
0x8c: {  	v14 =	vshra.s32 v11, $0x1F;
	vm0 =	vmand vm0, vm1;
	v8 =	vor.u32 $0x3000, v8  }
0x8d: {  	s12 =	simm.s32 $0x0;
	v9 =	vshra.s32 v9, $0x14;
	v13 =	vand.u32 $0x7FF00000, v14;
	v8 =	vnsel vm0, $0x3000, v8  }
0x8e: {  	s19 =	simm.s32 $0x20;
	s25 =	simm.s32 $0x2060;
	v10 =	vxor.u32 v10, v12;
	v12 =	vor.u32 s12, v0;
	v9 =	vadd.s32 $0x800, v9;
	(xrf1) =	vunique.msk.u32 $0xffff, v8  }
0x8f: {  	s16 =	simm.s32 $0x10;
	v15 =	vld [tilespmem:s25+$0x10];
	v14 =	vor.u32 s19, v0;
	v11 =	vxor.u32 v11, v13;
	v10 =	vshra.s32 v10, $0x14  }
0x90: {  	v13 =	vor.u32 s16, v0;
	vm1 =	vlt.s32 v12, v7;
	vm15 =	vge.s32 v14, v6  }
0x91: {  	vm0 =	vge.s32 v12, v6;
	vm2 =	vge.s32 v13, v6;
	vm3 =	vlt.s32 v13, v7;
	v13 =	vld [tilespmem:s25+$0x0]  }
0x92: {  	v11 =	vshra.s32 v11, $0x14;
	v10 =	vadd.s32 $0x800, v10;
	v12 =	vor.u32 $0x1000, v9  }
0x93: {  	vm0 =	vmand vm0, vm1;
	v9 =	vadd.s32 $0x800, v11;
	vm1 =	vlt.s32 v14, v7  }
0x94: {  	v16 =	vld [tilespmem:s25+$0xFFFFFFF0];
	v10 =	vor.u32 $0x2000, v10;
	v14 =	vshra.s32 v15, $0x1F;
	v9 =	vnsel vm0, $0x0, v9  }
0x95: {  	vm0 =	vmand vm2, vm3;
	vm1 =	vmand vm15, vm1;
	v14 =	vand.u32 $0x7FF00000, v14  }
0x96: {  	v11 =	vnsel vm0, $0x1000, v12;
	v14 =	vxor.u32 v15, v14;
	(xrf1) =	vunique.msk.u32 $0xffff, v9;
	v15 =	vshra.s32 v13, $0x1F  }
0x97: {  	v10 =	vnsel vm1, $0x2000, v10;
	(xrf1) =	vunique.msk.u32 $0xffff, v11;
	v15 =	vand.u32 $0x7FF00000, v15  }
0x98: {  	s1 =	simm.s32 $0x70;
	v17 =	vld [tilespmem:s25+$0xFFFFFFE0];
	(xrf1) =	vunique.msk.u32 $0xffff, v10;
	v13 =	vxor.u32 v13, v15  }
0x99: {  	v18 =	vor.u32 s1, v0;
	v12 =	vshra.s32 v16, $0x1F;
	v14 =	vshra.s32 v14, $0x14  }
0x9a: {  	vm0 =	vge.s32 v18, v6;
	vm1 =	vlt.s32 v18, v7;
	v14 =	vadd.s32 $0x800, v14  }
0x9b: {  	v12 =	vand.u32 $0x7FF00000, v12;
	vm0 =	vmand vm0, vm1;
	v14 =	vor.u32 $0x3000, v14  }
0x9c: {  	v16 =	vxor.u32 v16, v12;
	v12 =	vnsel vm0, $0x3000, v14;
	v19 =	vshra.s32 v13, $0x14;
	_, v13, vm0 =	vpop (xrf1)  }
0x9d: {  	s29 =	simm.s32 $0x50;
	s31 =	simm.s32 $0x60;
	v18 =	vshra.s32 v17, $0x1F;
	v20 =	vshra.s32 v16, $0x14;
	(xrf1) =	vunique.msk.u32 $0xffff, v12  }
0x9e: {  	s28 =	simm.s32 $0x40;
	v14 =	vand.u32 $0x7FF00000, v18;
	v18 =	vor.u32 s29, v0;
	v15 =	vor.u32 s31, v0  }
0x9f: {  	s3 =	simm.s32 $0x20A0;
	s2 =	simm.s32 $0x4;
	v16 =	vxor.u32 v17, v14;
	v14 =	vor.u32 s28, v0;
	v17 =	vadd.s32 $0x800, v20  }
.LBB2_9:
0xa0: {  	v20 =	vld [tilespmem:s3+$0x10];
	s2 =	sadd.s32 $0x4, s2;
	vm1 =	vge.s32 v14, v6;
	v16 =	vshra.s32 v16, $0x14;
	v19 =	vadd.s32 $0x800, v19  }
0xa1: {  	vm2 =	vlt.s32 v14, v7;
	vm3 =	vge.s32 v18, v6;
	vm4 =	vlt.s32 v18, v7;
	v21 =	vld [tilespmem:s3+$0xFFFFFFF0];
	p0 =	slt.u32 s2, $0x1FC  }
0xa2: {  	v14 =	vor.u32 $0x1000, v17;
	vm5 =	vge.s32 v15, v6;
	vm6 =	vlt.s32 v15, v7;
	[tilespmem:v8+s13+$0x0] =	vst.idx.add.s32.msk vm0, v13  }
0xa3: {  	v18 =	vadd.s32 $0x800, v16;
	v19 =	vor.u32 $0x2000, v19;
	vm0 =	vmand vm1, vm2;
	v8 =	vmovc v12;
	v15 =	vld [tilespmem:s3+$0x0]  }
0xa4: {  	vm1 =	vmand vm5, vm6;
	v12 =	vnsel vm0, $0x0, v18;
	vm0 =	vmand vm3, vm4;
	v17 =	vld [tilespmem:s3+$0xFFFFFFE0];
	_, v13, vm3 =	vpop (xrf1)  }
0xa5: {  	v22 =	vnsel vm1, $0x2000, v19;
	v14 =	vnsel vm0, $0x1000, v14;
	v18 =	vshra.s32 v20, $0x1F;
	(xrf1) =	vunique.msk.u32 $0xffff, v12;
	_, v16, vm2 =	vpop (xrf1)  }
0xa6: {  	v19 =	vshra.s32 v21, $0x1F;
	v18 =	vand.u32 $0x7FF00000, v18;
	(xrf1) =	vunique.msk.u32 $0xffff, v14;
	_, v23, vm1 =	vpop (xrf1)  }
0xa7: {  	s1 =	sadd.s32 $0x40, s1;
	v19 =	vand.u32 $0x7FF00000, v19;
	v18 =	vxor.u32 v20, v18;
	(xrf1) =	vunique.msk.u32 $0xffff, v22  }
0xa8: {  	s4 =	sadd.s32 $0xFFFFFFD0, s1;
	s5 =	sadd.s32 $0xFFFFFFE0, s1;
	s7 =	sadd.s32 $0xFFFFFFF0, s1;
	v24 =	vor.u32 s1, v0;
	v20 =	vshra.s32 v15, $0x1F;
	v18 =	vshra.s32 v18, $0x14  }
0xa9: {  	vm4 =	vlt.s32 v24, v7;
	vm0 =	vge.s32 v24, v6;
	v18 =	vadd.s32 $0x800, v18  }
.Ltmp7:
0xaa: {  	vm0 =	vmand vm0, vm4;
	v20 =	vand.u32 $0x7FF00000, v20;
	v18 =	vor.u32 $0x3000, v18;
	[tilespmem:v9+s13+$0x0] =	vst.idx.add.s32.msk vm3, v13;
	v9 =	vmovc v12;
	(pc) =	sbr.rel @p0 .LBB2_9-.Ltmp7, $4  }
0xab: {  	v19 =	vxor.u32 v21, v19;
	v24 =	vshra.s32 v17, $0x1F;
	v12 =	vnsel vm0, $0x3000, v18;
	_, v13, vm0 =	vpop (xrf1);
	[tilespmem:v11+s13+$0x0] =	vst.idx.add.s32.msk vm2, v16  }
0xac: {  	v21 =	vshra.s32 v19, $0x14;
	v15 =	vxor.u32 v15, v20;
	v16 =	vand.u32 $0x7FF00000, v24;
	v11 =	vmovc v14;
	(xrf1) =	vunique.msk.u32 $0xffff, v12  }
0xad: {  	v14 =	vor.u32 s4, v0;
	v19 =	vshra.s32 v15, $0x14;
	v16 =	vxor.u32 v17, v16;
	[tilespmem:v10+s13+$0x0] =	vst.idx.add.s32.msk vm1, v23;
	v10 =	vmovc v22  }
0xae: {  	s3 =	sadd.s32 $0x40, s3;
	v18 =	vor.u32 s5, v0;
	v15 =	vor.u32 s7, v0;
	v17 =	vadd.s32 $0x800, v21  }
0xaf: {  	vm1 =	vge.s32 v14, v6  }
0xb0: {  	v16 =	vshra.s32 v16, $0x14;
	v19 =	vadd.s32 $0x800, v19;
	vm2 =	vlt.s32 v14, v7  }
0xb1: {  	vm3 =	vge.s32 v18, v6;
	vm4 =	vlt.s32 v18, v7;
	v59 =	vor.u32 $0x1000, v17  }
0xb2: {  	vm5 =	vge.s32 v15, v6;
	vm1 =	vmand vm1, vm2;
	v6 =	vadd.s32 $0x800, v16  }
0xb3: {  	vm9 =	vlt.s32 v15, v7;
	vm10 =	vmand vm3, vm4;
	v6 =	vnsel vm1, $0x0, v6  }
0xb4: {  	v7 =	vor.u32 $0x2000, v19;
	vm2 =	vmand vm5, vm9;
	v14 =	vnsel vm10, $0x1000, v59;
	(xrf1) =	vunique.msk.u32 $0xffff, v6  }
0xb5: {  	v7 =	vnsel vm2, $0x2000, v7;
	(xrf1) =	vunique.msk.u32 $0xffff, v14  }
0xb6: {  	(xrf1) =	vunique.msk.u32 $0xffff, v7;
	_ =	sdelay $0x7  }
0xb7: {  	_, v60, vm11 =	vpop (xrf1)  }
0xb8: {  	_, v61, vm12 =	vpop (xrf1)  }
0xb9: {  	_, v62, vm13 =	vpop (xrf1)  }
0xba: {  	_, v18, vm14 =	vpop (xrf1)  }
0xbb: {  	_, v63, vm15 =	vpop (xrf1)  }
0xbc: {  	[tilespmem:v8+s13+$0x0] =	vst.idx.add.s32.msk vm0, v13;
	_, v8, vm0 =	vpop (xrf1)  }
0xbd: {  	s0 =	sadd.s32 $0x1, s0;
	[tilespmem:v9+s13+$0x0] =	vst.idx.add.s32.msk vm11, v60;
	_, v9, vm1 =	vpop (xrf1)  }
0xbe: {  	p0 =	seq.s32 s0, s17;
	[tilespmem:v11+s13+$0x0] =	vst.idx.add.s32.msk vm12, v61  }
.Ltmp8:
0xbf: {  	[tilespmem:v10+s13+$0x0] =	vst.idx.add.s32.msk vm13, v62;
	(pc) =	sbr.rel @!p0 .LBB2_6-.Ltmp8, $4  }
0xc0: {  	[tilespmem:v12+s13+$0x0] =	vst.idx.add.s32.msk vm14, v18  }
0xc1: {  	[tilespmem:v6+s13+$0x0] =	vst.idx.add.s32.msk vm15, v63  }
0xc2: {  	[tilespmem:v14+s13+$0x0] =	vst.idx.add.s32.msk vm0, v8  }
0xc3: {  	[tilespmem:v7+s13+$0x0] =	vst.idx.add.s32.msk vm1, v9  }
0xc4: {  	s0 =	simm.s32 $0x8FF0  }
0xc5: {  	v7 =	vld [tilespmem:s0+$0xFFFFE000]  }
0xc6: {  	v8 =	vld [tilespmem:s0+$0xFFFFF000]  }
0xc7: {  	v9 =	vld [tilespmem:s0+$0x0]  }
0xc8: {  	v10 =	vld [tilespmem:s0+$0x1000];
	_ =	sdelay $0x2  }
0xc9: {  	v7 =	vadd.s32 v7, v8  }
0xca: {  	v7 =	vadd.s32 v9, v7  }
0xcb: {  	v7 =	vadd.s32 v10, v7  }
0xcc: {  	(xrf0) =	vadd.scan.msk.s32 $0xffff, v7  }
0xcd: {  	s1 =	simm.s32 $0x8FE0;
	[tilespmem:s0+$0xFFFFF000] =	vst v1;
	v8 =	vperm.xlane v7, v2  }
0xce: {  	[tilespmem:s0+$0xFFFFE000] =	vst v1;
	v9 =	vld [tilespmem:s1+$0xFFFFF000]  }
0xcf: {  	[tilespmem:s0+$0x0] =	vst v1;
	v7 =	vld [tilespmem:s1+$0xFFFFE000];
	(xrf0) =	vadd.scan.msk.s32 $0xffff, v8  }
0xd0: {  	[tilespmem:s0+$0x1000] =	vst v1;
	v10 =	vld [tilespmem:s1+$0x0]  }
0xd1: {  	v11 =	vld [tilespmem:s1+$0x1000]  }
0xd2: {  	v12, _, _ =	vpop (xrf0)  }
0xd3: {  	(v2sf) =	vpush v12, $0xF  }
0xd4: {  	v7 =	vadd.s32 v7, v9  }
0xd5: {  	s10 =	simm.s32 $0x0;
	v7 =	vadd.s32 v10, v7;
	v9, _, _ =	vpop (xrf0)  }
0xd6: {  	v6 =	vmov s6;
	v7 =	vadd.s32 v11, v7;
	v10 =	vadd.s32 s10, v9  }
0xd7: {  	(xrf0) =	vadd.scan.msk.s32 $0xffff, v7;
	vm0 =	vlt.s32 v10, v6  }
0xd8: {  	v10 =	vsel vm0, $0x80000010, v3  }
0xd9: {  	(xrf0) =	vmin.scan.msk.u32 $0xffff, v10  }
0xda: {  	s16 =	simm.s32 $0x8FD0;
	[tilespmem:s1+$0xFFFFF000] =	vst v1  }
0xdb: {  	[tilespmem:s1+$0xFFFFE000] =	vst v1;
	v11 =	vld [tilespmem:s16+$0xFFFFF000];
	v10 =	vperm.xlane v7, v2  }
0xdc: {  	[tilespmem:s1+$0x0] =	vst v1;
	v7 =	vld [tilespmem:s16+$0xFFFFE000]  }
0xdd: {  	[tilespmem:s1+$0x1000] =	vst v1;
	v13 =	vld [tilespmem:s16+$0x0];
	(xrf0) =	vadd.scan.msk.s32 $0xffff, v10;
	v12, _, _ =	vpop (xrf0)  }
0xde: {  	(v2sf) =	vpush v12, $0xF;
	v12 =	vld [tilespmem:s16+$0x1000]  }
0xdf: {  	v14, _, _ =	vpop (xrf0)  }
0xe0: {  	(v2sf) =	vpush v14, $0xF  }
0xe1: {  	v7 =	vadd.s32 v7, v11  }
0xe2: {  	[dreg:$0xb] =	wrdreg s17;
	v7 =	vadd.s32 v13, v7;
	s17 =	spop (v2sf)  }
0xe3: {  	v11, _, _ =	vpop (xrf0);
	v7 =	vadd.s32 v12, v7;
	s4 =	sadd.s32 $0x0, s17  }
0xe4: {  	(xrf0) =	vadd.scan.msk.s32 $0xffff, v7;
	v12 =	vadd.s32 s4, v11  }
0xe5: {  	vm9 =	vlt.s32 v12, v6  }
0xe6: {  	s18 =	simm.s32 $0x8FC0;
	[tilespmem:s16+$0xFFFFE000] =	vst v1;
	v12 =	vperm.xlane v7, v2;
	v7 =	vsel vm9, $0x80000010, v3  }
0xe7: {  	[tilespmem:s16+$0xFFFFF000] =	vst v1;
	v13 =	vld [tilespmem:s18+$0xFFFFE000];
	(xrf0) =	vmin.scan.msk.u32 $0xffff, v7  }
0xe8: {  	[tilespmem:s16+$0x0] =	vst v1;
	v7 =	vld [tilespmem:s18+$0xFFFFF000];
	(xrf0) =	vadd.scan.msk.s32 $0xffff, v12  }
0xe9: {  	[tilespmem:s16+$0x1000] =	vst v1;
	v14 =	vld [tilespmem:s18+$0x0]  }
0xea: {  	v15 =	vld [tilespmem:s18+$0x1000];
	v16, _, _ =	vpop (xrf0)  }
0xeb: {  	(v2sf) =	vpush v16, $0xF;
	_ =	sdelay $0x1  }
0xec: {  	s19 =	spop (v2sf);
	v7 =	vadd.s32 v13, v7;
	v16, _, _ =	vpop (xrf0)  }
0xed: {  	s7 =	sadd.s32 s4, s19;
	v7 =	vadd.s32 v14, v7;
	v13, _, _ =	vpop (xrf0);
	(v2sf) =	vpush v16, $0xF  }
0xee: {  	v7 =	vadd.s32 v15, v7;
	s23 =	spop (v2sf);
	v14 =	vadd.s32 s7, v13  }
0xef: {  	(xrf0) =	vadd.scan.msk.s32 $0xffff, v7;
	s2 =	sxor.u32 $0x80000000, s23;
	vm10 =	vlt.s32 v14, v6  }
0xf0: {  	v15 =	vmov s2;
	v14 =	vsel vm10, $0x80000010, v3  }
0xf1: {  	v9 =	vxor.u32 $0x80000000, v9;
	v7 =	vperm.xlane v7, v2;
	vm11 =	veq.s32 v15, v0;
	(xrf0) =	vmin.scan.msk.u32 $0xffff, v14  }
0xf2: {  	v9 =	vnsel vm11, $0x80000000, v9  }
0xf3: {  	[dreg:$0xc] =	wrdreg s24;
	s24 =	simm.s32 $0x8FB0;
	v8 =	vxor.u32 $0x80000000, v8;
	[tilespmem:s18+$0xFFFFE000] =	vst v1;
	(xrf0) =	vadd.scan.msk.s32 $0xffff, v7  }
0xf4: {  	[tilespmem:s18+$0xFFFFF000] =	vst v1;
	v8 =	vnsel vm11, $0x80000000, v8;
	v14 =	vld [tilespmem:s24+$0xFFFFE000];
	(xrf0) =	vmax.scan.msk.u32 $0xffff, v9  }
0xf5: {  	[tilespmem:s18+$0x0] =	vst v1;
	v9, _, _ =	vpop (xrf0);
	(xrf0) =	vmax.scan.msk.u32 $0xffff, v8;
	v8 =	vld [tilespmem:s24+$0xFFFFF000]  }
0xf6: {  	[tilespmem:s18+$0x1000] =	vst v1;
	v15 =	vld [tilespmem:s24+$0x0]  }
0xf7: {  	v16 =	vld [tilespmem:s24+$0x1000];
	(v2sf) =	vpush v9, $0xF;
	v9, _, _ =	vpop (xrf0)  }
0xf8: {  	(v2sf) =	vpush v9, $0xF  }
0xf9: {  	s25 =	spop (v2sf);
	v9, _, _ =	vpop (xrf0)  }
0xfa: {  	s9 =	sadd.s32 s7, s25;
	v17, _, _ =	vpop (xrf0);
	v8 =	vadd.s32 v14, v8  }
0xfb: {  	s16 =	simm.s32 $0x8FA0;
	[tilespmem:s24+$0xFFFFE000] =	vst v1;
	(v2sf) =	vpush v17, $0xF;
	v14, _, _ =	vpop (xrf0);
	v8 =	vadd.s32 v15, v8;
	v15 =	vadd.s32 s9, v9  }
0xfc: {  	[tilespmem:s24+$0xFFFFF000] =	vst v1;
	(v2sf) =	vpush v14, $0xF;
	v14 =	vadd.s32 v16, v8;
	vm12 =	vlt.s32 v15, v6;
	v15 =	vld [tilespmem:s16+$0xFFFFE000];
	s5 =	spop (v2sf)  }
0xfd: {  	[dreg:$0xa] =	wrdreg s26;
	[tilespmem:s24+$0x0] =	vst v1;
	v16 =	vld [tilespmem:s16+$0xFFFFF000];
	v8 =	vperm.xlane v14, v2;
	(xrf0) =	vadd.scan.msk.s32 $0xffff, v14;
	v14 =	vsel vm12, $0x80000010, v3;
	s26 =	sxor.u32 $0x80000000, s5  }
0xfe: {  	[tilespmem:s24+$0x1000] =	vst v1;
	v17 =	vld [tilespmem:s16+$0x0];
	(xrf0) =	vmin.scan.msk.u32 $0xffff, v14;
	v14 =	vmov s26  }
0xff: {  	v11 =	vxor.u32 $0x80000000, v11;
	vm13 =	veq.s32 v14, v0;
	v14 =	vld [tilespmem:s16+$0x1000]  }
0x100: {  	p0 =	por $0x1, $0x1;
	v10 =	vxor.u32 $0x80000000, v10;
	p1 =	sge.s32 s4, s6;
	(xrf0) =	vadd.scan.msk.s32 $0xffff, v8;
	v11 =	vnsel vm13, $0x80000000, v11  }
0x101: {  	p0 =	por !p0, !p1;
	v10 =	vnsel vm13, $0x80000000, v10;
	(xrf0) =	vmax.scan.msk.u32 $0xffff, v11  }
0x102: {  	s3 =	simm.s32 $0x0;
	p1 =	por !p0, !p0;
	v11 =	vadd.s32 v15, v16  }
0x103: {  	s3 =	simm.s32 @p1 $0x1;
	v15, _, _ =	vpop (xrf0);
	v11 =	vadd.s32 v17, v11  }
0x104: {  	s0 =	simm.s32 $0x0;
	p4 =	seq.s32 s3, $0x0;
	p2 =	sge.s32 s7, s6;
	(xrf0) =	vmax.scan.msk.u32 $0xffff, v10;
	v10, _, _ =	vpop (xrf0);
	(v2sf) =	vpush v15, $0xF;
	v14 =	vadd.s32 v14, v11  }
0x105: {  	s1 =	simm.s32 $0x80000FCF;
	s10 =	ssub.s32 s6, s10;
	p0 =	por !p4, !p2;
	(v2sf) =	vpush v10, $0xF  }
0x106: {  	s18 =	simm.s32 $0x80000FAF;
	p0 =	por !p0, !p0;
	s12 =	spop (v2sf);
	v11, _, _ =	vpop (xrf0)  }
0x107: {  	s19 =	simm.s32 $0x80000FBF;
	s3 =	simm.s32 @p0 $0x1;
	(xrf0) =	vadd.scan.msk.s32 $0xffff, v14;
	v10 =	vperm.xlane v14, v2;
	s28 =	spop (v2sf);
	v14, _, _ =	vpop (xrf0)  }
0x108: {  	p2 =	por p0, p0;
	s2 =	ssub.s32 $0x80000FFF, s23;
	s23 =	sxor.u32 $0x80000000, s28;
	(v2sf) =	vpush v14, $0xF  }
0x109: {  	p5 =	seq.s32 s3, $0x0;
	s0 =	smov.u32 @p1 s2;
	s25 =	sadd.s32 s9, s12;
	v16 =	vmov s23  }
0x10a: {  	s2 =	simm.s32 $0x80000F9F;
	p3 =	sge.s32 s9, s6;
	[tilespmem:s16+$0x0] =	vst v1;
	s5 =	ssub.s32 $0x80000FEF, s5;
	v15 =	vadd.s32 s25, v11  }
0x10b: {  	p3 =	por !p5, !p3;
	[tilespmem:s16+$0xFFFFE000] =	vst v1;
	s0 =	smov.u32 @p0 s5;
	s5 =	simm.s32 $0x8F90;
	v17 =	vxor.u32 $0x80000000, v12;
	vm14 =	vlt.s32 v15, v6  }
0x10c: {  	p1 =	por p1, p1;
	[tilespmem:s16+$0xFFFFF000] =	vst v1;
	p0 =	por !p3, !p3;
	v12 =	vld [tilespmem:s5+$0x0];
	v15 =	vsel vm14, $0x80000010, v3;
	s29 =	spop (v2sf);
	vm15 =	veq.s32 v16, v0;
	v16, _, _ =	vpop (xrf0)  }
0x10d: {  	p1 =	por p1, p1;
	[tilespmem:s16+$0x1000] =	vst v1;
	s3 =	simm.s32 @p0 $0x1;
	v14 =	vld [tilespmem:s5+$0xFFFFE000];
	(xrf0) =	vmin.scan.msk.u32 $0xffff, v15;
	s31 =	spop (v2sf);
	(v2sf) =	vpush v16, $0xF  }
0x10e: {  	v13 =	vxor.u32 $0x80000000, v13;
	p6 =	seq.s32 s3, $0x0;
	[tilespmem:s5+$0x0] =	vst v1;
	s12 =	simm.s32 $0x80000F8F;
	v15 =	vld [tilespmem:s5+$0xFFFFF000];
	s16 =	sxor.u32 $0x7FFFFFFF, s29;
	v16 =	vnsel vm15, $0x80000000, v17;
	v17, _, _ =	vpop (xrf0)  }
0x10f: {  	p4 =	sge.s32 s25, s6;
	[tilespmem:s5+$0xFFFFE000] =	vst v1;
	s17 =	ssub.s32 $0x80000FDF, s28;
	v18 =	vnsel vm15, $0x80000000, v13;
	s10 =	sadd.s32 s10, s16;
	(xrf0) =	vadd.scan.msk.s32 $0xffff, v10;
	(v2sf) =	vpush v17, $0xF  }
0x110: {  	p3 =	por !p6, !p4;
	[tilespmem:s5+$0xFFFFF000] =	vst v1;
	s0 =	smov.u32 @p0 s17;
	v13 =	vld [tilespmem:s5+$0x1000];
	s10 =	sadd.s32 s31, s10;
	(xrf0) =	vmax.scan.msk.u32 $0xffff, v18  }
0x111: {  	[tilespmem:s5+$0x1000] =	vst v1;
	s16 =	smov.u32 s25;
	s17 =	sadd.s32 $0x80000001, s10;
	s10 =	smov.u32 s6;
	(xrf0) =	vmax.scan.msk.u32 $0xffff, v16  }
.LBB2_12:
0x112: {  	p4 =	sne.s32 s12, $0x8000000F;
	s10 =	smov.u32 @p1 s17;
	s17 =	smov.u32 s12  }
0x113: {  	v14 =	vadd.s32 v14, v15;
	v15, _, _ =	vpop (xrf0);
	s12 =	sadd.s32 $0xFFFFFFF0, s12;
	p1 =	por p2, p2;
	p2 =	por p0, p0  }
0x114: {  	p0 =	por !p3, !p3;
	v12 =	vadd.s32 v12, v14;
	s23 =	spop (v2sf);
	(v2sf) =	vpush v15, $0xF  }
0x115: {  	s3 =	simm.s32 @p0 $0x1;
	v12 =	vadd.s32 v13, v12;
	v13, _, _ =	vpop (xrf0);
	s25 =	sadd.s32 s25, s23  }
0x116: {  	p3 =	seq.s32 s3, $0x0;
	v16 =	vperm.xlane v12, v2;
	(xrf0) =	vadd.scan.msk.s32 $0xffff, v12;
	v12 =	vadd.s32 s25, v13;
	p5 =	sge.s32 s25, s6;
	v14, _, _ =	vpop (xrf0)  }
0x117: {  	vm0 =	vlt.s32 v12, v6;
	p3 =	por !p3, !p5;
	s23 =	spop (v2sf);
	(v2sf) =	vpush v14, $0xF  }
0x118: {  	s5 =	sadd.s32 $0xFFFFFFF0, s5;
	v12 =	vsel vm0, $0x80000010, v3;
	s24 =	sxor.u32 $0x80000000, s23;
	s1 =	ssub.s32 s1, s23;
	v15, _, _ =	vpop (xrf0)  }
0x119: {  	s0 =	smov.u32 @p0 s1;
	s1 =	smov.u32 s19;
	s19 =	smov.u32 s18;
	v14 =	vld [tilespmem:s5+$0xFFFFE000];
	(xrf0) =	vmin.scan.msk.u32 $0xffff, v12;
	v12 =	vmov s24;
	(v2sf) =	vpush v15, $0xF  }
.Ltmp9:
0x11a: {  	v17 =	vxor.u32 $0x80000000, v9;
	v20 =	vxor.u32 $0x80000000, v7;
	v9 =	vmovc v11;
	v11 =	vmovc v13;
	s18 =	smov.u32 s2;
	[tilespmem:s5+$0xFFFFE000] =	vst v1;
	v15 =	vld [tilespmem:s5+$0xFFFFF000];
	vm0 =	veq.s32 v12, v0;
	s23 =	spop (v2sf);
	(pc) =	sbr.rel @p4 .LBB2_12-.Ltmp9, $4  }
0x11b: {  	s4 =	ssub.s32 s6, s4;
	v7 =	vmovc v8;
	s2 =	smov.u32 s17;
	[tilespmem:s5+$0xFFFFF000] =	vst v1;
	v12 =	vld [tilespmem:s5+$0x0];
	(xrf0) =	vadd.scan.msk.s32 $0xffff, v16;
	v17 =	vnsel vm0, $0x80000000, v17;
	v18 =	vnsel vm0, $0x80000000, v20;
	s23 =	sxor.u32 $0x7FFFFFFF, s23  }
0x11c: {  	v8 =	vmov v10;
	v10 =	vmov v16;
	[tilespmem:s5+$0x0] =	vst v1;
	v13 =	vld [tilespmem:s5+$0x1000];
	v19, _, _ =	vpop (xrf0);
	(xrf0) =	vmax.scan.msk.u32 $0xffff, v17;
	s17 =	sadd.s32 s4, s23;
	s23 =	spop (v2sf);
	s4 =	smov.u32 s7  }
0x11d: {  	s7 =	smov.u32 s9;
	s9 =	smov.u32 s16;
	[tilespmem:s5+$0x1000] =	vst v1;
	(v2sf) =	vpush v19, $0xF;
	s17 =	sadd.s32 s23, s17  }
0x11e: {  	s16 =	smov.u32 s25;
	(xrf0) =	vmax.scan.msk.u32 $0xffff, v18;
	s17 =	sadd.s32 $0x80000001, s17  }
0x11f: {  	_ =	sdelay $0x1  }
0x120: {  	v16, _, _ =	vpop (xrf0);
	s5 =	spop (v2sf)  }
0x121: {  	v14 =	vadd.s32 v14, v15;
	s26 =	sadd.s32 s25, s5;
	v58, _, _ =	vpop (xrf0)  }
0x122: {  	v12 =	vadd.s32 v12, v14;
	v59 =	vadd.s32 s26, v58  }
0x123: {  	v12 =	vadd.s32 v13, v12;
	vm0 =	vlt.s32 v59, v6  }
0x124: {  	v13 =	vperm.xlane v12, v2;
	(xrf0) =	vadd.scan.msk.s32 $0xffff, v12;
	v60 =	vsel vm0, $0x80000010, v3  }
0x125: {  	(xrf0) =	vmin.scan.msk.u32 $0xffff, v60  }
0x126: {  	(xrf0) =	vadd.scan.msk.s32 $0xffff, v13;
	_ =	sdelay $0x1  }
0x127: {  	v61, _, _ =	vpop (xrf0);
	s23 =	spop (v2sf)  }
0x128: {  	v62, _, _ =	vpop (xrf0);
	s28 =	spop (v2sf)  }
0x129: {  	s12 =	sxor.u32 $0x80000000, s23;
	v17, _, _ =	vpop (xrf0);
	s29 =	spop (v2sf)  }
0x12a: {  	v18 =	vmov s12;
	v19, _, _ =	vpop (xrf0);
	s24 =	spop (v2sf)  }
0x12b: {  	v9 =	vxor.u32 $0x80000000, v9;
	vm11 =	veq.s32 v18, v0;
	v63, _, _ =	vpop (xrf0);
	s12 =	sadd.s32 s26, s24  }
0x12c: {  	v7 =	vxor.u32 $0x80000000, v7;
	v9 =	vnsel vm11, $0x80000000, v9;
	v20 =	vadd.s32 s12, v63  }
0x12d: {  	v7 =	vnsel vm11, $0x80000000, v7;
	(xrf0) =	vmax.scan.msk.u32 $0xffff, v9;
	vm12 =	vlt.s32 v20, v6  }
0x12e: {  	(xrf0) =	vmax.scan.msk.u32 $0xffff, v7;
	v6 =	vsel vm12, $0x80000010, v3  }
0x12f: {  	(v2sf) =	vpush v16, $0xF;
	(xrf0) =	vmin.scan.msk.u32 $0xffff, v6  }
0x130: {  	(v2sf) =	vpush v61, $0xF  }
0x131: {  	(v2sf) =	vpush v62, $0xF  }
0x132: {  	(v2sf) =	vpush v17, $0xF  }
0x133: {  	(v2sf) =	vpush v19, $0xF;
	v6, _, _ =	vpop (xrf0)  }
0x134: {  	(v2sf) =	vpush v6, $0xF;
	v6, _, _ =	vpop (xrf0)  }
0x135: {  	(v2sf) =	vpush v6, $0xF;
	v6, _, _ =	vpop (xrf0)  }
0x136: {  	(v2sf) =	vpush v6, $0xF;
	_ =	sdelay $0x7  }
0x137: {  	s5 =	spop (v2sf)  }
0x138: {  	[dreg:$0x1d] =	wrdreg s28;
	s28 =	spop (v2sf)  }
0x139: {  	[dreg:$0x18] =	wrdreg s29;
	s24 =	sxor.u32 $0x80000000, s5;
	s29 =	spop (v2sf)  }
0x13a: {  	v6 =	vmov s24;
	s25 =	spop (v2sf)  }
0x13b: {  	vm13 =	veq.s32 v6, v0;
	v6 =	vxor.u32 $0x80000000, v11;
	s24 =	spop (v2sf)  }
0x13c: {  	v7 =	vxor.u32 $0x80000000, v8;
	[dreg:$0x17] =	wrdreg s25;
	v6 =	vnsel vm13, $0x80000000, v6;
	s25 =	spop (v2sf)  }
0x13d: {  	(xrf0) =	vmax.scan.msk.u32 $0xffff, v6;
	v6 =	vnsel vm13, $0x80000000, v7;
	[dreg:$0x19] =	wrdreg s25;
	s25 =	sxor.u32 $0x80000000, s24;
	s31 =	spop (v2sf)  }
0x13e: {  	(xrf0) =	vmax.scan.msk.u32 $0xffff, v6;
	v6 =	vmov s25;
	s25 =	spop (v2sf)  }
0x13f: {  	[dreg:$0x14] =	wrdreg s31;
	s31 =	sxor.u32 $0x80000000, s25  }
0x140: {  	p3 =	por !p3, !p3;
	vm14 =	veq.s32 v6, v0;
	v6 =	vxor.u32 $0x80000000, v58;
	v7 =	vmov s31  }
0x141: {  	s4 =	ssub.s32 s6, s4;
	s1 =	ssub.s32 s1, s23;
	s23 =	rddreg [dreg:$0x1d];
	v8 =	vxor.u32 $0x80000000, v10;
	v6 =	vnsel vm14, $0x80000000, v6  }
0x142: {  	s10 =	smov.u32 @p1 s17;
	s3 =	simm.s32 @p3 $0x1;
	s23 =	sxor.u32 $0x7FFFFFFF, s23;
	v8 =	vnsel vm14, $0x80000000, v8;
	(xrf0) =	vmax.scan.msk.u32 $0xffff, v6;
	v6 =	vxor.u32 $0x80000000, v63;
	vm15 =	veq.s32 v7, v0  }
0x143: {  	p6 =	seq.s32 s3, $0x0;
	s17 =	sadd.s32 s4, s23;
	s23 =	rddreg [dreg:$0x18];
	(xrf0) =	vmax.scan.msk.u32 $0xffff, v8;
	v6 =	vnsel vm15, $0x80000000, v6;
	v7, _, _ =	vpop (xrf0)  }
0x144: {  	p4 =	sge.s32 s26, s6;
	s0 =	smov.u32 @p3 s1;
	s1 =	sadd.s32 s23, s17;
	(xrf0) =	vmax.scan.msk.u32 $0xffff, v6;
	(v2sf) =	vpush v7, $0xF;
	v7 =	vxor.u32 $0x80000000, v13  }
0x145: {  	p1 =	por p2, p2;
	p2 =	por !p6, !p4;
	s1 =	sadd.s32 $0x80000001, s1;
	v7 =	vnsel vm15, $0x80000000, v7  }
0x146: {  	p0 =	por p0, p0;
	s10 =	smov.u32 @p1 s1;
	p1 =	por !p2, !p2;
	v6, _, _ =	vpop (xrf0);
	(xrf0) =	vmax.scan.msk.u32 $0xffff, v7  }
0x147: {  	p5 =	por p0, p0;
	p3 =	por p3, p3;
	s3 =	simm.s32 @p1 $0x1  }
0x148: {  	s17 =	ssub.s32 s6, s7;
	p6 =	sge.s32 s12, s6;
	p4 =	seq.s32 s3, $0x0;
	(v2sf) =	vpush v6, $0xF;
	v6, _, _ =	vpop (xrf0)  }
0x149: {  	s7 =	ssub.s32 s6, s16;
	s1 =	ssub.s32 s19, s5;
	p2 =	por !p4, !p6;
	(v2sf) =	vpush v6, $0xF;
	v6, _, _ =	vpop (xrf0)  }
0x14a: {  	s0 =	smov.u32 @p1 s1;
	p0 =	por !p2, !p2;
	s5 =	sxor.u32 $0x7FFFFFFF, s28;
	(v2sf) =	vpush v6, $0xF;
	v6, _, _ =	vpop (xrf0)  }
0x14b: {  	p2 =	por p3, p3;
	p1 =	por p1, p1;
	s19 =	sadd.s32 s17, s5;
	(v2sf) =	vpush v6, $0xF  }
0x14c: {  	s3 =	simm.s32 @p0 $0x1;
	p1 =	por p1, p1;
	s1 =	sadd.s32 s29, s19;
	v6, _, _ =	vpop (xrf0)  }
0x14d: {  	p4 =	seq.s32 s3, $0x0;
	s1 =	sadd.s32 $0x80000001, s1;
	s23 =	rddreg [dreg:$0x17];
	(v2sf) =	vpush v6, $0xF  }
0x14e: {  	s29 =	ssub.s32 s6, s9;
	s10 =	smov.u32 @p5 s1;
	s1 =	sadd.s32 s12, s23  }
0x14f: {  	s19 =	ssub.s32 s6, s26;
	p5 =	sge.s32 s1, s6;
	s28 =	rddreg [dreg:$0x19]  }
0x150: {  	s4 =	ssub.s32 s18, s24;
	p3 =	por !p4, !p5;
	s1 =	sxor.u32 $0x7FFFFFFF, s28  }
0x151: {  	s0 =	smov.u32 @p0 s4;
	s4 =	rddreg [dreg:$0x14];
	s1 =	sadd.s32 s29, s1  }
0x152: {  	p0 =	por p0, p0;
	s29 =	rddreg [dreg:$0x11];
	s1 =	sadd.s32 s4, s1  }
0x153: {  	s2 =	ssub.s32 s2, s25;
	s25 =	ssub.s32 s6, s12;
	s6 =	simm.s32 $0x0  }
0x154: {  	[tilespmem:s6], [sflag:$0x1] =	stream.linear.gather [hbm4b:s29+s6], $0x2000, $0x38;
	[tilespmem:$0xE000] =	vst v63  }
0x155: {  	p0 =	por p0, p0;
	s1 =	sadd.s32 $0x80000001, s1;
	s5 =	spop (v2sf)  }
0x156: {  	s31 =	rddreg [dreg:$0xb];
	s10 =	smov.u32 @p2 s1;
	s3 =	sxor.u32 $0x7FFFFFFF, s5  }
0x157: {  	p2 =	por !p3, !p3;
	s9 =	sadd.s32 s7, s3;
	s16 =	spop (v2sf)  }
0x158: {  	s0 =	smov.u32 @p2 s2;
	s1 =	sadd.s32 s16, s9;
	s17 =	spop (v2sf)  }
0x159: {  	p6 =	por p2, p2;
	s1 =	sadd.s32 $0x80000001, s1;
	s18 =	spop (v2sf)  }
0x15a: {  	s10 =	smov.u32 @p1 s1;
	s1 =	sxor.u32 $0x7FFFFFFF, s17;
	s23 =	spop (v2sf)  }
.Ltmp10:
0x15b: {  	s1 =	sadd.s32 s19, s1;
	s24 =	sxor.u32 $0x7FFFFFFF, s23;
	(pc) =	sbr.rel .LBB2_14-.Ltmp10, $4  }
0x15c: {  	s1 =	sadd.s32 s18, s1;
	s26 =	sadd.s32 s25, s24;
	s28 =	spop (v2sf)  }
0x15d: {  	s7 =	simm.s32 $0x0;
	s1 =	sadd.s32 $0x80000001, s1;
	s2 =	sadd.s32 s28, s26  }
0x15e: {  	s10 =	smov.u32 @p0 s1;
	p0 =	por p6, p6;
	s1 =	sadd.s32 $0x80000001, s2  }
0x15f: {  	v6 =	vmov s0;
	s18 =	simm.s32 $0x0;
	s25 =	simm.s32 $0x2000;
	s10 =	smov.u32 @p0 s1  }
.LBB2_30:
0x160: {  	s18 =	sadd.s32 $0x1, s18  }
0x161: {  	p0 =	sne.s32 s18, s31  }
.Ltmp11:
0x162: {  	_ = 	snop;
	(pc) =	sbr.rel @!p0 .LBB2_31-.Ltmp11, $1  }
0x163: {  	_ =	sdelay $0x3  }
.LBB2_14:
0x164: {  	s26 =	sshllo.u32 s18, $0x1  }
0x165: {  	s28 =	sshll.u32 s26, $0xD  }
0x166: {  	s9 =	smov.u32 s22;
	p0 =	slt.s32 s28, s22  }
0x167: {  	s9 =	smov.u32 @p0 s28  }
0x168: {  	s1 =	sadd.s32 s21, s9  }
0x169: {  	s1 =	sshrl.u32 s1, $0x3  }
0x16a: {  	s1 =	sadd.s32 s8, s1  }
0x16b: {  	[tilespmem:s25], [sflag:$0x2] =	stream.linear.gather [hbm4b:s1+s6], $0x2000, $0x38;
	[tilespmem:$0xE000] =	vst v63  }
0x16c: {  	_ =	swait.ge [sflag:s11], $0x2000  }
0x16d: {  	[sflag:s11] =	ssyncset.done $0x0  }
0x16e: {  	s17 =	simm.s32 $0x20;
	s2 =	sshll.u32 s18, $0xE;
	[sflag:s11] =	ssyncadd.s32 $0xFFFFE000  }
0x16f: {  	s3 =	smov.u32 s22;
	p0 =	slt.s32 s2, s22;
	v9 =	vld [tilespmem:s17+$0x10]  }
0x170: {  	s29 =	sshll.u32 s18, $0x1;
	s3 =	smov.u32 @p0 s2;
	v10 =	vld [tilespmem:s17+$0xFFFFFFF0]  }
0x171: {  	p0 =	slt.u32 s29, s20;
	s2 =	ssub.s32 s2, s3;
	s1 =	ssub.s32 s30, s3;
	v11 =	vld [tilespmem:s17+$0x0]  }
0x172: {  	s19 =	simm.s32 $0x30;
	s2 =	simm.s32 @!p0 $0x2000;
	s1 =	simm.s32 @!p0 $0x0;
	v12 =	vld [tilespmem:s17+$0xFFFFFFE0]  }
0x173: {  	v16 =	vor.u32 s19, v0;
	v7 =	vmov s2;
	v8 =	vmov s1  }
0x174: {  	vm0 =	vge.s32 v16, v7;
	vm1 =	vlt.s32 v16, v8;
	v13 =	vshra.s32 v9, $0x1F  }
0x175: {  	vm0 =	vmand vm0, vm1;
	v13 =	vand.u32 $0x7FF00000, v13  }
0x176: {  	v14 =	vshra.s32 v10, $0x1F;
	v15 =	vshra.s32 v11, $0x1F;
	v9 =	vxor.u32 v9, v13  }
0x177: {  	v14 =	vand.u32 $0x7FF00000, v14;
	v13 =	vshra.s32 v12, $0x1F;
	v9 =	vshra.s32 v9, $0x14  }
0x178: {  	s23 =	simm.s32 $0x10;
	v10 =	vxor.u32 v10, v14;
	v13 =	vand.u32 $0x7FF00000, v13;
	v9 =	vadd.s32 $0x800, v9  }
0x179: {  	v14 =	vor.u32 s23, v0;
	vm15 =	veq.s32 v9, v6;
	v9 =	vxor.u32 v12, v13  }
0x17a: {  	s24 =	simm.s32 $0x20;
	v12 =	vand.u32 $0x7FF00000, v15;
	v15 =	vshra.s32 v10, $0x14;
	vm0 =	vmand vm0, vm15  }
0x17b: {  	v10 =	vor.u32 s24, v0;
	v11 =	vxor.u32 v11, v12;
	v12 =	vmpcnt.ones.xlane vm0  }
0x17c: {  	s1 =	simm.s32 $0xC020;
	v13 =	vshra.s32 v9, $0x14;
	v9 =	vor.u32 s6, v0;
	v11 =	vshra.s32 v11, $0x14  }
0x17d: {  	s4 =	simm.s32 $0x60;
	s5 =	simm.s32 $0x0;
	s2 =	simm.s32 $0x0;
	v11 =	vadd.s32 $0x800, v11;
	[tilespmem:s1+$0x10] =	vst v12;
	v12 =	vadd.s32 $0x800, v13;
	v13 =	vadd.s32 $0x800, v15  }
.LBB2_15:
0x17e: {  	v15 =	vld [tilespmem:s4+$0x10];
	s2 =	sadd.s32 $0x4, s2;
	vm0 =	vge.s32 v14, v7;
	vm1 =	vlt.s32 v14, v8;
	vm2 =	vge.s32 v10, v7  }
0x17f: {  	vm3 =	vge.s32 v9, v7;
	vm4 =	vlt.s32 v9, v8;
	vm5 =	vlt.s32 v10, v8;
	v14 =	vld [tilespmem:s4+$0xFFFFFFF0];
	p0 =	slt.u32 s2, $0x1FC  }
0x180: {  	vm6 =	veq.s32 v12, v6;
	vm7 =	veq.s32 v13, v6;
	vm8 =	veq.s32 v11, v6;
	v9 =	vld [tilespmem:s4+$0x0]  }
0x181: {  	vm3 =	vmand vm3, vm4;
	vm0 =	vmand vm0, vm1;
	vm1 =	vmand vm2, vm5;
	v10 =	vld [tilespmem:s4+$0xFFFFFFE0]  }
0x182: {  	vm2 =	vmand vm3, vm6;
	vm0 =	vmand vm0, vm7;
	vm1 =	vmand vm1, vm8  }
0x183: {  	v12 =	vmpcnt.ones.xlane vm2;
	v13 =	vmpcnt.ones.xlane vm0;
	v11 =	vshra.s32 v15, $0x1F  }
0x184: {  	s5 =	sadd.s32 $0x40, s5;
	v17 =	vmpcnt.ones.xlane vm1;
	v16 =	vshra.s32 v14, $0x1F;
	v11 =	vand.u32 $0x7FF00000, v11  }
0x185: {  	s3 =	sadd.s32 $0x10, s5;
	s12 =	sadd.s32 $0x20, s5;
	s16 =	sadd.s32 $0x30, s5;
	v16 =	vand.u32 $0x7FF00000, v16;
	v18 =	vshra.s32 v9, $0x1F;
	v11 =	vxor.u32 v15, v11;
	[tilespmem:s1+$0xFFFFFFE0] =	vst v12  }
0x186: {  	v15 =	vor.u32 s16, v0;
	v12 =	vshra.s32 v10, $0x1F;
	v11 =	vshra.s32 v11, $0x14;
	[tilespmem:s1+$0xFFFFFFF0] =	vst v13  }
0x187: {  	vm0 =	vge.s32 v15, v7;
	vm1 =	vlt.s32 v15, v8;
	v11 =	vadd.s32 $0x800, v11;
	[tilespmem:s1+$0x0] =	vst v17  }
0x188: {  	v12 =	vand.u32 $0x7FF00000, v12;
	vm0 =	vmand vm0, vm1;
	vm1 =	veq.s32 v11, v6  }
.Ltmp12:
0x189: {  	v10 =	vxor.u32 v10, v12;
	v11 =	vand.u32 $0x7FF00000, v18;
	vm0 =	vmand vm0, vm1;
	(pc) =	sbr.rel @p0 .LBB2_15-.Ltmp12, $4  }
0x18a: {  	v12 =	vxor.u32 v14, v16;
	v9 =	vxor.u32 v9, v11;
	v11 =	vmpcnt.ones.xlane vm0  }
0x18b: {  	s1 =	sadd.s32 $0x40, s1;
	v13 =	vshra.s32 v10, $0x14;
	v15 =	vshra.s32 v12, $0x14;
	v16 =	vshra.s32 v9, $0x14  }
0x18c: {  	v14 =	vor.u32 s3, v0;
	s3 =	simm.s32 $0x0;
	v10 =	vor.u32 s12, v0;
	v9 =	vor.u32 s5, v0;
	[tilespmem:s1+$0x10] =	vst v11  }
0x18d: {  	s4 =	sadd.s32 $0x40, s4;
	v12 =	vadd.s32 $0x800, v13;
	v13 =	vadd.s32 $0x800, v15;
	v11 =	vadd.s32 $0x800, v16  }
0x18e: {  	vm0 =	vge.s32 v14, v7;
	vm1 =	vlt.s32 v14, v8;
	vm2 =	vge.s32 v10, v7  }
0x18f: {  	vm3 =	vge.s32 v9, v7;
	vm4 =	vlt.s32 v9, v8;
	vm5 =	vlt.s32 v10, v8  }
0x190: {  	vm6 =	veq.s32 v12, v6;
	vm7 =	veq.s32 v13, v6;
	vm3 =	vmand vm3, vm4  }
0x191: {  	vm13 =	veq.s32 v11, v6;
	vm0 =	vmand vm0, vm1;
	vm14 =	vmand vm3, vm6  }
.Ltmp13:
0x192: {  	vm2 =	vmand vm2, vm5;
	vm0 =	vmand vm0, vm7;
	v9 =	vmpcnt.ones.xlane vm14;
	(pc) =	sbr.rel .LBB2_17-.Ltmp13, $4  }
0x193: {  	vm15 =	vmand vm2, vm13;
	v10 =	vmpcnt.ones.xlane vm0  }
0x194: {  	v11 =	vmpcnt.ones.xlane vm15;
	[tilespmem:s1+$0xFFFFFFE0] =	vst v9  }
0x195: {  	[tilespmem:s1+$0xFFFFFFF0] =	vst v10  }
0x196: {  	s2 =	simm.s32 $0x0;
	[tilespmem:s1+$0x0] =	vst v11  }
.LBB2_21:
0x197: {  	s2 =	sadd.s32 $0x1, s2  }
0x198: {  	p0 =	sne.s32 s2, $0x20  }
.Ltmp14:
0x199: {  	_ = 	snop;
	(pc) =	sbr.rel @!p0 .LBB2_22-.Ltmp14, $2  }
0x19a: {  	_ =	sdelay $0x2  }
0x19b: {  	s7 =	sadd.s32 s7, s4;
	s3 =	sadd.s32 $0x100, s3  }
.LBB2_17:
0x19c: {  	s1 =	sshll.u32 s2, $0x8  }
0x19d: {  	v9 =	vor.u32 s1, v4;
	_ =	sdelay $0x4  }
0x19e: {  	v10 =	vld.idx.msk [tilespmem:v9+s15+$0x0], $0xffff;
	_ =	sdelay $0x4  }
0x19f: {  	(xrf0) =	vadd.scan.msk.s32 $0xffff, v10;
	_ =	sdelay $0x5  }
0x1a0: {  	v9, _, _ =	vpop (xrf0)  }
0x1a1: {  	v9 =	vxor.u32 $0x80000000, v9  }
0x1a2: {  	(xrf0) =	vmax.scan.msk.u32 $0xffff, v9;
	_ =	sdelay $0x5  }
0x1a3: {  	v11, _, _ =	vpop (xrf0)  }
0x1a4: {  	(v2sf) =	vpush v11, $0xF;
	_ =	sdelay $0xe  }
0x1a5: {  	s24 =	spop (v2sf)  }
0x1a6: {  	s4 =	sxor.u32 $0x80000000, s24  }
0x1a7: {  	p0 =	slt.s32 s4, $0x1  }
.Ltmp15:
0x1a8: {  	_ = 	snop;
	(pc) =	sbr.rel @p0 .LBB2_21-.Ltmp15, $1  }
0x1a9: {  	_ =	sdelay $0x3  }
0x1aa: {  	s1 =	simm.s32 $0x0  }
0x1ab: {  	v11 =	vmov s1  }
0x1ac: {  	v13 =	vxor.u32 $0x80000000, v10;
	vm0 =	veq.s32 v11, v0  }
0x1ad: {  	v10 =	vnsel vm0, $0x80000000, v13  }
0x1ae: {  	(xrf0) =	vmax.scan.msk.u32 $0xffff, v10;
	_ =	sdelay $0x5  }
0x1af: {  	v10, _, _ =	vpop (xrf0)  }
0x1b0: {  	(v2sf) =	vpush v10, $0xF;
	_ =	sdelay $0x1  }
0x1b1: {  	s5 =	simm.s32 $0x1  }
0x1b2: {  	v15 =	vmov s5  }
0x1b3: {  	vm13 =	veq.s32 v15, v0  }
0x1b4: {  	v10 =	vnsel vm13, $0x80000000, v13  }
0x1b5: {  	(xrf0) =	vmax.scan.msk.u32 $0xffff, v10;
	_ =	sdelay $0x5  }
0x1b6: {  	v10, _, _ =	vpop (xrf0)  }
0x1b7: {  	(v2sf) =	vpush v10, $0xF;
	_ =	sdelay $0x1  }
0x1b8: {  	s16 =	simm.s32 $0x2;
	s19 =	spop (v2sf)  }
0x1b9: {  	v12 =	vmov s16;
	s12 =	sxor.u32 $0x80000000, s19  }
0x1ba: {  	vm14 =	veq.s32 v12, v0;
	p1 =	slt.s32 s12, $0x1  }
0x1bb: {  	v16 =	vnsel vm14, $0x80000000, v13;
	v14 =	vlaneseq.u32 @!p1  }
0x1bc: {  	(xrf0) =	vmax.scan.msk.u32 $0xffff, v16;
	vm0 =	veq.s32 @!p1 v11, v14  }
0x1bd: {  	v11 =	vnsel @!p1 vm0, $0x80000000, v9  }
0x1be: {  	(xrf0) =	vmax.scan.msk.u32 @!p1 $0xffff, v11;
	_ =	sdelay $0x3  }
0x1bf: {  	v16, _, _ =	vpop (xrf0)  }
0x1c0: {  	(v2sf) =	vpush v16, $0xF  }
0x1c1: {  	p2 =	por p1, p1;
	v16, _, _ =	vpop @!p1 (xrf0)  }
0x1c2: {  	s23 =	simm.s32 $0x3;
	s24 =	spop (v2sf);
	(v2sf) =	vpush @!p2 v16, $0xF  }
0x1c3: {  	v10 =	vmov s23  }
0x1c4: {  	vm15 =	veq.s32 v10, v0;
	s5 =	sxor.u32 $0x80000000, s24  }
0x1c5: {  	v11 =	vnsel vm15, $0x80000000, v13;
	p0 =	slt.s32 s5, $0x1  }
0x1c6: {  	(xrf0) =	vmax.scan.msk.u32 $0xffff, v11;
	v11 =	vlaneseq.u32 @!p0  }
0x1c7: {  	s16 =	sadd.s32 @!p2 $0x0, s3;
	vm0 =	veq.s32 @!p0 v15, v11  }
0x1c8: {  	s19 =	sand.u32 @!p2 $0x70, s1;
	s17 =	sand.u32 @!p2 $0x1F80, s16;
	v15 =	vnsel @!p0 vm0, $0x80000000, v9  }
0x1c9: {  	s19 =	sor.u32 @!p2 s19, s17;
	p2 =	por p2, p2;
	(xrf0) =	vmax.scan.msk.u32 @!p0 $0xffff, v15  }
0x1ca: {  	v15 =	vld @!p2 [tilespmem:s19+$0x0];
	_ =	sdelay $0x1  }
0x1cb: {  	v16, _, _ =	vpop (xrf0)  }
0x1cc: {  	s17 =	simm.s32 $0x4;
	p3 =	por p0, p0;
	(v2sf) =	vpush v16, $0xF  }
.LBB2_19:
0x1cd: {  	p4 =	por p1, p1;
	p1 =	por p0, p0  }
0x1ce: {  	v16 =	vmov s17;
	v18 =	vshra.s32 @!p2 v15, $0x1F;
	s19 =	spop (v2sf);
	v17, _, _ =	vpop @!p0 (xrf0)  }
0x1cf: {  	vm0 =	veq.s32 v16, v0;
	s19 =	sxor.u32 $0x80000000, s19;
	(v2sf) =	vpush @!p3 v17, $0xF;
	v17 =	vand.u32 @!p2 $0x7FFFFFFF, v18  }
0x1d0: {  	s12 =	ssub.s32 @!p2 s7, s12;
	v18 =	vnsel vm0, $0x80000000, v13;
	v15 =	vxor.u32 @!p2 v15, v17;
	s23 =	spop @!p4 (v2sf);
	p0 =	slt.s32 s19, $0x1  }
0x1d1: {  	v19 =	vor.u32 @!p2 s16, v14;
	v17 =	vlaneseq.u32 @!p0;
	s23 =	sadd.s32 @!p2 s23, s12;
	v20 =	vshra.s32 @!p2 v15, $0x14;
	s12 =	smov.u32 s5;
	s5 =	smov.u32 s19  }
0x1d2: {  	vm1 =	vlt.s32 @!p2 v19, v8;
	vm0 =	vge.s32 @!p2 v19, v7;
	s19 =	sadd.s32 @!p2 $0x80000000, s23;
	v19 =	vadd.s32 @!p2 $0x800, v20  }
0x1d3: {  	s17 =	sadd.s32 $0x1, s17;
	s1 =	sadd.s32 $0x10, s1;
	vm0 =	vmand @!p2 vm0, vm1;
	vm1 =	veq.s32 @!p2 v19, v6;
	v19 =	vadd.s32 @!p2 s19, v14;
	p5 =	slt.s32 @!p2 s19, $0x1FF0;
	v14 =	vmovc v11;
	v11 =	vmovc v17  }
0x1d4: {  	s16 =	sadd.s32 @!p3 s1, s3;
	p4 =	sne.s32 s17, $0x10;
	(xrf0) =	vmax.scan.msk.u32 $0xffff, v18;
	vm2 =	veq.s32 @!p0 v12, v11;
	vm0 =	vmand @!p2 vm0, vm1;
	vm1 =	vlt.s32 @!p2 v19, $0x2000;
	p5 =	por !p5, p2;
	v12 =	vmovc v10  }
0x1d5: {  	s24 =	sand.u32 @!p3 $0x70, s1;
	s23 =	sand.u32 @!p3 $0x1F80, s16;
	v10 =	vmov v16;
	v17 =	vnsel @!p0 vm2, $0x80000000, v9;
	vm0 =	vmand @!p2 vm1, vm0;
	s19 =	simm.s32 @p5 $0x1FF0  }
0x1d6: {  	s23 =	sor.u32 @!p3 s24, s23;
	(xrf0) =	vmax.scan.msk.u32 @!p0 $0xffff, v17;
	[tilespmem:s19+$0xA000] =	vst.msk @!p2 vm0, v15;
	p2 =	por p3, p3;
	p3 =	por p0, p0  }
.Ltmp16:
0x1d7: {  	v15 =	vld @!p2 [tilespmem:s23+$0x0];
	(pc) =	sbr.rel @p4 .LBB2_19-.Ltmp16, $3  }
0x1d8: {  	_ =	sdelay $0x1  }
0x1d9: {  	v16, _, _ =	vpop (xrf0)  }
0x1da: {  	(v2sf) =	vpush v16, $0xF  }
0x1db: {  	v13, _, _ =	vpop @!p0 (xrf0);
	v16 =	vshra.s32 @!p2 v15, $0x1F  }
0x1dc: {  	s17 =	spop (v2sf);
	(v2sf) =	vpush @!p3 v13, $0xF;
	v13 =	vand.u32 @!p2 $0x7FFFFFFF, v16  }
0x1dd: {  	s12 =	ssub.s32 @!p2 s7, s12;
	s17 =	sxor.u32 $0x80000000, s17;
	v16 =	vor.u32 @!p2 s16, v14;
	v13 =	vxor.u32 @!p2 v15, v13;
	s19 =	spop @!p1 (v2sf)  }
0x1de: {  	p4 =	slt.s32 s17, $0x1;
	vm0 =	vge.s32 @!p2 v16, v7;
	s12 =	sadd.s32 @!p2 s19, s12;
	v17 =	vshra.s32 @!p2 v13, $0x14  }
0x1df: {  	vm1 =	vlt.s32 @!p2 v16, v8;
	v15 =	vlaneseq.u32 @!p4;
	s12 =	sadd.s32 @!p2 $0x80000000, s12;
	v16 =	vadd.s32 @!p2 $0x800, v17  }
0x1e0: {  	s16 =	sadd.s32 $0x10, s1;
	vm0 =	vmand @!p2 vm0, vm1;
	vm1 =	veq.s32 @!p2 v16, v6;
	v14 =	vadd.s32 @!p2 s12, v14;
	p1 =	slt.s32 @!p2 s12, $0x1FF0  }
0x1e1: {  	s19 =	sadd.s32 @!p3 s16, s3;
	vm2 =	veq.s32 @!p4 v12, v15;
	vm0 =	vmand @!p2 vm0, vm1;
	vm1 =	vlt.s32 @!p2 v14, $0x2000;
	p1 =	por !p1, p2  }
0x1e2: {  	s23 =	sand.u32 @!p3 $0x70, s16;
	s1 =	sand.u32 @!p3 $0x1F80, s19;
	v12 =	vnsel @!p4 vm2, $0x80000000, v9;
	vm0 =	vmand @!p2 vm1, vm0;
	s12 =	simm.s32 @p1 $0x1FF0  }
0x1e3: {  	s1 =	sor.u32 @!p3 s23, s1;
	(xrf0) =	vmax.scan.msk.u32 @!p4 $0xffff, v12;
	[tilespmem:s12+$0xA000] =	vst.msk @!p2 vm0, v13;
	p2 =	por p3, p3  }
0x1e4: {  	v12 =	vld @!p2 [tilespmem:s1+$0x0];
	_ =	sdelay $0x4  }
0x1e5: {  	p3 =	por p4, p4;
	v13, _, _ =	vpop @!p4 (xrf0);
	v14 =	vshra.s32 @!p2 v12, $0x1F  }
0x1e6: {  	(v2sf) =	vpush @!p3 v13, $0xF;
	s24 =	spop (v2sf);
	v13 =	vand.u32 @!p2 $0x7FFFFFFF, v14  }
0x1e7: {  	s5 =	ssub.s32 @!p2 s7, s5;
	s1 =	sxor.u32 $0x80000000, s24;
	v14 =	vor.u32 @!p2 s19, v11;
	v12 =	vxor.u32 @!p2 v12, v13;
	s12 =	spop @!p0 (v2sf)  }
0x1e8: {  	p1 =	slt.s32 s1, $0x1;
	vm0 =	vge.s32 @!p2 v14, v7;
	s5 =	sadd.s32 @!p2 s12, s5;
	v16 =	vshra.s32 @!p2 v12, $0x14  }
0x1e9: {  	vm1 =	vlt.s32 @!p2 v14, v8;
	v13 =	vlaneseq.u32 @!p1;
	s5 =	sadd.s32 @!p2 $0x80000000, s5;
	v14 =	vadd.s32 @!p2 $0x800, v16  }
0x1ea: {  	vm0 =	vmand @!p2 vm0, vm1;
	s12 =	sadd.s32 $0x10, s16;
	vm1 =	veq.s32 @!p2 v14, v6;
	v11 =	vadd.s32 @!p2 s5, v11;
	p0 =	slt.s32 @!p2 s5, $0x1FF0  }
0x1eb: {  	vm2 =	veq.s32 @!p1 v10, v13;
	s16 =	sadd.s32 @!p3 s12, s3;
	vm0 =	vmand @!p2 vm0, vm1;
	vm1 =	vlt.s32 @!p2 v11, $0x2000;
	p0 =	por !p0, p2  }
0x1ec: {  	s23 =	sand.u32 @!p3 $0x70, s12;
	v9 =	vnsel @!p1 vm2, $0x80000000, v9;
	s19 =	sand.u32 @!p3 $0x1F80, s16;
	vm0 =	vmand @!p2 vm1, vm0;
	s5 =	simm.s32 @p0 $0x1FF0  }
0x1ed: {  	(xrf0) =	vmax.scan.msk.u32 @!p1 $0xffff, v9;
	s19 =	sor.u32 @!p3 s23, s19;
	p0 =	por p3, p3;
	[tilespmem:s5+$0xA000] =	vst.msk @!p2 vm0, v12  }
0x1ee: {  	v9 =	vld @!p0 [tilespmem:s19+$0x0];
	_ =	sdelay $0x4  }
0x1ef: {  	p2 =	por p1, p1;
	v10, _, _ =	vpop @!p1 (xrf0);
	v11 =	vshra.s32 @!p0 v9, $0x1F  }
0x1f0: {  	(v2sf) =	vpush @!p2 v10, $0xF;
	v10 =	vand.u32 @!p0 $0x7FFFFFFF, v11  }
0x1f1: {  	s5 =	ssub.s32 @!p0 s7, s17;
	s17 =	spop @!p4 (v2sf);
	v9 =	vxor.u32 @!p0 v9, v10  }
0x1f2: {  	s5 =	sadd.s32 @!p0 s17, s5;
	v10 =	vor.u32 @!p0 s16, v15;
	v11 =	vshra.s32 @!p0 v9, $0x14  }
0x1f3: {  	s5 =	sadd.s32 @!p0 $0x80000000, s5;
	vm0 =	vge.s32 @!p0 v10, v7;
	vm1 =	vlt.s32 @!p0 v10, v8;
	v10 =	vadd.s32 @!p0 $0x800, v11  }
0x1f4: {  	s12 =	sadd.s32 $0x10, s12;
	p3 =	slt.s32 @!p0 s5, $0x1FF0;
	vm0 =	vmand @!p0 vm0, vm1;
	vm1 =	veq.s32 @!p0 v10, v6;
	v10 =	vadd.s32 @!p0 s5, v15  }
0x1f5: {  	s16 =	sadd.s32 @!p2 s12, s3;
	p3 =	por !p3, p0;
	vm0 =	vmand @!p0 vm0, vm1;
	vm1 =	vlt.s32 @!p0 v10, $0x2000  }
0x1f6: {  	s12 =	sand.u32 @!p2 $0x70, s12;
	s17 =	sand.u32 @!p2 $0x1F80, s16;
	s5 =	simm.s32 @p3 $0x1FF0;
	vm0 =	vmand @!p0 vm1, vm0  }
0x1f7: {  	s12 =	sor.u32 @!p2 s12, s17;
	[tilespmem:s5+$0xA000] =	vst.msk @!p0 vm0, v9;
	p0 =	por p2, p2  }
0x1f8: {  	v9 =	vld @!p0 [tilespmem:s12+$0x0];
	_ =	sdelay $0x4  }
0x1f9: {  	v10 =	vshra.s32 @!p0 v9, $0x1F  }
0x1fa: {  	v10 =	vand.u32 @!p0 $0x7FFFFFFF, v10  }
0x1fb: {  	s1 =	ssub.s32 @!p0 s7, s1;
	s5 =	spop @!p1 (v2sf);
	v9 =	vxor.u32 @!p0 v9, v10  }
0x1fc: {  	s1 =	sadd.s32 @!p0 s5, s1;
	v10 =	vor.u32 @!p0 s16, v13;
	v11 =	vshra.s32 @!p0 v9, $0x14  }
.Ltmp17:
0x1fd: {  	s1 =	sadd.s32 @!p0 $0x80000000, s1;
	vm0 =	vge.s32 @!p0 v10, v7;
	vm1 =	vlt.s32 @!p0 v10, v8;
	v10 =	vadd.s32 @!p0 $0x800, v11;
	(pc) =	sbr.rel .LBB2_21-.Ltmp17, $4  }
0x1fe: {  	p1 =	slt.s32 @!p0 s1, $0x1FF0;
	vm0 =	vmand @!p0 vm0, vm1;
	vm1 =	veq.s32 @!p0 v10, v6;
	v10 =	vadd.s32 @!p0 s1, v13  }
0x1ff: {  	p1 =	por !p1, p0;
	vm0 =	vmand @!p0 vm0, vm1;
	vm1 =	vlt.s32 @!p0 v10, $0x2000  }
0x200: {  	s1 =	simm.s32 @p1 $0x1FF0;
	vm0 =	vmand @!p0 vm1, vm0  }
0x201: {  	[tilespmem:s1+$0xA000] =	vst.msk @!p0 vm0, v9  }
.LBB2_22:
0x202: {  	s1 =	sadd.s32 $0x2, s29;
	s2 =	rddreg [dreg:$0xc]  }
0x203: {  	p0 =	sge.u32 s1, s2  }
0x204: {  	s1 =	sshll.u32 @!p0 s1, $0xD  }
0x205: {  	s1 =	smin.u32 @!p0 s1, s22  }
0x206: {  	s1 =	sadd.s32 @!p0 s21, s1  }
0x207: {  	s1 =	sshrl.u32 @!p0 s1, $0x3  }
0x208: {  	s2 =	simm.s32 @!p0 $0x0;
	s1 =	sadd.s32 @!p0 s8, s1  }
0x209: {  	[tilespmem:s2], [sflag:$0x1] =	stream.linear.gather @!p0 [hbm4b:s1+s2], $0x2000, $0x38;
	[tilespmem:$0xE000] =	vst v63  }
0x20a: {  	_ =	swait.ge [sflag:s14], $0x2000  }
0x20b: {  	[sflag:s14] =	ssyncset.done $0x0  }
0x20c: {  	s24 =	simm.s32 $0x2020;
	[sflag:s14] =	ssyncadd.s32 $0xFFFFE000  }
0x20d: {  	v9 =	vld [tilespmem:s24+$0x10]  }
0x20e: {  	v10 =	vld [tilespmem:s24+$0xFFFFFFF0]  }
0x20f: {  	p0 =	slt.u32 s26, s20;
	s2 =	ssub.s32 s28, s9;
	s1 =	ssub.s32 s30, s9;
	v11 =	vld [tilespmem:s24+$0x0]  }
0x210: {  	s28 =	simm.s32 $0x30;
	s2 =	simm.s32 @!p0 $0x2000;
	s1 =	simm.s32 @!p0 $0x0;
	v12 =	vld [tilespmem:s24+$0xFFFFFFE0]  }
0x211: {  	v16 =	vor.u32 s28, v0;
	v7 =	vmov s2;
	v8 =	vmov s1  }
0x212: {  	vm0 =	vge.s32 v16, v7;
	vm1 =	vlt.s32 v16, v8;
	v13 =	vshra.s32 v9, $0x1F  }
0x213: {  	vm0 =	vmand vm0, vm1;
	v13 =	vand.u32 $0x7FF00000, v13  }
0x214: {  	v14 =	vshra.s32 v10, $0x1F;
	v15 =	vshra.s32 v11, $0x1F;
	v9 =	vxor.u32 v9, v13  }
0x215: {  	v14 =	vand.u32 $0x7FF00000, v14;
	v13 =	vshra.s32 v12, $0x1F;
	v9 =	vshra.s32 v9, $0x14  }
0x216: {  	s29 =	simm.s32 $0x10;
	v10 =	vxor.u32 v10, v14;
	v13 =	vand.u32 $0x7FF00000, v13;
	v9 =	vadd.s32 $0x800, v9  }
0x217: {  	v14 =	vor.u32 s29, v0;
	vm15 =	veq.s32 v9, v6;
	v9 =	vxor.u32 v12, v13  }
0x218: {  	s3 =	simm.s32 $0x20;
	v12 =	vand.u32 $0x7FF00000, v15;
	v15 =	vshra.s32 v10, $0x14;
	vm0 =	vmand vm0, vm15  }
0x219: {  	s9 =	simm.s32 $0x0;
	v10 =	vor.u32 s3, v0;
	v11 =	vxor.u32 v11, v12;
	v12 =	vmpcnt.ones.xlane vm0  }
0x21a: {  	s1 =	simm.s32 $0xC020;
	v13 =	vshra.s32 v9, $0x14;
	v9 =	vor.u32 s9, v0;
	v11 =	vshra.s32 v11, $0x14  }
0x21b: {  	s4 =	simm.s32 $0x0;
	s2 =	simm.s32 $0x0;
	s3 =	simm.s32 $0x2060;
	v11 =	vadd.s32 $0x800, v11;
	[tilespmem:s1+$0x10] =	vst v12;
	v12 =	vadd.s32 $0x800, v13;
	v13 =	vadd.s32 $0x800, v15  }
.LBB2_23:
0x21c: {  	v15 =	vld [tilespmem:s3+$0x10];
	s2 =	sadd.s32 $0x4, s2;
	vm0 =	vge.s32 v14, v7;
	vm1 =	vlt.s32 v14, v8;
	vm2 =	vge.s32 v10, v7  }
0x21d: {  	vm3 =	vge.s32 v9, v7;
	vm4 =	vlt.s32 v9, v8;
	vm5 =	vlt.s32 v10, v8;
	v14 =	vld [tilespmem:s3+$0xFFFFFFF0];
	p0 =	slt.u32 s2, $0x1FC  }
0x21e: {  	vm6 =	veq.s32 v12, v6;
	vm7 =	veq.s32 v13, v6;
	vm8 =	veq.s32 v11, v6;
	v9 =	vld [tilespmem:s3+$0x0]  }
0x21f: {  	vm3 =	vmand vm3, vm4;
	vm0 =	vmand vm0, vm1;
	vm1 =	vmand vm2, vm5;
	v10 =	vld [tilespmem:s3+$0xFFFFFFE0]  }
0x220: {  	vm2 =	vmand vm3, vm6;
	vm0 =	vmand vm0, vm7;
	vm1 =	vmand vm1, vm8  }
0x221: {  	v12 =	vmpcnt.ones.xlane vm2;
	v13 =	vmpcnt.ones.xlane vm0;
	v11 =	vshra.s32 v15, $0x1F  }
0x222: {  	s4 =	sadd.s32 $0x40, s4;
	v17 =	vmpcnt.ones.xlane vm1;
	v16 =	vshra.s32 v14, $0x1F;
	v11 =	vand.u32 $0x7FF00000, v11  }
0x223: {  	s5 =	sadd.s32 $0x10, s4;
	s12 =	sadd.s32 $0x20, s4;
	s16 =	sadd.s32 $0x30, s4;
	v16 =	vand.u32 $0x7FF00000, v16;
	v18 =	vshra.s32 v9, $0x1F;
	v11 =	vxor.u32 v15, v11;
	[tilespmem:s1+$0xFFFFFFE0] =	vst v12  }
0x224: {  	v15 =	vor.u32 s16, v0;
	v12 =	vshra.s32 v10, $0x1F;
	v11 =	vshra.s32 v11, $0x14;
	[tilespmem:s1+$0xFFFFFFF0] =	vst v13  }
0x225: {  	vm0 =	vge.s32 v15, v7;
	vm1 =	vlt.s32 v15, v8;
	v11 =	vadd.s32 $0x800, v11;
	[tilespmem:s1+$0x0] =	vst v17  }
0x226: {  	v12 =	vand.u32 $0x7FF00000, v12;
	vm0 =	vmand vm0, vm1;
	vm1 =	veq.s32 v11, v6  }
.Ltmp18:
0x227: {  	v10 =	vxor.u32 v10, v12;
	v11 =	vand.u32 $0x7FF00000, v18;
	vm0 =	vmand vm0, vm1;
	(pc) =	sbr.rel @p0 .LBB2_23-.Ltmp18, $4  }
0x228: {  	v12 =	vxor.u32 v14, v16;
	v9 =	vxor.u32 v9, v11;
	v11 =	vmpcnt.ones.xlane vm0  }
0x229: {  	s1 =	sadd.s32 $0x40, s1;
	v13 =	vshra.s32 v10, $0x14;
	v15 =	vshra.s32 v12, $0x14;
	v16 =	vshra.s32 v9, $0x14  }
0x22a: {  	v14 =	vor.u32 s5, v0;
	v10 =	vor.u32 s12, v0;
	v9 =	vor.u32 s4, v0;
	[tilespmem:s1+$0x10] =	vst v11  }
0x22b: {  	s3 =	sadd.s32 $0x40, s3;
	v12 =	vadd.s32 $0x800, v13;
	v13 =	vadd.s32 $0x800, v15;
	v11 =	vadd.s32 $0x800, v16  }
0x22c: {  	vm0 =	vge.s32 v14, v7;
	vm1 =	vlt.s32 v14, v8;
	vm2 =	vge.s32 v10, v7  }
0x22d: {  	vm3 =	vge.s32 v9, v7;
	vm4 =	vlt.s32 v9, v8;
	vm5 =	vlt.s32 v10, v8  }
0x22e: {  	vm6 =	veq.s32 v12, v6;
	vm7 =	veq.s32 v13, v6;
	vm3 =	vmand vm3, vm4  }
0x22f: {  	vm13 =	veq.s32 v11, v6;
	vm0 =	vmand vm0, vm1;
	vm14 =	vmand vm3, vm6  }
.Ltmp19:
0x230: {  	vm2 =	vmand vm2, vm5;
	vm0 =	vmand vm0, vm7;
	v9 =	vmpcnt.ones.xlane vm14;
	(pc) =	sbr.rel .LBB2_25-.Ltmp19, $4  }
0x231: {  	vm15 =	vmand vm2, vm13;
	v10 =	vmpcnt.ones.xlane vm0  }
0x232: {  	v11 =	vmpcnt.ones.xlane vm15;
	[tilespmem:s1+$0xFFFFFFE0] =	vst v9  }
0x233: {  	[tilespmem:s1+$0xFFFFFFF0] =	vst v10  }
0x234: {  	s2 =	simm.s32 $0x0;
	[tilespmem:s1+$0x0] =	vst v11  }
.LBB2_29:
0x235: {  	s2 =	sadd.s32 $0x1, s2  }
0x236: {  	p0 =	sne.s32 s2, $0x20  }
.Ltmp20:
0x237: {  	_ = 	snop;
	(pc) =	sbr.rel @!p0 .LBB2_30-.Ltmp20, $2  }
0x238: {  	_ =	sdelay $0x2  }
0x239: {  	s7 =	sadd.s32 s7, s3;
	s9 =	sadd.s32 $0x100, s9  }
.LBB2_25:
0x23a: {  	s1 =	sshll.u32 s2, $0x8  }
0x23b: {  	v9 =	vor.u32 s1, v4;
	_ =	sdelay $0x4  }
0x23c: {  	v10 =	vld.idx.msk [tilespmem:v9+s15+$0x0], $0xffff;
	_ =	sdelay $0x4  }
0x23d: {  	(xrf0) =	vadd.scan.msk.s32 $0xffff, v10;
	_ =	sdelay $0x5  }
0x23e: {  	v9, _, _ =	vpop (xrf0)  }
0x23f: {  	v9 =	vxor.u32 $0x80000000, v9  }
0x240: {  	(xrf0) =	vmax.scan.msk.u32 $0xffff, v9;
	_ =	sdelay $0x5  }
0x241: {  	v11, _, _ =	vpop (xrf0)  }
0x242: {  	(v2sf) =	vpush v11, $0xF;
	_ =	sdelay $0xe  }
0x243: {  	s29 =	spop (v2sf)  }
0x244: {  	s3 =	sxor.u32 $0x80000000, s29  }
0x245: {  	p0 =	slt.s32 s3, $0x1  }
.Ltmp21:
0x246: {  	_ = 	snop;
	(pc) =	sbr.rel @p0 .LBB2_29-.Ltmp21, $1  }
0x247: {  	_ =	sdelay $0x3  }
0x248: {  	s1 =	simm.s32 $0x0  }
0x249: {  	v11 =	vmov s1  }
0x24a: {  	v13 =	vxor.u32 $0x80000000, v10;
	vm0 =	veq.s32 v11, v0  }
0x24b: {  	v10 =	vnsel vm0, $0x80000000, v13  }
0x24c: {  	(xrf0) =	vmax.scan.msk.u32 $0xffff, v10;
	_ =	sdelay $0x5  }
0x24d: {  	v10, _, _ =	vpop (xrf0)  }
0x24e: {  	(v2sf) =	vpush v10, $0xF;
	_ =	sdelay $0x1  }
0x24f: {  	s4 =	simm.s32 $0x1  }
0x250: {  	v15 =	vmov s4  }
0x251: {  	vm13 =	veq.s32 v15, v0  }
0x252: {  	v10 =	vnsel vm13, $0x80000000, v13  }
0x253: {  	(xrf0) =	vmax.scan.msk.u32 $0xffff, v10;
	_ =	sdelay $0x5  }
0x254: {  	v10, _, _ =	vpop (xrf0)  }
0x255: {  	(v2sf) =	vpush v10, $0xF;
	_ =	sdelay $0x1  }
0x256: {  	s12 =	simm.s32 $0x2;
	s26 =	spop (v2sf)  }
0x257: {  	v12 =	vmov s12;
	s5 =	sxor.u32 $0x80000000, s26  }
0x258: {  	vm14 =	veq.s32 v12, v0;
	p1 =	slt.s32 s5, $0x1  }
0x259: {  	v16 =	vnsel vm14, $0x80000000, v13;
	v14 =	vlaneseq.u32 @!p1  }
0x25a: {  	(xrf0) =	vmax.scan.msk.u32 $0xffff, v16;
	vm0 =	veq.s32 @!p1 v11, v14  }
0x25b: {  	v11 =	vnsel @!p1 vm0, $0x80000000, v9  }
0x25c: {  	(xrf0) =	vmax.scan.msk.u32 @!p1 $0xffff, v11;
	_ =	sdelay $0x3  }
0x25d: {  	v16, _, _ =	vpop (xrf0)  }
0x25e: {  	(v2sf) =	vpush v16, $0xF  }
0x25f: {  	p2 =	por p1, p1;
	v16, _, _ =	vpop @!p1 (xrf0)  }
0x260: {  	s28 =	simm.s32 $0x3;
	s29 =	spop (v2sf);
	(v2sf) =	vpush @!p2 v16, $0xF  }
0x261: {  	v10 =	vmov s28  }
0x262: {  	vm15 =	veq.s32 v10, v0;
	s4 =	sxor.u32 $0x80000000, s29  }
0x263: {  	v11 =	vnsel vm15, $0x80000000, v13;
	p0 =	slt.s32 s4, $0x1  }
0x264: {  	(xrf0) =	vmax.scan.msk.u32 $0xffff, v11;
	v11 =	vlaneseq.u32 @!p0  }
0x265: {  	s12 =	sadd.s32 @!p2 $0x0, s9;
	vm0 =	veq.s32 @!p0 v15, v11  }
0x266: {  	s17 =	sand.u32 @!p2 $0x70, s1;
	s16 =	sand.u32 @!p2 $0x1F80, s12;
	v15 =	vnsel @!p0 vm0, $0x80000000, v9  }
0x267: {  	s17 =	sor.u32 @!p2 s17, s16;
	p2 =	por p2, p2;
	(xrf0) =	vmax.scan.msk.u32 @!p0 $0xffff, v15  }
0x268: {  	v15 =	vld @!p2 [tilespmem:s17+$0x2000];
	_ =	sdelay $0x1  }
0x269: {  	v16, _, _ =	vpop (xrf0)  }
0x26a: {  	s16 =	simm.s32 $0x4;
	p3 =	por p0, p0;
	(v2sf) =	vpush v16, $0xF  }
.LBB2_27:
0x26b: {  	p4 =	por p1, p1;
	p1 =	por p0, p0  }
0x26c: {  	v16 =	vmov s16;
	v18 =	vshra.s32 @!p2 v15, $0x1F;
	s17 =	spop (v2sf);
	v17, _, _ =	vpop @!p0 (xrf0)  }
0x26d: {  	vm0 =	veq.s32 v16, v0;
	s17 =	sxor.u32 $0x80000000, s17;
	(v2sf) =	vpush @!p3 v17, $0xF;
	v17 =	vand.u32 @!p2 $0x7FFFFFFF, v18  }
0x26e: {  	s5 =	ssub.s32 @!p2 s7, s5;
	v18 =	vnsel vm0, $0x80000000, v13;
	v15 =	vxor.u32 @!p2 v15, v17;
	s19 =	spop @!p4 (v2sf);
	p0 =	slt.s32 s17, $0x1  }
0x26f: {  	v19 =	vor.u32 @!p2 s12, v14;
	v17 =	vlaneseq.u32 @!p0;
	s19 =	sadd.s32 @!p2 s19, s5;
	v20 =	vshra.s32 @!p2 v15, $0x14;
	s5 =	smov.u32 s4;
	s4 =	smov.u32 s17  }
0x270: {  	vm1 =	vlt.s32 @!p2 v19, v8;
	vm0 =	vge.s32 @!p2 v19, v7;
	s17 =	sadd.s32 @!p2 $0x80000000, s19;
	v19 =	vadd.s32 @!p2 $0x800, v20  }
0x271: {  	s16 =	sadd.s32 $0x1, s16;
	s1 =	sadd.s32 $0x10, s1;
	vm0 =	vmand @!p2 vm0, vm1;
	vm1 =	veq.s32 @!p2 v19, v6;
	v19 =	vadd.s32 @!p2 s17, v14;
	p5 =	slt.s32 @!p2 s17, $0x1FF0;
	v14 =	vmovc v11;
	v11 =	vmovc v17  }
0x272: {  	s12 =	sadd.s32 @!p3 s1, s9;
	p4 =	sne.s32 s16, $0x10;
	(xrf0) =	vmax.scan.msk.u32 $0xffff, v18;
	vm2 =	veq.s32 @!p0 v12, v11;
	vm0 =	vmand @!p2 vm0, vm1;
	vm1 =	vlt.s32 @!p2 v19, $0x2000;
	p5 =	por !p5, p2;
	v12 =	vmovc v10  }
0x273: {  	s23 =	sand.u32 @!p3 $0x70, s1;
	s19 =	sand.u32 @!p3 $0x1F80, s12;
	v10 =	vmov v16;
	v17 =	vnsel @!p0 vm2, $0x80000000, v9;
	vm0 =	vmand @!p2 vm1, vm0;
	s17 =	simm.s32 @p5 $0x1FF0  }
0x274: {  	s19 =	sor.u32 @!p3 s23, s19;
	(xrf0) =	vmax.scan.msk.u32 @!p0 $0xffff, v17;
	[tilespmem:s17+$0xA000] =	vst.msk @!p2 vm0, v15;
	p2 =	por p3, p3;
	p3 =	por p0, p0  }
.Ltmp22:
0x275: {  	v15 =	vld @!p2 [tilespmem:s19+$0x2000];
	(pc) =	sbr.rel @p4 .LBB2_27-.Ltmp22, $3  }
0x276: {  	_ =	sdelay $0x1  }
0x277: {  	v16, _, _ =	vpop (xrf0)  }
0x278: {  	(v2sf) =	vpush v16, $0xF  }
0x279: {  	v13, _, _ =	vpop @!p0 (xrf0);
	v16 =	vshra.s32 @!p2 v15, $0x1F  }
0x27a: {  	s16 =	spop (v2sf);
	(v2sf) =	vpush @!p3 v13, $0xF;
	v13 =	vand.u32 @!p2 $0x7FFFFFFF, v16  }
0x27b: {  	s5 =	ssub.s32 @!p2 s7, s5;
	s16 =	sxor.u32 $0x80000000, s16;
	v16 =	vor.u32 @!p2 s12, v14;
	v13 =	vxor.u32 @!p2 v15, v13;
	s17 =	spop @!p1 (v2sf)  }
0x27c: {  	p4 =	slt.s32 s16, $0x1;
	vm0 =	vge.s32 @!p2 v16, v7;
	s5 =	sadd.s32 @!p2 s17, s5;
	v17 =	vshra.s32 @!p2 v13, $0x14  }
0x27d: {  	vm1 =	vlt.s32 @!p2 v16, v8;
	v15 =	vlaneseq.u32 @!p4;
	s5 =	sadd.s32 @!p2 $0x80000000, s5;
	v16 =	vadd.s32 @!p2 $0x800, v17  }
0x27e: {  	s12 =	sadd.s32 $0x10, s1;
	vm0 =	vmand @!p2 vm0, vm1;
	vm1 =	veq.s32 @!p2 v16, v6;
	v14 =	vadd.s32 @!p2 s5, v14;
	p1 =	slt.s32 @!p2 s5, $0x1FF0  }
0x27f: {  	s17 =	sadd.s32 @!p3 s12, s9;
	vm2 =	veq.s32 @!p4 v12, v15;
	vm0 =	vmand @!p2 vm0, vm1;
	vm1 =	vlt.s32 @!p2 v14, $0x2000;
	p1 =	por !p1, p2  }
0x280: {  	s19 =	sand.u32 @!p3 $0x70, s12;
	s1 =	sand.u32 @!p3 $0x1F80, s17;
	v12 =	vnsel @!p4 vm2, $0x80000000, v9;
	vm0 =	vmand @!p2 vm1, vm0;
	s5 =	simm.s32 @p1 $0x1FF0  }
0x281: {  	s1 =	sor.u32 @!p3 s19, s1;
	(xrf0) =	vmax.scan.msk.u32 @!p4 $0xffff, v12;
	[tilespmem:s5+$0xA000] =	vst.msk @!p2 vm0, v13;
	p2 =	por p3, p3  }
0x282: {  	v12 =	vld @!p2 [tilespmem:s1+$0x2000];
	_ =	sdelay $0x4  }
0x283: {  	p3 =	por p4, p4;
	v13, _, _ =	vpop @!p4 (xrf0);
	v14 =	vshra.s32 @!p2 v12, $0x1F  }
0x284: {  	(v2sf) =	vpush @!p3 v13, $0xF;
	s29 =	spop (v2sf);
	v13 =	vand.u32 @!p2 $0x7FFFFFFF, v14  }
0x285: {  	s4 =	ssub.s32 @!p2 s7, s4;
	s1 =	sxor.u32 $0x80000000, s29;
	v14 =	vor.u32 @!p2 s17, v11;
	v12 =	vxor.u32 @!p2 v12, v13;
	s5 =	spop @!p0 (v2sf)  }
0x286: {  	p1 =	slt.s32 s1, $0x1;
	vm0 =	vge.s32 @!p2 v14, v7;
	s4 =	sadd.s32 @!p2 s5, s4;
	v16 =	vshra.s32 @!p2 v12, $0x14  }
0x287: {  	vm1 =	vlt.s32 @!p2 v14, v8;
	v13 =	vlaneseq.u32 @!p1;
	s4 =	sadd.s32 @!p2 $0x80000000, s4;
	v14 =	vadd.s32 @!p2 $0x800, v16  }
0x288: {  	vm0 =	vmand @!p2 vm0, vm1;
	s5 =	sadd.s32 $0x10, s12;
	vm1 =	veq.s32 @!p2 v14, v6;
	v11 =	vadd.s32 @!p2 s4, v11;
	p0 =	slt.s32 @!p2 s4, $0x1FF0  }
0x289: {  	vm2 =	veq.s32 @!p1 v10, v13;
	s12 =	sadd.s32 @!p3 s5, s9;
	vm0 =	vmand @!p2 vm0, vm1;
	vm1 =	vlt.s32 @!p2 v11, $0x2000;
	p0 =	por !p0, p2  }
0x28a: {  	s19 =	sand.u32 @!p3 $0x70, s5;
	v9 =	vnsel @!p1 vm2, $0x80000000, v9;
	s17 =	sand.u32 @!p3 $0x1F80, s12;
	vm0 =	vmand @!p2 vm1, vm0;
	s4 =	simm.s32 @p0 $0x1FF0  }
0x28b: {  	(xrf0) =	vmax.scan.msk.u32 @!p1 $0xffff, v9;
	s17 =	sor.u32 @!p3 s19, s17;
	p0 =	por p3, p3;
	[tilespmem:s4+$0xA000] =	vst.msk @!p2 vm0, v12  }
0x28c: {  	v9 =	vld @!p0 [tilespmem:s17+$0x2000];
	_ =	sdelay $0x4  }
0x28d: {  	p2 =	por p1, p1;
	v10, _, _ =	vpop @!p1 (xrf0);
	v11 =	vshra.s32 @!p0 v9, $0x1F  }
0x28e: {  	(v2sf) =	vpush @!p2 v10, $0xF;
	v10 =	vand.u32 @!p0 $0x7FFFFFFF, v11  }
0x28f: {  	s4 =	ssub.s32 @!p0 s7, s16;
	s16 =	spop @!p4 (v2sf);
	v9 =	vxor.u32 @!p0 v9, v10  }
0x290: {  	s4 =	sadd.s32 @!p0 s16, s4;
	v10 =	vor.u32 @!p0 s12, v15;
	v11 =	vshra.s32 @!p0 v9, $0x14  }
0x291: {  	s4 =	sadd.s32 @!p0 $0x80000000, s4;
	vm0 =	vge.s32 @!p0 v10, v7;
	vm1 =	vlt.s32 @!p0 v10, v8;
	v10 =	vadd.s32 @!p0 $0x800, v11  }
0x292: {  	s5 =	sadd.s32 $0x10, s5;
	p3 =	slt.s32 @!p0 s4, $0x1FF0;
	vm0 =	vmand @!p0 vm0, vm1;
	vm1 =	veq.s32 @!p0 v10, v6;
	v10 =	vadd.s32 @!p0 s4, v15  }
0x293: {  	s12 =	sadd.s32 @!p2 s5, s9;
	p3 =	por !p3, p0;
	vm0 =	vmand @!p0 vm0, vm1;
	vm1 =	vlt.s32 @!p0 v10, $0x2000  }
0x294: {  	s5 =	sand.u32 @!p2 $0x70, s5;
	s16 =	sand.u32 @!p2 $0x1F80, s12;
	s4 =	simm.s32 @p3 $0x1FF0;
	vm0 =	vmand @!p0 vm1, vm0  }
0x295: {  	s5 =	sor.u32 @!p2 s5, s16;
	[tilespmem:s4+$0xA000] =	vst.msk @!p0 vm0, v9;
	p0 =	por p2, p2  }
0x296: {  	v9 =	vld @!p0 [tilespmem:s5+$0x2000];
	_ =	sdelay $0x4  }
0x297: {  	v10 =	vshra.s32 @!p0 v9, $0x1F  }
0x298: {  	v10 =	vand.u32 @!p0 $0x7FFFFFFF, v10  }
0x299: {  	s1 =	ssub.s32 @!p0 s7, s1;
	s4 =	spop @!p1 (v2sf);
	v9 =	vxor.u32 @!p0 v9, v10  }
0x29a: {  	s1 =	sadd.s32 @!p0 s4, s1;
	v10 =	vor.u32 @!p0 s12, v13;
	v11 =	vshra.s32 @!p0 v9, $0x14  }
.Ltmp23:
0x29b: {  	s1 =	sadd.s32 @!p0 $0x80000000, s1;
	vm0 =	vge.s32 @!p0 v10, v7;
	vm1 =	vlt.s32 @!p0 v10, v8;
	v10 =	vadd.s32 @!p0 $0x800, v11;
	(pc) =	sbr.rel .LBB2_29-.Ltmp23, $4  }
0x29c: {  	p1 =	slt.s32 @!p0 s1, $0x1FF0;
	vm0 =	vmand @!p0 vm0, vm1;
	vm1 =	veq.s32 @!p0 v10, v6;
	v10 =	vadd.s32 @!p0 s1, v13  }
0x29d: {  	p1 =	por !p1, p0;
	vm0 =	vmand @!p0 vm0, vm1;
	vm1 =	vlt.s32 @!p0 v10, $0x2000  }
0x29e: {  	s1 =	simm.s32 @p1 $0x1FF0;
	vm0 =	vmand @!p0 vm1, vm0  }
0x29f: {  	[tilespmem:s1+$0xA000] =	vst.msk @!p0 vm0, v9  }
.LBB2_31:
0x2a0: {  	s1 =	sadd.s32 $0xF, s7  }
0x2a1: {  	s2 =	sand.u32 $0xF, s1  }
0x2a2: {  	s31 =	sshra.s32 s1, $0x1F;
	p1 =	slt.s32 s1, $0x1;
	p0 =	sne.s32 s2, $0x0  }
0x2a3: {  	s2 =	sshrl.u32 s31, $0x1C;
	p0 =	por !p1, !p0  }
0x2a4: {  	s1 =	sadd.s32 s2, s1;
	s2 =	simm.s32 $0x1;
	p0 =	por !p0, !p0  }
0x2a5: {  	s1 =	sshra.s32 s1, $0x4;
	s2 =	simm.s32 @!p0 $0x0  }
0x2a6: {  	s12 =	ssub.s32 s1, s2  }
0x2a7: {  	s1 =	sshrl.u32 s12, $0x1E  }
0x2a8: {  	s1 =	sadd.s32 s1, s12  }
0x2a9: {  	s18 =	sand.u32 $0xFFFFFFFC, s1  }
0x2aa: {  	p1 =	slt.s32 s18, $0x1  }
.Ltmp24:
0x2ab: {  	_ = 	snop;
	(pc) =	sbr.rel @p1 .LBB2_34-.Ltmp24, $2  }
0x2ac: {  	_ =	sdelay $0x2  }
0x2ad: {  	v6 =	vmov s7  }
0x2ae: {  	s2 =	simm.s32 $0xA020  }
0x2af: {  	v7 =	vld [tilespmem:s2+$0x10];
	_ =	sdelay $0x1  }
0x2b0: {  	v8 =	vld [tilespmem:s2+$0xFFFFFFF0]  }
0x2b1: {  	v9 =	vld [tilespmem:s2+$0x0]  }
0x2b2: {  	p3 =	sgt.s32 s18, $0x4;
	v11 =	vld [tilespmem:s2+$0xFFFFFFE0]  }
.Ltmp25:
0x2b3: {  	s1 =	simm.s32 $0x30;
	v7 =	vshrl.u32 v7, $0x8;
	(pc) =	sbr.rel @!p3 .LBB2_33-.Ltmp25, $4  }
0x2b4: {  	s3 =	simm.s32 $0x0;
	v10 =	vor.u32 s1, v0;
	v7 =	vand.u32 $0xFFF, v7  }
0x2b5: {  	v17 =	vor.u32 s3, v0;
	vm0 =	vlt.s32 v10, v6;
	v7 =	vor.u32 $0x3000, v7  }
0x2b6: {  	p0 =	por $0x0, $0x0;
	p2 =	por $0x0, $0x0;
	v8 =	vshrl.u32 v8, $0x8;
	v9 =	vshrl.u32 v9, $0x8;
	v10 =	vnsel vm0, $0x3000, v7  }
0x2b7: {  	s1 =	simm.s32 $0x10;
	s2 =	simm.s32 $0x20;
	s3 =	simm.s32 $0xA060;
	v18 =	vshrl.u32 v11, $0x8;
	v15 =	vand.u32 $0xFFF, v8;
	v12 =	vand.u32 $0xFFF, v9;
	(xrf1) =	vunique.msk.u32 $0xffff, v10  }
0x2b8: {  	v9 =	vld [tilespmem:s3+$0x10];
	_ =	sdelay $0x1  }
0x2b9: {  	v8 =	vor.u32 s1, v0;
	v11 =	vor.u32 $0x1000, v15;
	v13 =	vld [tilespmem:s3+$0xFFFFFFF0]  }
0x2ba: {  	v14 =	vor.u32 s2, v0;
	vm0 =	vlt.s32 v17, v6;
	v7 =	vand.u32 $0xFFF, v18;
	v15 =	vld [tilespmem:s3+$0x0]  }
0x2bb: {  	v12 =	vor.u32 $0x2000, v12;
	v7 =	vnsel vm0, $0x0, v7;
	vm14 =	vlt.s32 v8, v6  }
0x2bc: {  	s29 =	simm.s32 $0x70;
	vm1 =	vlt.s32 v14, v6;
	v8 =	vnsel vm14, $0x1000, v11;
	v11 =	vshrl.u32 v9, $0x8  }
0x2bd: {  	(xrf1) =	vunique.msk.u32 $0xffff, v7;
	v9 =	vnsel vm1, $0x2000, v12;
	v12 =	vor.u32 s29, v0;
	v11 =	vand.u32 $0xFFF, v11  }
0x2be: {  	(xrf1) =	vunique.msk.u32 $0xffff, v8;
	v13 =	vshrl.u32 v13, $0x8;
	vm15 =	vlt.s32 v12, v6;
	v11 =	vor.u32 $0x3000, v11  }
0x2bf: {  	(xrf1) =	vunique.msk.u32 $0xffff, v9;
	v12 =	vshrl.u32 v15, $0x8;
	v15 =	vand.u32 $0xFFF, v13;
	v13 =	vnsel vm15, $0x3000, v11  }
0x2c0: {  	(xrf1) =	vunique.msk.u32 $0xffff, v13;
	_ =	sdelay $0x4  }
0x2c1: {  	v16 =	vld [tilespmem:s3+$0xFFFFFFE0];
	p3 =	sgt.s32 s18, $0x8  }
.Ltmp26:
0x2c2: {  	_ = 	snop;
	(pc) =	sbr.rel @!p3 .LBB2_43-.Ltmp26, $3  }
0x2c3: {  	_ =	sdelay $0x1  }
0x2c4: {  	s31 =	simm.s32 $0x40;
	s1 =	simm.s32 $0x50  }
0x2c5: {  	s2 =	simm.s32 $0x60;
	s3 =	simm.s32 $0xA0A0;
	p0 =	por $0x1, $0x1;
	v17 =	vor.u32 s31, v0;
	v18 =	vshrl.u32 v16, $0x8;
	v12 =	vand.u32 $0xFFF, v12  }
0x2c6: {  	v11 =	vld [tilespmem:s3+$0x10]  }
0x2c7: {  	v14 =	vld [tilespmem:s3+$0xFFFFFFF0]  }
0x2c8: {  	v19 =	vor.u32 s1, v0;
	v15 =	vor.u32 $0x1000, v15;
	v20 =	vor.u32 s2, v0  }
0x2c9: {  	vm0 =	vlt.s32 v17, v6;
	v16 =	vand.u32 $0xFFF, v18;
	v12 =	vor.u32 $0x2000, v12  }
0x2ca: {  	v22 =	vld [tilespmem:s3+$0x0];
	v16 =	vnsel vm0, $0x0, v16;
	vm0 =	vlt.s32 v19, v6;
	vm1 =	vlt.s32 v20, v6  }
0x2cb: {  	v18 =	vld [tilespmem:s3+$0xFFFFFFE0];
	s3 =	simm.s32 $0xB0;
	v21 =	vnsel vm0, $0x1000, v15;
	v20 =	vnsel vm1, $0x2000, v12;
	v11 =	vshrl.u32 v11, $0x8  }
0x2cc: {  	(xrf1) =	vunique.msk.u32 $0xffff, v16;
	v12 =	vshrl.u32 v14, $0x8;
	v14 =	vor.u32 s3, v0;
	v11 =	vand.u32 $0xFFF, v11  }
0x2cd: {  	_, v23, vm2 =	vpop (xrf1);
	(xrf1) =	vunique.msk.u32 $0xffff, v21;
	vm1 =	vlt.s32 v14, v6;
	v14 =	vor.u32 $0x3000, v11  }
0x2ce: {  	p3 =	sgt.s32 s18, $0xC;
	(xrf1) =	vunique.msk.u32 $0xffff, v20;
	v26 =	vnsel vm1, $0x3000, v14  }
.Ltmp27:
0x2cf: {  	(xrf1) =	vunique.msk.u32 $0xffff, v26;
	(pc) =	sbr.rel @!p3 .LBB2_45-.Ltmp27, $4  }
0x2d0: {  	_ = 	snop  }
0x2d1: {  	_, v11, vm0 =	vpop (xrf1)  }
0x2d2: {  	s4 =	simm.s32 $0xC;
	s5 =	simm.s32 $0x80;
	s1 =	simm.s32 $0x90;
	v17 =	vshrl.u32 v22, $0x8;
	v18 =	vshrl.u32 v18, $0x8;
	_, v14, vm1 =	vpop (xrf1)  }
0x2d3: {  	s2 =	simm.s32 $0xA0;
	p2 =	por $0x1, $0x1;
	v15 =	vand.u32 $0xFFF, v12;
	v12 =	vand.u32 $0xFFF, v17;
	v17 =	vor.u32 s5, v0;
	s5 =	simm.s32 $0xA0E0;
	[tilespmem:v10+s13+$0x0] =	vst.idx.add.s32.msk vm2, v23;
	_, v19, vm2 =	vpop (xrf1)  }
.LBB2_46:
0x2d4: {  	v10 =	vld [tilespmem:s5+$0x10];
	s4 =	sadd.s32 $0x4, s4;
	v22 =	vor.u32 s1, v0;
	v15 =	vor.u32 $0x1000, v15;
	v27 =	vor.u32 s2, v0;
	v24 =	vmovc v13;
	v13 =	vmovc v26  }
0x2d5: {  	vm3 =	vlt.s32 v17, v6;
	v17 =	vand.u32 $0xFFF, v18;
	v12 =	vor.u32 $0x2000, v12;
	v25 =	vld [tilespmem:s5+$0xFFFFFFF0];
	p3 =	slt.s32 s4, s18  }
0x2d6: {  	v17 =	vnsel vm3, $0x0, v17;
	vm3 =	vlt.s32 v22, v6;
	vm4 =	vlt.s32 v27, v6;
	v18 =	vld [tilespmem:s5+$0x0]  }
0x2d7: {  	v15 =	vnsel vm3, $0x1000, v15;
	v12 =	vnsel vm4, $0x2000, v12;
	v22 =	vld [tilespmem:s5+$0xFFFFFFE0];
	(xrf1) =	vunique.msk.u32 $0xffff, v17;
	_, v23, vm3 =	vpop (xrf1)  }
0x2d8: {  	(xrf1) =	vunique.msk.u32 $0xffff, v15;
	[tilespmem:v8+s13+$0x0] =	vst.idx.add.s32.msk vm1, v14;
	v8 =	vmov v21;
	v21 =	vmov v15  }
.Ltmp28:
0x2d9: {  	s3 =	sadd.s32 $0x40, s3;
	v10 =	vshrl.u32 v10, $0x8;
	(xrf1) =	vunique.msk.u32 $0xffff, v12;
	[tilespmem:v9+s13+$0x0] =	vst.idx.add.s32.msk vm2, v19;
	v9 =	vmovc v20;
	v20 =	vmov v12;
	(pc) =	sbr.rel @p3 .LBB2_46-.Ltmp28, $4  }
0x2da: {  	s6 =	sadd.s32 $0xFFFFFFD0, s3;
	s1 =	sadd.s32 $0xFFFFFFE0, s3;
	s2 =	sadd.s32 $0xFFFFFFF0, s3;
	v12 =	vshrl.u32 v25, $0x8;
	v25 =	vor.u32 s3, v0;
	v10 =	vand.u32 $0xFFF, v10;
	[tilespmem:v7+s13+$0x0] =	vst.idx.add.s32.msk vm0, v11;
	v7 =	vmovc v16;
	v16 =	vmovc v17  }
0x2db: {  	v17 =	vshrl.u32 v18, $0x8;
	vm1 =	vlt.s32 v25, v6;
	v10 =	vor.u32 $0x3000, v10;
	_, v11, vm0 =	vpop (xrf1)  }
0x2dc: {  	v15 =	vand.u32 $0xFFF, v12;
	v12 =	vand.u32 $0xFFF, v17;
	v26 =	vnsel vm1, $0x3000, v10;
	_, v14, vm1 =	vpop (xrf1)  }
0x2dd: {  	s5 =	sadd.s32 $0x40, s5;
	v17 =	vor.u32 s6, v0;
	v18 =	vshrl.u32 v22, $0x8;
	(xrf1) =	vunique.msk.u32 $0xffff, v26;
	[tilespmem:v24+s13+$0x0] =	vst.idx.add.s32.msk vm3, v23;
	_, v19, vm2 =	vpop (xrf1)  }
0x2de: {  	v22 =	vmov v8;
	v24 =	vmov v9;
	v25 =	vmov v7  }
0x2df: {  	v23 =	vmovc v13;
	v10 =	vmovc v26;
	v8 =	vmov v21;
	v9 =	vmov v20;
	v7 =	vmov v16  }
.LBB2_48:
0x2e0: {  	v13 =	vor.u32 s1, v0  }
0x2e1: {  	v15 =	vor.u32 $0x1000, v15;
	vm3 =	vlt.s32 v17, v6;
	v16 =	vand.u32 $0xFFF, v18  }
0x2e2: {  	v61 =	vor.u32 s2, v0;
	v16 =	vnsel vm3, $0x0, v16;
	vm13 =	vlt.s32 v13, v6  }
0x2e3: {  	v12 =	vor.u32 $0x2000, v12;
	vm4 =	vlt.s32 v61, v6;
	v13 =	vnsel vm13, $0x1000, v15;
	(xrf1) =	vunique.msk.u32 $0xffff, v16  }
0x2e4: {  	v12 =	vnsel vm4, $0x2000, v12;
	(xrf1) =	vunique.msk.u32 $0xffff, v13  }
0x2e5: {  	(xrf1) =	vunique.msk.u32 $0xffff, v12;
	_ =	sdelay $0x4  }
0x2e6: {  	_, v15, vm3 =	vpop @p0 (xrf1)  }
0x2e7: {  	_, v17, vm4 =	vpop @p0 (xrf1)  }
0x2e8: {  	_, v18, vm5 =	vpop @p0 (xrf1)  }
0x2e9: {  	v20 =	vmov @p0 v23;
	_, v21, vm6 =	vpop @p0 (xrf1);
	vm5 =	vmmov @p0 vm5  }
0x2ea: {  	v8 =	vpsel p0, v8, v0;
	vm6 =	vmmov @p0 vm6  }
0x2eb: {  	[tilespmem:v22+s13+$0x0] =	vst.idx.add.s32.msk @p2 vm1, v14;
	v9 =	vpsel p0, v9, v0;
	vm1 =	vmmov @p0 vm4  }
0x2ec: {  	[tilespmem:v24+s13+$0x0] =	vst.idx.add.s32.msk @p2 vm2, v19;
	v7 =	vpsel p0, v7, v0;
	_, v62, vm14 =	vpop (xrf1)  }
0x2ed: {  	[tilespmem:v25+s13+$0x0] =	vst.idx.add.s32.msk @p2 vm0, v11;
	_, v19, vm2 =	vpop (xrf1)  }
0x2ee: {  	[tilespmem:v20+s13+$0x0] =	vst.idx.add.s32.msk @p0 vm3, v15;
	v15 =	vpsel p0, v18, v0;
	_, v11, vm0 =	vpop (xrf1)  }
0x2ef: {  	[tilespmem:v8+s13+$0x0] =	vst.idx.add.s32.msk @p0 vm5, v15;
	v8 =	vpsel p0, v21, v0;
	_, v63, vm15 =	vpop (xrf1)  }
0x2f0: {  	[tilespmem:v9+s13+$0x0] =	vst.idx.add.s32.msk @p0 vm6, v8;
	v8 =	vpsel p0, v17, v0  }
0x2f1: {  	[tilespmem:v7+s13+$0x0] =	vst.idx.add.s32.msk @p0 vm1, v8  }
0x2f2: {  	[tilespmem:v10+s13+$0x0] =	vst.idx.add.s32.msk vm14, v62  }
0x2f3: {  	[tilespmem:v16+s13+$0x0] =	vst.idx.add.s32.msk vm2, v19  }
0x2f4: {  	[tilespmem:v13+s13+$0x0] =	vst.idx.add.s32.msk vm0, v11  }
0x2f5: {  	[tilespmem:v12+s13+$0x0] =	vst.idx.add.s32.msk vm15, v63  }
.LBB2_34:
0x2f6: {  	s1 =	ssub.s32 s12, s18  }
0x2f7: {  	p0 =	slt.s32 s1, $0x1  }
.Ltmp29:
0x2f8: {  	_ = 	snop;
	(pc) =	sbr.rel @p0 .LBB2_37-.Ltmp29, $4  }
0x2f9: {  	_ = 	snop  }
0x2fa: {  	s1 =	simm.s32 @!p0 $0x0  }
0x2fb: {  	s31 =	sshll.u32 s18, $0x6;
	s9 =	sshll.u32 s18, $0xC;
	s1 =	simm.s32 @p0 $0x1  }
0x2fc: {  	s26 =	sshll.u32 s18, $0x4;
	s6 =	sshra.s32 s31, $0x2;
	[smem:$0x7FD] =	sst s1  }
0x2fd: {  	s1 =	sshll.u32 s18, $0xC  }
0x2fe: {  	s2 =	sadd.s32 $0xA000, s6;
	s3 =	sshll.u32 s18, $0x4;
	s4 =	smov.u32 s18  }
.LBB2_36:
0x2ff: {  	v7 =	vld [tilespmem:s2+$0x0];
	_ =	sdelay $0x4  }
0x300: {  	v8 =	vor.u32 s3, v0;
	v7 =	vshrl.u32 v7, $0x8  }
0x301: {  	vm0 =	vlt.s32 v8, v6;
	v7 =	vand.u32 $0xFFF, v7  }
0x302: {  	s5 =	sand.u32 $0x3000, s1;
	v7 =	vnsel vm0, $0x0, v7  }
0x303: {  	v7 =	vor.u32 s5, v7  }
0x304: {  	(xrf1) =	vunique.msk.u32 $0xffff, v7;
	_ =	sdelay $0xd  }
0x305: {  	s4 =	sadd.s32 $0x1, s4;
	_, v8, vm15 =	vpop (xrf1)  }
0x306: {  	p2 =	slt.s32 s4, s12  }
.Ltmp30:
0x307: {  	_ = 	snop;
	(pc) =	sbr.rel @p2 .LBB2_36-.Ltmp30, $2  }
0x308: {  	_ =	sdelay $0x2  }
0x309: {  	s1 =	sadd.s32 $0x1000, s1;
	s2 =	sadd.s32 $0x10, s2;
	s3 =	sadd.s32 $0x10, s3;
	[tilespmem:v7+s13+$0x0] =	vst.idx.add.s32.msk vm15, v8  }
.LBB2_37:
0x30a: {  	s1 =	simm.s32 $0x8FF0  }
0x30b: {  	v8 =	vld [tilespmem:s1+$0xFFFFE000]  }
0x30c: {  	v9 =	vld [tilespmem:s1+$0xFFFFF000]  }
0x30d: {  	v10 =	vld [tilespmem:s1+$0x0]  }
0x30e: {  	v11 =	vld [tilespmem:s1+$0x1000];
	_ =	sdelay $0x2  }
0x30f: {  	v8 =	vadd.s32 v8, v9  }
0x310: {  	v8 =	vadd.s32 v10, v8  }
0x311: {  	v8 =	vadd.s32 v11, v8  }
0x312: {  	(xrf0) =	vadd.scan.msk.s32 $0xffff, v8  }
0x313: {  	s2 =	simm.s32 $0x8FE0;
	[tilespmem:s1+$0xFFFFF000] =	vst v1;
	v9 =	vperm.xlane v8, v2  }
0x314: {  	[tilespmem:s1+$0xFFFFE000] =	vst v1;
	v10 =	vld [tilespmem:s2+$0xFFFFF000]  }
0x315: {  	[tilespmem:s1+$0x0] =	vst v1;
	v8 =	vld [tilespmem:s2+$0xFFFFE000];
	(xrf0) =	vadd.scan.msk.s32 $0xffff, v9  }
0x316: {  	[tilespmem:s1+$0x1000] =	vst v1;
	v11 =	vld [tilespmem:s2+$0x0]  }
0x317: {  	v12 =	vld [tilespmem:s2+$0x1000]  }
0x318: {  	v13, _, _ =	vpop (xrf0)  }
0x319: {  	(v2sf) =	vpush v13, $0xF  }
0x31a: {  	v8 =	vadd.s32 v8, v10  }
0x31b: {  	[dreg:$0x13] =	wrdreg s6;
	s6 =	simm.s32 $0x0;
	v8 =	vadd.s32 v11, v8;
	v10, _, _ =	vpop (xrf0)  }
0x31c: {  	v7 =	vmov s10;
	v8 =	vadd.s32 v12, v8;
	v11 =	vadd.s32 s6, v10  }
0x31d: {  	(xrf0) =	vadd.scan.msk.s32 $0xffff, v8;
	vm0 =	vlt.s32 v11, v7  }
0x31e: {  	v11 =	vsel vm0, $0x80000010, v3  }
0x31f: {  	(xrf0) =	vmin.scan.msk.u32 $0xffff, v11  }
0x320: {  	s17 =	simm.s32 $0x8FD0;
	[tilespmem:s2+$0xFFFFF000] =	vst v1  }
0x321: {  	[tilespmem:s2+$0xFFFFE000] =	vst v1;
	v12 =	vld [tilespmem:s17+$0xFFFFF000];
	v11 =	vperm.xlane v8, v2  }
0x322: {  	[tilespmem:s2+$0x0] =	vst v1;
	v8 =	vld [tilespmem:s17+$0xFFFFE000]  }
0x323: {  	[tilespmem:s2+$0x1000] =	vst v1;
	v14 =	vld [tilespmem:s17+$0x0];
	(xrf0) =	vadd.scan.msk.s32 $0xffff, v11;
	v13, _, _ =	vpop (xrf0)  }
0x324: {  	(v2sf) =	vpush v13, $0xF;
	v13 =	vld [tilespmem:s17+$0x1000]  }
0x325: {  	v15, _, _ =	vpop (xrf0)  }
0x326: {  	(v2sf) =	vpush v15, $0xF  }
0x327: {  	v8 =	vadd.s32 v8, v12  }
0x328: {  	v8 =	vadd.s32 v14, v8;
	s19 =	spop (v2sf)  }
0x329: {  	v12, _, _ =	vpop (xrf0);
	v8 =	vadd.s32 v13, v8;
	s31 =	sadd.s32 $0x0, s19  }
0x32a: {  	(xrf0) =	vadd.scan.msk.s32 $0xffff, v8;
	v13 =	vadd.s32 s31, v12  }
0x32b: {  	vm9 =	vlt.s32 v13, v7  }
0x32c: {  	s3 =	simm.s32 $0x8FC0;
	[tilespmem:s17+$0xFFFFE000] =	vst v1;
	v13 =	vperm.xlane v8, v2;
	v8 =	vsel vm9, $0x80000010, v3  }
0x32d: {  	[tilespmem:s17+$0xFFFFF000] =	vst v1;
	v14 =	vld [tilespmem:s3+$0xFFFFE000];
	(xrf0) =	vmin.scan.msk.u32 $0xffff, v8  }
0x32e: {  	[tilespmem:s17+$0x0] =	vst v1;
	v8 =	vld [tilespmem:s3+$0xFFFFF000];
	(xrf0) =	vadd.scan.msk.s32 $0xffff, v13  }
0x32f: {  	[tilespmem:s17+$0x1000] =	vst v1;
	v15 =	vld [tilespmem:s3+$0x0]  }
0x330: {  	v16 =	vld [tilespmem:s3+$0x1000];
	v17, _, _ =	vpop (xrf0)  }
0x331: {  	(v2sf) =	vpush v17, $0xF;
	_ =	sdelay $0x1  }
0x332: {  	s23 =	spop (v2sf);
	v8 =	vadd.s32 v14, v8;
	v17, _, _ =	vpop (xrf0)  }
0x333: {  	s4 =	sadd.s32 s31, s23;
	v8 =	vadd.s32 v15, v8;
	v14, _, _ =	vpop (xrf0);
	(v2sf) =	vpush v17, $0xF  }
0x334: {  	v8 =	vadd.s32 v16, v8;
	s24 =	spop (v2sf);
	v15 =	vadd.s32 s4, v14  }
0x335: {  	(xrf0) =	vadd.scan.msk.s32 $0xffff, v8;
	s25 =	sxor.u32 $0x80000000, s24;
	vm10 =	vlt.s32 v15, v7  }
0x336: {  	v16 =	vmov s25;
	v15 =	vsel vm10, $0x80000010, v3  }
0x337: {  	v10 =	vxor.u32 $0x80000000, v10;
	v8 =	vperm.xlane v8, v2;
	vm11 =	veq.s32 v16, v0;
	(xrf0) =	vmin.scan.msk.u32 $0xffff, v15  }
0x338: {  	v10 =	vnsel vm11, $0x80000000, v10  }
0x339: {  	s29 =	simm.s32 $0x8FB0;
	v9 =	vxor.u32 $0x80000000, v9;
	[tilespmem:s3+$0xFFFFE000] =	vst v1;
	(xrf0) =	vadd.scan.msk.s32 $0xffff, v8  }
0x33a: {  	[tilespmem:s3+$0xFFFFF000] =	vst v1;
	v9 =	vnsel vm11, $0x80000000, v9;
	v15 =	vld [tilespmem:s29+$0xFFFFE000];
	(xrf0) =	vmax.scan.msk.u32 $0xffff, v10  }
0x33b: {  	[tilespmem:s3+$0x0] =	vst v1;
	v10, _, _ =	vpop (xrf0);
	(xrf0) =	vmax.scan.msk.u32 $0xffff, v9;
	v9 =	vld [tilespmem:s29+$0xFFFFF000]  }
0x33c: {  	[tilespmem:s3+$0x1000] =	vst v1;
	v16 =	vld [tilespmem:s29+$0x0]  }
0x33d: {  	v17 =	vld [tilespmem:s29+$0x1000];
	(v2sf) =	vpush v10, $0xF;
	v10, _, _ =	vpop (xrf0)  }
0x33e: {  	(v2sf) =	vpush v10, $0xF  }
0x33f: {  	s7 =	spop (v2sf);
	v10, _, _ =	vpop (xrf0)  }
0x340: {  	s3 =	sadd.s32 s4, s7;
	v18, _, _ =	vpop (xrf0);
	v9 =	vadd.s32 v15, v9  }
0x341: {  	s11 =	simm.s32 $0x8FA0;
	[tilespmem:s29+$0xFFFFE000] =	vst v1;
	(v2sf) =	vpush v18, $0xF;
	v15, _, _ =	vpop (xrf0);
	v9 =	vadd.s32 v16, v9;
	v16 =	vadd.s32 s3, v10  }
0x342: {  	[tilespmem:s29+$0xFFFFF000] =	vst v1;
	(v2sf) =	vpush v15, $0xF;
	v15 =	vadd.s32 v17, v9;
	vm12 =	vlt.s32 v16, v7;
	v16 =	vld [tilespmem:s11+$0xFFFFE000];
	s5 =	spop (v2sf)  }
0x343: {  	[tilespmem:s29+$0x0] =	vst v1;
	v17 =	vld [tilespmem:s11+$0xFFFFF000];
	v9 =	vperm.xlane v15, v2;
	(xrf0) =	vadd.scan.msk.s32 $0xffff, v15;
	v15 =	vsel vm12, $0x80000010, v3;
	s7 =	sxor.u32 $0x80000000, s5  }
0x344: {  	[tilespmem:s29+$0x1000] =	vst v1;
	v18 =	vld [tilespmem:s11+$0x0];
	(xrf0) =	vmin.scan.msk.u32 $0xffff, v15;
	v15 =	vmov s7  }
0x345: {  	v12 =	vxor.u32 $0x80000000, v12;
	vm13 =	veq.s32 v15, v0;
	v15 =	vld [tilespmem:s11+$0x1000]  }
0x346: {  	p2 =	por $0x1, $0x1;
	v11 =	vxor.u32 $0x80000000, v11;
	p3 =	sge.s32 s31, s10;
	(xrf0) =	vadd.scan.msk.s32 $0xffff, v9;
	v12 =	vnsel vm13, $0x80000000, v12  }
0x347: {  	p2 =	por !p2, !p3;
	v11 =	vnsel vm13, $0x80000000, v11;
	(xrf0) =	vmax.scan.msk.u32 $0xffff, v12  }
0x348: {  	s28 =	simm.s32 $0x0;
	p3 =	por !p2, !p2;
	v12 =	vadd.s32 v16, v17  }
0x349: {  	[dreg:$0x12] =	wrdreg s12;
	s28 =	simm.s32 @p3 $0x1;
	v16, _, _ =	vpop (xrf0);
	v12 =	vadd.s32 v18, v12  }
0x34a: {  	s1 =	simm.s32 $0x80000FCF;
	p5 =	seq.s32 s28, $0x0;
	p4 =	sge.s32 s4, s10;
	(xrf0) =	vmax.scan.msk.u32 $0xffff, v11;
	v11, _, _ =	vpop (xrf0);
	(v2sf) =	vpush v16, $0xF;
	v15 =	vadd.s32 v15, v12  }
0x34b: {  	s6 =	ssub.s32 s10, s6;
	s17 =	simm.s32 $0x8F90;
	p2 =	por !p5, !p4;
	(v2sf) =	vpush v11, $0xF  }
0x34c: {  	s19 =	simm.s32 $0x80000FBF;
	p2 =	por !p2, !p2;
	s16 =	spop (v2sf);
	v12, _, _ =	vpop (xrf0)  }
0x34d: {  	s2 =	ssub.s32 $0x80000FFF, s24;
	s28 =	simm.s32 @p2 $0x1;
	(xrf0) =	vadd.scan.msk.s32 $0xffff, v15;
	v11 =	vperm.xlane v15, v2;
	s23 =	spop (v2sf);
	v15, _, _ =	vpop (xrf0)  }
0x34e: {  	p4 =	por p2, p2;
	s25 =	simm.s32 $0x80000FAF;
	s24 =	sxor.u32 $0x80000000, s23;
	(v2sf) =	vpush v15, $0xF  }
0x34f: {  	p6 =	seq.s32 s28, $0x0;
	p5 =	sge.s32 s3, s10;
	s16 =	sadd.s32 s3, s16;
	v17 =	vmov s24  }
0x350: {  	p5 =	por !p6, !p5;
	[tilespmem:s11+$0x0] =	vst v1;
	s5 =	ssub.s32 $0x80000FEF, s5;
	s7 =	simm.s32 $0x0;
	v16 =	vadd.s32 s16, v12  }
0x351: {  	[tilespmem:s11+$0xFFFFE000] =	vst v1;
	s7 =	smov.u32 @p3 s2;
	s2 =	simm.s32 $0x80000F9F;
	p3 =	por p3, p3;
	v18 =	vxor.u32 $0x80000000, v13;
	vm14 =	vlt.s32 v16, v7  }
0x352: {  	[tilespmem:s11+$0xFFFFF000] =	vst v1;
	s7 =	smov.u32 @p2 s5;
	p2 =	por !p5, !p5;
	v13 =	vld [tilespmem:s17+$0x0];
	v16 =	vsel vm14, $0x80000010, v3;
	s24 =	spop (v2sf);
	vm15 =	veq.s32 v17, v0;
	v17, _, _ =	vpop (xrf0)  }
0x353: {  	[tilespmem:s11+$0x1000] =	vst v1;
	s5 =	simm.s32 $0x80000F8F;
	s28 =	simm.s32 @p2 $0x1;
	v15 =	vld [tilespmem:s17+$0xFFFFE000];
	(xrf0) =	vmin.scan.msk.u32 $0xffff, v16;
	s29 =	spop (v2sf);
	(v2sf) =	vpush v17, $0xF  }
0x354: {  	v14 =	vxor.u32 $0x80000000, v14;
	p3 =	por p3, p3;
	p0 =	seq.s32 s28, $0x0;
	[tilespmem:s17+$0x0] =	vst v1;
	v16 =	vld [tilespmem:s17+$0xFFFFF000];
	s12 =	sxor.u32 $0x7FFFFFFF, s24;
	v17 =	vnsel vm15, $0x80000000, v18;
	v18, _, _ =	vpop (xrf0)  }
0x355: {  	p6 =	sge.s32 s16, s10;
	[tilespmem:s17+$0xFFFFE000] =	vst v1;
	s23 =	ssub.s32 $0x80000FDF, s23;
	v19 =	vnsel vm15, $0x80000000, v14;
	s6 =	sadd.s32 s6, s12;
	(xrf0) =	vadd.scan.msk.s32 $0xffff, v11;
	(v2sf) =	vpush v18, $0xF  }
0x356: {  	p5 =	por !p0, !p6;
	[tilespmem:s17+$0xFFFFF000] =	vst v1;
	s7 =	smov.u32 @p2 s23;
	v14 =	vld [tilespmem:s17+$0x1000];
	s6 =	sadd.s32 s29, s6;
	(xrf0) =	vmax.scan.msk.u32 $0xffff, v19  }
0x357: {  	[tilespmem:s17+$0x1000] =	vst v1;
	s12 =	smov.u32 s16;
	s23 =	sadd.s32 $0x80000001, s6;
	s6 =	smov.u32 s10;
	(xrf0) =	vmax.scan.msk.u32 $0xffff, v17  }
.LBB2_38:
0x358: {  	p6 =	seq.s32 s5, $0x8000000F;
	s6 =	smov.u32 @p3 s23;
	s23 =	smov.u32 s5  }
0x359: {  	v15 =	vadd.s32 v15, v16;
	v16, _, _ =	vpop (xrf0);
	s5 =	sadd.s32 $0xFFFFFFF0, s5;
	p3 =	por p4, p4;
	p4 =	por p2, p2  }
0x35a: {  	p2 =	por !p5, !p5;
	v13 =	vadd.s32 v13, v15;
	s24 =	spop (v2sf);
	(v2sf) =	vpush v16, $0xF  }
0x35b: {  	s28 =	simm.s32 @p2 $0x1;
	v13 =	vadd.s32 v14, v13;
	v14, _, _ =	vpop (xrf0);
	s16 =	sadd.s32 s16, s24  }
0x35c: {  	p5 =	seq.s32 s28, $0x0;
	v17 =	vperm.xlane v13, v2;
	(xrf0) =	vadd.scan.msk.s32 $0xffff, v13;
	v13 =	vadd.s32 s16, v14;
	p0 =	sge.s32 s16, s10;
	v15, _, _ =	vpop (xrf0)  }
0x35d: {  	vm0 =	vlt.s32 v13, v7;
	p5 =	por !p5, !p0;
	s24 =	spop (v2sf);
	(v2sf) =	vpush v15, $0xF  }
0x35e: {  	s17 =	sadd.s32 $0xFFFFFFF0, s17;
	v13 =	vsel vm0, $0x80000010, v3;
	s29 =	sxor.u32 $0x80000000, s24;
	s1 =	ssub.s32 s1, s24;
	v16, _, _ =	vpop (xrf0)  }
0x35f: {  	s7 =	smov.u32 @p2 s1;
	s1 =	smov.u32 s19;
	s19 =	smov.u32 s25;
	v15 =	vld [tilespmem:s17+$0xFFFFE000];
	(xrf0) =	vmin.scan.msk.u32 $0xffff, v13;
	v13 =	vmov s29;
	(v2sf) =	vpush v16, $0xF  }
.Ltmp31:
0x360: {  	v18 =	vxor.u32 $0x80000000, v10;
	v21 =	vxor.u32 $0x80000000, v8;
	v10 =	vmovc v12;
	v12 =	vmovc v14;
	s25 =	smov.u32 s2;
	[tilespmem:s17+$0xFFFFE000] =	vst v1;
	v16 =	vld [tilespmem:s17+$0xFFFFF000];
	vm0 =	veq.s32 v13, v0;
	s24 =	spop (v2sf);
	(pc) =	sbr.rel @!p6 .LBB2_38-.Ltmp31, $4  }
0x361: {  	v8 =	vmovc v9;
	s2 =	smov.u32 s23;
	s29 =	ssub.s32 s10, s31;
	[tilespmem:s17+$0xFFFFF000] =	vst v1;
	v13 =	vld [tilespmem:s17+$0x0];
	(xrf0) =	vadd.scan.msk.s32 $0xffff, v17;
	v18 =	vnsel vm0, $0x80000000, v18;
	v19 =	vnsel vm0, $0x80000000, v21;
	s24 =	sxor.u32 $0x7FFFFFFF, s24  }
0x362: {  	v9 =	vmov v11;
	v11 =	vmov v17;
	s31 =	smov.u32 s4;
	[tilespmem:s17+$0x0] =	vst v1;
	v14 =	vld [tilespmem:s17+$0x1000];
	v20, _, _ =	vpop (xrf0);
	(xrf0) =	vmax.scan.msk.u32 $0xffff, v18;
	s23 =	sadd.s32 s29, s24;
	s24 =	spop (v2sf)  }
0x363: {  	s4 =	smov.u32 s3;
	s3 =	smov.u32 s12;
	[tilespmem:s17+$0x1000] =	vst v1;
	(v2sf) =	vpush v20, $0xF;
	s23 =	sadd.s32 s24, s23  }
0x364: {  	s12 =	smov.u32 s16;
	(xrf0) =	vmax.scan.msk.u32 $0xffff, v19;
	s23 =	sadd.s32 $0x80000001, s23  }
0x365: {  	_ =	sdelay $0x1  }
0x366: {  	v17, _, _ =	vpop (xrf0);
	s5 =	spop (v2sf)  }
0x367: {  	v15 =	vadd.s32 v15, v16;
	s17 =	sadd.s32 s16, s5;
	v56, _, _ =	vpop (xrf0)  }
0x368: {  	v13 =	vadd.s32 v13, v15;
	v57 =	vadd.s32 s17, v56  }
0x369: {  	v13 =	vadd.s32 v14, v13;
	vm0 =	vlt.s32 v57, v7  }
0x36a: {  	v14 =	vperm.xlane v13, v2;
	(xrf0) =	vadd.scan.msk.s32 $0xffff, v13;
	v58 =	vsel vm0, $0x80000010, v3  }
0x36b: {  	(xrf0) =	vmin.scan.msk.u32 $0xffff, v58  }
0x36c: {  	(xrf0) =	vadd.scan.msk.s32 $0xffff, v14;
	_ =	sdelay $0x1  }
0x36d: {  	v59, _, _ =	vpop (xrf0);
	s16 =	spop (v2sf)  }
0x36e: {  	v60, _, _ =	vpop (xrf0);
	s11 =	spop (v2sf)  }
0x36f: {  	s24 =	sxor.u32 $0x80000000, s16;
	[dreg:$0x1e] =	wrdreg s11;
	v18, _, _ =	vpop (xrf0);
	s11 =	spop (v2sf)  }
0x370: {  	v19 =	vmov s24;
	[dreg:$0x1b] =	wrdreg s11;
	v20, _, _ =	vpop (xrf0);
	s11 =	spop (v2sf)  }
0x371: {  	v10 =	vxor.u32 $0x80000000, v10;
	[dreg:$0x1c] =	wrdreg s17;
	vm11 =	veq.s32 v19, v0;
	v61, _, _ =	vpop (xrf0);
	s17 =	sadd.s32 s17, s11  }
0x372: {  	v8 =	vxor.u32 $0x80000000, v8;
	v10 =	vnsel vm11, $0x80000000, v10;
	v21 =	vadd.s32 s17, v61  }
0x373: {  	v8 =	vnsel vm11, $0x80000000, v8;
	(xrf0) =	vmax.scan.msk.u32 $0xffff, v10;
	vm12 =	vlt.s32 v21, v7  }
0x374: {  	(xrf0) =	vmax.scan.msk.u32 $0xffff, v8;
	v7 =	vsel vm12, $0x80000010, v3  }
0x375: {  	(v2sf) =	vpush v17, $0xF;
	(xrf0) =	vmin.scan.msk.u32 $0xffff, v7  }
0x376: {  	(v2sf) =	vpush v59, $0xF  }
0x377: {  	(v2sf) =	vpush v60, $0xF  }
0x378: {  	(v2sf) =	vpush v18, $0xF  }
0x379: {  	(v2sf) =	vpush v20, $0xF;
	v7, _, _ =	vpop (xrf0)  }
0x37a: {  	(v2sf) =	vpush v7, $0xF;
	v7, _, _ =	vpop (xrf0)  }
0x37b: {  	(v2sf) =	vpush v7, $0xF;
	v7, _, _ =	vpop (xrf0)  }
0x37c: {  	(v2sf) =	vpush v7, $0xF;
	_ =	sdelay $0x7  }
0x37d: {  	s29 =	spop (v2sf)  }
0x37e: {  	s24 =	spop (v2sf)  }
0x37f: {  	[smem:$0x7FC] =	sst s24;
	s24 =	sxor.u32 $0x80000000, s29;
	s11 =	spop (v2sf)  }
0x380: {  	v7 =	vmov s24;
	s24 =	spop (v2sf)  }
0x381: {  	[dreg:$0x15] =	wrdreg s24;
	vm13 =	veq.s32 v7, v0;
	v7 =	vxor.u32 $0x80000000, v12;
	s24 =	spop (v2sf)  }
0x382: {  	v8 =	vxor.u32 $0x80000000, v9;
	[dreg:$0x1f] =	wrdreg s11;
	v7 =	vnsel vm13, $0x80000000, v7;
	s5 =	sxor.u32 $0x80000000, s24;
	s11 =	spop (v2sf)  }
0x383: {  	(xrf0) =	vmax.scan.msk.u32 $0xffff, v7;
	v7 =	vnsel vm13, $0x80000000, v8;
	v8 =	vmov s5;
	[dreg:$0x1a] =	wrdreg s11;
	s11 =	spop (v2sf)  }
0x384: {  	s31 =	ssub.s32 s10, s31;
	(xrf0) =	vmax.scan.msk.u32 $0xffff, v7;
	v7 =	vxor.u32 $0x80000000, v56;
	vm14 =	veq.s32 v8, v0;
	[dreg:$0x16] =	wrdreg s11;
	s11 =	spop (v2sf)  }
0x385: {  	p5 =	por !p5, !p5;
	s6 =	smov.u32 @p3 s23;
	v7 =	vnsel vm14, $0x80000000, v7;
	s5 =	sxor.u32 $0x80000000, s11  }
0x386: {  	v62 =	vxor.u32 $0x80000000, v11;
	p0 =	por p4, p4;
	s1 =	ssub.s32 s1, s16;
	s16 =	rddreg [dreg:$0x1b];
	(xrf0) =	vmax.scan.msk.u32 $0xffff, v7;
	v8 =	vmov s5  }
0x387: {  	s4 =	ssub.s32 s10, s4;
	s3 =	ssub.s32 s10, s3;
	v9 =	vnsel vm14, $0x80000000, v62;
	v7 =	vxor.u32 $0x80000000, v61;
	s5 =	rddreg [dreg:$0x1e];
	vm15 =	veq.s32 v8, v0  }
0x388: {  	s28 =	simm.s32 @p5 $0x1;
	v63 =	vxor.u32 $0x80000000, v14;
	s23 =	sld [smem:$0x7FC];
	(xrf0) =	vmax.scan.msk.u32 $0xffff, v9;
	s5 =	sxor.u32 $0x7FFFFFFF, s5;
	v7 =	vnsel vm15, $0x80000000, v7  }
0x389: {  	p4 =	seq.s32 s28, $0x0;
	s5 =	sadd.s32 s31, s5;
	s31 =	rddreg [dreg:$0x1f];
	v8, _, _ =	vpop (xrf0);
	(xrf0) =	vmax.scan.msk.u32 $0xffff, v7;
	v7 =	vnsel vm15, $0x80000000, v63  }
0x38a: {  	s7 =	smov.u32 @p5 s1;
	s1 =	sadd.s32 s16, s5;
	s16 =	rddreg [dreg:$0x1c];
	(v2sf) =	vpush v8, $0xF  }
0x38b: {  	s2 =	ssub.s32 s2, s11;
	s5 =	ssub.s32 s19, s29;
	s19 =	rddreg [dreg:$0x1a];
	v8, _, _ =	vpop (xrf0);
	(xrf0) =	vmax.scan.msk.u32 $0xffff, v7  }
0x38c: {  	s29 =	rddreg [dreg:$0xc];
	s1 =	sadd.s32 $0x80000001, s1;
	p6 =	sge.s32 s16, s10;
	(v2sf) =	vpush v8, $0xF;
	v7, _, _ =	vpop (xrf0)  }
0x38d: {  	s16 =	ssub.s32 s10, s16;
	s6 =	smov.u32 @p0 s1;
	p0 =	por !p4, !p6;
	(v2sf) =	vpush v7, $0xF  }
0x38e: {  	s1 =	sxor.u32 $0x7FFFFFFF, s23;
	p4 =	por p2, p2;
	p2 =	por p5, p5;
	v7, _, _ =	vpop (xrf0)  }
0x38f: {  	p6 =	sge.s32 s17, s10;
	s1 =	sadd.s32 s4, s1;
	p3 =	por !p0, !p0;
	(v2sf) =	vpush v7, $0xF;
	v7, _, _ =	vpop (xrf0)  }
0x390: {  	p0 =	por p4, p4;
	p4 =	por p2, p2;
	s4 =	sxor.u32 $0x7FFFFFFF, s19;
	(v2sf) =	vpush v7, $0xF  }
0x391: {  	s7 =	smov.u32 @p3 s5;
	s1 =	sadd.s32 s31, s1;
	s28 =	simm.s32 @p3 $0x1;
	v7, _, _ =	vpop (xrf0)  }
0x392: {  	p3 =	por p3, p3;
	s5 =	rddreg [dreg:$0x15];
	s23 =	sadd.s32 s3, s4;
	(v2sf) =	vpush v7, $0xF  }
0x393: {  	s3 =	ssub.s32 s25, s24;
	s25 =	rddreg [dreg:$0x16];
	s4 =	ssub.s32 s10, s12  }
0x394: {  	s24 =	ssub.s32 s10, s17;
	p5 =	seq.s32 s28, $0x0;
	s1 =	sadd.s32 $0x80000001, s1  }
0x395: {  	s6 =	smov.u32 @p0 s1;
	p6 =	por !p5, !p6;
	s1 =	sadd.s32 s17, s5  }
0x396: {  	p2 =	por !p6, !p6;
	p6 =	sge.s32 s1, s10;
	s1 =	sadd.s32 s25, s23  }
0x397: {  	p3 =	por p3, p3;
	s28 =	simm.s32 @p2 $0x1;
	s1 =	sadd.s32 $0x80000001, s1  }
0x398: {  	s7 =	smov.u32 @p2 s3;
	p5 =	seq.s32 s28, $0x0;
	s6 =	smov.u32 @p4 s1  }
0x399: {  	s28 =	rddreg [dreg:$0xb];
	p0 =	por !p5, !p6;
	s31 =	spop (v2sf)  }
0x39a: {  	p5 =	por p2, p2;
	p2 =	por !p0, !p0;
	s3 =	sxor.u32 $0x7FFFFFFF, s31  }
0x39b: {  	p0 =	por p5, p5;
	s5 =	spop (v2sf);
	s1 =	sadd.s32 s4, s3  }
0x39c: {  	p6 =	por p2, p2;
	s1 =	sadd.s32 s5, s1;
	s11 =	spop (v2sf)  }
0x39d: {  	s7 =	smov.u32 @p2 s2;
	s1 =	sadd.s32 $0x80000001, s1;
	s3 =	sxor.u32 $0x7FFFFFFF, s11  }
0x39e: {  	s12 =	spop (v2sf);
	s11 =	simm.s32 $0x1;
	s3 =	sadd.s32 s16, s3  }
0x39f: {  	s6 =	smov.u32 @p3 s1;
	s19 =	spop (v2sf);
	s1 =	sadd.s32 s12, s3  }
.Ltmp32:
0x3a0: {  	s12 =	rddreg [dreg:$0x12];
	s23 =	sxor.u32 $0x7FFFFFFF, s19;
	(pc) =	sbr.rel @p1 .LBB2_49-.Ltmp32, $4  }
0x3a1: {  	s31 =	spop (v2sf);
	s1 =	sadd.s32 $0x80000001, s1;
	s25 =	sadd.s32 s24, s23  }
0x3a2: {  	s19 =	rddreg [dreg:$0x7];
	s6 =	smov.u32 @p0 s1;
	s3 =	sadd.s32 s31, s25  }
0x3a3: {  	p0 =	por p6, p6;
	s23 =	simm.s32 $0x2000;
	s1 =	sadd.s32 $0x80000001, s3  }
0x3a4: {  	v7 =	vmov s7;
	s24 =	simm.s32 $0x4000;
	s25 =	simm.s32 $0x4;
	s6 =	smov.u32 @p0 s1  }
0x3a5: {  	s2 =	simm.s32 $0xA020  }
0x3a6: {  	v8 =	vld [tilespmem:s2+$0x10];
	_ =	sdelay $0x1  }
0x3a7: {  	v13 =	vld [tilespmem:s2+$0xFFFFFFE0]  }
0x3a8: {  	s1 =	simm.s32 $0x30;
	v9 =	vld [tilespmem:s2+$0x0]  }
0x3a9: {  	s17 =	simm.s32 $0x0;
	s31 =	simm.s32 $0x10;
	v10 =	vld [tilespmem:s2+$0xFFFFFFF0];
	v14 =	vor.u32 s1, v0  }
0x3aa: {  	p0 =	sgt.s32 s18, $0x4;
	s3 =	simm.s32 $0x20;
	v20 =	vor.u32 s17, v0;
	v25 =	vor.u32 s31, v0;
	v11 =	vshrl.u32 v8, $0x8  }
.Ltmp33:
0x3ab: {  	v21 =	vor.u32 s3, v0;
	vm0 =	vlt.s32 v14, v6;
	v11 =	vand.u32 $0xFFF, v11;
	(pc) =	sbr.rel @!p0 .LBB2_41-.Ltmp33, $4  }
0x3ac: {  	v12 =	vshrl.u32 v13, $0x8;
	v8 =	vand.u32 $0xFF, v8;
	vm1 =	veq.s32 v11, v7  }
0x3ad: {  	v14 =	vshrl.u32 v9, $0x8;
	v8 =	vor.u32 $0x3000, v8;
	vm0 =	vmand vm0, vm1  }
0x3ae: {  	v12 =	vand.u32 $0xFFF, v12;
	v11 =	vshrl.u32 v10, $0x8;
	v8 =	vnsel vm0, $0x3000, v8  }
0x3af: {  	p1 =	por $0x0, $0x0;
	p2 =	por $0x0, $0x0;
	s1 =	simm.s32 $0xA060;
	v24 =	vand.u32 $0xFFF, v14;
	vm3 =	veq.s32 v12, v7;
	v26 =	vand.u32 $0xFFF, v11;
	(xrf1) =	vunique.msk.u32 $0xffff, v8  }
0x3b0: {  	v15 =	vld [tilespmem:s1+$0x10];
	vm0 =	veq.s32 v26, v7  }
0x3b1: {  	v11 =	vand.u32 $0xFF, v10;
	vm1 =	veq.s32 v24, v7;
	vm2 =	vlt.s32 v20, v6  }
0x3b2: {  	vm4 =	vlt.s32 v25, v6;
	v12 =	vand.u32 $0xFF, v9;
	v13 =	vand.u32 $0xFF, v13  }
0x3b3: {  	s17 =	simm.s32 $0x70;
	vm2 =	vmand vm2, vm3;
	vm3 =	vlt.s32 v21, v6;
	vm0 =	vmand vm4, vm0  }
0x3b4: {  	v11 =	vor.u32 $0x1000, v11;
	v12 =	vor.u32 $0x2000, v12;
	v18 =	vor.u32 s17, v0  }
0x3b5: {  	vm1 =	vmand vm3, vm1;
	v11 =	vnsel vm0, $0x1000, v11;
	v17 =	vshrl.u32 v15, $0x8  }
0x3b6: {  	vm0 =	vlt.s32 v18, v6;
	v14 =	vnsel vm1, $0x2000, v12;
	v17 =	vand.u32 $0xFFF, v17  }
0x3b7: {  	v12 =	vnsel vm2, $0x0, v13;
	(xrf1) =	vunique.msk.u32 $0xffff, v11;
	v15 =	vand.u32 $0xFF, v15;
	vm1 =	veq.s32 v17, v7  }
0x3b8: {  	(xrf1) =	vunique.msk.u32 $0xffff, v12;
	v15 =	vor.u32 $0x3000, v15;
	vm0 =	vmand vm0, vm1  }
0x3b9: {  	(xrf1) =	vunique.msk.u32 $0xffff, v14;
	v15 =	vnsel vm0, $0x3000, v15  }
0x3ba: {  	(xrf1) =	vunique.msk.u32 $0xffff, v15;
	_ =	sdelay $0x4  }
0x3bb: {  	v16 =	vld [tilespmem:s1+$0xFFFFFFE0]  }
0x3bc: {  	v10 =	vld [tilespmem:s1+$0xFFFFFFF0]  }
0x3bd: {  	v9 =	vld [tilespmem:s1+$0x0]  }
0x3be: {  	p0 =	sgt.s32 s18, $0x8  }
.Ltmp34:
0x3bf: {  	s31 =	simm.s32 $0x40;
	(pc) =	sbr.rel @!p0 .LBB2_60-.Ltmp34, $4  }
0x3c0: {  	s2 =	simm.s32 $0x50;
	s3 =	simm.s32 $0x60;
	v20 =	vor.u32 s31, v0  }
0x3c1: {  	v25 =	vor.u32 s2, v0;
	v21 =	vor.u32 s3, v0;
	v13 =	vshrl.u32 v16, $0x8  }
0x3c2: {  	v18 =	vshrl.u32 v9, $0x8;
	v13 =	vand.u32 $0xFFF, v13;
	v17 =	vshrl.u32 v10, $0x8  }
0x3c3: {  	s1 =	simm.s32 $0xA0A0;
	p1 =	por $0x1, $0x1;
	v24 =	vand.u32 $0xFFF, v18;
	vm3 =	veq.s32 v13, v7;
	v26 =	vand.u32 $0xFFF, v17  }
0x3c4: {  	v17 =	vld [tilespmem:s1+$0x10];
	vm0 =	veq.s32 v26, v7;
	v18 =	vand.u32 $0xFF, v10  }
0x3c5: {  	vm1 =	veq.s32 v24, v7;
	vm2 =	vlt.s32 v20, v6;
	vm4 =	vlt.s32 v25, v6  }
0x3c6: {  	v13 =	vld [tilespmem:s1+$0xFFFFFFE0];
	_, v20, vm5 =	vpop (xrf1);
	v19 =	vand.u32 $0xFF, v9;
	v16 =	vand.u32 $0xFF, v16;
	vm2 =	vmand vm2, vm3  }
0x3c7: {  	v10 =	vld [tilespmem:s1+$0xFFFFFFF0];
	vm3 =	vlt.s32 v21, v6;
	vm0 =	vmand vm4, vm0;
	v18 =	vor.u32 $0x1000, v18  }
0x3c8: {  	v9 =	vld [tilespmem:s1+$0x0];
	s1 =	simm.s32 $0xB0;
	v19 =	vor.u32 $0x2000, v19;
	vm1 =	vmand vm3, vm1;
	v23 =	vnsel vm0, $0x1000, v18  }
0x3c9: {  	v22 =	vnsel vm2, $0x0, v16;
	v16 =	vor.u32 s1, v0;
	v18 =	vshrl.u32 v17, $0x8  }
0x3ca: {  	(xrf1) =	vunique.msk.u32 $0xffff, v23;
	vm0 =	vlt.s32 v16, v6;
	v16 =	vand.u32 $0xFF, v17;
	v18 =	vand.u32 $0xFFF, v18  }
0x3cb: {  	p3 =	sgt.s32 s18, $0xC;
	v19 =	vnsel vm1, $0x2000, v19;
	(xrf1) =	vunique.msk.u32 $0xffff, v22;
	vm1 =	veq.s32 v18, v7  }
.Ltmp35:
0x3cc: {  	v17 =	vshrl.u32 v10, $0x8;
	[tilespmem:v8+s13+$0x0] =	vst.idx.add.s32.msk vm5, v20;
	v8 =	vor.u32 $0x3000, v16;
	vm1 =	vmand vm0, vm1;
	(pc) =	sbr.rel @!p3 .LBB2_62-.Ltmp35, $4  }
0x3cd: {  	s3 =	simm.s32 $0x90;
	(xrf1) =	vunique.msk.u32 $0xffff, v19;
	v8 =	vnsel vm1, $0x3000, v8  }
0x3ce: {  	s2 =	simm.s32 $0x80;
	v25 =	vor.u32 s3, v0;
	v21 =	vshrl.u32 v13, $0x8;
	v24 =	vshrl.u32 v9, $0x8;
	_, v16, vm0 =	vpop (xrf1);
	(xrf1) =	vunique.msk.u32 $0xffff, v8  }
0x3cf: {  	s4 =	simm.s32 $0xA0;
	v21 =	vand.u32 $0xFFF, v21;
	v20 =	vor.u32 s2, v0;
	v26 =	vand.u32 $0xFFF, v17;
	_, v18, vm2 =	vpop (xrf1)  }
0x3d0: {  	p2 =	por $0x1, $0x1;
	s3 =	simm.s32 $0xA0E0;
	v24 =	vand.u32 $0xFFF, v24;
	s2 =	simm.s32 $0xC;
	vm3 =	veq.s32 v21, v7;
	v21 =	vor.u32 s4, v0;
	_, v17, vm1 =	vpop (xrf1)  }
.LBB2_63:
0x3d1: {  	v27 =	vld [tilespmem:s3+$0x10];
	s2 =	sadd.s32 $0x4, s2;
	vm5 =	veq.s32 v26, v7;
	v26 =	vand.u32 $0xFF, v10;
	vm6 =	veq.s32 v24, v7;
	_, v24, vm4 =	vpop (xrf1)  }
0x3d2: {  	vm7 =	vlt.s32 v20, v6;
	vm8 =	vlt.s32 v25, v6;
	v20 =	vand.u32 $0xFF, v9;
	v28 =	vld [tilespmem:s3+$0xFFFFFFE0];
	p3 =	slt.s32 s2, s18  }
0x3d3: {  	vm3 =	vmand vm7, vm3;
	vm5 =	vmand vm8, vm5;
	vm7 =	vlt.s32 v21, v6;
	v10 =	vld [tilespmem:s3+$0xFFFFFFF0]  }
0x3d4: {  	v21 =	vor.u32 $0x1000, v26;
	v20 =	vor.u32 $0x2000, v20;
	vm6 =	vmand vm7, vm6;
	v9 =	vld [tilespmem:s3+$0x0]  }
0x3d5: {  	v25 =	vand.u32 $0xFF, v13;
	v21 =	vnsel vm5, $0x1000, v21;
	v29 =	vnsel vm6, $0x2000, v20;
	[tilespmem:v12+s13+$0x0] =	vst.idx.add.s32.msk vm2, v18;
	v12 =	vmovc v22  }
0x3d6: {  	s1 =	sadd.s32 $0x40, s1;
	v22 =	vnsel vm3, $0x0, v25;
	v18 =	vshrl.u32 v27, $0x8;
	(xrf1) =	vunique.msk.u32 $0xffff, v21;
	[tilespmem:v11+s13+$0x0] =	vst.idx.add.s32.msk vm0, v16;
	v11 =	vmovc v23  }
0x3d7: {  	s4 =	sadd.s32 $0xFFFFFFD0, s1;
	s5 =	sadd.s32 $0xFFFFFFE0, s1;
	s10 =	sadd.s32 $0xFFFFFFF0, s1;
	v25 =	vor.u32 s1, v0;
	v23 =	vmovc v21;
	v20 =	vshrl.u32 v28, $0x8;
	v30 =	vand.u32 $0xFFF, v18;
	[tilespmem:v15+s13+$0x0] =	vst.idx.add.s32.msk vm4, v24;
	v13 =	vmovc v28  }
.Ltmp36:
0x3d8: {  	vm2 =	vlt.s32 v25, v6;
	v24 =	vand.u32 $0xFF, v27;
	vm3 =	veq.s32 v30, v7;
	(xrf1) =	vunique.msk.u32 $0xffff, v22;
	_, v16, vm0 =	vpop (xrf1);
	(pc) =	sbr.rel @p3 .LBB2_63-.Ltmp36, $4  }
0x3d9: {  	v15 =	vmovc v8;
	v21 =	vshrl.u32 v10, $0x8;
	v26 =	vor.u32 $0x3000, v24;
	vm2 =	vmand vm2, vm3;
	(xrf1) =	vunique.msk.u32 $0xffff, v29  }
0x3da: {  	v25 =	vand.u32 $0xFFF, v20;
	v24 =	vshrl.u32 v9, $0x8;
	v8 =	vnsel vm2, $0x3000, v26;
	_, v18, vm2 =	vpop (xrf1);
	[tilespmem:v14+s13+$0x0] =	vst.idx.add.s32.msk vm1, v17  }
0x3db: {  	v20 =	vor.u32 s4, v0;
	v26 =	vand.u32 $0xFFF, v21;
	v24 =	vand.u32 $0xFFF, v24;
	(xrf1) =	vunique.msk.u32 $0xffff, v8;
	_, v17, vm1 =	vpop (xrf1)  }
0x3dc: {  	s3 =	sadd.s32 $0x40, s3;
	vm3 =	veq.s32 v25, v7;
	v25 =	vor.u32 s5, v0;
	v21 =	vor.u32 s10, v0;
	v14 =	vmovc v19;
	v19 =	vmovc v29  }
0x3dd: {  	v27 =	vmov v12;
	v28 =	vmov v11  }
0x3de: {  	v29 =	vmovc v14;
	v12 =	vmovc v22;
	v11 =	vmov v23;
	v22 =	vmov v15;
	v14 =	vmov v19  }
.LBB2_65:
0x3df: {  	vm4 =	veq.s32 v26, v7;
	v10 =	vand.u32 $0xFF, v10;
	vm5 =	veq.s32 v24, v7  }
0x3e0: {  	vm6 =	vlt.s32 v25, v6;
	vm7 =	vlt.s32 v20, v6;
	v13 =	vand.u32 $0xFF, v13  }
0x3e1: {  	v9 =	vand.u32 $0xFF, v9;
	vm4 =	vmand vm6, vm4;
	v10 =	vor.u32 $0x1000, v10  }
0x3e2: {  	vm12 =	vlt.s32 v21, v6;
	vm3 =	vmand vm7, vm3;
	v10 =	vnsel vm4, $0x1000, v10  }
0x3e3: {  	vm13 =	vmand vm12, vm5;
	v9 =	vor.u32 $0x2000, v9;
	v13 =	vnsel vm3, $0x0, v13;
	(xrf1) =	vunique.msk.u32 $0xffff, v10  }
0x3e4: {  	v9 =	vnsel vm13, $0x2000, v9;
	(xrf1) =	vunique.msk.u32 $0xffff, v13  }
0x3e5: {  	(xrf1) =	vunique.msk.u32 $0xffff, v9;
	_ =	sdelay $0x5  }
0x3e6: {  	_, v15, vm3 =	vpop @p1 (xrf1)  }
0x3e7: {  	_, v19, vm4 =	vpop @p1 (xrf1)  }
0x3e8: {  	_, v20, vm5 =	vpop @p1 (xrf1);
	vm4 =	vmmov @p1 vm4  }
0x3e9: {  	v11 =	vpsel p1, v11, v0;
	vm5 =	vmmov @p1 vm5;
	_, v21, vm6 =	vpop @p1 (xrf1)  }
0x3ea: {  	v12 =	vpsel p1, v12, v0;
	[tilespmem:v28+s13+$0x0] =	vst.idx.add.s32.msk @p2 vm0, v16;
	vm0 =	vmmov @p1 vm6  }
0x3eb: {  	[tilespmem:v27+s13+$0x0] =	vst.idx.add.s32.msk @p2 vm2, v18;
	v14 =	vpsel p1, v14, v0;
	_, v18, vm2 =	vpop (xrf1)  }
0x3ec: {  	[tilespmem:v29+s13+$0x0] =	vst.idx.add.s32.msk @p2 vm1, v17;
	_, v62, vm14 =	vpop (xrf1)  }
0x3ed: {  	v19 =	vpsel p1, v19, v0;
	[tilespmem:v22+s13+$0x0] =	vst.idx.add.s32.msk @p1 vm3, v15;
	_, v15, vm3 =	vpop (xrf1)  }
0x3ee: {  	v17 =	vpsel p1, v20, v0;
	[tilespmem:v11+s13+$0x0] =	vst.idx.add.s32.msk @p1 vm4, v19;
	_, v63, vm15 =	vpop (xrf1)  }
0x3ef: {  	v11 =	vpsel p1, v21, v0;
	[tilespmem:v12+s13+$0x0] =	vst.idx.add.s32.msk @p1 vm5, v17  }
0x3f0: {  	[tilespmem:v14+s13+$0x0] =	vst.idx.add.s32.msk @p1 vm0, v11  }
0x3f1: {  	[tilespmem:v8+s13+$0x0] =	vst.idx.add.s32.msk vm2, v18  }
0x3f2: {  	[tilespmem:v10+s13+$0x0] =	vst.idx.add.s32.msk vm14, v62  }
0x3f3: {  	[tilespmem:v13+s13+$0x0] =	vst.idx.add.s32.msk vm3, v15  }
0x3f4: {  	[tilespmem:v9+s13+$0x0] =	vst.idx.add.s32.msk vm15, v63  }
.LBB2_49:
0x3f5: {  	s1 =	sld [smem:$0x7FD];
	_ =	sdelay $0x2  }
0x3f6: {  	p0 =	seq.s32 s1, $0x1  }
.Ltmp37:
0x3f7: {  	_ = 	snop;
	(pc) =	sbr.rel @p0 .LBB2_52-.Ltmp37, $1  }
0x3f8: {  	_ =	sdelay $0x3  }
0x3f9: {  	s1 =	rddreg [dreg:$0x13]  }
0x3fa: {  	s1 =	sadd.s32 $0xA000, s1  }
.LBB2_51:
0x3fb: {  	v8 =	vld [tilespmem:s1+$0x0];
	_ =	sdelay $0x4  }
0x3fc: {  	v9 =	vshrl.u32 v8, $0x8  }
0x3fd: {  	v10 =	vor.u32 s26, v0;
	v9 =	vand.u32 $0xFFF, v9  }
0x3fe: {  	vm0 =	vlt.s32 v10, v6;
	vm1 =	veq.s32 v9, v7  }
0x3ff: {  	v8 =	vand.u32 $0xFF, v8;
	vm0 =	vmand vm0, vm1  }
0x400: {  	s2 =	sand.u32 $0x3000, s9;
	v8 =	vnsel vm0, $0x0, v8  }
0x401: {  	v8 =	vor.u32 s2, v8  }
0x402: {  	(xrf1) =	vunique.msk.u32 $0xffff, v8;
	_ =	sdelay $0xd  }
0x403: {  	s18 =	sadd.s32 $0x1, s18;
	_, v63, vm15 =	vpop (xrf1)  }
0x404: {  	p0 =	slt.s32 s18, s12  }
.Ltmp38:
0x405: {  	_ = 	snop;
	(pc) =	sbr.rel @p0 .LBB2_51-.Ltmp38, $2  }
0x406: {  	_ =	sdelay $0x2  }
0x407: {  	s9 =	sadd.s32 $0x1000, s9;
	s1 =	sadd.s32 $0x10, s1;
	s26 =	sadd.s32 $0x10, s26;
	[tilespmem:v8+s13+$0x0] =	vst.idx.add.s32.msk vm15, v63  }
.LBB2_52:
0x408: {  	s2 =	simm.s32 $0x80F0  }
0x409: {  	v7 =	vld [tilespmem:s2+$0xFFFFE000]  }
0x40a: {  	v8 =	vld [tilespmem:s2+$0xFFFFF000]  }
0x40b: {  	v9 =	vld [tilespmem:s2+$0x0]  }
0x40c: {  	v10 =	vld [tilespmem:s2+$0x1000];
	_ =	sdelay $0x2  }
0x40d: {  	v7 =	vadd.s32 v7, v8  }
0x40e: {  	v7 =	vadd.s32 v9, v7  }
0x40f: {  	v7 =	vadd.s32 v10, v7  }
0x410: {  	(xrf0) =	vadd.scan.msk.s32 $0xffff, v7  }
0x411: {  	s3 =	simm.s32 $0x80E0;
	[tilespmem:s2+$0xFFFFE000] =	vst v1  }
0x412: {  	[tilespmem:s2+$0xFFFFF000] =	vst v1;
	v8 =	vld [tilespmem:s3+$0xFFFFE000];
	v7 =	vperm.xlane v7, v2  }
0x413: {  	[tilespmem:s2+$0x0] =	vst v1;
	v9 =	vld [tilespmem:s3+$0xFFFFF000]  }
0x414: {  	[tilespmem:s2+$0x1000] =	vst v1;
	v10 =	vld [tilespmem:s3+$0x0]  }
0x415: {  	v11 =	vld [tilespmem:s3+$0x1000]  }
0x416: {  	(xrf0) =	vadd.scan.msk.s32 $0xffff, v7;
	v7, _, _ =	vpop (xrf0)  }
0x417: {  	(v2sf) =	vpush v7, $0xF  }
0x418: {  	v7 =	vadd.s32 v8, v9  }
0x419: {  	v7 =	vadd.s32 v10, v7  }
0x41a: {  	v7 =	vadd.s32 v11, v7  }
0x41b: {  	(xrf0) =	vadd.scan.msk.s32 $0xffff, v7  }
0x41c: {  	s1 =	simm.s32 $0x0;
	v8, _, _ =	vpop (xrf0)  }
0x41d: {  	v6 =	vmov s6;
	v8 =	vadd.s32 s1, v8  }
0x41e: {  	vm0 =	vlt.s32 v8, v6  }
0x41f: {  	s18 =	simm.s32 $0x80D0;
	[tilespmem:s3+$0xFFFFE000] =	vst v1;
	v7 =	vperm.xlane v7, v2;
	v8 =	vsel vm0, $0x80000010, v3  }
0x420: {  	[tilespmem:s3+$0xFFFFF000] =	vst v1;
	(xrf0) =	vmin.scan.msk.u32 $0xffff, v8;
	v8 =	vld [tilespmem:s18+$0xFFFFE000]  }
0x421: {  	[tilespmem:s3+$0x0] =	vst v1;
	v9, _, _ =	vpop (xrf0);
	(xrf0) =	vadd.scan.msk.s32 $0xffff, v7;
	v7 =	vld [tilespmem:s18+$0xFFFFF000]  }
0x422: {  	[tilespmem:s3+$0x1000] =	vst v1;
	(v2sf) =	vpush v9, $0xF;
	v9 =	vld [tilespmem:s18+$0x0]  }
0x423: {  	v10 =	vld [tilespmem:s18+$0x1000];
	_ =	sdelay $0x2  }
0x424: {  	s5 =	simm.s32 $0x80C0;
	[tilespmem:s18+$0xFFFFE000] =	vst v1;
	v11, _, _ =	vpop (xrf0);
	v7 =	vadd.s32 v8, v7;
	s26 =	spop (v2sf)  }
0x425: {  	[tilespmem:s18+$0xFFFFF000] =	vst v1;
	(v2sf) =	vpush v11, $0xF;
	v11 =	vld [tilespmem:s5+$0xFFFFE000];
	v8, _, _ =	vpop (xrf0);
	v7 =	vadd.s32 v9, v7;
	s3 =	sadd.s32 $0x0, s26  }
0x426: {  	[tilespmem:s18+$0x0] =	vst v1;
	v9 =	vld [tilespmem:s5+$0xFFFFF000];
	v7 =	vadd.s32 v10, v7;
	v8 =	vadd.s32 s3, v8  }
0x427: {  	[tilespmem:s18+$0x1000] =	vst v1;
	(xrf0) =	vadd.scan.msk.s32 $0xffff, v7;
	vm14 =	vlt.s32 v8, v6;
	v8 =	vld [tilespmem:s5+$0x0]  }
0x428: {  	v12 =	vld [tilespmem:s5+$0x1000]  }
0x429: {  	v10 =	vperm.xlane v7, v2  }
0x42a: {  	v7 =	vsel vm14, $0x80000010, v3  }
0x42b: {  	(xrf0) =	vmin.scan.msk.u32 $0xffff, v7;
	v7 =	vadd.s32 v11, v9  }
0x42c: {  	v7 =	vadd.s32 v8, v7  }
0x42d: {  	(xrf0) =	vadd.scan.msk.s32 $0xffff, v10;
	v10, _, _ =	vpop (xrf0);
	v9 =	vadd.s32 v12, v7  }
0x42e: {  	(v2sf) =	vpush v10, $0xF;
	(xrf0) =	vadd.scan.msk.s32 $0xffff, v9;
	_ =	sdelay $0x2  }
0x42f: {  	p0 =	por $0x1, $0x1;
	[tilespmem:s5+$0x1000] =	vst v1  }
0x430: {  	s12 =	simm.s32 $0x80B0;
	[tilespmem:s5+$0xFFFFE000] =	vst v1;
	p1 =	sge.s32 s3, s6;
	s31 =	spop (v2sf);
	v11, _, _ =	vpop (xrf0)  }
0x431: {  	[tilespmem:s5+$0xFFFFF000] =	vst v1;
	p0 =	por !p0, !p1;
	v7 =	vld [tilespmem:s12+$0xFFFFE000];
	s10 =	sadd.s32 s3, s31;
	v8, _, _ =	vpop (xrf0);
	(v2sf) =	vpush v11, $0xF  }
0x432: {  	s9 =	simm.s32 $0xF0;
	[tilespmem:s5+$0x0] =	vst v1;
	s5 =	simm.s32 $0x0;
	p0 =	por !p0, !p0;
	v10 =	vld [tilespmem:s12+$0x1000];
	v62 =	vadd.s32 s10, v8;
	v11, _, _ =	vpop (xrf0)  }
0x433: {  	s4 =	simm.s32 $0xE0;
	s5 =	simm.s32 @p0 $0x1;
	[tilespmem:s12+$0xFFFFE000] =	vst v1;
	s16 =	spop (v2sf);
	v8 =	vld [tilespmem:s12+$0xFFFFF000];
	vm15 =	vlt.s32 v62, v6;
	(v2sf) =	vpush v11, $0xF  }
0x434: {  	s2 =	simm.s32 $0xC0;
	s26 =	rddreg [dreg:$0xa];
	p6 =	seq.s32 s5, $0x0;
	[tilespmem:s12+$0x1000] =	vst v1;
	v63 =	vperm.xlane v9, v2;
	v9 =	vld [tilespmem:s12+$0x0];
	v13 =	vsel vm15, $0x80000010, v3  }
0x435: {  	[tilespmem:s12+$0x0] =	vst v1;
	s3 =	simm.s32 $0xD0;
	p2 =	sge.s32 s10, s6;
	s17 =	sxor.u32 $0x7FFFFFFF, s16;
	(xrf0) =	vmin.scan.msk.u32 $0xffff, v13  }
0x436: {  	[tilespmem:s12+$0xFFFFF000] =	vst v1;
	s16 =	simm.s32 $0xB0;
	p1 =	por !p6, !p2;
	s17 =	sadd.s32 $0x100, s17;
	(xrf0) =	vadd.scan.msk.s32 $0xffff, v63  }
.LBB2_53:
0x437: {  	p2 =	sne.s32 s16, $0x10;
	s1 =	smov.u32 @p0 s17;
	s18 =	smov.u32 s3  }
0x438: {  	v7 =	vadd.s32 v7, v8;
	s3 =	smov.u32 s2;
	s2 =	smov.u32 s16;
	s16 =	sadd.s32 $0xFFFFFFF0, s16  }
0x439: {  	v9 =	vadd.s32 v9, v7  }
0x43a: {  	v9 =	vadd.s32 v10, v9  }
0x43b: {  	p0 =	por !p1, !p1;
	v11 =	vperm.xlane v9, v2;
	(xrf0) =	vadd.scan.msk.s32 $0xffff, v9;
	s17 =	spop (v2sf);
	v7, _, _ =	vpop (xrf0)  }
0x43c: {  	s12 =	sadd.s32 $0xFFFFFFF0, s12;
	s5 =	simm.s32 @p0 $0x1;
	v8, _, _ =	vpop (xrf0);
	s10 =	sadd.s32 s10, s17;
	(v2sf) =	vpush v7, $0xF  }
0x43d: {  	p1 =	seq.s32 s5, $0x0;
	v7 =	vld [tilespmem:s12+$0xFFFFE000];
	v9 =	vadd.s32 s10, v8;
	p3 =	sge.s32 s10, s6  }
.Ltmp39:
0x43e: {  	[tilespmem:s12+$0xFFFFE000] =	vst v1;
	v8 =	vld [tilespmem:s12+$0xFFFFF000];
	vm0 =	vlt.s32 v9, v6;
	p1 =	por !p1, !p3;
	(pc) =	sbr.rel @p2 .LBB2_53-.Ltmp39, $4  }
0x43f: {  	[tilespmem:s12+$0xFFFFF000] =	vst v1;
	v9 =	vld [tilespmem:s12+$0x0];
	v13 =	vsel vm0, $0x80000010, v3  }
0x440: {  	[tilespmem:s12+$0x0] =	vst v1;
	v10 =	vld [tilespmem:s12+$0x1000];
	(xrf0) =	vmin.scan.msk.u32 $0xffff, v13;
	s17 =	spop (v2sf)  }
0x441: {  	[tilespmem:s12+$0x1000] =	vst v1;
	v12, _, _ =	vpop (xrf0);
	(xrf0) =	vadd.scan.msk.s32 $0xffff, v11;
	s17 =	sxor.u32 $0x7FFFFFFF, s17  }
0x442: {  	(v2sf) =	vpush v12, $0xF;
	s17 =	sadd.s32 s17, s9;
	s9 =	smov.u32 s4;
	s4 =	smov.u32 s18  }
0x443: {  	_ =	sdelay $0x2  }
0x444: {  	s12 =	spop (v2sf);
	v11, _, _ =	vpop (xrf0)  }
0x445: {  	v7 =	vadd.s32 v7, v8;
	s10 =	sadd.s32 s10, s12;
	v8, _, _ =	vpop (xrf0)  }
0x446: {  	v7 =	vadd.s32 v9, v7;
	v8 =	vadd.s32 s10, v8  }
0x447: {  	v7 =	vadd.s32 v10, v7;
	vm0 =	vlt.s32 v8, v6  }
0x448: {  	(xrf0) =	vadd.scan.msk.s32 $0xffff, v7;
	v8 =	vperm.xlane v7, v2;
	v7 =	vsel vm0, $0x80000010, v3  }
0x449: {  	(xrf0) =	vmin.scan.msk.u32 $0xffff, v7  }
0x44a: {  	(xrf0) =	vadd.scan.msk.s32 $0xffff, v8;
	_ =	sdelay $0x3  }
0x44b: {  	s18 =	spop (v2sf);
	v7, _, _ =	vpop (xrf0)  }
0x44c: {  	s16 =	spop (v2sf);
	v8, _, _ =	vpop (xrf0)  }
0x44d: {  	v63, _, _ =	vpop (xrf0);
	s16 =	sadd.s32 s10, s16  }
0x44e: {  	v9 =	vadd.s32 s16, v63  }
0x44f: {  	(v2sf) =	vpush v11, $0xF;
	vm15 =	vlt.s32 v9, v6  }
0x450: {  	v6 =	vsel vm15, $0x80000010, v3  }
0x451: {  	(xrf0) =	vmin.scan.msk.u32 $0xffff, v6  }
0x452: {  	(v2sf) =	vpush v7, $0xF;
	_ =	sdelay $0x3  }
0x453: {  	p2 =	por !p1, !p1;
	(v2sf) =	vpush v8, $0xF  }
0x454: {  	s5 =	simm.s32 @p2 $0x1;
	v6, _, _ =	vpop (xrf0)  }
0x455: {  	p4 =	sge.s32 s10, s6;
	p3 =	seq.s32 s5, $0x0;
	(v2sf) =	vpush v6, $0xF  }
0x456: {  	p1 =	por !p3, !p4  }
0x457: {  	p1 =	por !p1, !p1  }
0x458: {  	s1 =	smov.u32 @p0 s17;
	s5 =	simm.s32 @p1 $0x1  }
0x459: {  	s0 =	sshll.u32 s0, $0x14;
	p5 =	seq.s32 s5, $0x0;
	p6 =	sge.s32 s16, s6  }
0x45a: {  	s0 =	sxor.u32 $0x80000000, s0;
	s31 =	sxor.u32 $0x7FFFFFFF, s18;
	p0 =	por !p5, !p6  }
0x45b: {  	s9 =	sadd.s32 s31, s9;
	p0 =	por !p0, !p0;
	s12 =	spop (v2sf)  }
0x45c: {  	s1 =	smov.u32 @p2 s9;
	s5 =	simm.s32 @p0 $0x1;
	s17 =	sxor.u32 $0x7FFFFFFF, s12  }
0x45d: {  	p4 =	seq.s32 s5, $0x0;
	s12 =	rddreg [dreg:$0x11];
	s4 =	sadd.s32 s17, s4  }
0x45e: {  	s17 =	rddreg [dreg:$0x10];
	s1 =	smov.u32 @p1 s4;
	s18 =	spop (v2sf)  }
0x45f: {  	s9 =	sadd.s32 s16, s18;
	s16 =	sshll.u32 s7, $0x8;
	s18 =	rddreg [dreg:$0xd]  }
0x460: {  	p5 =	sge.s32 s9, s6;
	s6 =	simm.s32 $0x0;
	s0 =	sor.u32 s0, s16  }
0x461: {  	[tilespmem:s6], [sflag:$0x1] =	stream.linear.gather [hbm4b:s12+s6], $0x2000, $0x38;
	[tilespmem:$0xE000] =	vst v63  }
0x462: {  	p3 =	slt.u32 s18, $0x96;
	s16 =	rddreg [dreg:$0x3];
	s31 =	spop (v2sf)  }
0x463: {  	p6 =	por !p4, !p5;
	s12 =	rddreg [dreg:$0x2];
	s9 =	sxor.u32 $0x7FFFFFFF, s31  }
0x464: {  	s31 =	rddreg [dreg:$0xe];
	s3 =	sadd.s32 s9, s3;
	s10 =	spop (v2sf)  }
.Ltmp40:
0x465: {  	s1 =	smov.u32 @p0 s3;
	s3 =	sxor.u32 $0x7FFFFFFF, s10;
	(pc) =	sbr.rel .LBB2_55-.Ltmp40, $4  }
0x466: {  	p2 =	sgt.u32 s31, $0x31;
	p0 =	por !p6, !p6;
	s2 =	sadd.s32 s3, s2  }
0x467: {  	s10 =	rddreg [dreg:$0x1];
	s1 =	smov.u32 @p0 s2;
	p0 =	sgt.u32 s18, $0x31  }
0x468: {  	s1 =	sor.u32 s1, s0;
	s0 =	smul.u32 s17, s30;
	s30 =	rddreg [dreg:$0xf]  }
0x469: {  	s18 =	simm.s32 $0x0;
	s17 =	rddreg [dreg:$0x4];
	v6 =	vmov s1;
	p1 =	sgt.u32 s30, $0x31  }
.LBB2_72:
0x46a: {  	s1 =	sshrl.u32 s1, $0x3  }
0x46b: {  	s1 =	sadd.s32 s10, s1  }
0x46c: {  	[hbm4b:s1+s18] =	stream.linear.scatter [tilespmem:s24], [sflag:$0x4], $0x2000, $0x38;
	[tilespmem:$0xE000] =	vst v63  }
0x46d: {  	_ =	swait.ge [sflag:s25], $0x2000  }
0x46e: {  	[sflag:s25] =	ssyncset.done $0x0  }
0x46f: {  	[sflag:s25] =	ssyncadd.s32 $0xFFFFE000  }
.LBB2_76:
0x470: {  	s6 =	sadd.s32 $0x1, s6  }
0x471: {  	p4 =	sne.s32 s6, s28  }
.Ltmp41:
0x472: {  	_ = 	snop;
	(pc) =	sbr.rel @!p4 .LBB2_77-.Ltmp41, $1  }
0x473: {  	_ =	sdelay $0x3  }
.LBB2_55:
0x474: {  	s3 =	sshllo.u32 s6, $0x1  }
0x475: {  	s1 =	sshll.u32 s3, $0xD  }
0x476: {  	s2 =	smov.u32 s22;
	p4 =	slt.s32 s1, s22  }
0x477: {  	s2 =	smov.u32 @p4 s1  }
0x478: {  	s1 =	sadd.s32 s21, s2  }
0x479: {  	s1 =	sshrl.u32 s1, $0x3  }
0x47a: {  	s1 =	sadd.s32 s8, s1  }
0x47b: {  	[tilespmem:s23], [sflag:$0x2] =	stream.linear.gather [hbm4b:s1+s18], $0x2000, $0x38;
	[tilespmem:$0xE000] =	vst v63  }
0x47c: {  	_ =	swait.ge [sflag:s11], $0x2000  }
0x47d: {  	[sflag:s11] =	ssyncset.done $0x0  }
0x47e: {  	s31 =	simm.s32 $0x20;
	[sflag:s11] =	ssyncadd.s32 $0xFFFFE000  }
0x47f: {  	v8 =	vld [tilespmem:s31+$0x10]  }
0x480: {  	v9 =	vld [tilespmem:s31+$0xFFFFFFF0]  }
0x481: {  	v11 =	vld [tilespmem:s31+$0x0]  }
0x482: {  	v12 =	vld [tilespmem:s31+$0xFFFFFFE0];
	_ =	sdelay $0x2  }
0x483: {  	v7 =	vshra.s32 v8, $0x1F  }
0x484: {  	v10 =	vshra.s32 v9, $0x1F;
	v13 =	vand.u32 $0x7FFFFFFF, v7  }
0x485: {  	s7 =	simm.s32 $0x60;
	v15 =	vshra.s32 v11, $0x1F;
	v8 =	vxor.u32 v8, v13;
	v13 =	vshra.s32 v12, $0x1F  }
0x486: {  	v7 =	vld [tilespmem:s7+$0x10];
	v14 =	vand.u32 $0x7FFFFFFF, v10;
	vm0 =	vlt.s32 v8, v6;
	v8 =	vand.u32 $0x7FFFFFFF, v13  }
0x487: {  	v10 =	vld [tilespmem:s7+$0xFFFFFFF0];
	v15 =	vand.u32 $0x7FFFFFFF, v15;
	v9 =	vxor.u32 v9, v14;
	v8 =	vxor.u32 v12, v8  }
0x488: {  	vm14 =	vlt.s32 v9, v6;
	v9 =	vxor.u32 v11, v15;
	vm1 =	vlt.s32 v8, v6;
	v8 =	vld [tilespmem:s7+$0x0]  }
0x489: {  	s4 =	simm.s32 $0x4020;
	v13 =	vsel vm0, $0x0, v5;
	vm15 =	vlt.s32 v9, v6;
	v9 =	vld [tilespmem:s7+$0xFFFFFFE0]  }
0x48a: {  	v11 =	vsel vm14, $0x0, v5;
	[tilespmem:s4+$0x10] =	vst v13  }
0x48b: {  	[tilespmem:s4+$0xFFFFFFF0] =	vst v11;
	v12 =	vshra.s32 v7, $0x1F;
	v14 =	vsel vm1, $0x0, v5  }
0x48c: {  	s5 =	simm.s32 $0x4;
	s1 =	sshll.u32 s6, $0x1;
	v11 =	vsel vm15, $0x0, v5;
	s7 =	simm.s32 $0xA0;
	v13 =	vshra.s32 v10, $0x1F;
	v12 =	vand.u32 $0x7FFFFFFF, v12;
	[tilespmem:s4+$0xFFFFFFE0] =	vst v14  }
.LBB2_56:
0x48d: {  	s5 =	sadd.s32 $0x4, s5;
	v13 =	vand.u32 $0x7FFFFFFF, v13;
	v14 =	vshra.s32 v8, $0x1F;
	v12 =	vxor.u32 v7, v12;
	v7 =	vld [tilespmem:s7+$0x10];
	[tilespmem:s4+$0x0] =	vst v11;
	v11 =	vmovc v8  }
0x48e: {  	v15 =	vld [tilespmem:s7+$0xFFFFFFF0];
	p4 =	slt.u32 s5, $0x1FC;
	v16 =	vshra.s32 v9, $0x1F;
	v14 =	vand.u32 $0x7FFFFFFF, v14;
	vm0 =	vlt.s32 v12, v6  }
.Ltmp42:
0x48f: {  	s4 =	sadd.s32 $0x40, s4;
	v10 =	vxor.u32 v10, v13;
	v8 =	vld [tilespmem:s7+$0x0];
	v12 =	vand.u32 $0x7FFFFFFF, v16;
	v13 =	vsel vm0, $0x0, v5;
	(pc) =	sbr.rel @p4 .LBB2_56-.Ltmp42, $4  }
0x490: {  	vm0 =	vlt.s32 v10, v6;
	v10 =	vxor.u32 v11, v14;
	v12 =	vxor.u32 v9, v12;
	v9 =	vld [tilespmem:s7+$0xFFFFFFE0];
	[tilespmem:s4+$0x10] =	vst v13  }
0x491: {  	v11 =	vsel vm0, $0x0, v5;
	vm0 =	vlt.s32 v10, v6;
	vm1 =	vlt.s32 v12, v6  }
0x492: {  	v16 =	vshra.s32 v7, $0x1F;
	v14 =	vsel vm1, $0x0, v5;
	[tilespmem:s4+$0xFFFFFFF0] =	vst v11;
	v11 =	vsel vm0, $0x0, v5  }
0x493: {  	s7 =	sadd.s32 $0x40, s7;
	v13 =	vshra.s32 v15, $0x1F;
	v12 =	vand.u32 $0x7FFFFFFF, v16;
	[tilespmem:s4+$0xFFFFFFE0] =	vst v14;
	v10 =	vmov v15  }
0x494: {  	v13 =	vand.u32 $0x7FFFFFFF, v13;
	v14 =	vshra.s32 v8, $0x1F;
	s5 =	sshll.u32 s6, $0xE  }
0x495: {  	v7 =	vxor.u32 v7, v12;
	s7 =	smov.u32 s22;
	p5 =	sge.u32 @!p0 s1, s20;
	v62 =	vshra.s32 v9, $0x1F;
	v14 =	vand.u32 $0x7FFFFFFF, v14;
	p4 =	slt.s32 s5, s22  }
0x496: {  	vm0 =	vlt.s32 v7, v6;
	v10 =	vxor.u32 v10, v13;
	v7 =	vand.u32 $0x7FFFFFFF, v62;
	s7 =	smov.u32 @p4 s5;
	p4 =	por p0, p5  }
.Ltmp43:
0x497: {  	[tilespmem:s4+$0x0] =	vst v11;
	s31 =	sadd.s32 $0x40, s4;
	v63 =	vsel vm0, $0x0, v5;
	vm14 =	vlt.s32 v10, v6;
	v7 =	vxor.u32 v9, v7;
	(pc) =	sbr.rel @p4 .LBB2_66-.Ltmp43, $4  }
0x498: {  	v8 =	vxor.u32 v8, v14;
	[tilespmem:s31+$0x10] =	vst v63;
	vm1 =	vlt.s32 v7, v6;
	v7 =	vsel vm14, $0x0, v5  }
0x499: {  	vm15 =	vlt.s32 v8, v6;
	v8 =	vsel vm1, $0x0, v5;
	[tilespmem:s31+$0xFFFFFFF0] =	vst v7  }
0x49a: {  	v7 =	vsel vm15, $0x0, v5;
	[tilespmem:s31+$0xFFFFFFE0] =	vst v8  }
0x49b: {  	s4 =	sadd.s32 s0, s7;
	[tilespmem:s31+$0x0] =	vst v7  }
0x49c: {  	s4 =	sshrl.u32 s4, $0x3  }
.Ltmp44:
0x49d: {  	s4 =	sadd.s32 s10, s4;
	(pc) =	sbr.rel .LBB2_69-.Ltmp44, $4  }
0x49e: {  	[hbm4b:s4+s18] =	stream.linear.scatter [tilespmem:s24], [sflag:$0x4], $0x2000, $0x38;
	[tilespmem:$0xE000] =	vst v63  }
0x49f: {  	_ =	swait.ge [sflag:s25], $0x2000  }
0x4a0: {  	[sflag:s25] =	ssyncset.done $0x0  }
0x4a1: {  	[sflag:s25] =	ssyncadd.s32 $0xFFFFE000  }
.LBB2_66:
0x4a2: {  	p4 =	sge.u32 @!p1 s1, s20  }
0x4a3: {  	p5 =	sge.u32 @!p2 s1, s20;
	p4 =	por p4, p1  }
0x4a4: {  	p5 =	por p2, p5;
	s5 =	sshrl.u32 @!p4 s4, $0x3  }
0x4a5: {  	s7 =	simm.s32 @!p4 $0x0;
	s9 =	simm.s32 @!p4 $0x4000;
	s5 =	sadd.s32 @!p4 s12, s5  }
0x4a6: {  	[hbm4b:s5+s7] =	stream.linear.scatter @!p4 [tilespmem:s9], [sflag:$0x4], $0x2000, $0x38;
	[tilespmem:$0xE000] =	vst v63  }
.Ltmp45:
0x4a7: {  	_ = 	snop;
	(pc) =	sbr.rel @p5 .LBB2_68-.Ltmp45, $4  }
0x4a8: {  	s5 =	simm.s32 @!p4 $0x4  }
0x4a9: {  	_ =	swait.ge @!p4 [sflag:s5], $0x2000  }
0x4aa: {  	[sflag:s5] =	ssyncset.done @!p4 $0x0  }
0x4ab: {  	[sflag:s5] =	ssyncadd.s32 @!p4 $0xFFFFE000  }
0x4ac: {  	s4 =	sshrl.u32 s4, $0x3  }
.Ltmp46:
0x4ad: {  	s4 =	sadd.s32 s16, s4;
	(pc) =	sbr.rel .LBB2_69-.Ltmp46, $4  }
0x4ae: {  	[hbm4b:s4+s18] =	stream.linear.scatter [tilespmem:s24], [sflag:$0x4], $0x2000, $0x38;
	[tilespmem:$0xE000] =	vst v63  }
0x4af: {  	_ =	swait.ge [sflag:s25], $0x2000  }
0x4b0: {  	[sflag:s25] =	ssyncset.done $0x0  }
0x4b1: {  	[sflag:s25] =	ssyncadd.s32 $0xFFFFE000  }
.LBB2_68:
0x4b2: {  	p4 =	sge.u32 @!p3 s1, s20  }
0x4b3: {  	p4 =	por p4, p3  }
0x4b4: {  	s4 =	sshrl.u32 @!p4 s4, $0x3  }
0x4b5: {  	s5 =	simm.s32 @!p4 $0x0;
	s7 =	simm.s32 @!p4 $0x4000;
	s4 =	sadd.s32 @!p4 s17, s4  }
0x4b6: {  	[hbm4b:s4+s5] =	stream.linear.scatter @!p4 [tilespmem:s7], [sflag:$0x4], $0xC80, $0x38;
	[tilespmem:$0xE000] =	vst v63  }
0x4b7: {  	s4 =	simm.s32 @!p4 $0x4  }
0x4b8: {  	_ =	swait.ge @!p4 [sflag:s4], $0xC80  }
0x4b9: {  	[sflag:s4] =	ssyncset.done @!p4 $0x0  }
0x4ba: {  	[sflag:s4] =	ssyncadd.s32 @!p4 $0xFFFFF380  }
.LBB2_69:
0x4bb: {  	s1 =	sadd.s32 $0x2, s1  }
0x4bc: {  	p4 =	sge.u32 s1, s29  }
0x4bd: {  	s1 =	sshll.u32 @!p4 s1, $0xD  }
0x4be: {  	s1 =	smin.u32 @!p4 s1, s22  }
0x4bf: {  	s1 =	sadd.s32 @!p4 s21, s1  }
0x4c0: {  	s1 =	sshrl.u32 @!p4 s1, $0x3  }
0x4c1: {  	s4 =	simm.s32 @!p4 $0x0;
	s1 =	sadd.s32 @!p4 s8, s1  }
0x4c2: {  	[tilespmem:s4], [sflag:$0x1] =	stream.linear.gather @!p4 [hbm4b:s1+s4], $0x2000, $0x38;
	[tilespmem:$0xE000] =	vst v63  }
0x4c3: {  	_ =	swait.ge [sflag:s14], $0x2000  }
0x4c4: {  	[sflag:s14] =	ssyncset.done $0x0  }
0x4c5: {  	s31 =	simm.s32 $0x2020;
	[sflag:s14] =	ssyncadd.s32 $0xFFFFE000  }
0x4c6: {  	v8 =	vld [tilespmem:s31+$0x10]  }
0x4c7: {  	v9 =	vld [tilespmem:s31+$0xFFFFFFF0]  }
0x4c8: {  	v11 =	vld [tilespmem:s31+$0x0]  }
0x4c9: {  	v12 =	vld [tilespmem:s31+$0xFFFFFFE0];
	_ =	sdelay $0x2  }
0x4ca: {  	v7 =	vshra.s32 v8, $0x1F  }
0x4cb: {  	v10 =	vshra.s32 v9, $0x1F;
	v13 =	vand.u32 $0x7FFFFFFF, v7  }
0x4cc: {  	s5 =	simm.s32 $0x2060;
	v15 =	vshra.s32 v11, $0x1F;
	v8 =	vxor.u32 v8, v13;
	v13 =	vshra.s32 v12, $0x1F  }
0x4cd: {  	v7 =	vld [tilespmem:s5+$0x10];
	v14 =	vand.u32 $0x7FFFFFFF, v10;
	vm0 =	vlt.s32 v8, v6;
	v8 =	vand.u32 $0x7FFFFFFF, v13  }
0x4ce: {  	v10 =	vld [tilespmem:s5+$0xFFFFFFF0];
	v15 =	vand.u32 $0x7FFFFFFF, v15;
	v9 =	vxor.u32 v9, v14;
	v8 =	vxor.u32 v12, v8  }
0x4cf: {  	vm14 =	vlt.s32 v9, v6;
	v9 =	vxor.u32 v11, v15;
	vm1 =	vlt.s32 v8, v6;
	v8 =	vld [tilespmem:s5+$0x0]  }
0x4d0: {  	s1 =	simm.s32 $0x4020;
	v13 =	vsel vm0, $0x0, v5;
	vm15 =	vlt.s32 v9, v6;
	v9 =	vld [tilespmem:s5+$0xFFFFFFE0]  }
0x4d1: {  	v11 =	vsel vm14, $0x0, v5;
	[tilespmem:s1+$0x10] =	vst v13  }
0x4d2: {  	[tilespmem:s1+$0xFFFFFFF0] =	vst v11;
	v12 =	vshra.s32 v7, $0x1F;
	v14 =	vsel vm1, $0x0, v5  }
0x4d3: {  	s4 =	simm.s32 $0x4;
	v11 =	vsel vm15, $0x0, v5;
	s5 =	simm.s32 $0x20A0;
	v13 =	vshra.s32 v10, $0x1F;
	v12 =	vand.u32 $0x7FFFFFFF, v12;
	[tilespmem:s1+$0xFFFFFFE0] =	vst v14  }
.LBB2_70:
0x4d4: {  	s4 =	sadd.s32 $0x4, s4;
	v13 =	vand.u32 $0x7FFFFFFF, v13;
	v14 =	vshra.s32 v8, $0x1F;
	v12 =	vxor.u32 v7, v12;
	v7 =	vld [tilespmem:s5+$0x10];
	[tilespmem:s1+$0x0] =	vst v11;
	v11 =	vmovc v8  }
0x4d5: {  	v15 =	vld [tilespmem:s5+$0xFFFFFFF0];
	p4 =	slt.u32 s4, $0x1FC;
	v16 =	vshra.s32 v9, $0x1F;
	v14 =	vand.u32 $0x7FFFFFFF, v14;
	vm0 =	vlt.s32 v12, v6  }
.Ltmp47:
0x4d6: {  	s1 =	sadd.s32 $0x40, s1;
	v10 =	vxor.u32 v10, v13;
	v8 =	vld [tilespmem:s5+$0x0];
	v12 =	vand.u32 $0x7FFFFFFF, v16;
	v13 =	vsel vm0, $0x0, v5;
	(pc) =	sbr.rel @p4 .LBB2_70-.Ltmp47, $4  }
0x4d7: {  	vm0 =	vlt.s32 v10, v6;
	v10 =	vxor.u32 v11, v14;
	v12 =	vxor.u32 v9, v12;
	v9 =	vld [tilespmem:s5+$0xFFFFFFE0];
	[tilespmem:s1+$0x10] =	vst v13  }
0x4d8: {  	v11 =	vsel vm0, $0x0, v5;
	vm0 =	vlt.s32 v10, v6;
	vm1 =	vlt.s32 v12, v6  }
0x4d9: {  	v16 =	vshra.s32 v7, $0x1F;
	v14 =	vsel vm1, $0x0, v5;
	[tilespmem:s1+$0xFFFFFFF0] =	vst v11;
	v11 =	vsel vm0, $0x0, v5  }
0x4da: {  	s5 =	sadd.s32 $0x40, s5;
	v13 =	vshra.s32 v15, $0x1F;
	v12 =	vand.u32 $0x7FFFFFFF, v16;
	[tilespmem:s1+$0xFFFFFFE0] =	vst v14;
	v10 =	vmov v15  }
0x4db: {  	v13 =	vand.u32 $0x7FFFFFFF, v13;
	v14 =	vshra.s32 v8, $0x1F  }
0x4dc: {  	v7 =	vxor.u32 v7, v12;
	p4 =	sge.u32 @!p0 s3, s20;
	v62 =	vshra.s32 v9, $0x1F;
	v14 =	vand.u32 $0x7FFFFFFF, v14  }
0x4dd: {  	vm0 =	vlt.s32 v7, v6;
	v10 =	vxor.u32 v10, v13;
	p4 =	por p0, p4;
	v7 =	vand.u32 $0x7FFFFFFF, v62  }
.Ltmp48:
0x4de: {  	[tilespmem:s1+$0x0] =	vst v11;
	s31 =	sadd.s32 $0x40, s1;
	v63 =	vsel vm0, $0x0, v5;
	vm14 =	vlt.s32 v10, v6;
	v7 =	vxor.u32 v9, v7;
	(pc) =	sbr.rel @!p4 .LBB2_72-.Ltmp48, $4  }
0x4df: {  	v8 =	vxor.u32 v8, v14;
	[tilespmem:s31+$0x10] =	vst v63;
	vm1 =	vlt.s32 v7, v6;
	v7 =	vsel vm14, $0x0, v5  }
0x4e0: {  	vm15 =	vlt.s32 v8, v6;
	v8 =	vsel vm1, $0x0, v5;
	[tilespmem:s31+$0xFFFFFFF0] =	vst v7  }
0x4e1: {  	v7 =	vsel vm15, $0x0, v5;
	[tilespmem:s31+$0xFFFFFFE0] =	vst v8  }
0x4e2: {  	s1 =	sadd.s32 s0, s2;
	[tilespmem:s31+$0x0] =	vst v7  }
0x4e3: {  	p4 =	sge.u32 @!p1 s3, s20  }
0x4e4: {  	p5 =	sge.u32 @!p2 s3, s20;
	p4 =	por p4, p1  }
0x4e5: {  	p5 =	por p2, p5;
	s2 =	sshrl.u32 @!p4 s1, $0x3  }
0x4e6: {  	s4 =	simm.s32 @!p4 $0x0;
	s5 =	simm.s32 @!p4 $0x4000;
	s2 =	sadd.s32 @!p4 s12, s2  }
0x4e7: {  	[hbm4b:s2+s4] =	stream.linear.scatter @!p4 [tilespmem:s5], [sflag:$0x4], $0x2000, $0x38;
	[tilespmem:$0xE000] =	vst v63  }
.Ltmp49:
0x4e8: {  	_ = 	snop;
	(pc) =	sbr.rel @p5 .LBB2_75-.Ltmp49, $4  }
0x4e9: {  	s2 =	simm.s32 @!p4 $0x4  }
0x4ea: {  	_ =	swait.ge @!p4 [sflag:s2], $0x2000  }
0x4eb: {  	[sflag:s2] =	ssyncset.done @!p4 $0x0  }
0x4ec: {  	[sflag:s2] =	ssyncadd.s32 @!p4 $0xFFFFE000  }
0x4ed: {  	s1 =	sshrl.u32 s1, $0x3  }
.Ltmp50:
0x4ee: {  	s1 =	sadd.s32 s16, s1;
	(pc) =	sbr.rel .LBB2_76-.Ltmp50, $4  }
0x4ef: {  	[hbm4b:s1+s18] =	stream.linear.scatter [tilespmem:s24], [sflag:$0x4], $0x2000, $0x38;
	[tilespmem:$0xE000] =	vst v63  }
0x4f0: {  	_ =	swait.ge [sflag:s25], $0x2000  }
0x4f1: {  	[sflag:s25] =	ssyncset.done $0x0  }
0x4f2: {  	[sflag:s25] =	ssyncadd.s32 $0xFFFFE000  }
.LBB2_75:
0x4f3: {  	p4 =	sge.u32 @!p3 s3, s20  }
0x4f4: {  	p4 =	por p4, p3  }
0x4f5: {  	s1 =	sshrl.u32 @!p4 s1, $0x3  }
0x4f6: {  	s2 =	simm.s32 @!p4 $0x0;
	s3 =	simm.s32 @!p4 $0x4000;
	s1 =	sadd.s32 @!p4 s17, s1  }
0x4f7: {  	[hbm4b:s1+s2] =	stream.linear.scatter @!p4 [tilespmem:s3], [sflag:$0x3], $0xC80, $0x38;
	[tilespmem:$0xE000] =	vst v63  }
.Ltmp51:
0x4f8: {  	_ = 	snop;
	(pc) =	sbr.rel .LBB2_76-.Ltmp51, $4  }
0x4f9: {  	s1 =	simm.s32 @!p4 $0x3  }
0x4fa: {  	_ =	swait.ge @!p4 [sflag:s1], $0xC80  }
0x4fb: {  	[sflag:s1] =	ssyncset.done @!p4 $0x0  }
0x4fc: {  	[sflag:s1] =	ssyncadd.s32 @!p4 $0xFFFFF380  }
.LBB2_33:
.Ltmp52:
0x4fd: {  	(pc) =	sbr.rel .LBB2_48-.Ltmp52, $2  }
0x4fe: {  	_ =	sdelay $0x2  }
0x4ff: {  	_ = 	snop  }
.LBB2_41:
.Ltmp53:
0x500: {  	(pc) =	sbr.rel .LBB2_65-.Ltmp53, $2  }
0x501: {  	_ =	sdelay $0x2  }
0x502: {  	_ = 	snop  }
.LBB2_43:
.Ltmp54:
0x503: {  	(pc) =	sbr.rel .LBB2_48-.Ltmp54, $2  }
0x504: {  	_ =	sdelay $0x2  }
0x505: {  	v23 =	vmov v10;
	v10 =	vmov v13  }
.LBB2_60:
.Ltmp55:
0x506: {  	(pc) =	sbr.rel .LBB2_65-.Ltmp55, $2  }
0x507: {  	_ =	sdelay $0x2  }
0x508: {  	v22 =	vmov v8;
	v13 =	vmov v16;
	v8 =	vmov v15  }
.LBB2_45:
.Ltmp56:
0x509: {  	(pc) =	sbr.rel .LBB2_48-.Ltmp56, $3  }
0x50a: {  	_ =	sdelay $0x1  }
0x50b: {  	v22 =	vmov v8;
	v24 =	vmov v9;
	v25 =	vmov v7  }
0x50c: {  	v23 =	vmovc v13;
	v10 =	vmovc v26;
	v8 =	vmov v21;
	v9 =	vmov v20;
	v7 =	vmov v16  }
.LBB2_62:
.Ltmp57:
0x50d: {  	(pc) =	sbr.rel .LBB2_65-.Ltmp57, $3  }
0x50e: {  	_ =	sdelay $0x1  }
0x50f: {  	v27 =	vmov v12;
	v28 =	vmov v11  }
0x510: {  	v29 =	vmovc v14;
	v12 =	vmovc v22;
	v11 =	vmov v23;
	v22 =	vmov v15;
	v14 =	vmov v19  }
.LBB2_79:
0x511: {  	_ =	sfence.sel $0x180000  }
0x512: {  	[bflag:$0x0] =	sbarrier.arrive $0xFFFF  }
0x513: {  	_ =	strace $0x90000047  }
0x514: {  	s0 =	stileid.u32;
	[bflag:$0x2] =	sbarrier.arrive $0xFFFF  }
0x515: {  	p0 =	sne.s32 s0, $0x0;
	s0 =	rddreg [dreg:$0x5]  }
0x516: {  	s0 =	sadd.s32 @!p0 $0x100000, s0  }
0x517: {  	[sflag:s0] =	ssyncadd.tile.s32 @!p0 $0x1;
	_ =	shalt  }
.Lfunc_end2:
_tile_overlayer_lowered:
.L_overlay_start_2:
0x518: {  	(tag) =	ssettag $0x2  }
0x519: {  	s0 =	rddreg [dreg:$0x0];
	s2 =	stileid.u32  }
0x51a: {  	s1 =	rddreg [dreg:$0x1];
	p0 =	sne.s32 s2, $0x0  }
0x51b: {  	s3 =	rddreg [dreg:$0x2];
	[bflag:$0x3] =	sbarrier.arrive $0xFFFF;
	s2 =	simm.s32 @!p0 $0x1C03  }
0x51c: {  	[timem:s3], [sflag:s2] =	dma.local @!p0 [hbm:s0], s1  }
0x51d: {  	s0 =	simm.s32 @!p0 $0x3  }
0x51e: {  	_ =	swait.ge @!p0 [sflag:s0], s1  }
0x51f: {  	s1 =	ssub.s32 @!p0 $0x0, s1;
	[sflag:s0] =	ssyncset.done @!p0 $0x0  }
0x520: {  	[sflag:s0] =	ssyncadd.s32 @!p0 s1  }
0x521: {  	[bflag:$0x3] =	sbarrier.arrive $0xFFFF  }
0x522: {  	_ =	shalt  }

</sc_bundles>
